<compile_context>
chip_gen: v7x
topology: tpu7x:2x2x1
jax: 0.10.2.dev20260603
libtpu: 0.0.44.dev20260713+nightly
codegen_flags: <defaults>
</compile_context>

<pallas_src>
import jax
import jax.numpy as jnp
from jax import lax
from jax.experimental import pallas as pl
from jax.experimental.pallas import tpu as pltpu
from jax.experimental.pallas import tpu_sc as plsc
import numpy as np

N = 10000
E = 320000
F = 128
H = 4
C = 32

NC = 2
NS = 16
NW = NC * NS
EPW = E // NW
B = 80
NBLK = EPW // B
ACCW = 144
ADW = 16
NCHUNK = N // B

_S4 = np.zeros((H, F), np.float32)
for _h in range(H):
    _S4[_h, _h * C:(_h + 1) * C] = 1.0
_MASK = (np.arange(F)[:, None] // C == np.arange(H)[None, :]).astype(np.float32)


def _phase1_body(x_ref, w_ref, a_ref, htab_ref, adtab_ref):
    blk = x_ref.shape[0]
    h = jax.lax.dot(x_ref[...], w_ref[...],
                    precision=jax.lax.Precision.HIGHEST)
    asd = jax.lax.dot(h, a_ref[...], precision=jax.lax.Precision.HIGHEST)
    zpad = jnp.zeros((blk, ACCW - F - H), jnp.float32)
    htab_ref[...] = jnp.concatenate([h, asd[:, 0:H], zpad], axis=1)
    adtab_ref[...] = jnp.concatenate(
        [asd[:, H:2 * H], jnp.zeros((blk, ADW - H), jnp.float32)], axis=1)


def _phase1(x, W, A):
    blk = 2000
    grid = N // blk
    return pl.pallas_call(
        _phase1_body,
        grid=(grid,),
        in_specs=[
            pl.BlockSpec((blk, F), lambda i: (i, 0)),
            pl.BlockSpec((F, F), lambda i: (0, 0)),
            pl.BlockSpec((F, 2 * H), lambda i: (0, 0)),
        ],
        out_specs=[
            pl.BlockSpec((blk, ACCW), lambda i: (i, 0)),
            pl.BlockSpec((blk, ADW), lambda i: (i, 0)),
        ],
        out_shape=[
            jax.ShapeDtypeStruct((N, ACCW), jnp.float32),
            jax.ShapeDtypeStruct((N, ADW), jnp.float32),
        ],
    )(x, W, A)


def _sc_body(htab_hbm, adtab_hbm, src_hbm, dst_hbm, out_hbm,
             src_v0, dst_v0, sbuf0, abuf0, dsc0,
             src_v1, dst_v1, sbuf1, abuf1, dsc1,
             src_v2, dst_v2, sbuf2, abuf2, dsc2,
             acc, isem0, gsem0, ssem0, isem1, gsem1, ssem1,
             isem2, gsem2, ssem2, osem):
    c = lax.axis_index("c")
    s = lax.axis_index("s")
    wid = c * NS + s
    zero16 = jnp.zeros((16,), jnp.float32)
    lanes = lax.iota(jnp.int32, 16)
    bufs = ((src_v0, dst_v0, sbuf0, abuf0, dsc0, isem0, gsem0, ssem0),
            (src_v1, dst_v1, sbuf1, abuf1, dsc1, isem1, gsem1, ssem1),
            (src_v2, dst_v2, sbuf2, abuf2, dsc2, isem2, gsem2, ssem2))
    base = wid * EPW
    nch = (NCHUNK - s + NS - 1) // NS

    def idx_start(j, bb):
        src_v, dst_v = bb[0], bb[1]
        isem = bb[5]
        off = pl.multiple_of(base + j * B, 8)
        pltpu.async_copy(src_hbm.at[pl.ds(off, B)], src_v, isem)
        pltpu.async_copy(dst_hbm.at[pl.ds(off, B)], dst_v, isem)

    def idx_wait(bb):
        src_v, dst_v = bb[0], bb[1]
        isem = bb[5]
        pltpu.make_async_copy(src_hbm.at[pl.ds(0, B)], src_v, isem).wait()
        pltpu.make_async_copy(dst_hbm.at[pl.ds(0, B)], dst_v, isem).wait()

    def gather_start(bb):
        src_v, dst_v, sbuf, abuf = bb[0], bb[1], bb[2], bb[3]
        gsem = bb[6]
        pltpu.async_copy(htab_hbm.at[src_v], sbuf, gsem)
        pltpu.async_copy(adtab_hbm.at[dst_v], abuf, gsem)

    def gather_wait(bb):
        src_v, dst_v, sbuf, abuf = bb[0], bb[1], bb[2], bb[3]
        gsem = bb[6]
        pltpu.make_async_copy(htab_hbm.at[src_v], sbuf, gsem).wait()
        pltpu.make_async_copy(adtab_hbm.at[dst_v], abuf, gsem).wait()

    def scatter_start(bb):
        sbuf, dsc, ssem = bb[2], bb[4], bb[7]
        pltpu.async_copy(sbuf, acc.at[dsc], ssem, add=True)

    def scatter_wait(bb):
        sbuf, ssem = bb[2], bb[7]
        pltpu.make_async_copy(sbuf, acc.at[pl.ds(0, B)], ssem).wait()

    @pl.loop(0, B)
    def _(r):
        for k in range(ACCW // 16):
            sbuf0[r, pl.ds(k * 16, 16)] = zero16

    @pl.loop(s, NCHUNK, step=NS)
    def _(ch):
        pltpu.async_copy(sbuf0, acc.at[pl.ds(ch * B, B)], osem)

    @pl.loop(0, nch)
    def _(_):
        pltpu.make_async_copy(sbuf0, acc.at[pl.ds(0, B)], osem).wait()

    plsc.subcore_barrier()

    def compute(bb):
        sbuf, abuf = bb[2], bb[3]
        for g in range(B // 16):
            rows = lanes + g * 16
            for hh in range(H):
                av = plsc.load_gather(
                    sbuf, [rows, jnp.full((16,), F + hh, jnp.int32)])
                ad = plsc.load_gather(
                    abuf, [rows, jnp.full((16,), hh, jnp.int32)])
                e = av + ad
                e = jnp.where(e >= 0.0, e, e * jnp.float32(0.2))
                w = jnp.exp(e)
                plsc.store_scatter(
                    sbuf, [rows, jnp.full((16,), F + hh, jnp.int32)], w)

        @pl.loop(0, B, step=4)
        def _(r):
            for rr in range(4):
                row = r + rr
                wv = sbuf[row, pl.ds(F, 16)]
                for hh in range(H):
                    ws = wv[hh]
                    for k in range(2):
                        col = hh * C + k * 16
                        sbuf[row, pl.ds(col, 16)] = (
                            sbuf[row, pl.ds(col, 16)] * ws)

    def snapshot_dst(bb):
        dst_v, dsc = bb[1], bb[4]
        for g in range(B // 16):
            dsc[pl.ds(g * 16, 16)] = dst_v[pl.ds(g * 16, 16)]

    idx_start(0, bufs[0])
    idx_start(1, bufs[1])
    idx_wait(bufs[0])
    gather_start(bufs[0])
    idx_wait(bufs[1])
    gather_start(bufs[1])

    @pl.loop(0, NBLK, step=3)
    def _(i):
        for r in range(3):
            bb = bufs[r]
            bp = bufs[(r + 2) % 3]
            j = i + r

            def step():
                gather_wait(bb)
                snapshot_dst(bb)

                @pl.when(j + 2 < NBLK)
                def _():
                    idx_start(j + 2, bp)

                compute(bb)
                scatter_start(bb)

                @pl.when(j >= 1)
                def _():
                    scatter_wait(bp)

                @pl.when(j + 2 < NBLK)
                def _():
                    idx_wait(bp)
                    gather_start(bp)

            if r == 0:
                step()
            else:
                pl.when(j < NBLK)(step)

    scatter_wait(bufs[(NBLK - 1) % 3])
    plsc.subcore_barrier()

    @pl.loop(s, NCHUNK, step=NS)
    def _(ch):
        pltpu.async_copy(acc.at[pl.ds(ch * B, B)],
                         out_hbm.at[c, pl.ds(ch * B, B)], osem)

    @pl.loop(0, nch)
    def _(_):
        pltpu.make_async_copy(acc.at[pl.ds(0, B)],
                              out_hbm.at[0, pl.ds(0, B)], osem).wait()


def _sc_edges(htab, adtab, src, dst):
    mesh = plsc.VectorSubcoreMesh(core_axis_name="c", subcore_axis_name="s",
                                  num_cores=NC, num_subcores=NS)
    buf_types = []
    for _ in range(3):
        buf_types += [
            pltpu.VMEM((B,), jnp.int32),
            pltpu.VMEM((B,), jnp.int32),
            pltpu.VMEM((B, ACCW), jnp.float32),
            pltpu.VMEM((B, ADW), jnp.float32),
            pltpu.VMEM((B,), jnp.int32),
        ]
    k = pl.kernel(
        _sc_body,
        out_type=jax.ShapeDtypeStruct((NC, N, ACCW), jnp.float32),
        mesh=mesh,
        compiler_params=pltpu.CompilerParams(use_tc_tiling_on_sc=False,
                                             needs_layout_passes=False),
        scratch_types=buf_types + [
            pltpu.VMEM_SHARED((N, ACCW), jnp.float32),
        ] + [pltpu.SemaphoreType.DMA] * 10,
    )
    return k(htab, adtab, src, dst)


_BLK3 = 1000


def _phase3_body(acc_ref, htab_ref, adtab_ref, x_ref, gamma_ref, beta_ref,
                 s4_ref, o_ref, s1_ref, s2_ref, out0_scr):
    p = pl.program_id(0)
    i = pl.program_id(1)

    @pl.when(p == 0)
    def _():
        num = acc_ref[0, :, 0:F] + acc_ref[1, :, 0:F]
        den4 = acc_ref[0, :, F:F + H] + acc_ref[1, :, F:F + H]
        h = htab_ref[:, 0:F]
        e = htab_ref[:, F:F + H] + adtab_ref[:, 0:H]
        e = jnp.where(e >= 0.0, e, e * jnp.float32(0.2))
        w = jnp.exp(e)
        den4 = den4 + w
        s4 = s4_ref[...]
        num = num + jax.lax.dot(w, s4,
                                precision=jax.lax.Precision.HIGHEST) * h
        den = jax.lax.dot(den4, s4, precision=jax.lax.Precision.HIGHEST)
        out0 = num / (den + jnp.float32(1e-16))
        out0_scr[pl.ds(i * _BLK3, _BLK3), :] = out0

        @pl.when(i == 0)
        def _():
            s1_ref[...] = jnp.zeros_like(s1_ref)
            s2_ref[...] = jnp.zeros_like(s2_ref)

        s1_ref[...] += jnp.sum(out0, axis=0, keepdims=True)
        s2_ref[...] += jnp.sum(out0 * out0, axis=0, keepdims=True)

    @pl.when(p == 1)
    def _():
        inv_n = jnp.float32(1.0 / N)
        mu = s1_ref[...] * inv_n
        var = s2_ref[...] * inv_n - mu * mu
        out0 = out0_scr[pl.ds(i * _BLK3, _BLK3), :]
        out = (out0 - mu) * jax.lax.rsqrt(var + jnp.float32(1e-5))
        out = out * gamma_ref[...] + beta_ref[...]
        o_ref[...] = jnp.maximum(out, 0.0) + x_ref[...]


def _phase3(acc, htab, adtab, x, bias, gamma, beta):
    del bias
    grid = (2, N // _BLK3)
    out, _, _ = pl.pallas_call(
        _phase3_body,
        grid=grid,
        in_specs=[
            pl.BlockSpec((NC, _BLK3, ACCW), lambda p, i: (0, i * (1 - p), 0)),
            pl.BlockSpec((_BLK3, ACCW), lambda p, i: (i * (1 - p), 0)),
            pl.BlockSpec((_BLK3, ADW), lambda p, i: (i * (1 - p), 0)),
            pl.BlockSpec((_BLK3, F), lambda p, i: (i * p, 0)),
            pl.BlockSpec((1, F), lambda p, i: (0, 0)),
            pl.BlockSpec((1, F), lambda p, i: (0, 0)),
            pl.BlockSpec((H, F), lambda p, i: (0, 0)),
        ],
        out_specs=[
            pl.BlockSpec((_BLK3, F), lambda p, i: (i * p, 0)),
            pl.BlockSpec((1, F), lambda p, i: (0, 0)),
            pl.BlockSpec((1, F), lambda p, i: (0, 0)),
        ],
        out_shape=[
            jax.ShapeDtypeStruct((N, F), jnp.float32),
            jax.ShapeDtypeStruct((1, F), jnp.float32),
            jax.ShapeDtypeStruct((1, F), jnp.float32),
        ],
        scratch_shapes=[pltpu.VMEM((N, F), jnp.float32)],
    )(acc, htab, adtab, x, gamma.reshape(1, F), beta.reshape(1, F),
      jnp.asarray(_S4))
    return out


@jax.jit
def kernel(x, edge_index, W, att_src, att_dst, bias, gamma, beta):
    mask = jnp.asarray(_MASK)
    A = jnp.concatenate(
        [att_src.reshape(F, 1) * mask, att_dst.reshape(F, 1) * mask],
        axis=1)
    htab, adtab = _phase1(x, W, A)
    src = edge_index[0]
    dst = edge_index[1]
    acc = _sc_edges(htab, adtab, src, dst)
    return _phase3(acc, htab, adtab, x, bias, gamma, beta)

# --- scband reference (transcript-rebuilt; emitter-appended) ---
"""Pipeline reference for scband-gatlayer-25898652795467 (READ-ONLY COPY).

The authoritative reference and input builder live on the scoring server;
editing this copy changes nothing except your own understanding.
"""

import jax, jax.numpy as jnp
import numpy as np

N = 10000
E = 320000
F_IN = 128
H = 4
C = 32


def setup_inputs(seed: int = 0) -> dict:
    key = jax.random.key(seed)
    ks = jax.random.split(key, 8)
    x = jax.random.normal(ks[0], (N, F_IN), dtype=jnp.float32)
    edge_index = jax.random.randint(ks[1], (2, E), 0, N, dtype=jnp.int32)
    W = jax.random.normal(ks[2], (F_IN, H * C), dtype=jnp.float32) * 0.1
    att_src = jax.random.normal(ks[3], (H, C), dtype=jnp.float32) * 0.1
    att_dst = jax.random.normal(ks[4], (H, C), dtype=jnp.float32) * 0.1
    bias = jnp.zeros((H * C,), dtype=jnp.float32)
    gamma = jnp.ones((H * C,), dtype=jnp.float32)
    beta = jnp.zeros((H * C,), dtype=jnp.float32)
    return {"x": x, "edge_index": edge_index, "W": W, "att_src": att_src,
            "att_dst": att_dst, "bias": bias, "gamma": gamma, "beta": beta}


def reference(x, edge_index, W, att_src, att_dst, bias, gamma, beta):
    # GATConv (PyG semantics, add_self_loops=True, concat heads)
    loop = jnp.arange(N, dtype=edge_index.dtype)
    src = jnp.concatenate([edge_index[0], loop])
    dst = jnp.concatenate([edge_index[1], loop])
    h = (x @ W).reshape(N, H, C)                       # [N, H, C]
    a_src = (h * att_src[None, :, :]).sum(-1)           # [N, H]
    a_dst = (h * att_dst[None, :, :]).sum(-1)           # [N, H]
    e = a_src[src] + a_dst[dst]                         # [E+N, H]
    e = jax.nn.leaky_relu(e, negative_slope=0.2)
    # segment softmax over incoming edges of each dst node
    emax = jax.ops.segment_max(e, dst, num_segments=N)  # [N, H]
    ex = jnp.exp(e - emax[dst])
    denom = jax.ops.segment_sum(ex, dst, num_segments=N)
    alpha = ex / (denom[dst] + 1e-16)                   # [E+N, H]
    msg = h[src] * alpha[:, :, None]                    # [E+N, H, C]
    out = jax.ops.segment_sum(msg, dst, num_segments=N) # [N, H, C]
    out = out.reshape(N, H * C) + bias
    # BatchNorm1d (training-mode batch statistics)
    mu = out.mean(axis=0)
    var = out.var(axis=0)
    out = (out - mu) / jnp.sqrt(var + 1e-5) * gamma + beta
    # activation
    out = jax.nn.relu(out)
    # residual
    out = out + x
    # dropout p=0.0 -> identity
    return out

if __name__ == "__main__":
    import jax
    _d = setup_inputs()
    print(jax.jit(kernel)(*tuple(_d.values())))

</pallas_src>

<mosaic_0001>
#map = affine_map<(d0, d1) -> (0, 0)>
#map1 = affine_map<(d0, d1) -> (0)>
#map2 = affine_map<(d0, d1) -> (0, 0, 0)>
module attributes {stable_mosaic.version = 14 : i64} {
  func.func @_sc_body(%arg0: i32, %arg1: i32, %arg2: memref<10000x144xf32, #tpu.memory_space<hbm>>, %arg3: memref<10000x16xf32, #tpu.memory_space<hbm>>, %arg4: memref<320000xi32, #tpu.memory_space<hbm>>, %arg5: memref<320000xi32, #tpu.memory_space<hbm>>, %arg6: memref<2x10000x144xf32, #tpu.memory_space<hbm>>, %arg7: memref<80xi32, #tpu.memory_space<vmem>>, %arg8: memref<80xi32, #tpu.memory_space<vmem>>, %arg9: memref<80x144xf32, #tpu.memory_space<vmem>>, %arg10: memref<80x16xf32, #tpu.memory_space<vmem>>, %arg11: memref<80xi32, #tpu.memory_space<vmem>>, %arg12: memref<80xi32, #tpu.memory_space<vmem>>, %arg13: memref<80xi32, #tpu.memory_space<vmem>>, %arg14: memref<80x144xf32, #tpu.memory_space<vmem>>, %arg15: memref<80x16xf32, #tpu.memory_space<vmem>>, %arg16: memref<80xi32, #tpu.memory_space<vmem>>, %arg17: memref<80xi32, #tpu.memory_space<vmem>>, %arg18: memref<80xi32, #tpu.memory_space<vmem>>, %arg19: memref<80x144xf32, #tpu.memory_space<vmem>>, %arg20: memref<80x16xf32, #tpu.memory_space<vmem>>, %arg21: memref<80xi32, #tpu.memory_space<vmem>>, %arg22: memref<10000x144xf32, #tpu.memory_space<vmem_shared>>, %arg23: memref<!tpu.dma_semaphore, #tpu.memory_space<semaphore_mem>>, %arg24: memref<!tpu.dma_semaphore, #tpu.memory_space<semaphore_mem>>, %arg25: memref<!tpu.dma_semaphore, #tpu.memory_space<semaphore_mem>>, %arg26: memref<!tpu.dma_semaphore, #tpu.memory_space<semaphore_mem>>, %arg27: memref<!tpu.dma_semaphore, #tpu.memory_space<semaphore_mem>>, %arg28: memref<!tpu.dma_semaphore, #tpu.memory_space<semaphore_mem>>, %arg29: memref<!tpu.dma_semaphore, #tpu.memory_space<semaphore_mem>>, %arg30: memref<!tpu.dma_semaphore, #tpu.memory_space<semaphore_mem>>, %arg31: memref<!tpu.dma_semaphore, #tpu.memory_space<semaphore_mem>>, %arg32: memref<!tpu.dma_semaphore, #tpu.memory_space<semaphore_mem>>) attributes {dimension_semantics = [#tpu.dimension_semantics<core_parallel>, #tpu.dimension_semantics<subcore_parallel>], iteration_bounds = array<i64: 2, 16>, scalar_prefetch = 0 : i64, scratch_operands = 26 : i64, tpu.core_type = #tpu.core_type<sc_vector_subcore>, window_params = [{transform_indices = #map}, {transform_indices = #map}, {transform_indices = #map1}, {transform_indices = #map1}, {transform_indices = #map2}]} {
    %mul3A = arith.constant 16 : i32
    %mul3A_0 = arith.muli %arg0, %mul3A : i32
    %add3A = arith.addi %mul3A_0, %arg1 : i32
    %broadcast_in_dim3A = arith.constant 0.000000e+00 : f32
    %broadcast_in_dim3A_1 = vector.broadcast %broadcast_in_dim3A : f32 to vector<16xf32>
    %iota3A = tpu.iota {dimensions = array<i32: 0>} : vector<16xi32>
    %mul3A_2 = arith.constant 10000 : i32
    %mul3A_3 = arith.muli %add3A, %mul3A_2 : i32
    %sub3A = arith.constant 125 : i32
    %sub3A_4 = arith.subi %sub3A, %arg1 : i32
    %add3A_5 = arith.constant 16 : i32
    %add3A_6 = arith.addi %sub3A_4, %add3A_5 : i32
    %sub3A_7 = arith.constant 1 : i32
    %sub3A_8 = arith.subi %add3A_6, %sub3A_7 : i32
    %jit3A = arith.constant 16 : i32
    %div3A = arith.divsi %sub3A_8, %jit3A : i32
    %sign3A = arith.constant 0 : i32
    %sign3A_9 = arith.cmpi sgt, %sub3A_8, %sign3A : i32
    %sign3A_10 = arith.extui %sign3A_9 : i1 to i32
    %sign3A_11 = arith.constant 0 : i32
    %sign3A_12 = arith.cmpi slt, %sub3A_8, %sign3A_11 : i32
    %sign3A_13 = arith.extui %sign3A_12 : i1 to i32
    %sign3A_14 = arith.subi %sign3A_10, %sign3A_13 : i32
    %sign3A_15 = arith.constant 0 : i32
    %sign3A_16 = arith.cmpi sgt, %jit3A, %sign3A_15 : i32
    %sign3A_17 = arith.extui %sign3A_16 : i1 to i32
    %sign3A_18 = arith.constant 0 : i32
    %sign3A_19 = arith.cmpi slt, %jit3A, %sign3A_18 : i32
    %sign3A_20 = arith.extui %sign3A_19 : i1 to i32
    %sign3A_21 = arith.subi %sign3A_17, %sign3A_20 : i32
    %ne3A = arith.cmpi ne, %sign3A_14, %sign3A_21 : i32
    %rem3A = arith.remsi %sub3A_8, %jit3A : i32
    %ne3A_22 = arith.constant 0 : i32
    %ne3A_23 = arith.cmpi ne, %rem3A, %ne3A_22 : i32
    %and3A = arith.andi %ne3A, %ne3A_23 : i1
    %sub3A_24 = arith.constant 1 : i32
    %sub3A_25 = arith.subi %div3A, %sub3A_24 : i32
    %select_n3A = arith.select %and3A, %sub3A_25, %div3A : i32
    %scan3A = arith.constant 0 : i32
    %scan3A_26 = arith.constant 80 : i32
    %scan3A_27 = arith.addi %scan3A, %scan3A_26 : i32
    %scan3A_28 = arith.constant 1 : i32
    scf.for %scan3A_154 = %scan3A to %scan3A_27 step %scan3A_28  : i32 {
      %mul3A_155 = arith.constant 1 : i32
      %mul3A_156 = arith.muli %scan3A_154, %mul3A_155 : i32
      %add3A_157 = arith.constant 0 : i32
      %add3A_158 = arith.addi %add3A_157, %mul3A_156 : i32
      %swap3A = arith.index_cast %add3A_158 : i32 to index
      %swap3A_159 = arith.constant 0 : index
      %swap3A_160 = tpu.vector_load %arg9[%swap3A, %swap3A_159] {strides = array<i32>} : memref<80x144xf32, #tpu.memory_space<vmem>>, vector<16xf32>,
      tpu.vector_store %arg9[%swap3A, %swap3A_159], %broadcast_in_dim3A_1 {strides = array<i32>} : memref<80x144xf32, #tpu.memory_space<vmem>>, vector<16xf32>,
      %swap3A_161 = arith.index_cast %add3A_158 : i32 to index
      %swap3A_162 = arith.constant 16 : index
      %swap3A_163 = tpu.vector_load %arg9[%swap3A_161, %swap3A_162] {strides = array<i32>} : memref<80x144xf32, #tpu.memory_space<vmem>>, vector<16xf32>,
      tpu.vector_store %arg9[%swap3A_161, %swap3A_162], %broadcast_in_dim3A_1 {strides = array<i32>} : memref<80x144xf32, #tpu.memory_space<vmem>>, vector<16xf32>,
      %swap3A_164 = arith.index_cast %add3A_158 : i32 to index
      %swap3A_165 = arith.constant 32 : index
      %swap3A_166 = tpu.vector_load %arg9[%swap3A_164, %swap3A_165] {strides = array<i32>} : memref<80x144xf32, #tpu.memory_space<vmem>>, vector<16xf32>,
      tpu.vector_store %arg9[%swap3A_164, %swap3A_165], %broadcast_in_dim3A_1 {strides = array<i32>} : memref<80x144xf32, #tpu.memory_space<vmem>>, vector<16xf32>,
      %swap3A_167 = arith.index_cast %add3A_158 : i32 to index
      %swap3A_168 = arith.constant 48 : index
      %swap3A_169 = tpu.vector_load %arg9[%swap3A_167, %swap3A_168] {strides = array<i32>} : memref<80x144xf32, #tpu.memory_space<vmem>>, vector<16xf32>,
      tpu.vector_store %arg9[%swap3A_167, %swap3A_168], %broadcast_in_dim3A_1 {strides = array<i32>} : memref<80x144xf32, #tpu.memory_space<vmem>>, vector<16xf32>,
      %swap3A_170 = arith.index_cast %add3A_158 : i32 to index
      %swap3A_171 = arith.constant 64 : index
      %swap3A_172 = tpu.vector_load %arg9[%swap3A_170, %swap3A_171] {strides = array<i32>} : memref<80x144xf32, #tpu.memory_space<vmem>>, vector<16xf32>,
      tpu.vector_store %arg9[%swap3A_170, %swap3A_171], %broadcast_in_dim3A_1 {strides = array<i32>} : memref<80x144xf32, #tpu.memory_space<vmem>>, vector<16xf32>,
      %swap3A_173 = arith.index_cast %add3A_158 : i32 to index
      %swap3A_174 = arith.constant 80 : index
      %swap3A_175 = tpu.vector_load %arg9[%swap3A_173, %swap3A_174] {strides = array<i32>} : memref<80x144xf32, #tpu.memory_space<vmem>>, vector<16xf32>,
      tpu.vector_store %arg9[%swap3A_173, %swap3A_174], %broadcast_in_dim3A_1 {strides = array<i32>} : memref<80x144xf32, #tpu.memory_space<vmem>>, vector<16xf32>,
      %swap3A_176 = arith.index_cast %add3A_158 : i32 to index
      %swap3A_177 = arith.constant 96 : index
      %swap3A_178 = tpu.vector_load %arg9[%swap3A_176, %swap3A_177] {strides = array<i32>} : memref<80x144xf32, #tpu.memory_space<vmem>>, vector<16xf32>,
      tpu.vector_store %arg9[%swap3A_176, %swap3A_177], %broadcast_in_dim3A_1 {strides = array<i32>} : memref<80x144xf32, #tpu.memory_space<vmem>>, vector<16xf32>,
      %swap3A_179 = arith.index_cast %add3A_158 : i32 to index
      %swap3A_180 = arith.constant 112 : index
      %swap3A_181 = tpu.vector_load %arg9[%swap3A_179, %swap3A_180] {strides = array<i32>} : memref<80x144xf32, #tpu.memory_space<vmem>>, vector<16xf32>,
      tpu.vector_store %arg9[%swap3A_179, %swap3A_180], %broadcast_in_dim3A_1 {strides = array<i32>} : memref<80x144xf32, #tpu.memory_space<vmem>>, vector<16xf32>,
      %swap3A_182 = arith.index_cast %add3A_158 : i32 to index
      %swap3A_183 = arith.constant 128 : index
      %swap3A_184 = tpu.vector_load %arg9[%swap3A_182, %swap3A_183] {strides = array<i32>} : memref<80x144xf32, #tpu.memory_space<vmem>>, vector<16xf32>,
      tpu.vector_store %arg9[%swap3A_182, %swap3A_183], %broadcast_in_dim3A_1 {strides = array<i32>} : memref<80x144xf32, #tpu.memory_space<vmem>>, vector<16xf32>,
    }
    %scan3A_29 = arith.constant 80 : i32
    %sub3A_30 = arith.constant 125 : i32
    %sub3A_31 = arith.subi %sub3A_30, %arg1 : i32
    %sub3A_32 = arith.constant 16 : i32
    %sub3A_33 = arith.constant 1 : i32
    %sub3A_34 = arith.subi %sub3A_32, %sub3A_33 : i32
    %add3A_35 = arith.addi %sub3A_31, %sub3A_34 : i32
    %div3A_36 = arith.constant 16 : i32
    %div3A_37 = arith.divsi %add3A_35, %div3A_36 : i32
    %while3A = arith.constant 16 : i32
    %while3A_38 = arith.constant 0 : i32
    %while3A_39 = arith.subi %div3A_37, %while3A_38 : i32
    %while3A_40 = arith.addi %while3A_38, %while3A_39 : i32
    %while3A_41 = arith.constant 1 : i32
    %while3A_42 = arith.divsi %while3A_39, %while3A_41 : i32
    %while3A_43 = arith.muli %while3A_42, %while3A_41 : i32
    %while3A_44 = arith.addi %while3A_38, %while3A_43 : i32
    %while3A_45 = arith.constant 1 : i32
    scf.for %while3A_154 = %while3A_38 to %while3A_44 step %while3A_45  : i32 {
      %mul3A_155 = arith.muli %while3A_154, %while3A : i32
      %add3A_156 = arith.addi %arg1, %mul3A_155 : i32
      %mul3A_157 = arith.constant 80 : i32
      %mul3A_158 = arith.muli %add3A_156, %mul3A_157 : i32
      %dma_start3A_159 = arith.constant 0 : i32
      %dma_start3A_160 = tpu.memref_slice %arg22[%mul3A_158, %dma_start3A_159] : memref<10000x144xf32, #tpu.memory_space<vmem_shared>> -> memref<80x144xf32, #tpu.memory_space<vmem_shared>>
      %dma_start3A_161 = arith.constant 0 : i32
      %dma_start3A_162 = tpu.memref_slice %arg22[%mul3A_158, %dma_start3A_161] : memref<10000x144xf32, #tpu.memory_space<vmem_shared>> -> memref<80x144xf32, #tpu.memory_space<vmem_shared>>
      tpu.enqueue_dma source(%arg9 : memref<80x144xf32, #tpu.memory_space<vmem>>) target(%dma_start3A_162 : memref<80x144xf32, #tpu.memory_space<vmem_shared>>) target_semaphore(%arg32 : memref<!tpu.dma_semaphore, #tpu.memory_space<semaphore_mem>>)
    }
    %while3A_46 = arith.constant 1 : i32
    scf.for %while3A_154 = %while3A_44 to %while3A_40 step %while3A_46  : i32 {
      %mul3A_155 = arith.muli %while3A_154, %while3A : i32
      %add3A_156 = arith.addi %arg1, %mul3A_155 : i32
      %mul3A_157 = arith.constant 80 : i32
      %mul3A_158 = arith.muli %add3A_156, %mul3A_157 : i32
      %dma_start3A_159 = arith.constant 0 : i32
      %dma_start3A_160 = tpu.memref_slice %arg22[%mul3A_158, %dma_start3A_159] : memref<10000x144xf32, #tpu.memory_space<vmem_shared>> -> memref<80x144xf32, #tpu.memory_space<vmem_shared>>
      %dma_start3A_161 = arith.constant 0 : i32
      %dma_start3A_162 = tpu.memref_slice %arg22[%mul3A_158, %dma_start3A_161] : memref<10000x144xf32, #tpu.memory_space<vmem_shared>> -> memref<80x144xf32, #tpu.memory_space<vmem_shared>>
      tpu.enqueue_dma source(%arg9 : memref<80x144xf32, #tpu.memory_space<vmem>>) target(%dma_start3A_162 : memref<80x144xf32, #tpu.memory_space<vmem_shared>>) target_semaphore(%arg32 : memref<!tpu.dma_semaphore, #tpu.memory_space<semaphore_mem>>)
    }
    %sub3A_47 = arith.constant 0 : i32
    %sub3A_48 = arith.subi %select_n3A, %sub3A_47 : i32
    %sub3A_49 = arith.constant 1 : i32
    %sub3A_50 = arith.constant 1 : i32
    %sub3A_51 = arith.subi %sub3A_49, %sub3A_50 : i32
    %add3A_52 = arith.addi %sub3A_48, %sub3A_51 : i32
    %div3A_53 = arith.constant 1 : i32
    %div3A_54 = arith.divsi %add3A_52, %div3A_53 : i32
    %while3A_55 = arith.constant 1 : i32
    %while3A_56 = arith.constant 0 : i32
    %while3A_57 = arith.constant 0 : i32
    %while3A_58 = arith.subi %div3A_54, %while3A_57 : i32
    %while3A_59 = arith.addi %while3A_57, %while3A_58 : i32
    %while3A_60 = arith.constant 1 : i32
    %while3A_61 = arith.divsi %while3A_58, %while3A_60 : i32
    %while3A_62 = arith.muli %while3A_61, %while3A_60 : i32
    %while3A_63 = arith.addi %while3A_57, %while3A_62 : i32
    %while3A_64 = arith.constant 1 : i32
    scf.for %while3A_154 = %while3A_57 to %while3A_63 step %while3A_64  : i32 {
      %mul3A_155 = arith.muli %while3A_154, %while3A_55 : i32
      %add3A_156 = arith.addi %while3A_56, %mul3A_155 : i32
      %dma_wait3A_157 = arith.constant 0 : i32
      %dma_wait3A_158 = arith.constant 0 : i32
      %dma_wait3A_159 = tpu.memref_slice %arg22[%dma_wait3A_157, %dma_wait3A_158] : memref<10000x144xf32, #tpu.memory_space<vmem_shared>> -> memref<80x144xf32, #tpu.memory_space<vmem_shared>>
      %dma_wait3A_160 = arith.constant 0 : i32
      %dma_wait3A_161 = arith.constant 0 : i32
      %dma_wait3A_162 = tpu.memref_slice %arg22[%dma_wait3A_160, %dma_wait3A_161] : memref<10000x144xf32, #tpu.memory_space<vmem_shared>> -> memref<80x144xf32, #tpu.memory_space<vmem_shared>>
      tpu.wait_dma2 semaphore(%arg32 : memref<!tpu.dma_semaphore, #tpu.memory_space<semaphore_mem>>) src(%arg9 : memref<80x144xf32, #tpu.memory_space<vmem>>) dst(%dma_wait3A_162 : memref<80x144xf32, #tpu.memory_space<vmem_shared>>)
    }
    %while3A_65 = arith.constant 1 : i32
    scf.for %while3A_154 = %while3A_63 to %while3A_59 step %while3A_65  : i32 {
      %mul3A_155 = arith.muli %while3A_154, %while3A_55 : i32
      %add3A_156 = arith.addi %while3A_56, %mul3A_155 : i32
      %dma_wait3A_157 = arith.constant 0 : i32
      %dma_wait3A_158 = arith.constant 0 : i32
      %dma_wait3A_159 = tpu.memref_slice %arg22[%dma_wait3A_157, %dma_wait3A_158] : memref<10000x144xf32, #tpu.memory_space<vmem_shared>> -> memref<80x144xf32, #tpu.memory_space<vmem_shared>>
      %dma_wait3A_160 = arith.constant 0 : i32
      %dma_wait3A_161 = arith.constant 0 : i32
      %dma_wait3A_162 = tpu.memref_slice %arg22[%dma_wait3A_160, %dma_wait3A_161] : memref<10000x144xf32, #tpu.memory_space<vmem_shared>> -> memref<80x144xf32, #tpu.memory_space<vmem_shared>>
      tpu.wait_dma2 semaphore(%arg32 : memref<!tpu.dma_semaphore, #tpu.memory_space<semaphore_mem>>) src(%arg9 : memref<80x144xf32, #tpu.memory_space<vmem>>) dst(%dma_wait3A_162 : memref<80x144xf32, #tpu.memory_space<vmem_shared>>)
    }
    %barrier3A = arith.constant 0 : index
    tpu.barrier barrier_id(%barrier3A)
    %add3A_66 = arith.constant 0 : i32
    %add3A_67 = arith.addi %mul3A_3, %add3A_66 : i32
    %multiple_of3A = tpu.assume_multiple %add3A_67, 8 : i32
    %dma_start3A = tpu.memref_slice %arg4[%multiple_of3A] : memref<320000xi32, #tpu.memory_space<hbm>> -> memref<80xi32, #tpu.memory_space<hbm>>
    %dma_start3A_68 = tpu.memref_slice %arg4[%multiple_of3A] : memref<320000xi32, #tpu.memory_space<hbm>> -> memref<80xi32, #tpu.memory_space<hbm>>
    tpu.enqueue_dma source(%dma_start3A_68 : memref<80xi32, #tpu.memory_space<hbm>>) target(%arg7 : memref<80xi32, #tpu.memory_space<vmem>>) target_semaphore(%arg23 : memref<!tpu.dma_semaphore, #tpu.memory_space<semaphore_mem>>)
    %dma_start3A_69 = tpu.memref_slice %arg5[%multiple_of3A] : memref<320000xi32, #tpu.memory_space<hbm>> -> memref<80xi32, #tpu.memory_space<hbm>>
    %dma_start3A_70 = tpu.memref_slice %arg5[%multiple_of3A] : memref<320000xi32, #tpu.memory_space<hbm>> -> memref<80xi32, #tpu.memory_space<hbm>>
    tpu.enqueue_dma source(%dma_start3A_70 : memref<80xi32, #tpu.memory_space<hbm>>) target(%arg8 : memref<80xi32, #tpu.memory_space<vmem>>) target_semaphore(%arg23 : memref<!tpu.dma_semaphore, #tpu.memory_space<semaphore_mem>>)
    %add3A_71 = arith.constant 80 : i32
    %add3A_72 = arith.addi %mul3A_3, %add3A_71 : i32
    %multiple_of3A_73 = tpu.assume_multiple %add3A_72, 8 : i32
    %dma_start3A_74 = tpu.memref_slice %arg4[%multiple_of3A_73] : memref<320000xi32, #tpu.memory_space<hbm>> -> memref<80xi32, #tpu.memory_space<hbm>>
    %dma_start3A_75 = tpu.memref_slice %arg4[%multiple_of3A_73] : memref<320000xi32, #tpu.memory_space<hbm>> -> memref<80xi32, #tpu.memory_space<hbm>>
    tpu.enqueue_dma source(%dma_start3A_75 : memref<80xi32, #tpu.memory_space<hbm>>) target(%arg12 : memref<80xi32, #tpu.memory_space<vmem>>) target_semaphore(%arg26 : memref<!tpu.dma_semaphore, #tpu.memory_space<semaphore_mem>>)
    %dma_start3A_76 = tpu.memref_slice %arg5[%multiple_of3A_73] : memref<320000xi32, #tpu.memory_space<hbm>> -> memref<80xi32, #tpu.memory_space<hbm>>
    %dma_start3A_77 = tpu.memref_slice %arg5[%multiple_of3A_73] : memref<320000xi32, #tpu.memory_space<hbm>> -> memref<80xi32, #tpu.memory_space<hbm>>
    tpu.enqueue_dma source(%dma_start3A_77 : memref<80xi32, #tpu.memory_space<hbm>>) target(%arg13 : memref<80xi32, #tpu.memory_space<vmem>>) target_semaphore(%arg26 : memref<!tpu.dma_semaphore, #tpu.memory_space<semaphore_mem>>)
    %dma_wait3A = arith.constant 0 : i32
    %dma_wait3A_78 = tpu.memref_slice %arg4[%dma_wait3A] : memref<320000xi32, #tpu.memory_space<hbm>> -> memref<80xi32, #tpu.memory_space<hbm>>
    %dma_wait3A_79 = arith.constant 0 : i32
    %dma_wait3A_80 = tpu.memref_slice %arg4[%dma_wait3A_79] : memref<320000xi32, #tpu.memory_space<hbm>> -> memref<80xi32, #tpu.memory_space<hbm>>
    tpu.wait_dma2 semaphore(%arg23 : memref<!tpu.dma_semaphore, #tpu.memory_space<semaphore_mem>>) src(%dma_wait3A_80 : memref<80xi32, #tpu.memory_space<hbm>>) dst(%arg7 : memref<80xi32, #tpu.memory_space<vmem>>)
    %dma_wait3A_81 = arith.constant 0 : i32
    %dma_wait3A_82 = tpu.memref_slice %arg5[%dma_wait3A_81] : memref<320000xi32, #tpu.memory_space<hbm>> -> memref<80xi32, #tpu.memory_space<hbm>>
    %dma_wait3A_83 = arith.constant 0 : i32
    %dma_wait3A_84 = tpu.memref_slice %arg5[%dma_wait3A_83] : memref<320000xi32, #tpu.memory_space<hbm>> -> memref<80xi32, #tpu.memory_space<hbm>>
    tpu.wait_dma2 semaphore(%arg23 : memref<!tpu.dma_semaphore, #tpu.memory_space<semaphore_mem>>) src(%dma_wait3A_84 : memref<80xi32, #tpu.memory_space<hbm>>) dst(%arg8 : memref<80xi32, #tpu.memory_space<vmem>>)
    %dma_start3A_85 = arith.constant 0 : i32
    %dma_start3A_86 = arith.constant 0 : i32
    %dma_start3A_87 = tpu.memref_slice %arg2[%dma_start3A_85, %dma_start3A_86] : memref<10000x144xf32, #tpu.memory_space<hbm>> -> memref<10000x144xf32, #tpu.memory_space<hbm>>
    tpu.enqueue_indirect_dma source(%dma_start3A_87 : memref<10000x144xf32, #tpu.memory_space<hbm>>) target(%arg9 : memref<80x144xf32, #tpu.memory_space<vmem>>) offsets(%arg7 : memref<80xi32, #tpu.memory_space<vmem>>) semaphore(%arg24 : memref<!tpu.dma_semaphore, #tpu.memory_space<semaphore_mem>>)
    %dma_start3A_88 = arith.constant 0 : i32
    %dma_start3A_89 = arith.constant 0 : i32
    %dma_start3A_90 = tpu.memref_slice %arg3[%dma_start3A_88, %dma_start3A_89] : memref<10000x16xf32, #tpu.memory_space<hbm>> -> memref<10000x16xf32, #tpu.memory_space<hbm>>
    tpu.enqueue_indirect_dma source(%dma_start3A_90 : memref<10000x16xf32, #tpu.memory_space<hbm>>) target(%arg10 : memref<80x16xf32, #tpu.memory_space<vmem>>) offsets(%arg8 : memref<80xi32, #tpu.memory_space<vmem>>) semaphore(%arg24 : memref<!tpu.dma_semaphore, #tpu.memory_space<semaphore_mem>>)
    %dma_wait3A_91 = arith.constant 0 : i32
    %dma_wait3A_92 = tpu.memref_slice %arg4[%dma_wait3A_91] : memref<320000xi32, #tpu.memory_space<hbm>> -> memref<80xi32, #tpu.memory_space<hbm>>
    %dma_wait3A_93 = arith.constant 0 : i32
    %dma_wait3A_94 = tpu.memref_slice %arg4[%dma_wait3A_93] : memref<320000xi32, #tpu.memory_space<hbm>> -> memref<80xi32, #tpu.memory_space<hbm>>
    tpu.wait_dma2 semaphore(%arg26 : memref<!tpu.dma_semaphore, #tpu.memory_space<semaphore_mem>>) src(%dma_wait3A_94 : memref<80xi32, #tpu.memory_space<hbm>>) dst(%arg12 : memref<80xi32, #tpu.memory_space<vmem>>)
    %dma_wait3A_95 = arith.constant 0 : i32
    %dma_wait3A_96 = tpu.memref_slice %arg5[%dma_wait3A_95] : memref<320000xi32, #tpu.memory_space<hbm>> -> memref<80xi32, #tpu.memory_space<hbm>>
    %dma_wait3A_97 = arith.constant 0 : i32
    %dma_wait3A_98 = tpu.memref_slice %arg5[%dma_wait3A_97] : memref<320000xi32, #tpu.memory_space<hbm>> -> memref<80xi32, #tpu.memory_space<hbm>>
    tpu.wait_dma2 semaphore(%arg26 : memref<!tpu.dma_semaphore, #tpu.memory_space<semaphore_mem>>) src(%dma_wait3A_98 : memref<80xi32, #tpu.memory_space<hbm>>) dst(%arg13 : memref<80xi32, #tpu.memory_space<vmem>>)
    %dma_start3A_99 = arith.constant 0 : i32
    %dma_start3A_100 = arith.constant 0 : i32
    %dma_start3A_101 = tpu.memref_slice %arg2[%dma_start3A_99, %dma_start3A_100] : memref<10000x144xf32, #tpu.memory_space<hbm>> -> memref<10000x144xf32, #tpu.memory_space<hbm>>
    tpu.enqueue_indirect_dma source(%dma_start3A_101 : memref<10000x144xf32, #tpu.memory_space<hbm>>) target(%arg14 : memref<80x144xf32, #tpu.memory_space<vmem>>) offsets(%arg12 : memref<80xi32, #tpu.memory_space<vmem>>) semaphore(%arg27 : memref<!tpu.dma_semaphore, #tpu.memory_space<semaphore_mem>>)
    %dma_start3A_102 = arith.constant 0 : i32
    %dma_start3A_103 = arith.constant 0 : i32
    %dma_start3A_104 = tpu.memref_slice %arg3[%dma_start3A_102, %dma_start3A_103] : memref<10000x16xf32, #tpu.memory_space<hbm>> -> memref<10000x16xf32, #tpu.memory_space<hbm>>
    tpu.enqueue_indirect_dma source(%dma_start3A_104 : memref<10000x16xf32, #tpu.memory_space<hbm>>) target(%arg15 : memref<80x16xf32, #tpu.memory_space<vmem>>) offsets(%arg13 : memref<80xi32, #tpu.memory_space<vmem>>) semaphore(%arg27 : memref<!tpu.dma_semaphore, #tpu.memory_space<semaphore_mem>>)
    %scan3A_105 = arith.constant 0 : i32
    %scan3A_106 = arith.constant 42 : i32
    %scan3A_107 = arith.addi %scan3A_105, %scan3A_106 : i32
    %scan3A_108 = arith.constant 1 : i32
    scf.for %scan3A_154 = %scan3A_105 to %scan3A_107 step %scan3A_108  : i32 {
      %mul3A_155 = arith.constant 3 : i32
      %mul3A_156 = arith.muli %scan3A_154, %mul3A_155 : i32
      %add3A_157 = arith.constant 0 : i32
      %add3A_158 = arith.addi %add3A_157, %mul3A_156 : i32
      %add3A_159 = arith.constant 0 : i32
      %add3A_160 = arith.addi %add3A_158, %add3A_159 : i32
      %dma_wait3A_161 = arith.constant 0 : i32
      %dma_wait3A_162 = arith.constant 0 : i32
      %dma_wait3A_163 = tpu.memref_slice %arg2[%dma_wait3A_161, %dma_wait3A_162] : memref<10000x144xf32, #tpu.memory_space<hbm>> -> memref<10000x144xf32, #tpu.memory_space<hbm>>
      tpu.wait_indirect_dma semaphore(%arg24 : memref<!tpu.dma_semaphore, #tpu.memory_space<semaphore_mem>>) src(%dma_wait3A_163 : memref<10000x144xf32, #tpu.memory_space<hbm>>) dst(%arg9 : memref<80x144xf32, #tpu.memory_space<vmem>>)
      %dma_wait3A_164 = arith.constant 0 : i32
      %dma_wait3A_165 = arith.constant 0 : i32
      %dma_wait3A_166 = tpu.memref_slice %arg3[%dma_wait3A_164, %dma_wait3A_165] : memref<10000x16xf32, #tpu.memory_space<hbm>> -> memref<10000x16xf32, #tpu.memory_space<hbm>>
      tpu.wait_indirect_dma semaphore(%arg24 : memref<!tpu.dma_semaphore, #tpu.memory_space<semaphore_mem>>) src(%dma_wait3A_166 : memref<10000x16xf32, #tpu.memory_space<hbm>>) dst(%arg10 : memref<80x16xf32, #tpu.memory_space<vmem>>)
      %get3A = arith.constant 0 : index
      %get3A_167 = tpu.vector_load %arg8[%get3A] {strides = array<i32>} : memref<80xi32, #tpu.memory_space<vmem>>, vector<16xi32>,
      %swap3A = arith.constant 0 : index
      %swap3A_168 = tpu.vector_load %arg11[%swap3A] {strides = array<i32>} : memref<80xi32, #tpu.memory_space<vmem>>, vector<16xi32>,
      tpu.vector_store %arg11[%swap3A], %get3A_167 {strides = array<i32>} : memref<80xi32, #tpu.memory_space<vmem>>, vector<16xi32>,
      %get3A_169 = arith.constant 16 : index
      %get3A_170 = tpu.vector_load %arg8[%get3A_169] {strides = array<i32>} : memref<80xi32, #tpu.memory_space<vmem>>, vector<16xi32>,
      %swap3A_171 = arith.constant 16 : index
      %swap3A_172 = tpu.vector_load %arg11[%swap3A_171] {strides = array<i32>} : memref<80xi32, #tpu.memory_space<vmem>>, vector<16xi32>,
      tpu.vector_store %arg11[%swap3A_171], %get3A_170 {strides = array<i32>} : memref<80xi32, #tpu.memory_space<vmem>>, vector<16xi32>,
      %get3A_173 = arith.constant 32 : index
      %get3A_174 = tpu.vector_load %arg8[%get3A_173] {strides = array<i32>} : memref<80xi32, #tpu.memory_space<vmem>>, vector<16xi32>,
      %swap3A_175 = arith.constant 32 : index
      %swap3A_176 = tpu.vector_load %arg11[%swap3A_175] {strides = array<i32>} : memref<80xi32, #tpu.memory_space<vmem>>, vector<16xi32>,
      tpu.vector_store %arg11[%swap3A_175], %get3A_174 {strides = array<i32>} : memref<80xi32, #tpu.memory_space<vmem>>, vector<16xi32>,
      %get3A_177 = arith.constant 48 : index
      %get3A_178 = tpu.vector_load %arg8[%get3A_177] {strides = array<i32>} : memref<80xi32, #tpu.memory_space<vmem>>, vector<16xi32>,
      %swap3A_179 = arith.constant 48 : index
      %swap3A_180 = tpu.vector_load %arg11[%swap3A_179] {strides = array<i32>} : memref<80xi32, #tpu.memory_space<vmem>>, vector<16xi32>,
      tpu.vector_store %arg11[%swap3A_179], %get3A_178 {strides = array<i32>} : memref<80xi32, #tpu.memory_space<vmem>>, vector<16xi32>,
      %get3A_181 = arith.constant 64 : index
      %get3A_182 = tpu.vector_load %arg8[%get3A_181] {strides = array<i32>} : memref<80xi32, #tpu.memory_space<vmem>>, vector<16xi32>,
      %swap3A_183 = arith.constant 64 : index
      %swap3A_184 = tpu.vector_load %arg11[%swap3A_183] {strides = array<i32>} : memref<80xi32, #tpu.memory_space<vmem>>, vector<16xi32>,
      tpu.vector_store %arg11[%swap3A_183], %get3A_182 {strides = array<i32>} : memref<80xi32, #tpu.memory_space<vmem>>, vector<16xi32>,
      %add3A_185 = arith.constant 2 : i32
      %add3A_186 = arith.addi %add3A_160, %add3A_185 : i32
      %lt3A = arith.constant 125 : i32
      %lt3A_187 = arith.cmpi slt, %add3A_186, %lt3A : i32
      %convert_element_type3A = arith.extui %lt3A_187 : i1 to i32
      %cond3A = arith.constant 0 : i32
      %cond3A_188 = arith.cmpi ne, %convert_element_type3A, %cond3A : i32
      scf.if %cond3A_188 {
        %add3A_575 = arith.constant 2 : i32
        %add3A_576 = arith.addi %add3A_160, %add3A_575 : i32
        %mul3A_577 = arith.constant 80 : i32
        %mul3A_578 = arith.muli %add3A_576, %mul3A_577 : i32
        %add3A_579 = arith.addi %mul3A_3, %mul3A_578 : i32
        %multiple_of3A_580 = tpu.assume_multiple %add3A_579, 8 : i32
        %dma_start3A_581 = tpu.memref_slice %arg4[%multiple_of3A_580] : memref<320000xi32, #tpu.memory_space<hbm>> -> memref<80xi32, #tpu.memory_space<hbm>>
        %dma_start3A_582 = tpu.memref_slice %arg4[%multiple_of3A_580] : memref<320000xi32, #tpu.memory_space<hbm>> -> memref<80xi32, #tpu.memory_space<hbm>>
        tpu.enqueue_dma source(%dma_start3A_582 : memref<80xi32, #tpu.memory_space<hbm>>) target(%arg17 : memref<80xi32, #tpu.memory_space<vmem>>) target_semaphore(%arg29 : memref<!tpu.dma_semaphore, #tpu.memory_space<semaphore_mem>>)
        %dma_start3A_583 = tpu.memref_slice %arg5[%multiple_of3A_580] : memref<320000xi32, #tpu.memory_space<hbm>> -> memref<80xi32, #tpu.memory_space<hbm>>
        %dma_start3A_584 = tpu.memref_slice %arg5[%multiple_of3A_580] : memref<320000xi32, #tpu.memory_space<hbm>> -> memref<80xi32, #tpu.memory_space<hbm>>
        tpu.enqueue_dma source(%dma_start3A_584 : memref<80xi32, #tpu.memory_space<hbm>>) target(%arg18 : memref<80xi32, #tpu.memory_space<vmem>>) target_semaphore(%arg29 : memref<!tpu.dma_semaphore, #tpu.memory_space<semaphore_mem>>)
      } else {
      }
      %add3A_189 = arith.constant 0 : i32
      %add3A_190 = vector.broadcast %add3A_189 : i32 to vector<16xi32>
      %add3A_191 = arith.addi %iota3A, %add3A_190 : vector<16xi32>
      %broadcast_in_dim3A_192 = arith.constant 128 : i32
      %broadcast_in_dim3A_193 = vector.broadcast %broadcast_in_dim3A_192 : i32 to vector<16xi32>
      %gather3A = tpu.vector_load_idx %arg9[%add3A_191, %broadcast_in_dim3A_193] : memref<80x144xf32, #tpu.memory_space<vmem>>[vector<16xi32>, vector<16xi32>], vector<16xf32>,
      %broadcast_in_dim3A_194 = arith.constant 0 : i32
      %broadcast_in_dim3A_195 = vector.broadcast %broadcast_in_dim3A_194 : i32 to vector<16xi32>
      %gather3A_196 = tpu.vector_load_idx %arg10[%add3A_191, %broadcast_in_dim3A_195] : memref<80x16xf32, #tpu.memory_space<vmem>>[vector<16xi32>, vector<16xi32>], vector<16xf32>,
      %add3A_197 = arith.addf %gather3A, %gather3A_196 : vector<16xf32>
      %ge3A = arith.constant 0.000000e+00 : f32
      %ge3A_198 = vector.broadcast %ge3A : f32 to vector<16xf32>
      %ge3A_199 = arith.cmpf oge, %add3A_197, %ge3A_198 : vector<16xf32>
      %mul3A_200 = arith.constant 2.000000e-01 : f32
      %mul3A_201 = vector.broadcast %mul3A_200 : f32 to vector<16xf32>
      %mul3A_202 = arith.mulf %add3A_197, %mul3A_201 : vector<16xf32>
      %select_n3A_203 = arith.select %ge3A_199, %add3A_197, %mul3A_202 : vector<16xi1>, vector<16xf32>
      %exp3A = math.exp %select_n3A_203 : vector<16xf32>
      %broadcast_in_dim3A_204 = arith.constant 128 : i32
      %broadcast_in_dim3A_205 = vector.broadcast %broadcast_in_dim3A_204 : i32 to vector<16xi32>
      tpu.vector_store_idx %arg9[%add3A_191, %broadcast_in_dim3A_205], %exp3A : memref<80x144xf32, #tpu.memory_space<vmem>>[vector<16xi32>, vector<16xi32>], vector<16xf32>,
      %broadcast_in_dim3A_206 = arith.constant 129 : i32
      %broadcast_in_dim3A_207 = vector.broadcast %broadcast_in_dim3A_206 : i32 to vector<16xi32>
      %gather3A_208 = tpu.vector_load_idx %arg9[%add3A_191, %broadcast_in_dim3A_207] : memref<80x144xf32, #tpu.memory_space<vmem>>[vector<16xi32>, vector<16xi32>], vector<16xf32>,
      %broadcast_in_dim3A_209 = arith.constant 1 : i32
      %broadcast_in_dim3A_210 = vector.broadcast %broadcast_in_dim3A_209 : i32 to vector<16xi32>
      %gather3A_211 = tpu.vector_load_idx %arg10[%add3A_191, %broadcast_in_dim3A_210] : memref<80x16xf32, #tpu.memory_space<vmem>>[vector<16xi32>, vector<16xi32>], vector<16xf32>,
      %add3A_212 = arith.addf %gather3A_208, %gather3A_211 : vector<16xf32>
      %ge3A_213 = arith.constant 0.000000e+00 : f32
      %ge3A_214 = vector.broadcast %ge3A_213 : f32 to vector<16xf32>
      %ge3A_215 = arith.cmpf oge, %add3A_212, %ge3A_214 : vector<16xf32>
      %mul3A_216 = arith.constant 2.000000e-01 : f32
      %mul3A_217 = vector.broadcast %mul3A_216 : f32 to vector<16xf32>
      %mul3A_218 = arith.mulf %add3A_212, %mul3A_217 : vector<16xf32>
      %select_n3A_219 = arith.select %ge3A_215, %add3A_212, %mul3A_218 : vector<16xi1>, vector<16xf32>
      %exp3A_220 = math.exp %select_n3A_219 : vector<16xf32>
      %broadcast_in_dim3A_221 = arith.constant 129 : i32
      %broadcast_in_dim3A_222 = vector.broadcast %broadcast_in_dim3A_221 : i32 to vector<16xi32>
      tpu.vector_store_idx %arg9[%add3A_191, %broadcast_in_dim3A_222], %exp3A_220 : memref<80x144xf32, #tpu.memory_space<vmem>>[vector<16xi32>, vector<16xi32>], vector<16xf32>,
      %broadcast_in_dim3A_223 = arith.constant 130 : i32
      %broadcast_in_dim3A_224 = vector.broadcast %broadcast_in_dim3A_223 : i32 to vector<16xi32>
      %gather3A_225 = tpu.vector_load_idx %arg9[%add3A_191, %broadcast_in_dim3A_224] : memref<80x144xf32, #tpu.memory_space<vmem>>[vector<16xi32>, vector<16xi32>], vector<16xf32>,
      %broadcast_in_dim3A_226 = arith.constant 2 : i32
      %broadcast_in_dim3A_227 = vector.broadcast %broadcast_in_dim3A_226 : i32 to vector<16xi32>
      %gather3A_228 = tpu.vector_load_idx %arg10[%add3A_191, %broadcast_in_dim3A_227] : memref<80x16xf32, #tpu.memory_space<vmem>>[vector<16xi32>, vector<16xi32>], vector<16xf32>,
      %add3A_229 = arith.addf %gather3A_225, %gather3A_228 : vector<16xf32>
      %ge3A_230 = arith.constant 0.000000e+00 : f32
      %ge3A_231 = vector.broadcast %ge3A_230 : f32 to vector<16xf32>
      %ge3A_232 = arith.cmpf oge, %add3A_229, %ge3A_231 : vector<16xf32>
      %mul3A_233 = arith.constant 2.000000e-01 : f32
      %mul3A_234 = vector.broadcast %mul3A_233 : f32 to vector<16xf32>
      %mul3A_235 = arith.mulf %add3A_229, %mul3A_234 : vector<16xf32>
      %select_n3A_236 = arith.select %ge3A_232, %add3A_229, %mul3A_235 : vector<16xi1>, vector<16xf32>
      %exp3A_237 = math.exp %select_n3A_236 : vector<16xf32>
      %broadcast_in_dim3A_238 = arith.constant 130 : i32
      %broadcast_in_dim3A_239 = vector.broadcast %broadcast_in_dim3A_238 : i32 to vector<16xi32>
      tpu.vector_store_idx %arg9[%add3A_191, %broadcast_in_dim3A_239], %exp3A_237 : memref<80x144xf32, #tpu.memory_space<vmem>>[vector<16xi32>, vector<16xi32>], vector<16xf32>,
      %broadcast_in_dim3A_240 = arith.constant 131 : i32
      %broadcast_in_dim3A_241 = vector.broadcast %broadcast_in_dim3A_240 : i32 to vector<16xi32>
      %gather3A_242 = tpu.vector_load_idx %arg9[%add3A_191, %broadcast_in_dim3A_241] : memref<80x144xf32, #tpu.memory_space<vmem>>[vector<16xi32>, vector<16xi32>], vector<16xf32>,
      %broadcast_in_dim3A_243 = arith.constant 3 : i32
      %broadcast_in_dim3A_244 = vector.broadcast %broadcast_in_dim3A_243 : i32 to vector<16xi32>
      %gather3A_245 = tpu.vector_load_idx %arg10[%add3A_191, %broadcast_in_dim3A_244] : memref<80x16xf32, #tpu.memory_space<vmem>>[vector<16xi32>, vector<16xi32>], vector<16xf32>,
      %add3A_246 = arith.addf %gather3A_242, %gather3A_245 : vector<16xf32>
      %ge3A_247 = arith.constant 0.000000e+00 : f32
      %ge3A_248 = vector.broadcast %ge3A_247 : f32 to vector<16xf32>
      %ge3A_249 = arith.cmpf oge, %add3A_246, %ge3A_248 : vector<16xf32>
      %mul3A_250 = arith.constant 2.000000e-01 : f32
      %mul3A_251 = vector.broadcast %mul3A_250 : f32 to vector<16xf32>
      %mul3A_252 = arith.mulf %add3A_246, %mul3A_251 : vector<16xf32>
      %select_n3A_253 = arith.select %ge3A_249, %add3A_246, %mul3A_252 : vector<16xi1>, vector<16xf32>
      %exp3A_254 = math.exp %select_n3A_253 : vector<16xf32>
      %broadcast_in_dim3A_255 = arith.constant 131 : i32
      %broadcast_in_dim3A_256 = vector.broadcast %broadcast_in_dim3A_255 : i32 to vector<16xi32>
      tpu.vector_store_idx %arg9[%add3A_191, %broadcast_in_dim3A_256], %exp3A_254 : memref<80x144xf32, #tpu.memory_space<vmem>>[vector<16xi32>, vector<16xi32>], vector<16xf32>,
      %add3A_257 = arith.constant 16 : i32
      %add3A_258 = vector.broadcast %add3A_257 : i32 to vector<16xi32>
      %add3A_259 = arith.addi %iota3A, %add3A_258 : vector<16xi32>
      %broadcast_in_dim3A_260 = arith.constant 128 : i32
      %broadcast_in_dim3A_261 = vector.broadcast %broadcast_in_dim3A_260 : i32 to vector<16xi32>
      %gather3A_262 = tpu.vector_load_idx %arg9[%add3A_259, %broadcast_in_dim3A_261] : memref<80x144xf32, #tpu.memory_space<vmem>>[vector<16xi32>, vector<16xi32>], vector<16xf32>,
      %broadcast_in_dim3A_263 = arith.constant 0 : i32
      %broadcast_in_dim3A_264 = vector.broadcast %broadcast_in_dim3A_263 : i32 to vector<16xi32>
      %gather3A_265 = tpu.vector_load_idx %arg10[%add3A_259, %broadcast_in_dim3A_264] : memref<80x16xf32, #tpu.memory_space<vmem>>[vector<16xi32>, vector<16xi32>], vector<16xf32>,
      %add3A_266 = arith.addf %gather3A_262, %gather3A_265 : vector<16xf32>
      %ge3A_267 = arith.constant 0.000000e+00 : f32
      %ge3A_268 = vector.broadcast %ge3A_267 : f32 to vector<16xf32>
      %ge3A_269 = arith.cmpf oge, %add3A_266, %ge3A_268 : vector<16xf32>
      %mul3A_270 = arith.constant 2.000000e-01 : f32
      %mul3A_271 = vector.broadcast %mul3A_270 : f32 to vector<16xf32>
      %mul3A_272 = arith.mulf %add3A_266, %mul3A_271 : vector<16xf32>
      %select_n3A_273 = arith.select %ge3A_269, %add3A_266, %mul3A_272 : vector<16xi1>, vector<16xf32>
      %exp3A_274 = math.exp %select_n3A_273 : vector<16xf32>
      %broadcast_in_dim3A_275 = arith.constant 128 : i32
      %broadcast_in_dim3A_276 = vector.broadcast %broadcast_in_dim3A_275 : i32 to vector<16xi32>
      tpu.vector_store_idx %arg9[%add3A_259, %broadcast_in_dim3A_276], %exp3A_274 : memref<80x144xf32, #tpu.memory_space<vmem>>[vector<16xi32>, vector<16xi32>], vector<16xf32>,
      %broadcast_in_dim3A_277 = arith.constant 129 : i32
      %broadcast_in_dim3A_278 = vector.broadcast %broadcast_in_dim3A_277 : i32 to vector<16xi32>
      %gather3A_279 = tpu.vector_load_idx %arg9[%add3A_259, %broadcast_in_dim3A_278] : memref<80x144xf32, #tpu.memory_space<vmem>>[vector<16xi32>, vector<16xi32>], vector<16xf32>,
      %broadcast_in_dim3A_280 = arith.constant 1 : i32
      %broadcast_in_dim3A_281 = vector.broadcast %broadcast_in_dim3A_280 : i32 to vector<16xi32>
      %gather3A_282 = tpu.vector_load_idx %arg10[%add3A_259, %broadcast_in_dim3A_281] : memref<80x16xf32, #tpu.memory_space<vmem>>[vector<16xi32>, vector<16xi32>], vector<16xf32>,
      %add3A_283 = arith.addf %gather3A_279, %gather3A_282 : vector<16xf32>
      %ge3A_284 = arith.constant 0.000000e+00 : f32
      %ge3A_285 = vector.broadcast %ge3A_284 : f32 to vector<16xf32>
      %ge3A_286 = arith.cmpf oge, %add3A_283, %ge3A_285 : vector<16xf32>
      %mul3A_287 = arith.constant 2.000000e-01 : f32
      %mul3A_288 = vector.broadcast %mul3A_287 : f32 to vector<16xf32>
      %mul3A_289 = arith.mulf %add3A_283, %mul3A_288 : vector<16xf32>
      %select_n3A_290 = arith.select %ge3A_286, %add3A_283, %mul3A_289 : vector<16xi1>, vector<16xf32>
      %exp3A_291 = math.exp %select_n3A_290 : vector<16xf32>
      %broadcast_in_dim3A_292 = arith.constant 129 : i32
      %broadcast_in_dim3A_293 = vector.broadcast %broadcast_in_dim3A_292 : i32 to vector<16xi32>
      tpu.vector_store_idx %arg9[%add3A_259, %broadcast_in_dim3A_293], %exp3A_291 : memref<80x144xf32, #tpu.memory_space<vmem>>[vector<16xi32>, vector<16xi32>], vector<16xf32>,
      %broadcast_in_dim3A_294 = arith.constant 130 : i32
      %broadcast_in_dim3A_295 = vector.broadcast %broadcast_in_dim3A_294 : i32 to vector<16xi32>
      %gather3A_296 = tpu.vector_load_idx %arg9[%add3A_259, %broadcast_in_dim3A_295] : memref<80x144xf32, #tpu.memory_space<vmem>>[vector<16xi32>, vector<16xi32>], vector<16xf32>,
      %broadcast_in_dim3A_297 = arith.constant 2 : i32
      %broadcast_in_dim3A_298 = vector.broadcast %broadcast_in_dim3A_297 : i32 to vector<16xi32>
      %gather3A_299 = tpu.vector_load_idx %arg10[%add3A_259, %broadcast_in_dim3A_298] : memref<80x16xf32, #tpu.memory_space<vmem>>[vector<16xi32>, vector<16xi32>], vector<16xf32>,
      %add3A_300 = arith.addf %gather3A_296, %gather3A_299 : vector<16xf32>
      %ge3A_301 = arith.constant 0.000000e+00 : f32
      %ge3A_302 = vector.broadcast %ge3A_301 : f32 to vector<16xf32>
      %ge3A_303 = arith.cmpf oge, %add3A_300, %ge3A_302 : vector<16xf32>
      %mul3A_304 = arith.constant 2.000000e-01 : f32
      %mul3A_305 = vector.broadcast %mul3A_304 : f32 to vector<16xf32>
      %mul3A_306 = arith.mulf %add3A_300, %mul3A_305 : vector<16xf32>
      %select_n3A_307 = arith.select %ge3A_303, %add3A_300, %mul3A_306 : vector<16xi1>, vector<16xf32>
      %exp3A_308 = math.exp %select_n3A_307 : vector<16xf32>
      %broadcast_in_dim3A_309 = arith.constant 130 : i32
      %broadcast_in_dim3A_310 = vector.broadcast %broadcast_in_dim3A_309 : i32 to vector<16xi32>
      tpu.vector_store_idx %arg9[%add3A_259, %broadcast_in_dim3A_310], %exp3A_308 : memref<80x144xf32, #tpu.memory_space<vmem>>[vector<16xi32>, vector<16xi32>], vector<16xf32>,
      %broadcast_in_dim3A_311 = arith.constant 131 : i32
      %broadcast_in_dim3A_312 = vector.broadcast %broadcast_in_dim3A_311 : i32 to vector<16xi32>
      %gather3A_313 = tpu.vector_load_idx %arg9[%add3A_259, %broadcast_in_dim3A_312] : memref<80x144xf32, #tpu.memory_space<vmem>>[vector<16xi32>, vector<16xi32>], vector<16xf32>,
      %broadcast_in_dim3A_314 = arith.constant 3 : i32
      %broadcast_in_dim3A_315 = vector.broadcast %broadcast_in_dim3A_314 : i32 to vector<16xi32>
      %gather3A_316 = tpu.vector_load_idx %arg10[%add3A_259, %broadcast_in_dim3A_315] : memref<80x16xf32, #tpu.memory_space<vmem>>[vector<16xi32>, vector<16xi32>], vector<16xf32>,
      %add3A_317 = arith.addf %gather3A_313, %gather3A_316 : vector<16xf32>
      %ge3A_318 = arith.constant 0.000000e+00 : f32
      %ge3A_319 = vector.broadcast %ge3A_318 : f32 to vector<16xf32>
      %ge3A_320 = arith.cmpf oge, %add3A_317, %ge3A_319 : vector<16xf32>
      %mul3A_321 = arith.constant 2.000000e-01 : f32
      %mul3A_322 = vector.broadcast %mul3A_321 : f32 to vector<16xf32>
      %mul3A_323 = arith.mulf %add3A_317, %mul3A_322 : vector<16xf32>
      %select_n3A_324 = arith.select %ge3A_320, %add3A_317, %mul3A_323 : vector<16xi1>, vector<16xf32>
      %exp3A_325 = math.exp %select_n3A_324 : vector<16xf32>
      %broadcast_in_dim3A_326 = arith.constant 131 : i32
      %broadcast_in_dim3A_327 = vector.broadcast %broadcast_in_dim3A_326 : i32 to vector<16xi32>
      tpu.vector_store_idx %arg9[%add3A_259, %broadcast_in_dim3A_327], %exp3A_325 : memref<80x144xf32, #tpu.memory_space<vmem>>[vector<16xi32>, vector<16xi32>], vector<16xf32>,
      %add3A_328 = arith.constant 32 : i32
      %add3A_329 = vector.broadcast %add3A_328 : i32 to vector<16xi32>
      %add3A_330 = arith.addi %iota3A, %add3A_329 : vector<16xi32>
      %broadcast_in_dim3A_331 = arith.constant 128 : i32
      %broadcast_in_dim3A_332 = vector.broadcast %broadcast_in_dim3A_331 : i32 to vector<16xi32>
      %gather3A_333 = tpu.vector_load_idx %arg9[%add3A_330, %broadcast_in_dim3A_332] : memref<80x144xf32, #tpu.memory_space<vmem>>[vector<16xi32>, vector<16xi32>], vector<16xf32>,
      %broadcast_in_dim3A_334 = arith.constant 0 : i32
      %broadcast_in_dim3A_335 = vector.broadcast %broadcast_in_dim3A_334 : i32 to vector<16xi32>
      %gather3A_336 = tpu.vector_load_idx %arg10[%add3A_330, %broadcast_in_dim3A_335] : memref<80x16xf32, #tpu.memory_space<vmem>>[vector<16xi32>, vector<16xi32>], vector<16xf32>,
      %add3A_337 = arith.addf %gather3A_333, %gather3A_336 : vector<16xf32>
      %ge3A_338 = arith.constant 0.000000e+00 : f32
      %ge3A_339 = vector.broadcast %ge3A_338 : f32 to vector<16xf32>
      %ge3A_340 = arith.cmpf oge, %add3A_337, %ge3A_339 : vector<16xf32>
      %mul3A_341 = arith.constant 2.000000e-01 : f32
      %mul3A_342 = vector.broadcast %mul3A_341 : f32 to vector<16xf32>
      %mul3A_343 = arith.mulf %add3A_337, %mul3A_342 : vector<16xf32>
      %select_n3A_344 = arith.select %ge3A_340, %add3A_337, %mul3A_343 : vector<16xi1>, vector<16xf32>
      %exp3A_345 = math.exp %select_n3A_344 : vector<16xf32>
      %broadcast_in_dim3A_346 = arith.constant 128 : i32
      %broadcast_in_dim3A_347 = vector.broadcast %broadcast_in_dim3A_346 : i32 to vector<16xi32>
      tpu.vector_store_idx %arg9[%add3A_330, %broadcast_in_dim3A_347], %exp3A_345 : memref<80x144xf32, #tpu.memory_space<vmem>>[vector<16xi32>, vector<16xi32>], vector<16xf32>,
      %broadcast_in_dim3A_348 = arith.constant 129 : i32
      %broadcast_in_dim3A_349 = vector.broadcast %broadcast_in_dim3A_348 : i32 to vector<16xi32>
      %gather3A_350 = tpu.vector_load_idx %arg9[%add3A_330, %broadcast_in_dim3A_349] : memref<80x144xf32, #tpu.memory_space<vmem>>[vector<16xi32>, vector<16xi32>], vector<16xf32>,
      %broadcast_in_dim3A_351 = arith.constant 1 : i32
      %broadcast_in_dim3A_352 = vector.broadcast %broadcast_in_dim3A_351 : i32 to vector<16xi32>
      %gather3A_353 = tpu.vector_load_idx %arg10[%add3A_330, %broadcast_in_dim3A_352] : memref<80x16xf32, #tpu.memory_space<vmem>>[vector<16xi32>, vector<16xi32>], vector<16xf32>,
      %add3A_354 = arith.addf %gather3A_350, %gather3A_353 : vector<16xf32>
      %ge3A_355 = arith.constant 0.000000e+00 : f32
      %ge3A_356 = vector.broadcast %ge3A_355 : f32 to vector<16xf32>
      %ge3A_357 = arith.cmpf oge, %add3A_354, %ge3A_356 : vector<16xf32>
      %mul3A_358 = arith.constant 2.000000e-01 : f32
      %mul3A_359 = vector.broadcast %mul3A_358 : f32 to vector<16xf32>
      %mul3A_360 = arith.mulf %add3A_354, %mul3A_359 : vector<16xf32>
      %select_n3A_361 = arith.select %ge3A_357, %add3A_354, %mul3A_360 : vector<16xi1>, vector<16xf32>
      %exp3A_362 = math.exp %select_n3A_361 : vector<16xf32>
      %broadcast_in_dim3A_363 = arith.constant 129 : i32
      %broadcast_in_dim3A_364 = vector.broadcast %broadcast_in_dim3A_363 : i32 to vector<16xi32>
      tpu.vector_store_idx %arg9[%add3A_330, %broadcast_in_dim3A_364], %exp3A_362 : memref<80x144xf32, #tpu.memory_space<vmem>>[vector<16xi32>, vector<16xi32>], vector<16xf32>,
      %broadcast_in_dim3A_365 = arith.constant 130 : i32
      %broadcast_in_dim3A_366 = vector.broadcast %broadcast_in_dim3A_365 : i32 to vector<16xi32>
      %gather3A_367 = tpu.vector_load_idx %arg9[%add3A_330, %broadcast_in_dim3A_366] : memref<80x144xf32, #tpu.memory_space<vmem>>[vector<16xi32>, vector<16xi32>], vector<16xf32>,
      %broadcast_in_dim3A_368 = arith.constant 2 : i32
      %broadcast_in_dim3A_369 = vector.broadcast %broadcast_in_dim3A_368 : i32 to vector<16xi32>
      %gather3A_370 = tpu.vector_load_idx %arg10[%add3A_330, %broadcast_in_dim3A_369] : memref<80x16xf32, #tpu.memory_space<vmem>>[vector<16xi32>, vector<16xi32>], vector<16xf32>,
      %add3A_371 = arith.addf %gather3A_367, %gather3A_370 : vector<16xf32>
      %ge3A_372 = arith.constant 0.000000e+00 : f32
      %ge3A_373 = vector.broadcast %ge3A_372 : f32 to vector<16xf32>
      %ge3A_374 = arith.cmpf oge, %add3A_371, %ge3A_373 : vector<16xf32>
      %mul3A_375 = arith.constant 2.000000e-01 : f32
      %mul3A_376 = vector.broadcast %mul3A_375 : f32 to vector<16xf32>
      %mul3A_377 = arith.mulf %add3A_371, %mul3A_376 : vector<16xf32>
      %select_n3A_378 = arith.select %ge3A_374, %add3A_371, %mul3A_377 : vector<16xi1>, vector<16xf32>
      %exp3A_379 = math.exp %select_n3A_378 : vector<16xf32>
      %broadcast_in_dim3A_380 = arith.constant 130 : i32
      %broadcast_in_dim3A_381 = vector.broadcast %broadcast_in_dim3A_380 : i32 to vector<16xi32>
      tpu.vector_store_idx %arg9[%add3A_330, %broadcast_in_dim3A_381], %exp3A_379 : memref<80x144xf32, #tpu.memory_space<vmem>>[vector<16xi32>, vector<16xi32>], vector<16xf32>,
      %broadcast_in_dim3A_382 = arith.constant 131 : i32
      %broadcast_in_dim3A_383 = vector.broadcast %broadcast_in_dim3A_382 : i32 to vector<16xi32>
      %gather3A_384 = tpu.vector_load_idx %arg9[%add3A_330, %broadcast_in_dim3A_383] : memref<80x144xf32, #tpu.memory_space<vmem>>[vector<16xi32>, vector<16xi32>], vector<16xf32>,
      %broadcast_in_dim3A_385 = arith.constant 3 : i32
      %broadcast_in_dim3A_386 = vector.broadcast %broadcast_in_dim3A_385 : i32 to vector<16xi32>
      %gather3A_387 = tpu.vector_load_idx %arg10[%add3A_330, %broadcast_in_dim3A_386] : memref<80x16xf32, #tpu.memory_space<vmem>>[vector<16xi32>, vector<16xi32>], vector<16xf32>,
      %add3A_388 = arith.addf %gather3A_384, %gather3A_387 : vector<16xf32>
      %ge3A_389 = arith.constant 0.000000e+00 : f32
      %ge3A_390 = vector.broadcast %ge3A_389 : f32 to vector<16xf32>
      %ge3A_391 = arith.cmpf oge, %add3A_388, %ge3A_390 : vector<16xf32>
      %mul3A_392 = arith.constant 2.000000e-01 : f32
      %mul3A_393 = vector.broadcast %mul3A_392 : f32 to vector<16xf32>
      %mul3A_394 = arith.mulf %add3A_388, %mul3A_393 : vector<16xf32>
      %select_n3A_395 = arith.select %ge3A_391, %add3A_388, %mul3A_394 : vector<16xi1>, vector<16xf32>
      %exp3A_396 = math.exp %select_n3A_395 : vector<16xf32>
      %broadcast_in_dim3A_397 = arith.constant 131 : i32
      %broadcast_in_dim3A_398 = vector.broadcast %broadcast_in_dim3A_397 : i32 to vector<16xi32>
      tpu.vector_store_idx %arg9[%add3A_330, %broadcast_in_dim3A_398], %exp3A_396 : memref<80x144xf32, #tpu.memory_space<vmem>>[vector<16xi32>, vector<16xi32>], vector<16xf32>,
      %add3A_399 = arith.constant 48 : i32
      %add3A_400 = vector.broadcast %add3A_399 : i32 to vector<16xi32>
      %add3A_401 = arith.addi %iota3A, %add3A_400 : vector<16xi32>
      %broadcast_in_dim3A_402 = arith.constant 128 : i32
      %broadcast_in_dim3A_403 = vector.broadcast %broadcast_in_dim3A_402 : i32 to vector<16xi32>
      %gather3A_404 = tpu.vector_load_idx %arg9[%add3A_401, %broadcast_in_dim3A_403] : memref<80x144xf32, #tpu.memory_space<vmem>>[vector<16xi32>, vector<16xi32>], vector<16xf32>,
      %broadcast_in_dim3A_405 = arith.constant 0 : i32
      %broadcast_in_dim3A_406 = vector.broadcast %broadcast_in_dim3A_405 : i32 to vector<16xi32>
      %gather3A_407 = tpu.vector_load_idx %arg10[%add3A_401, %broadcast_in_dim3A_406] : memref<80x16xf32, #tpu.memory_space<vmem>>[vector<16xi32>, vector<16xi32>], vector<16xf32>,
      %add3A_408 = arith.addf %gather3A_404, %gather3A_407 : vector<16xf32>
      %ge3A_409 = arith.constant 0.000000e+00 : f32
      %ge3A_410 = vector.broadcast %ge3A_409 : f32 to vector<16xf32>
      %ge3A_411 = arith.cmpf oge, %add3A_408, %ge3A_410 : vector<16xf32>
      %mul3A_412 = arith.constant 2.000000e-01 : f32
      %mul3A_413 = vector.broadcast %mul3A_412 : f32 to vector<16xf32>
      %mul3A_414 = arith.mulf %add3A_408, %mul3A_413 : vector<16xf32>
      %select_n3A_415 = arith.select %ge3A_411, %add3A_408, %mul3A_414 : vector<16xi1>, vector<16xf32>
      %exp3A_416 = math.exp %select_n3A_415 : vector<16xf32>
      %broadcast_in_dim3A_417 = arith.constant 128 : i32
      %broadcast_in_dim3A_418 = vector.broadcast %broadcast_in_dim3A_417 : i32 to vector<16xi32>
      tpu.vector_store_idx %arg9[%add3A_401, %broadcast_in_dim3A_418], %exp3A_416 : memref<80x144xf32, #tpu.memory_space<vmem>>[vector<16xi32>, vector<16xi32>], vector<16xf32>,
      %broadcast_in_dim3A_419 = arith.constant 129 : i32
      %broadcast_in_dim3A_420 = vector.broadcast %broadcast_in_dim3A_419 : i32 to vector<16xi32>
      %gather3A_421 = tpu.vector_load_idx %arg9[%add3A_401, %broadcast_in_dim3A_420] : memref<80x144xf32, #tpu.memory_space<vmem>>[vector<16xi32>, vector<16xi32>], vector<16xf32>,
      %broadcast_in_dim3A_422 = arith.constant 1 : i32
      %broadcast_in_dim3A_423 = vector.broadcast %broadcast_in_dim3A_422 : i32 to vector<16xi32>
      %gather3A_424 = tpu.vector_load_idx %arg10[%add3A_401, %broadcast_in_dim3A_423] : memref<80x16xf32, #tpu.memory_space<vmem>>[vector<16xi32>, vector<16xi32>], vector<16xf32>,
      %add3A_425 = arith.addf %gather3A_421, %gather3A_424 : vector<16xf32>
      %ge3A_426 = arith.constant 0.000000e+00 : f32
      %ge3A_427 = vector.broadcast %ge3A_426 : f32 to vector<16xf32>
      %ge3A_428 = arith.cmpf oge, %add3A_425, %ge3A_427 : vector<16xf32>
      %mul3A_429 = arith.constant 2.000000e-01 : f32
      %mul3A_430 = vector.broadcast %mul3A_429 : f32 to vector<16xf32>
      %mul3A_431 = arith.mulf %add3A_425, %mul3A_430 : vector<16xf32>
      %select_n3A_432 = arith.select %ge3A_428, %add3A_425, %mul3A_431 : vector<16xi1>, vector<16xf32>
      %exp3A_433 = math.exp %select_n3A_432 : vector<16xf32>
      %broadcast_in_dim3A_434 = arith.constant 129 : i32
      %broadcast_in_dim3A_435 = vector.broadcast %broadcast_in_dim3A_434 : i32 to vector<16xi32>
      tpu.vector_store_idx %arg9[%add3A_401, %broadcast_in_dim3A_435], %exp3A_433 : memref<80x144xf32, #tpu.memory_space<vmem>>[vector<16xi32>, vector<16xi32>], vector<16xf32>,
      %broadcast_in_dim3A_436 = arith.constant 130 : i32
      %broadcast_in_dim3A_437 = vector.broadcast %broadcast_in_dim3A_436 : i32 to vector<16xi32>
      %gather3A_438 = tpu.vector_load_idx %arg9[%add3A_401, %broadcast_in_dim3A_437] : memref<80x144xf32, #tpu.memory_space<vmem>>[vector<16xi32>, vector<16xi32>], vector<16xf32>,
      %broadcast_in_dim3A_439 = arith.constant 2 : i32
      %broadcast_in_dim3A_440 = vector.broadcast %broadcast_in_dim3A_439 : i32 to vector<16xi32>
      %gather3A_441 = tpu.vector_load_idx %arg10[%add3A_401, %broadcast_in_dim3A_440] : memref<80x16xf32, #tpu.memory_space<vmem>>[vector<16xi32>, vector<16xi32>], vector<16xf32>,
      %add3A_442 = arith.addf %gather3A_438, %gather3A_441 : vector<16xf32>
      %ge3A_443 = arith.constant 0.000000e+00 : f32
      %ge3A_444 = vector.broadcast %ge3A_443 : f32 to vector<16xf32>
      %ge3A_445 = arith.cmpf oge, %add3A_442, %ge3A_444 : vector<16xf32>
      %mul3A_446 = arith.constant 2.000000e-01 : f32
      %mul3A_447 = vector.broadcast %mul3A_446 : f32 to vector<16xf32>
      %mul3A_448 = arith.mulf %add3A_442, %mul3A_447 : vector<16xf32>
      %select_n3A_449 = arith.select %ge3A_445, %add3A_442, %mul3A_448 : vector<16xi1>, vector<16xf32>
      %exp3A_450 = math.exp %select_n3A_449 : vector<16xf32>
      %broadcast_in_dim3A_451 = arith.constant 130 : i32
      %broadcast_in_dim3A_452 = vector.broadcast %broadcast_in_dim3A_451 : i32 to vector<16xi32>
      tpu.vector_store_idx %arg9[%add3A_401, %broadcast_in_dim3A_452], %exp3A_450 : memref<80x144xf32, #tpu.memory_space<vmem>>[vector<16xi32>, vector<16xi32>], vector<16xf32>,
      %broadcast_in_dim3A_453 = arith.constant 131 : i32
      %broadcast_in_dim3A_454 = vector.broadcast %broadcast_in_dim3A_453 : i32 to vector<16xi32>
      %gather3A_455 = tpu.vector_load_idx %arg9[%add3A_401, %broadcast_in_dim3A_454] : memref<80x144xf32, #tpu.memory_space<vmem>>[vector<16xi32>, vector<16xi32>], vector<16xf32>,
      %broadcast_in_dim3A_456 = arith.constant 3 : i32
      %broadcast_in_dim3A_457 = vector.broadcast %broadcast_in_dim3A_456 : i32 to vector<16xi32>
      %gather3A_458 = tpu.vector_load_idx %arg10[%add3A_401, %broadcast_in_dim3A_457] : memref<80x16xf32, #tpu.memory_space<vmem>>[vector<16xi32>, vector<16xi32>], vector<16xf32>,
      %add3A_459 = arith.addf %gather3A_455, %gather3A_458 : vector<16xf32>
      %ge3A_460 = arith.constant 0.000000e+00 : f32
      %ge3A_461 = vector.broadcast %ge3A_460 : f32 to vector<16xf32>
      %ge3A_462 = arith.cmpf oge, %add3A_459, %ge3A_461 : vector<16xf32>
      %mul3A_463 = arith.constant 2.000000e-01 : f32
      %mul3A_464 = vector.broadcast %mul3A_463 : f32 to vector<16xf32>
      %mul3A_465 = arith.mulf %add3A_459, %mul3A_464 : vector<16xf32>
      %select_n3A_466 = arith.select %ge3A_462, %add3A_459, %mul3A_465 : vector<16xi1>, vector<16xf32>
      %exp3A_467 = math.exp %select_n3A_466 : vector<16xf32>
      %broadcast_in_dim3A_468 = arith.constant 131 : i32
      %broadcast_in_dim3A_469 = vector.broadcast %broadcast_in_dim3A_468 : i32 to vector<16xi32>
      tpu.vector_store_idx %arg9[%add3A_401, %broadcast_in_dim3A_469], %exp3A_467 : memref<80x144xf32, #tpu.memory_space<vmem>>[vector<16xi32>, vector<16xi32>], vector<16xf32>,
      %add3A_470 = arith.constant 64 : i32
      %add3A_471 = vector.broadcast %add3A_470 : i32 to vector<16xi32>
      %add3A_472 = arith.addi %iota3A, %add3A_471 : vector<16xi32>
      %broadcast_in_dim3A_473 = arith.constant 128 : i32
      %broadcast_in_dim3A_474 = vector.broadcast %broadcast_in_dim3A_473 : i32 to vector<16xi32>
      %gather3A_475 = tpu.vector_load_idx %arg9[%add3A_472, %broadcast_in_dim3A_474] : memref<80x144xf32, #tpu.memory_space<vmem>>[vector<16xi32>, vector<16xi32>], vector<16xf32>,
      %broadcast_in_dim3A_476 = arith.constant 0 : i32
      %broadcast_in_dim3A_477 = vector.broadcast %broadcast_in_dim3A_476 : i32 to vector<16xi32>
      %gather3A_478 = tpu.vector_load_idx %arg10[%add3A_472, %broadcast_in_dim3A_477] : memref<80x16xf32, #tpu.memory_space<vmem>>[vector<16xi32>, vector<16xi32>], vector<16xf32>,
      %add3A_479 = arith.addf %gather3A_475, %gather3A_478 : vector<16xf32>
      %ge3A_480 = arith.constant 0.000000e+00 : f32
      %ge3A_481 = vector.broadcast %ge3A_480 : f32 to vector<16xf32>
      %ge3A_482 = arith.cmpf oge, %add3A_479, %ge3A_481 : vector<16xf32>
      %mul3A_483 = arith.constant 2.000000e-01 : f32
      %mul3A_484 = vector.broadcast %mul3A_483 : f32 to vector<16xf32>
      %mul3A_485 = arith.mulf %add3A_479, %mul3A_484 : vector<16xf32>
      %select_n3A_486 = arith.select %ge3A_482, %add3A_479, %mul3A_485 : vector<16xi1>, vector<16xf32>
      %exp3A_487 = math.exp %select_n3A_486 : vector<16xf32>
      %broadcast_in_dim3A_488 = arith.constant 128 : i32
      %broadcast_in_dim3A_489 = vector.broadcast %broadcast_in_dim3A_488 : i32 to vector<16xi32>
      tpu.vector_store_idx %arg9[%add3A_472, %broadcast_in_dim3A_489], %exp3A_487 : memref<80x144xf32, #tpu.memory_space<vmem>>[vector<16xi32>, vector<16xi32>], vector<16xf32>,
      %broadcast_in_dim3A_490 = arith.constant 129 : i32
      %broadcast_in_dim3A_491 = vector.broadcast %broadcast_in_dim3A_490 : i32 to vector<16xi32>
      %gather3A_492 = tpu.vector_load_idx %arg9[%add3A_472, %broadcast_in_dim3A_491] : memref<80x144xf32, #tpu.memory_space<vmem>>[vector<16xi32>, vector<16xi32>], vector<16xf32>,
      %broadcast_in_dim3A_493 = arith.constant 1 : i32
      %broadcast_in_dim3A_494 = vector.broadcast %broadcast_in_dim3A_493 : i32 to vector<16xi32>
      %gather3A_495 = tpu.vector_load_idx %arg10[%add3A_472, %broadcast_in_dim3A_494] : memref<80x16xf32, #tpu.memory_space<vmem>>[vector<16xi32>, vector<16xi32>], vector<16xf32>,
      %add3A_496 = arith.addf %gather3A_492, %gather3A_495 : vector<16xf32>
      %ge3A_497 = arith.constant 0.000000e+00 : f32
      %ge3A_498 = vector.broadcast %ge3A_497 : f32 to vector<16xf32>
      %ge3A_499 = arith.cmpf oge, %add3A_496, %ge3A_498 : vector<16xf32>
      %mul3A_500 = arith.constant 2.000000e-01 : f32
      %mul3A_501 = vector.broadcast %mul3A_500 : f32 to vector<16xf32>
      %mul3A_502 = arith.mulf %add3A_496, %mul3A_501 : vector<16xf32>
      %select_n3A_503 = arith.select %ge3A_499, %add3A_496, %mul3A_502 : vector<16xi1>, vector<16xf32>
      %exp3A_504 = math.exp %select_n3A_503 : vector<16xf32>
      %broadcast_in_dim3A_505 = arith.constant 129 : i32
      %broadcast_in_dim3A_506 = vector.broadcast %broadcast_in_dim3A_505 : i32 to vector<16xi32>
      tpu.vector_store_idx %arg9[%add3A_472, %broadcast_in_dim3A_506], %exp3A_504 : memref<80x144xf32, #tpu.memory_space<vmem>>[vector<16xi32>, vector<16xi32>], vector<16xf32>,
      %broadcast_in_dim3A_507 = arith.constant 130 : i32
      %broadcast_in_dim3A_508 = vector.broadcast %broadcast_in_dim3A_507 : i32 to vector<16xi32>
      %gather3A_509 = tpu.vector_load_idx %arg9[%add3A_472, %broadcast_in_dim3A_508] : memref<80x144xf32, #tpu.memory_space<vmem>>[vector<16xi32>, vector<16xi32>], vector<16xf32>,
      %broadcast_in_dim3A_510 = arith.constant 2 : i32
      %broadcast_in_dim3A_511 = vector.broadcast %broadcast_in_dim3A_510 : i32 to vector<16xi32>
      %gather3A_512 = tpu.vector_load_idx %arg10[%add3A_472, %broadcast_in_dim3A_511] : memref<80x16xf32, #tpu.memory_space<vmem>>[vector<16xi32>, vector<16xi32>], vector<16xf32>,
      %add3A_513 = arith.addf %gather3A_509, %gather3A_512 : vector<16xf32>
      %ge3A_514 = arith.constant 0.000000e+00 : f32
      %ge3A_515 = vector.broadcast %ge3A_514 : f32 to vector<16xf32>
      %ge3A_516 = arith.cmpf oge, %add3A_513, %ge3A_515 : vector<16xf32>
      %mul3A_517 = arith.constant 2.000000e-01 : f32
      %mul3A_518 = vector.broadcast %mul3A_517 : f32 to vector<16xf32>
      %mul3A_519 = arith.mulf %add3A_513, %mul3A_518 : vector<16xf32>
      %select_n3A_520 = arith.select %ge3A_516, %add3A_513, %mul3A_519 : vector<16xi1>, vector<16xf32>
      %exp3A_521 = math.exp %select_n3A_520 : vector<16xf32>
      %broadcast_in_dim3A_522 = arith.constant 130 : i32
      %broadcast_in_dim3A_523 = vector.broadcast %broadcast_in_dim3A_522 : i32 to vector<16xi32>
      tpu.vector_store_idx %arg9[%add3A_472, %broadcast_in_dim3A_523], %exp3A_521 : memref<80x144xf32, #tpu.memory_space<vmem>>[vector<16xi32>, vector<16xi32>], vector<16xf32>,
      %broadcast_in_dim3A_524 = arith.constant 131 : i32
      %broadcast_in_dim3A_525 = vector.broadcast %broadcast_in_dim3A_524 : i32 to vector<16xi32>
      %gather3A_526 = tpu.vector_load_idx %arg9[%add3A_472, %broadcast_in_dim3A_525] : memref<80x144xf32, #tpu.memory_space<vmem>>[vector<16xi32>, vector<16xi32>], vector<16xf32>,
      %broadcast_in_dim3A_527 = arith.constant 3 : i32
      %broadcast_in_dim3A_528 = vector.broadcast %broadcast_in_dim3A_527 : i32 to vector<16xi32>
      %gather3A_529 = tpu.vector_load_idx %arg10[%add3A_472, %broadcast_in_dim3A_528] : memref<80x16xf32, #tpu.memory_space<vmem>>[vector<16xi32>, vector<16xi32>], vector<16xf32>,
      %add3A_530 = arith.addf %gather3A_526, %gather3A_529 : vector<16xf32>
      %ge3A_531 = arith.constant 0.000000e+00 : f32
      %ge3A_532 = vector.broadcast %ge3A_531 : f32 to vector<16xf32>
      %ge3A_533 = arith.cmpf oge, %add3A_530, %ge3A_532 : vector<16xf32>
      %mul3A_534 = arith.constant 2.000000e-01 : f32
      %mul3A_535 = vector.broadcast %mul3A_534 : f32 to vector<16xf32>
      %mul3A_536 = arith.mulf %add3A_530, %mul3A_535 : vector<16xf32>
      %select_n3A_537 = arith.select %ge3A_533, %add3A_530, %mul3A_536 : vector<16xi1>, vector<16xf32>
      %exp3A_538 = math.exp %select_n3A_537 : vector<16xf32>
      %broadcast_in_dim3A_539 = arith.constant 131 : i32
      %broadcast_in_dim3A_540 = vector.broadcast %broadcast_in_dim3A_539 : i32 to vector<16xi32>
      tpu.vector_store_idx %arg9[%add3A_472, %broadcast_in_dim3A_540], %exp3A_538 : memref<80x144xf32, #tpu.memory_space<vmem>>[vector<16xi32>, vector<16xi32>], vector<16xf32>,
      %scan3A_541 = arith.constant 0 : i32
      %scan3A_542 = arith.constant 20 : i32
      %scan3A_543 = arith.addi %scan3A_541, %scan3A_542 : i32
      %scan3A_544 = arith.constant 1 : i32
      scf.for %scan3A_575 = %scan3A_541 to %scan3A_543 step %scan3A_544  : i32 {
        %mul3A_576 = arith.constant 4 : i32
        %mul3A_577 = arith.muli %scan3A_575, %mul3A_576 : i32
        %add3A_578 = arith.constant 0 : i32
        %add3A_579 = arith.addi %add3A_578, %mul3A_577 : i32
        %add3A_580 = arith.constant 0 : i32
        %add3A_581 = arith.addi %add3A_579, %add3A_580 : i32
        %get3A_582 = arith.index_cast %add3A_581 : i32 to index
        %get3A_583 = arith.constant 128 : index
        %get3A_584 = tpu.vector_load %arg9[%get3A_582, %get3A_583] {strides = array<i32>} : memref<80x144xf32, #tpu.memory_space<vmem>>, vector<16xf32>,
        %slice3A = vector.extract_strided_slice %get3A_584 {offsets = [0], sizes = [1], strides = [1]} : vector<16xf32> to vector<1xf32>
        %squeeze3A = vector.extract %slice3A[0] : f32 from vector<1xf32>
        %get3A_585 = arith.index_cast %add3A_581 : i32 to index
        %get3A_586 = arith.constant 0 : index
        %get3A_587 = tpu.vector_load %arg9[%get3A_585, %get3A_586] {strides = array<i32>} : memref<80x144xf32, #tpu.memory_space<vmem>>, vector<16xf32>,
        %mul3A_588 = vector.broadcast %squeeze3A : f32 to vector<16xf32>
        %mul3A_589 = arith.mulf %get3A_587, %mul3A_588 : vector<16xf32>
        %swap3A_590 = arith.index_cast %add3A_581 : i32 to index
        %swap3A_591 = arith.constant 0 : index
        %swap3A_592 = tpu.vector_load %arg9[%swap3A_590, %swap3A_591] {strides = array<i32>} : memref<80x144xf32, #tpu.memory_space<vmem>>, vector<16xf32>,
        tpu.vector_store %arg9[%swap3A_590, %swap3A_591], %mul3A_589 {strides = array<i32>} : memref<80x144xf32, #tpu.memory_space<vmem>>, vector<16xf32>,
        %get3A_593 = arith.index_cast %add3A_581 : i32 to index
        %get3A_594 = arith.constant 16 : index
        %get3A_595 = tpu.vector_load %arg9[%get3A_593, %get3A_594] {strides = array<i32>} : memref<80x144xf32, #tpu.memory_space<vmem>>, vector<16xf32>,
        %mul3A_596 = vector.broadcast %squeeze3A : f32 to vector<16xf32>
        %mul3A_597 = arith.mulf %get3A_595, %mul3A_596 : vector<16xf32>
        %swap3A_598 = arith.index_cast %add3A_581 : i32 to index
        %swap3A_599 = arith.constant 16 : index
        %swap3A_600 = tpu.vector_load %arg9[%swap3A_598, %swap3A_599] {strides = array<i32>} : memref<80x144xf32, #tpu.memory_space<vmem>>, vector<16xf32>,
        tpu.vector_store %arg9[%swap3A_598, %swap3A_599], %mul3A_597 {strides = array<i32>} : memref<80x144xf32, #tpu.memory_space<vmem>>, vector<16xf32>,
        %slice3A_601 = vector.extract_strided_slice %get3A_584 {offsets = [1], sizes = [1], strides = [1]} : vector<16xf32> to vector<1xf32>
        %squeeze3A_602 = vector.extract %slice3A_601[0] : f32 from vector<1xf32>
        %get3A_603 = arith.index_cast %add3A_581 : i32 to index
        %get3A_604 = arith.constant 32 : index
        %get3A_605 = tpu.vector_load %arg9[%get3A_603, %get3A_604] {strides = array<i32>} : memref<80x144xf32, #tpu.memory_space<vmem>>, vector<16xf32>,
        %mul3A_606 = vector.broadcast %squeeze3A_602 : f32 to vector<16xf32>
        %mul3A_607 = arith.mulf %get3A_605, %mul3A_606 : vector<16xf32>
        %swap3A_608 = arith.index_cast %add3A_581 : i32 to index
        %swap3A_609 = arith.constant 32 : index
        %swap3A_610 = tpu.vector_load %arg9[%swap3A_608, %swap3A_609] {strides = array<i32>} : memref<80x144xf32, #tpu.memory_space<vmem>>, vector<16xf32>,
        tpu.vector_store %arg9[%swap3A_608, %swap3A_609], %mul3A_607 {strides = array<i32>} : memref<80x144xf32, #tpu.memory_space<vmem>>, vector<16xf32>,
        %get3A_611 = arith.index_cast %add3A_581 : i32 to index
        %get3A_612 = arith.constant 48 : index
        %get3A_613 = tpu.vector_load %arg9[%get3A_611, %get3A_612] {strides = array<i32>} : memref<80x144xf32, #tpu.memory_space<vmem>>, vector<16xf32>,
        %mul3A_614 = vector.broadcast %squeeze3A_602 : f32 to vector<16xf32>
        %mul3A_615 = arith.mulf %get3A_613, %mul3A_614 : vector<16xf32>
        %swap3A_616 = arith.index_cast %add3A_581 : i32 to index
        %swap3A_617 = arith.constant 48 : index
        %swap3A_618 = tpu.vector_load %arg9[%swap3A_616, %swap3A_617] {strides = array<i32>} : memref<80x144xf32, #tpu.memory_space<vmem>>, vector<16xf32>,
        tpu.vector_store %arg9[%swap3A_616, %swap3A_617], %mul3A_615 {strides = array<i32>} : memref<80x144xf32, #tpu.memory_space<vmem>>, vector<16xf32>,
        %slice3A_619 = vector.extract_strided_slice %get3A_584 {offsets = [2], sizes = [1], strides = [1]} : vector<16xf32> to vector<1xf32>
        %squeeze3A_620 = vector.extract %slice3A_619[0] : f32 from vector<1xf32>
        %get3A_621 = arith.index_cast %add3A_581 : i32 to index
        %get3A_622 = arith.constant 64 : index
        %get3A_623 = tpu.vector_load %arg9[%get3A_621, %get3A_622] {strides = array<i32>} : memref<80x144xf32, #tpu.memory_space<vmem>>, vector<16xf32>,
        %mul3A_624 = vector.broadcast %squeeze3A_620 : f32 to vector<16xf32>
        %mul3A_625 = arith.mulf %get3A_623, %mul3A_624 : vector<16xf32>
        %swap3A_626 = arith.index_cast %add3A_581 : i32 to index
        %swap3A_627 = arith.constant 64 : index
        %swap3A_628 = tpu.vector_load %arg9[%swap3A_626, %swap3A_627] {strides = array<i32>} : memref<80x144xf32, #tpu.memory_space<vmem>>, vector<16xf32>,
        tpu.vector_store %arg9[%swap3A_626, %swap3A_627], %mul3A_625 {strides = array<i32>} : memref<80x144xf32, #tpu.memory_space<vmem>>, vector<16xf32>,
        %get3A_629 = arith.index_cast %add3A_581 : i32 to index
        %get3A_630 = arith.constant 80 : index
        %get3A_631 = tpu.vector_load %arg9[%get3A_629, %get3A_630] {strides = array<i32>} : memref<80x144xf32, #tpu.memory_space<vmem>>, vector<16xf32>,
        %mul3A_632 = vector.broadcast %squeeze3A_620 : f32 to vector<16xf32>
        %mul3A_633 = arith.mulf %get3A_631, %mul3A_632 : vector<16xf32>
        %swap3A_634 = arith.index_cast %add3A_581 : i32 to index
        %swap3A_635 = arith.constant 80 : index
        %swap3A_636 = tpu.vector_load %arg9[%swap3A_634, %swap3A_635] {strides = array<i32>} : memref<80x144xf32, #tpu.memory_space<vmem>>, vector<16xf32>,
        tpu.vector_store %arg9[%swap3A_634, %swap3A_635], %mul3A_633 {strides = array<i32>} : memref<80x144xf32, #tpu.memory_space<vmem>>, vector<16xf32>,
        %slice3A_637 = vector.extract_strided_slice %get3A_584 {offsets = [3], sizes = [1], strides = [1]} : vector<16xf32> to vector<1xf32>
        %squeeze3A_638 = vector.extract %slice3A_637[0] : f32 from vector<1xf32>
        %get3A_639 = arith.index_cast %add3A_581 : i32 to index
        %get3A_640 = arith.constant 96 : index
        %get3A_641 = tpu.vector_load %arg9[%get3A_639, %get3A_640] {strides = array<i32>} : memref<80x144xf32, #tpu.memory_space<vmem>>, vector<16xf32>,
        %mul3A_642 = vector.broadcast %squeeze3A_638 : f32 to vector<16xf32>
        %mul3A_643 = arith.mulf %get3A_641, %mul3A_642 : vector<16xf32>
        %swap3A_644 = arith.index_cast %add3A_581 : i32 to index
        %swap3A_645 = arith.constant 96 : index
        %swap3A_646 = tpu.vector_load %arg9[%swap3A_644, %swap3A_645] {strides = array<i32>} : memref<80x144xf32, #tpu.memory_space<vmem>>, vector<16xf32>,
        tpu.vector_store %arg9[%swap3A_644, %swap3A_645], %mul3A_643 {strides = array<i32>} : memref<80x144xf32, #tpu.memory_space<vmem>>, vector<16xf32>,
        %get3A_647 = arith.index_cast %add3A_581 : i32 to index
        %get3A_648 = arith.constant 112 : index
        %get3A_649 = tpu.vector_load %arg9[%get3A_647, %get3A_648] {strides = array<i32>} : memref<80x144xf32, #tpu.memory_space<vmem>>, vector<16xf32>,
        %mul3A_650 = vector.broadcast %squeeze3A_638 : f32 to vector<16xf32>
        %mul3A_651 = arith.mulf %get3A_649, %mul3A_650 : vector<16xf32>
        %swap3A_652 = arith.index_cast %add3A_581 : i32 to index
        %swap3A_653 = arith.constant 112 : index
        %swap3A_654 = tpu.vector_load %arg9[%swap3A_652, %swap3A_653] {strides = array<i32>} : memref<80x144xf32, #tpu.memory_space<vmem>>, vector<16xf32>,
        tpu.vector_store %arg9[%swap3A_652, %swap3A_653], %mul3A_651 {strides = array<i32>} : memref<80x144xf32, #tpu.memory_space<vmem>>, vector<16xf32>,
        %add3A_655 = arith.constant 1 : i32
        %add3A_656 = arith.addi %add3A_579, %add3A_655 : i32
        %get3A_657 = arith.index_cast %add3A_656 : i32 to index
        %get3A_658 = arith.constant 128 : index
        %get3A_659 = tpu.vector_load %arg9[%get3A_657, %get3A_658] {strides = array<i32>} : memref<80x144xf32, #tpu.memory_space<vmem>>, vector<16xf32>,
        %slice3A_660 = vector.extract_strided_slice %get3A_659 {offsets = [0], sizes = [1], strides = [1]} : vector<16xf32> to vector<1xf32>
        %squeeze3A_661 = vector.extract %slice3A_660[0] : f32 from vector<1xf32>
        %get3A_662 = arith.index_cast %add3A_656 : i32 to index
        %get3A_663 = arith.constant 0 : index
        %get3A_664 = tpu.vector_load %arg9[%get3A_662, %get3A_663] {strides = array<i32>} : memref<80x144xf32, #tpu.memory_space<vmem>>, vector<16xf32>,
        %mul3A_665 = vector.broadcast %squeeze3A_661 : f32 to vector<16xf32>
        %mul3A_666 = arith.mulf %get3A_664, %mul3A_665 : vector<16xf32>
        %swap3A_667 = arith.index_cast %add3A_656 : i32 to index
        %swap3A_668 = arith.constant 0 : index
        %swap3A_669 = tpu.vector_load %arg9[%swap3A_667, %swap3A_668] {strides = array<i32>} : memref<80x144xf32, #tpu.memory_space<vmem>>, vector<16xf32>,
        tpu.vector_store %arg9[%swap3A_667, %swap3A_668], %mul3A_666 {strides = array<i32>} : memref<80x144xf32, #tpu.memory_space<vmem>>, vector<16xf32>,
        %get3A_670 = arith.index_cast %add3A_656 : i32 to index
        %get3A_671 = arith.constant 16 : index
        %get3A_672 = tpu.vector_load %arg9[%get3A_670, %get3A_671] {strides = array<i32>} : memref<80x144xf32, #tpu.memory_space<vmem>>, vector<16xf32>,
        %mul3A_673 = vector.broadcast %squeeze3A_661 : f32 to vector<16xf32>
        %mul3A_674 = arith.mulf %get3A_672, %mul3A_673 : vector<16xf32>
        %swap3A_675 = arith.index_cast %add3A_656 : i32 to index
        %swap3A_676 = arith.constant 16 : index
        %swap3A_677 = tpu.vector_load %arg9[%swap3A_675, %swap3A_676] {strides = array<i32>} : memref<80x144xf32, #tpu.memory_space<vmem>>, vector<16xf32>,
        tpu.vector_store %arg9[%swap3A_675, %swap3A_676], %mul3A_674 {strides = array<i32>} : memref<80x144xf32, #tpu.memory_space<vmem>>, vector<16xf32>,
        %slice3A_678 = vector.extract_strided_slice %get3A_659 {offsets = [1], sizes = [1], strides = [1]} : vector<16xf32> to vector<1xf32>
        %squeeze3A_679 = vector.extract %slice3A_678[0] : f32 from vector<1xf32>
        %get3A_680 = arith.index_cast %add3A_656 : i32 to index
        %get3A_681 = arith.constant 32 : index
        %get3A_682 = tpu.vector_load %arg9[%get3A_680, %get3A_681] {strides = array<i32>} : memref<80x144xf32, #tpu.memory_space<vmem>>, vector<16xf32>,
        %mul3A_683 = vector.broadcast %squeeze3A_679 : f32 to vector<16xf32>
        %mul3A_684 = arith.mulf %get3A_682, %mul3A_683 : vector<16xf32>
        %swap3A_685 = arith.index_cast %add3A_656 : i32 to index
        %swap3A_686 = arith.constant 32 : index
        %swap3A_687 = tpu.vector_load %arg9[%swap3A_685, %swap3A_686] {strides = array<i32>} : memref<80x144xf32, #tpu.memory_space<vmem>>, vector<16xf32>,
        tpu.vector_store %arg9[%swap3A_685, %swap3A_686], %mul3A_684 {strides = array<i32>} : memref<80x144xf32, #tpu.memory_space<vmem>>, vector<16xf32>,
        %get3A_688 = arith.index_cast %add3A_656 : i32 to index
        %get3A_689 = arith.constant 48 : index
        %get3A_690 = tpu.vector_load %arg9[%get3A_688, %get3A_689] {strides = array<i32>} : memref<80x144xf32, #tpu.memory_space<vmem>>, vector<16xf32>,
        %mul3A_691 = vector.broadcast %squeeze3A_679 : f32 to vector<16xf32>
        %mul3A_692 = arith.mulf %get3A_690, %mul3A_691 : vector<16xf32>
        %swap3A_693 = arith.index_cast %add3A_656 : i32 to index
        %swap3A_694 = arith.constant 48 : index
        %swap3A_695 = tpu.vector_load %arg9[%swap3A_693, %swap3A_694] {strides = array<i32>} : memref<80x144xf32, #tpu.memory_space<vmem>>, vector<16xf32>,
        tpu.vector_store %arg9[%swap3A_693, %swap3A_694], %mul3A_692 {strides = array<i32>} : memref<80x144xf32, #tpu.memory_space<vmem>>, vector<16xf32>,
        %slice3A_696 = vector.extract_strided_slice %get3A_659 {offsets = [2], sizes = [1], strides = [1]} : vector<16xf32> to vector<1xf32>
        %squeeze3A_697 = vector.extract %slice3A_696[0] : f32 from vector<1xf32>
        %get3A_698 = arith.index_cast %add3A_656 : i32 to index
        %get3A_699 = arith.constant 64 : index
        %get3A_700 = tpu.vector_load %arg9[%get3A_698, %get3A_699] {strides = array<i32>} : memref<80x144xf32, #tpu.memory_space<vmem>>, vector<16xf32>,
        %mul3A_701 = vector.broadcast %squeeze3A_697 : f32 to vector<16xf32>
        %mul3A_702 = arith.mulf %get3A_700, %mul3A_701 : vector<16xf32>
        %swap3A_703 = arith.index_cast %add3A_656 : i32 to index
        %swap3A_704 = arith.constant 64 : index
        %swap3A_705 = tpu.vector_load %arg9[%swap3A_703, %swap3A_704] {strides = array<i32>} : memref<80x144xf32, #tpu.memory_space<vmem>>, vector<16xf32>,
        tpu.vector_store %arg9[%swap3A_703, %swap3A_704], %mul3A_702 {strides = array<i32>} : memref<80x144xf32, #tpu.memory_space<vmem>>, vector<16xf32>,
        %get3A_706 = arith.index_cast %add3A_656 : i32 to index
        %get3A_707 = arith.constant 80 : index
        %get3A_708 = tpu.vector_load %arg9[%get3A_706, %get3A_707] {strides = array<i32>} : memref<80x144xf32, #tpu.memory_space<vmem>>, vector<16xf32>,
        %mul3A_709 = vector.broadcast %squeeze3A_697 : f32 to vector<16xf32>
        %mul3A_710 = arith.mulf %get3A_708, %mul3A_709 : vector<16xf32>
        %swap3A_711 = arith.index_cast %add3A_656 : i32 to index
        %swap3A_712 = arith.constant 80 : index
        %swap3A_713 = tpu.vector_load %arg9[%swap3A_711, %swap3A_712] {strides = array<i32>} : memref<80x144xf32, #tpu.memory_space<vmem>>, vector<16xf32>,
        tpu.vector_store %arg9[%swap3A_711, %swap3A_712], %mul3A_710 {strides = array<i32>} : memref<80x144xf32, #tpu.memory_space<vmem>>, vector<16xf32>,
        %slice3A_714 = vector.extract_strided_slice %get3A_659 {offsets = [3], sizes = [1], strides = [1]} : vector<16xf32> to vector<1xf32>
        %squeeze3A_715 = vector.extract %slice3A_714[0] : f32 from vector<1xf32>
        %get3A_716 = arith.index_cast %add3A_656 : i32 to index
        %get3A_717 = arith.constant 96 : index
        %get3A_718 = tpu.vector_load %arg9[%get3A_716, %get3A_717] {strides = array<i32>} : memref<80x144xf32, #tpu.memory_space<vmem>>, vector<16xf32>,
        %mul3A_719 = vector.broadcast %squeeze3A_715 : f32 to vector<16xf32>
        %mul3A_720 = arith.mulf %get3A_718, %mul3A_719 : vector<16xf32>
        %swap3A_721 = arith.index_cast %add3A_656 : i32 to index
        %swap3A_722 = arith.constant 96 : index
        %swap3A_723 = tpu.vector_load %arg9[%swap3A_721, %swap3A_722] {strides = array<i32>} : memref<80x144xf32, #tpu.memory_space<vmem>>, vector<16xf32>,
        tpu.vector_store %arg9[%swap3A_721, %swap3A_722], %mul3A_720 {strides = array<i32>} : memref<80x144xf32, #tpu.memory_space<vmem>>, vector<16xf32>,
        %get3A_724 = arith.index_cast %add3A_656 : i32 to index
        %get3A_725 = arith.constant 112 : index
        %get3A_726 = tpu.vector_load %arg9[%get3A_724, %get3A_725] {strides = array<i32>} : memref<80x144xf32, #tpu.memory_space<vmem>>, vector<16xf32>,
        %mul3A_727 = vector.broadcast %squeeze3A_715 : f32 to vector<16xf32>
        %mul3A_728 = arith.mulf %get3A_726, %mul3A_727 : vector<16xf32>
        %swap3A_729 = arith.index_cast %add3A_656 : i32 to index
        %swap3A_730 = arith.constant 112 : index
        %swap3A_731 = tpu.vector_load %arg9[%swap3A_729, %swap3A_730] {strides = array<i32>} : memref<80x144xf32, #tpu.memory_space<vmem>>, vector<16xf32>,
        tpu.vector_store %arg9[%swap3A_729, %swap3A_730], %mul3A_728 {strides = array<i32>} : memref<80x144xf32, #tpu.memory_space<vmem>>, vector<16xf32>,
        %add3A_732 = arith.constant 2 : i32
        %add3A_733 = arith.addi %add3A_579, %add3A_732 : i32
        %get3A_734 = arith.index_cast %add3A_733 : i32 to index
        %get3A_735 = arith.constant 128 : index
        %get3A_736 = tpu.vector_load %arg9[%get3A_734, %get3A_735] {strides = array<i32>} : memref<80x144xf32, #tpu.memory_space<vmem>>, vector<16xf32>,
        %slice3A_737 = vector.extract_strided_slice %get3A_736 {offsets = [0], sizes = [1], strides = [1]} : vector<16xf32> to vector<1xf32>
        %squeeze3A_738 = vector.extract %slice3A_737[0] : f32 from vector<1xf32>
        %get3A_739 = arith.index_cast %add3A_733 : i32 to index
        %get3A_740 = arith.constant 0 : index
        %get3A_741 = tpu.vector_load %arg9[%get3A_739, %get3A_740] {strides = array<i32>} : memref<80x144xf32, #tpu.memory_space<vmem>>, vector<16xf32>,
        %mul3A_742 = vector.broadcast %squeeze3A_738 : f32 to vector<16xf32>
        %mul3A_743 = arith.mulf %get3A_741, %mul3A_742 : vector<16xf32>
        %swap3A_744 = arith.index_cast %add3A_733 : i32 to index
        %swap3A_745 = arith.constant 0 : index
        %swap3A_746 = tpu.vector_load %arg9[%swap3A_744, %swap3A_745] {strides = array<i32>} : memref<80x144xf32, #tpu.memory_space<vmem>>, vector<16xf32>,
        tpu.vector_store %arg9[%swap3A_744, %swap3A_745], %mul3A_743 {strides = array<i32>} : memref<80x144xf32, #tpu.memory_space<vmem>>, vector<16xf32>,
        %get3A_747 = arith.index_cast %add3A_733 : i32 to index
        %get3A_748 = arith.constant 16 : index
        %get3A_749 = tpu.vector_load %arg9[%get3A_747, %get3A_748] {strides = array<i32>} : memref<80x144xf32, #tpu.memory_space<vmem>>, vector<16xf32>,
        %mul3A_750 = vector.broadcast %squeeze3A_738 : f32 to vector<16xf32>
        %mul3A_751 = arith.mulf %get3A_749, %mul3A_750 : vector<16xf32>
        %swap3A_752 = arith.index_cast %add3A_733 : i32 to index
        %swap3A_753 = arith.constant 16 : index
        %swap3A_754 = tpu.vector_load %arg9[%swap3A_752, %swap3A_753] {strides = array<i32>} : memref<80x144xf32, #tpu.memory_space<vmem>>, vector<16xf32>,
        tpu.vector_store %arg9[%swap3A_752, %swap3A_753], %mul3A_751 {strides = array<i32>} : memref<80x144xf32, #tpu.memory_space<vmem>>, vector<16xf32>,
        %slice3A_755 = vector.extract_strided_slice %get3A_736 {offsets = [1], sizes = [1], strides = [1]} : vector<16xf32> to vector<1xf32>
        %squeeze3A_756 = vector.extract %slice3A_755[0] : f32 from vector<1xf32>
        %get3A_757 = arith.index_cast %add3A_733 : i32 to index
        %get3A_758 = arith.constant 32 : index
        %get3A_759 = tpu.vector_load %arg9[%get3A_757, %get3A_758] {strides = array<i32>} : memref<80x144xf32, #tpu.memory_space<vmem>>, vector<16xf32>,
        %mul3A_760 = vector.broadcast %squeeze3A_756 : f32 to vector<16xf32>
        %mul3A_761 = arith.mulf %get3A_759, %mul3A_760 : vector<16xf32>
        %swap3A_762 = arith.index_cast %add3A_733 : i32 to index
        %swap3A_763 = arith.constant 32 : index
        %swap3A_764 = tpu.vector_load %arg9[%swap3A_762, %swap3A_763] {strides = array<i32>} : memref<80x144xf32, #tpu.memory_space<vmem>>, vector<16xf32>,
        tpu.vector_store %arg9[%swap3A_762, %swap3A_763], %mul3A_761 {strides = array<i32>} : memref<80x144xf32, #tpu.memory_space<vmem>>, vector<16xf32>,
        %get3A_765 = arith.index_cast %add3A_733 : i32 to index
        %get3A_766 = arith.constant 48 : index
        %get3A_767 = tpu.vector_load %arg9[%get3A_765, %get3A_766] {strides = array<i32>} : memref<80x144xf32, #tpu.memory_space<vmem>>, vector<16xf32>,
        %mul3A_768 = vector.broadcast %squeeze3A_756 : f32 to vector<16xf32>
        %mul3A_769 = arith.mulf %get3A_767, %mul3A_768 : vector<16xf32>
        %swap3A_770 = arith.index_cast %add3A_733 : i32 to index
        %swap3A_771 = arith.constant 48 : index
        %swap3A_772 = tpu.vector_load %arg9[%swap3A_770, %swap3A_771] {strides = array<i32>} : memref<80x144xf32, #tpu.memory_space<vmem>>, vector<16xf32>,
        tpu.vector_store %arg9[%swap3A_770, %swap3A_771], %mul3A_769 {strides = array<i32>} : memref<80x144xf32, #tpu.memory_space<vmem>>, vector<16xf32>,
        %slice3A_773 = vector.extract_strided_slice %get3A_736 {offsets = [2], sizes = [1], strides = [1]} : vector<16xf32> to vector<1xf32>
        %squeeze3A_774 = vector.extract %slice3A_773[0] : f32 from vector<1xf32>
        %get3A_775 = arith.index_cast %add3A_733 : i32 to index
        %get3A_776 = arith.constant 64 : index
        %get3A_777 = tpu.vector_load %arg9[%get3A_775, %get3A_776] {strides = array<i32>} : memref<80x144xf32, #tpu.memory_space<vmem>>, vector<16xf32>,
        %mul3A_778 = vector.broadcast %squeeze3A_774 : f32 to vector<16xf32>
        %mul3A_779 = arith.mulf %get3A_777, %mul3A_778 : vector<16xf32>
        %swap3A_780 = arith.index_cast %add3A_733 : i32 to index
        %swap3A_781 = arith.constant 64 : index
        %swap3A_782 = tpu.vector_load %arg9[%swap3A_780, %swap3A_781] {strides = array<i32>} : memref<80x144xf32, #tpu.memory_space<vmem>>, vector<16xf32>,
        tpu.vector_store %arg9[%swap3A_780, %swap3A_781], %mul3A_779 {strides = array<i32>} : memref<80x144xf32, #tpu.memory_space<vmem>>, vector<16xf32>,
        %get3A_783 = arith.index_cast %add3A_733 : i32 to index
        %get3A_784 = arith.constant 80 : index
        %get3A_785 = tpu.vector_load %arg9[%get3A_783, %get3A_784] {strides = array<i32>} : memref<80x144xf32, #tpu.memory_space<vmem>>, vector<16xf32>,
        %mul3A_786 = vector.broadcast %squeeze3A_774 : f32 to vector<16xf32>
        %mul3A_787 = arith.mulf %get3A_785, %mul3A_786 : vector<16xf32>
        %swap3A_788 = arith.index_cast %add3A_733 : i32 to index
        %swap3A_789 = arith.constant 80 : index
        %swap3A_790 = tpu.vector_load %arg9[%swap3A_788, %swap3A_789] {strides = array<i32>} : memref<80x144xf32, #tpu.memory_space<vmem>>, vector<16xf32>,
        tpu.vector_store %arg9[%swap3A_788, %swap3A_789], %mul3A_787 {strides = array<i32>} : memref<80x144xf32, #tpu.memory_space<vmem>>, vector<16xf32>,
        %slice3A_791 = vector.extract_strided_slice %get3A_736 {offsets = [3], sizes = [1], strides = [1]} : vector<16xf32> to vector<1xf32>
        %squeeze3A_792 = vector.extract %slice3A_791[0] : f32 from vector<1xf32>
        %get3A_793 = arith.index_cast %add3A_733 : i32 to index
        %get3A_794 = arith.constant 96 : index
        %get3A_795 = tpu.vector_load %arg9[%get3A_793, %get3A_794] {strides = array<i32>} : memref<80x144xf32, #tpu.memory_space<vmem>>, vector<16xf32>,
        %mul3A_796 = vector.broadcast %squeeze3A_792 : f32 to vector<16xf32>
        %mul3A_797 = arith.mulf %get3A_795, %mul3A_796 : vector<16xf32>
        %swap3A_798 = arith.index_cast %add3A_733 : i32 to index
        %swap3A_799 = arith.constant 96 : index
        %swap3A_800 = tpu.vector_load %arg9[%swap3A_798, %swap3A_799] {strides = array<i32>} : memref<80x144xf32, #tpu.memory_space<vmem>>, vector<16xf32>,
        tpu.vector_store %arg9[%swap3A_798, %swap3A_799], %mul3A_797 {strides = array<i32>} : memref<80x144xf32, #tpu.memory_space<vmem>>, vector<16xf32>,
        %get3A_801 = arith.index_cast %add3A_733 : i32 to index
        %get3A_802 = arith.constant 112 : index
        %get3A_803 = tpu.vector_load %arg9[%get3A_801, %get3A_802] {strides = array<i32>} : memref<80x144xf32, #tpu.memory_space<vmem>>, vector<16xf32>,
        %mul3A_804 = vector.broadcast %squeeze3A_792 : f32 to vector<16xf32>
        %mul3A_805 = arith.mulf %get3A_803, %mul3A_804 : vector<16xf32>
        %swap3A_806 = arith.index_cast %add3A_733 : i32 to index
        %swap3A_807 = arith.constant 112 : index
        %swap3A_808 = tpu.vector_load %arg9[%swap3A_806, %swap3A_807] {strides = array<i32>} : memref<80x144xf32, #tpu.memory_space<vmem>>, vector<16xf32>,
        tpu.vector_store %arg9[%swap3A_806, %swap3A_807], %mul3A_805 {strides = array<i32>} : memref<80x144xf32, #tpu.memory_space<vmem>>, vector<16xf32>,
        %add3A_809 = arith.constant 3 : i32
        %add3A_810 = arith.addi %add3A_579, %add3A_809 : i32
        %get3A_811 = arith.index_cast %add3A_810 : i32 to index
        %get3A_812 = arith.constant 128 : index
        %get3A_813 = tpu.vector_load %arg9[%get3A_811, %get3A_812] {strides = array<i32>} : memref<80x144xf32, #tpu.memory_space<vmem>>, vector<16xf32>,
        %slice3A_814 = vector.extract_strided_slice %get3A_813 {offsets = [0], sizes = [1], strides = [1]} : vector<16xf32> to vector<1xf32>
        %squeeze3A_815 = vector.extract %slice3A_814[0] : f32 from vector<1xf32>
        %get3A_816 = arith.index_cast %add3A_810 : i32 to index
        %get3A_817 = arith.constant 0 : index
        %get3A_818 = tpu.vector_load %arg9[%get3A_816, %get3A_817] {strides = array<i32>} : memref<80x144xf32, #tpu.memory_space<vmem>>, vector<16xf32>,
        %mul3A_819 = vector.broadcast %squeeze3A_815 : f32 to vector<16xf32>
        %mul3A_820 = arith.mulf %get3A_818, %mul3A_819 : vector<16xf32>
        %swap3A_821 = arith.index_cast %add3A_810 : i32 to index
        %swap3A_822 = arith.constant 0 : index
        %swap3A_823 = tpu.vector_load %arg9[%swap3A_821, %swap3A_822] {strides = array<i32>} : memref<80x144xf32, #tpu.memory_space<vmem>>, vector<16xf32>,
        tpu.vector_store %arg9[%swap3A_821, %swap3A_822], %mul3A_820 {strides = array<i32>} : memref<80x144xf32, #tpu.memory_space<vmem>>, vector<16xf32>,
        %get3A_824 = arith.index_cast %add3A_810 : i32 to index
        %get3A_825 = arith.constant 16 : index
        %get3A_826 = tpu.vector_load %arg9[%get3A_824, %get3A_825] {strides = array<i32>} : memref<80x144xf32, #tpu.memory_space<vmem>>, vector<16xf32>,
        %mul3A_827 = vector.broadcast %squeeze3A_815 : f32 to vector<16xf32>
        %mul3A_828 = arith.mulf %get3A_826, %mul3A_827 : vector<16xf32>
        %swap3A_829 = arith.index_cast %add3A_810 : i32 to index
        %swap3A_830 = arith.constant 16 : index
        %swap3A_831 = tpu.vector_load %arg9[%swap3A_829, %swap3A_830] {strides = array<i32>} : memref<80x144xf32, #tpu.memory_space<vmem>>, vector<16xf32>,
        tpu.vector_store %arg9[%swap3A_829, %swap3A_830], %mul3A_828 {strides = array<i32>} : memref<80x144xf32, #tpu.memory_space<vmem>>, vector<16xf32>,
        %slice3A_832 = vector.extract_strided_slice %get3A_813 {offsets = [1], sizes = [1], strides = [1]} : vector<16xf32> to vector<1xf32>
        %squeeze3A_833 = vector.extract %slice3A_832[0] : f32 from vector<1xf32>
        %get3A_834 = arith.index_cast %add3A_810 : i32 to index
        %get3A_835 = arith.constant 32 : index
        %get3A_836 = tpu.vector_load %arg9[%get3A_834, %get3A_835] {strides = array<i32>} : memref<80x144xf32, #tpu.memory_space<vmem>>, vector<16xf32>,
        %mul3A_837 = vector.broadcast %squeeze3A_833 : f32 to vector<16xf32>
        %mul3A_838 = arith.mulf %get3A_836, %mul3A_837 : vector<16xf32>
        %swap3A_839 = arith.index_cast %add3A_810 : i32 to index
        %swap3A_840 = arith.constant 32 : index
        %swap3A_841 = tpu.vector_load %arg9[%swap3A_839, %swap3A_840] {strides = array<i32>} : memref<80x144xf32, #tpu.memory_space<vmem>>, vector<16xf32>,
        tpu.vector_store %arg9[%swap3A_839, %swap3A_840], %mul3A_838 {strides = array<i32>} : memref<80x144xf32, #tpu.memory_space<vmem>>, vector<16xf32>,
        %get3A_842 = arith.index_cast %add3A_810 : i32 to index
        %get3A_843 = arith.constant 48 : index
        %get3A_844 = tpu.vector_load %arg9[%get3A_842, %get3A_843] {strides = array<i32>} : memref<80x144xf32, #tpu.memory_space<vmem>>, vector<16xf32>,
        %mul3A_845 = vector.broadcast %squeeze3A_833 : f32 to vector<16xf32>
        %mul3A_846 = arith.mulf %get3A_844, %mul3A_845 : vector<16xf32>
        %swap3A_847 = arith.index_cast %add3A_810 : i32 to index
        %swap3A_848 = arith.constant 48 : index
        %swap3A_849 = tpu.vector_load %arg9[%swap3A_847, %swap3A_848] {strides = array<i32>} : memref<80x144xf32, #tpu.memory_space<vmem>>, vector<16xf32>,
        tpu.vector_store %arg9[%swap3A_847, %swap3A_848], %mul3A_846 {strides = array<i32>} : memref<80x144xf32, #tpu.memory_space<vmem>>, vector<16xf32>,
        %slice3A_850 = vector.extract_strided_slice %get3A_813 {offsets = [2], sizes = [1], strides = [1]} : vector<16xf32> to vector<1xf32>
        %squeeze3A_851 = vector.extract %slice3A_850[0] : f32 from vector<1xf32>
        %get3A_852 = arith.index_cast %add3A_810 : i32 to index
        %get3A_853 = arith.constant 64 : index
        %get3A_854 = tpu.vector_load %arg9[%get3A_852, %get3A_853] {strides = array<i32>} : memref<80x144xf32, #tpu.memory_space<vmem>>, vector<16xf32>,
        %mul3A_855 = vector.broadcast %squeeze3A_851 : f32 to vector<16xf32>
        %mul3A_856 = arith.mulf %get3A_854, %mul3A_855 : vector<16xf32>
        %swap3A_857 = arith.index_cast %add3A_810 : i32 to index
        %swap3A_858 = arith.constant 64 : index
        %swap3A_859 = tpu.vector_load %arg9[%swap3A_857, %swap3A_858] {strides = array<i32>} : memref<80x144xf32, #tpu.memory_space<vmem>>, vector<16xf32>,
        tpu.vector_store %arg9[%swap3A_857, %swap3A_858], %mul3A_856 {strides = array<i32>} : memref<80x144xf32, #tpu.memory_space<vmem>>, vector<16xf32>,
        %get3A_860 = arith.index_cast %add3A_810 : i32 to index
        %get3A_861 = arith.constant 80 : index
        %get3A_862 = tpu.vector_load %arg9[%get3A_860, %get3A_861] {strides = array<i32>} : memref<80x144xf32, #tpu.memory_space<vmem>>, vector<16xf32>,
        %mul3A_863 = vector.broadcast %squeeze3A_851 : f32 to vector<16xf32>
        %mul3A_864 = arith.mulf %get3A_862, %mul3A_863 : vector<16xf32>
        %swap3A_865 = arith.index_cast %add3A_810 : i32 to index
        %swap3A_866 = arith.constant 80 : index
        %swap3A_867 = tpu.vector_load %arg9[%swap3A_865, %swap3A_866] {strides = array<i32>} : memref<80x144xf32, #tpu.memory_space<vmem>>, vector<16xf32>,
        tpu.vector_store %arg9[%swap3A_865, %swap3A_866], %mul3A_864 {strides = array<i32>} : memref<80x144xf32, #tpu.memory_space<vmem>>, vector<16xf32>,
        %slice3A_868 = vector.extract_strided_slice %get3A_813 {offsets = [3], sizes = [1], strides = [1]} : vector<16xf32> to vector<1xf32>
        %squeeze3A_869 = vector.extract %slice3A_868[0] : f32 from vector<1xf32>
        %get3A_870 = arith.index_cast %add3A_810 : i32 to index
        %get3A_871 = arith.constant 96 : index
        %get3A_872 = tpu.vector_load %arg9[%get3A_870, %get3A_871] {strides = array<i32>} : memref<80x144xf32, #tpu.memory_space<vmem>>, vector<16xf32>,
        %mul3A_873 = vector.broadcast %squeeze3A_869 : f32 to vector<16xf32>
        %mul3A_874 = arith.mulf %get3A_872, %mul3A_873 : vector<16xf32>
        %swap3A_875 = arith.index_cast %add3A_810 : i32 to index
        %swap3A_876 = arith.constant 96 : index
        %swap3A_877 = tpu.vector_load %arg9[%swap3A_875, %swap3A_876] {strides = array<i32>} : memref<80x144xf32, #tpu.memory_space<vmem>>, vector<16xf32>,
        tpu.vector_store %arg9[%swap3A_875, %swap3A_876], %mul3A_874 {strides = array<i32>} : memref<80x144xf32, #tpu.memory_space<vmem>>, vector<16xf32>,
        %get3A_878 = arith.index_cast %add3A_810 : i32 to index
        %get3A_879 = arith.constant 112 : index
        %get3A_880 = tpu.vector_load %arg9[%get3A_878, %get3A_879] {strides = array<i32>} : memref<80x144xf32, #tpu.memory_space<vmem>>, vector<16xf32>,
        %mul3A_881 = vector.broadcast %squeeze3A_869 : f32 to vector<16xf32>
        %mul3A_882 = arith.mulf %get3A_880, %mul3A_881 : vector<16xf32>
        %swap3A_883 = arith.index_cast %add3A_810 : i32 to index
        %swap3A_884 = arith.constant 112 : index
        %swap3A_885 = tpu.vector_load %arg9[%swap3A_883, %swap3A_884] {strides = array<i32>} : memref<80x144xf32, #tpu.memory_space<vmem>>, vector<16xf32>,
        tpu.vector_store %arg9[%swap3A_883, %swap3A_884], %mul3A_882 {strides = array<i32>} : memref<80x144xf32, #tpu.memory_space<vmem>>, vector<16xf32>,
      }
      %scan3A_545 = arith.constant 20 : i32
      %dma_start3A_546 = arith.constant 0 : i32
      %dma_start3A_547 = arith.constant 0 : i32
      %dma_start3A_548 = tpu.memref_slice %arg22[%dma_start3A_546, %dma_start3A_547] : memref<10000x144xf32, #tpu.memory_space<vmem_shared>> -> memref<10000x144xf32, #tpu.memory_space<vmem_shared>>
      tpu.enqueue_indirect_dma source(%arg9 : memref<80x144xf32, #tpu.memory_space<vmem>>) target(%dma_start3A_548 : memref<10000x144xf32, #tpu.memory_space<vmem_shared>>) offsets(%arg11 : memref<80xi32, #tpu.memory_space<vmem>>) semaphore(%arg25 : memref<!tpu.dma_semaphore, #tpu.memory_space<semaphore_mem>>) {add = true}
      %ge3A_549 = arith.constant 1 : i32
      %ge3A_550 = arith.cmpi sge, %add3A_160, %ge3A_549 : i32
      %convert_element_type3A_551 = arith.extui %ge3A_550 : i1 to i32
      %cond3A_552 = arith.constant 0 : i32
      %cond3A_553 = arith.cmpi ne, %convert_element_type3A_551, %cond3A_552 : i32
      scf.if %cond3A_553 {
        %dma_wait3A_575 = arith.constant 0 : i32
        %dma_wait3A_576 = arith.constant 0 : i32
        %dma_wait3A_577 = tpu.memref_slice %arg22[%dma_wait3A_575, %dma_wait3A_576] : memref<10000x144xf32, #tpu.memory_space<vmem_shared>> -> memref<80x144xf32, #tpu.memory_space<vmem_shared>>
        %dma_wait3A_578 = arith.constant 0 : i32
        %dma_wait3A_579 = arith.constant 0 : i32
        %dma_wait3A_580 = tpu.memref_slice %arg22[%dma_wait3A_578, %dma_wait3A_579] : memref<10000x144xf32, #tpu.memory_space<vmem_shared>> -> memref<80x144xf32, #tpu.memory_space<vmem_shared>>
        tpu.wait_dma2 semaphore(%arg31 : memref<!tpu.dma_semaphore, #tpu.memory_space<semaphore_mem>>) src(%arg19 : memref<80x144xf32, #tpu.memory_space<vmem>>) dst(%dma_wait3A_580 : memref<80x144xf32, #tpu.memory_space<vmem_shared>>)
      } else {
      }
      %add3A_554 = arith.constant 2 : i32
      %add3A_555 = arith.addi %add3A_160, %add3A_554 : i32
      %lt3A_556 = arith.constant 125 : i32
      %lt3A_557 = arith.cmpi slt, %add3A_555, %lt3A_556 : i32
      %convert_element_type3A_558 = arith.extui %lt3A_557 : i1 to i32
      %cond3A_559 = arith.constant 0 : i32
      %cond3A_560 = arith.cmpi ne, %convert_element_type3A_558, %cond3A_559 : i32
      scf.if %cond3A_560 {
        %dma_wait3A_575 = arith.constant 0 : i32
        %dma_wait3A_576 = tpu.memref_slice %arg4[%dma_wait3A_575] : memref<320000xi32, #tpu.memory_space<hbm>> -> memref<80xi32, #tpu.memory_space<hbm>>
        %dma_wait3A_577 = arith.constant 0 : i32
        %dma_wait3A_578 = tpu.memref_slice %arg4[%dma_wait3A_577] : memref<320000xi32, #tpu.memory_space<hbm>> -> memref<80xi32, #tpu.memory_space<hbm>>
        tpu.wait_dma2 semaphore(%arg29 : memref<!tpu.dma_semaphore, #tpu.memory_space<semaphore_mem>>) src(%dma_wait3A_578 : memref<80xi32, #tpu.memory_space<hbm>>) dst(%arg17 : memref<80xi32, #tpu.memory_space<vmem>>)
        %dma_wait3A_579 = arith.constant 0 : i32
        %dma_wait3A_580 = tpu.memref_slice %arg5[%dma_wait3A_579] : memref<320000xi32, #tpu.memory_space<hbm>> -> memref<80xi32, #tpu.memory_space<hbm>>
        %dma_wait3A_581 = arith.constant 0 : i32
        %dma_wait3A_582 = tpu.memref_slice %arg5[%dma_wait3A_581] : memref<320000xi32, #tpu.memory_space<hbm>> -> memref<80xi32, #tpu.memory_space<hbm>>
        tpu.wait_dma2 semaphore(%arg29 : memref<!tpu.dma_semaphore, #tpu.memory_space<semaphore_mem>>) src(%dma_wait3A_582 : memref<80xi32, #tpu.memory_space<hbm>>) dst(%arg18 : memref<80xi32, #tpu.memory_space<vmem>>)
        %dma_start3A_583 = arith.constant 0 : i32
        %dma_start3A_584 = arith.constant 0 : i32
        %dma_start3A_585 = tpu.memref_slice %arg2[%dma_start3A_583, %dma_start3A_584] : memref<10000x144xf32, #tpu.memory_space<hbm>> -> memref<10000x144xf32, #tpu.memory_space<hbm>>
        tpu.enqueue_indirect_dma source(%dma_start3A_585 : memref<10000x144xf32, #tpu.memory_space<hbm>>) target(%arg19 : memref<80x144xf32, #tpu.memory_space<vmem>>) offsets(%arg17 : memref<80xi32, #tpu.memory_space<vmem>>) semaphore(%arg30 : memref<!tpu.dma_semaphore, #tpu.memory_space<semaphore_mem>>)
        %dma_start3A_586 = arith.constant 0 : i32
        %dma_start3A_587 = arith.constant 0 : i32
        %dma_start3A_588 = tpu.memref_slice %arg3[%dma_start3A_586, %dma_start3A_587] : memref<10000x16xf32, #tpu.memory_space<hbm>> -> memref<10000x16xf32, #tpu.memory_space<hbm>>
        tpu.enqueue_indirect_dma source(%dma_start3A_588 : memref<10000x16xf32, #tpu.memory_space<hbm>>) target(%arg20 : memref<80x16xf32, #tpu.memory_space<vmem>>) offsets(%arg18 : memref<80xi32, #tpu.memory_space<vmem>>) semaphore(%arg30 : memref<!tpu.dma_semaphore, #tpu.memory_space<semaphore_mem>>)
      } else {
      }
      %add3A_561 = arith.constant 1 : i32
      %add3A_562 = arith.addi %add3A_158, %add3A_561 : i32
      %lt3A_563 = arith.constant 125 : i32
      %lt3A_564 = arith.cmpi slt, %add3A_562, %lt3A_563 : i32
      %convert_element_type3A_565 = arith.extui %lt3A_564 : i1 to i32
      %cond3A_566 = arith.constant 0 : i32
      %cond3A_567 = arith.cmpi ne, %convert_element_type3A_565, %cond3A_566 : i32
      scf.if %cond3A_567 {
        %dma_wait3A_575 = arith.constant 0 : i32
        %dma_wait3A_576 = arith.constant 0 : i32
        %dma_wait3A_577 = tpu.memref_slice %arg2[%dma_wait3A_575, %dma_wait3A_576] : memref<10000x144xf32, #tpu.memory_space<hbm>> -> memref<10000x144xf32, #tpu.memory_space<hbm>>
        tpu.wait_indirect_dma semaphore(%arg27 : memref<!tpu.dma_semaphore, #tpu.memory_space<semaphore_mem>>) src(%dma_wait3A_577 : memref<10000x144xf32, #tpu.memory_space<hbm>>) dst(%arg14 : memref<80x144xf32, #tpu.memory_space<vmem>>)
        %dma_wait3A_578 = arith.constant 0 : i32
        %dma_wait3A_579 = arith.constant 0 : i32
        %dma_wait3A_580 = tpu.memref_slice %arg3[%dma_wait3A_578, %dma_wait3A_579] : memref<10000x16xf32, #tpu.memory_space<hbm>> -> memref<10000x16xf32, #tpu.memory_space<hbm>>
        tpu.wait_indirect_dma semaphore(%arg27 : memref<!tpu.dma_semaphore, #tpu.memory_space<semaphore_mem>>) src(%dma_wait3A_580 : memref<10000x16xf32, #tpu.memory_space<hbm>>) dst(%arg15 : memref<80x16xf32, #tpu.memory_space<vmem>>)
        %get3A_581 = arith.constant 0 : index
        %get3A_582 = tpu.vector_load %arg13[%get3A_581] {strides = array<i32>} : memref<80xi32, #tpu.memory_space<vmem>>, vector<16xi32>,
        %swap3A_583 = arith.constant 0 : index
        %swap3A_584 = tpu.vector_load %arg16[%swap3A_583] {strides = array<i32>} : memref<80xi32, #tpu.memory_space<vmem>>, vector<16xi32>,
        tpu.vector_store %arg16[%swap3A_583], %get3A_582 {strides = array<i32>} : memref<80xi32, #tpu.memory_space<vmem>>, vector<16xi32>,
        %get3A_585 = arith.constant 16 : index
        %get3A_586 = tpu.vector_load %arg13[%get3A_585] {strides = array<i32>} : memref<80xi32, #tpu.memory_space<vmem>>, vector<16xi32>,
        %swap3A_587 = arith.constant 16 : index
        %swap3A_588 = tpu.vector_load %arg16[%swap3A_587] {strides = array<i32>} : memref<80xi32, #tpu.memory_space<vmem>>, vector<16xi32>,
        tpu.vector_store %arg16[%swap3A_587], %get3A_586 {strides = array<i32>} : memref<80xi32, #tpu.memory_space<vmem>>, vector<16xi32>,
        %get3A_589 = arith.constant 32 : index
        %get3A_590 = tpu.vector_load %arg13[%get3A_589] {strides = array<i32>} : memref<80xi32, #tpu.memory_space<vmem>>, vector<16xi32>,
        %swap3A_591 = arith.constant 32 : index
        %swap3A_592 = tpu.vector_load %arg16[%swap3A_591] {strides = array<i32>} : memref<80xi32, #tpu.memory_space<vmem>>, vector<16xi32>,
        tpu.vector_store %arg16[%swap3A_591], %get3A_590 {strides = array<i32>} : memref<80xi32, #tpu.memory_space<vmem>>, vector<16xi32>,
        %get3A_593 = arith.constant 48 : index
        %get3A_594 = tpu.vector_load %arg13[%get3A_593] {strides = array<i32>} : memref<80xi32, #tpu.memory_space<vmem>>, vector<16xi32>,
        %swap3A_595 = arith.constant 48 : index
        %swap3A_596 = tpu.vector_load %arg16[%swap3A_595] {strides = array<i32>} : memref<80xi32, #tpu.memory_space<vmem>>, vector<16xi32>,
        tpu.vector_store %arg16[%swap3A_595], %get3A_594 {strides = array<i32>} : memref<80xi32, #tpu.memory_space<vmem>>, vector<16xi32>,
        %get3A_597 = arith.constant 64 : index
        %get3A_598 = tpu.vector_load %arg13[%get3A_597] {strides = array<i32>} : memref<80xi32, #tpu.memory_space<vmem>>, vector<16xi32>,
        %swap3A_599 = arith.constant 64 : index
        %swap3A_600 = tpu.vector_load %arg16[%swap3A_599] {strides = array<i32>} : memref<80xi32, #tpu.memory_space<vmem>>, vector<16xi32>,
        tpu.vector_store %arg16[%swap3A_599], %get3A_598 {strides = array<i32>} : memref<80xi32, #tpu.memory_space<vmem>>, vector<16xi32>,
        %add3A_601 = arith.constant 2 : i32
        %add3A_602 = arith.addi %add3A_562, %add3A_601 : i32
        %lt3A_603 = arith.constant 125 : i32
        %lt3A_604 = arith.cmpi slt, %add3A_602, %lt3A_603 : i32
        %convert_element_type3A_605 = arith.extui %lt3A_604 : i1 to i32
        %cond3A_606 = arith.constant 0 : i32
        %cond3A_607 = arith.cmpi ne, %convert_element_type3A_605, %cond3A_606 : i32
        scf.if %cond3A_607 {
          %add3A_983 = arith.constant 2 : i32
          %add3A_984 = arith.addi %add3A_562, %add3A_983 : i32
          %mul3A_985 = arith.constant 80 : i32
          %mul3A_986 = arith.muli %add3A_984, %mul3A_985 : i32
          %add3A_987 = arith.addi %mul3A_3, %mul3A_986 : i32
          %multiple_of3A_988 = tpu.assume_multiple %add3A_987, 8 : i32
          %dma_start3A_989 = tpu.memref_slice %arg4[%multiple_of3A_988] : memref<320000xi32, #tpu.memory_space<hbm>> -> memref<80xi32, #tpu.memory_space<hbm>>
          %dma_start3A_990 = tpu.memref_slice %arg4[%multiple_of3A_988] : memref<320000xi32, #tpu.memory_space<hbm>> -> memref<80xi32, #tpu.memory_space<hbm>>
          tpu.enqueue_dma source(%dma_start3A_990 : memref<80xi32, #tpu.memory_space<hbm>>) target(%arg7 : memref<80xi32, #tpu.memory_space<vmem>>) target_semaphore(%arg23 : memref<!tpu.dma_semaphore, #tpu.memory_space<semaphore_mem>>)
          %dma_start3A_991 = tpu.memref_slice %arg5[%multiple_of3A_988] : memref<320000xi32, #tpu.memory_space<hbm>> -> memref<80xi32, #tpu.memory_space<hbm>>
          %dma_start3A_992 = tpu.memref_slice %arg5[%multiple_of3A_988] : memref<320000xi32, #tpu.memory_space<hbm>> -> memref<80xi32, #tpu.memory_space<hbm>>
          tpu.enqueue_dma source(%dma_start3A_992 : memref<80xi32, #tpu.memory_space<hbm>>) target(%arg8 : memref<80xi32, #tpu.memory_space<vmem>>) target_semaphore(%arg23 : memref<!tpu.dma_semaphore, #tpu.memory_space<semaphore_mem>>)
        } else {
        }
        %add3A_608 = arith.constant 0 : i32
        %add3A_609 = vector.broadcast %add3A_608 : i32 to vector<16xi32>
        %add3A_610 = arith.addi %iota3A, %add3A_609 : vector<16xi32>
        %broadcast_in_dim3A_611 = arith.constant 128 : i32
        %broadcast_in_dim3A_612 = vector.broadcast %broadcast_in_dim3A_611 : i32 to vector<16xi32>
        %gather3A_613 = tpu.vector_load_idx %arg14[%add3A_610, %broadcast_in_dim3A_612] : memref<80x144xf32, #tpu.memory_space<vmem>>[vector<16xi32>, vector<16xi32>], vector<16xf32>,
        %broadcast_in_dim3A_614 = arith.constant 0 : i32
        %broadcast_in_dim3A_615 = vector.broadcast %broadcast_in_dim3A_614 : i32 to vector<16xi32>
        %gather3A_616 = tpu.vector_load_idx %arg15[%add3A_610, %broadcast_in_dim3A_615] : memref<80x16xf32, #tpu.memory_space<vmem>>[vector<16xi32>, vector<16xi32>], vector<16xf32>,
        %add3A_617 = arith.addf %gather3A_613, %gather3A_616 : vector<16xf32>
        %ge3A_618 = arith.constant 0.000000e+00 : f32
        %ge3A_619 = vector.broadcast %ge3A_618 : f32 to vector<16xf32>
        %ge3A_620 = arith.cmpf oge, %add3A_617, %ge3A_619 : vector<16xf32>
        %mul3A_621 = arith.constant 2.000000e-01 : f32
        %mul3A_622 = vector.broadcast %mul3A_621 : f32 to vector<16xf32>
        %mul3A_623 = arith.mulf %add3A_617, %mul3A_622 : vector<16xf32>
        %select_n3A_624 = arith.select %ge3A_620, %add3A_617, %mul3A_623 : vector<16xi1>, vector<16xf32>
        %exp3A_625 = math.exp %select_n3A_624 : vector<16xf32>
        %broadcast_in_dim3A_626 = arith.constant 128 : i32
        %broadcast_in_dim3A_627 = vector.broadcast %broadcast_in_dim3A_626 : i32 to vector<16xi32>
        tpu.vector_store_idx %arg14[%add3A_610, %broadcast_in_dim3A_627], %exp3A_625 : memref<80x144xf32, #tpu.memory_space<vmem>>[vector<16xi32>, vector<16xi32>], vector<16xf32>,
        %broadcast_in_dim3A_628 = arith.constant 129 : i32
        %broadcast_in_dim3A_629 = vector.broadcast %broadcast_in_dim3A_628 : i32 to vector<16xi32>
        %gather3A_630 = tpu.vector_load_idx %arg14[%add3A_610, %broadcast_in_dim3A_629] : memref<80x144xf32, #tpu.memory_space<vmem>>[vector<16xi32>, vector<16xi32>], vector<16xf32>,
        %broadcast_in_dim3A_631 = arith.constant 1 : i32
        %broadcast_in_dim3A_632 = vector.broadcast %broadcast_in_dim3A_631 : i32 to vector<16xi32>
        %gather3A_633 = tpu.vector_load_idx %arg15[%add3A_610, %broadcast_in_dim3A_632] : memref<80x16xf32, #tpu.memory_space<vmem>>[vector<16xi32>, vector<16xi32>], vector<16xf32>,
        %add3A_634 = arith.addf %gather3A_630, %gather3A_633 : vector<16xf32>
        %ge3A_635 = arith.constant 0.000000e+00 : f32
        %ge3A_636 = vector.broadcast %ge3A_635 : f32 to vector<16xf32>
        %ge3A_637 = arith.cmpf oge, %add3A_634, %ge3A_636 : vector<16xf32>
        %mul3A_638 = arith.constant 2.000000e-01 : f32
        %mul3A_639 = vector.broadcast %mul3A_638 : f32 to vector<16xf32>
        %mul3A_640 = arith.mulf %add3A_634, %mul3A_639 : vector<16xf32>
        %select_n3A_641 = arith.select %ge3A_637, %add3A_634, %mul3A_640 : vector<16xi1>, vector<16xf32>
        %exp3A_642 = math.exp %select_n3A_641 : vector<16xf32>
        %broadcast_in_dim3A_643 = arith.constant 129 : i32
        %broadcast_in_dim3A_644 = vector.broadcast %broadcast_in_dim3A_643 : i32 to vector<16xi32>
        tpu.vector_store_idx %arg14[%add3A_610, %broadcast_in_dim3A_644], %exp3A_642 : memref<80x144xf32, #tpu.memory_space<vmem>>[vector<16xi32>, vector<16xi32>], vector<16xf32>,
        %broadcast_in_dim3A_645 = arith.constant 130 : i32
        %broadcast_in_dim3A_646 = vector.broadcast %broadcast_in_dim3A_645 : i32 to vector<16xi32>
        %gather3A_647 = tpu.vector_load_idx %arg14[%add3A_610, %broadcast_in_dim3A_646] : memref<80x144xf32, #tpu.memory_space<vmem>>[vector<16xi32>, vector<16xi32>], vector<16xf32>,
        %broadcast_in_dim3A_648 = arith.constant 2 : i32
        %broadcast_in_dim3A_649 = vector.broadcast %broadcast_in_dim3A_648 : i32 to vector<16xi32>
        %gather3A_650 = tpu.vector_load_idx %arg15[%add3A_610, %broadcast_in_dim3A_649] : memref<80x16xf32, #tpu.memory_space<vmem>>[vector<16xi32>, vector<16xi32>], vector<16xf32>,
        %add3A_651 = arith.addf %gather3A_647, %gather3A_650 : vector<16xf32>
        %ge3A_652 = arith.constant 0.000000e+00 : f32
        %ge3A_653 = vector.broadcast %ge3A_652 : f32 to vector<16xf32>
        %ge3A_654 = arith.cmpf oge, %add3A_651, %ge3A_653 : vector<16xf32>
        %mul3A_655 = arith.constant 2.000000e-01 : f32
        %mul3A_656 = vector.broadcast %mul3A_655 : f32 to vector<16xf32>
        %mul3A_657 = arith.mulf %add3A_651, %mul3A_656 : vector<16xf32>
        %select_n3A_658 = arith.select %ge3A_654, %add3A_651, %mul3A_657 : vector<16xi1>, vector<16xf32>
        %exp3A_659 = math.exp %select_n3A_658 : vector<16xf32>
        %broadcast_in_dim3A_660 = arith.constant 130 : i32
        %broadcast_in_dim3A_661 = vector.broadcast %broadcast_in_dim3A_660 : i32 to vector<16xi32>
        tpu.vector_store_idx %arg14[%add3A_610, %broadcast_in_dim3A_661], %exp3A_659 : memref<80x144xf32, #tpu.memory_space<vmem>>[vector<16xi32>, vector<16xi32>], vector<16xf32>,
        %broadcast_in_dim3A_662 = arith.constant 131 : i32
        %broadcast_in_dim3A_663 = vector.broadcast %broadcast_in_dim3A_662 : i32 to vector<16xi32>
        %gather3A_664 = tpu.vector_load_idx %arg14[%add3A_610, %broadcast_in_dim3A_663] : memref<80x144xf32, #tpu.memory_space<vmem>>[vector<16xi32>, vector<16xi32>], vector<16xf32>,
        %broadcast_in_dim3A_665 = arith.constant 3 : i32
        %broadcast_in_dim3A_666 = vector.broadcast %broadcast_in_dim3A_665 : i32 to vector<16xi32>
        %gather3A_667 = tpu.vector_load_idx %arg15[%add3A_610, %broadcast_in_dim3A_666] : memref<80x16xf32, #tpu.memory_space<vmem>>[vector<16xi32>, vector<16xi32>], vector<16xf32>,
        %add3A_668 = arith.addf %gather3A_664, %gather3A_667 : vector<16xf32>
        %ge3A_669 = arith.constant 0.000000e+00 : f32
        %ge3A_670 = vector.broadcast %ge3A_669 : f32 to vector<16xf32>
        %ge3A_671 = arith.cmpf oge, %add3A_668, %ge3A_670 : vector<16xf32>
        %mul3A_672 = arith.constant 2.000000e-01 : f32
        %mul3A_673 = vector.broadcast %mul3A_672 : f32 to vector<16xf32>
        %mul3A_674 = arith.mulf %add3A_668, %mul3A_673 : vector<16xf32>
        %select_n3A_675 = arith.select %ge3A_671, %add3A_668, %mul3A_674 : vector<16xi1>, vector<16xf32>
        %exp3A_676 = math.exp %select_n3A_675 : vector<16xf32>
        %broadcast_in_dim3A_677 = arith.constant 131 : i32
        %broadcast_in_dim3A_678 = vector.broadcast %broadcast_in_dim3A_677 : i32 to vector<16xi32>
        tpu.vector_store_idx %arg14[%add3A_610, %broadcast_in_dim3A_678], %exp3A_676 : memref<80x144xf32, #tpu.memory_space<vmem>>[vector<16xi32>, vector<16xi32>], vector<16xf32>,
        %add3A_679 = arith.constant 16 : i32
        %add3A_680 = vector.broadcast %add3A_679 : i32 to vector<16xi32>
        %add3A_681 = arith.addi %iota3A, %add3A_680 : vector<16xi32>
        %broadcast_in_dim3A_682 = arith.constant 128 : i32
        %broadcast_in_dim3A_683 = vector.broadcast %broadcast_in_dim3A_682 : i32 to vector<16xi32>
        %gather3A_684 = tpu.vector_load_idx %arg14[%add3A_681, %broadcast_in_dim3A_683] : memref<80x144xf32, #tpu.memory_space<vmem>>[vector<16xi32>, vector<16xi32>], vector<16xf32>,
        %broadcast_in_dim3A_685 = arith.constant 0 : i32
        %broadcast_in_dim3A_686 = vector.broadcast %broadcast_in_dim3A_685 : i32 to vector<16xi32>
        %gather3A_687 = tpu.vector_load_idx %arg15[%add3A_681, %broadcast_in_dim3A_686] : memref<80x16xf32, #tpu.memory_space<vmem>>[vector<16xi32>, vector<16xi32>], vector<16xf32>,
        %add3A_688 = arith.addf %gather3A_684, %gather3A_687 : vector<16xf32>
        %ge3A_689 = arith.constant 0.000000e+00 : f32
        %ge3A_690 = vector.broadcast %ge3A_689 : f32 to vector<16xf32>
        %ge3A_691 = arith.cmpf oge, %add3A_688, %ge3A_690 : vector<16xf32>
        %mul3A_692 = arith.constant 2.000000e-01 : f32
        %mul3A_693 = vector.broadcast %mul3A_692 : f32 to vector<16xf32>
        %mul3A_694 = arith.mulf %add3A_688, %mul3A_693 : vector<16xf32>
        %select_n3A_695 = arith.select %ge3A_691, %add3A_688, %mul3A_694 : vector<16xi1>, vector<16xf32>
        %exp3A_696 = math.exp %select_n3A_695 : vector<16xf32>
        %broadcast_in_dim3A_697 = arith.constant 128 : i32
        %broadcast_in_dim3A_698 = vector.broadcast %broadcast_in_dim3A_697 : i32 to vector<16xi32>
        tpu.vector_store_idx %arg14[%add3A_681, %broadcast_in_dim3A_698], %exp3A_696 : memref<80x144xf32, #tpu.memory_space<vmem>>[vector<16xi32>, vector<16xi32>], vector<16xf32>,
        %broadcast_in_dim3A_699 = arith.constant 129 : i32
        %broadcast_in_dim3A_700 = vector.broadcast %broadcast_in_dim3A_699 : i32 to vector<16xi32>
        %gather3A_701 = tpu.vector_load_idx %arg14[%add3A_681, %broadcast_in_dim3A_700] : memref<80x144xf32, #tpu.memory_space<vmem>>[vector<16xi32>, vector<16xi32>], vector<16xf32>,
        %broadcast_in_dim3A_702 = arith.constant 1 : i32
        %broadcast_in_dim3A_703 = vector.broadcast %broadcast_in_dim3A_702 : i32 to vector<16xi32>
        %gather3A_704 = tpu.vector_load_idx %arg15[%add3A_681, %broadcast_in_dim3A_703] : memref<80x16xf32, #tpu.memory_space<vmem>>[vector<16xi32>, vector<16xi32>], vector<16xf32>,
        %add3A_705 = arith.addf %gather3A_701, %gather3A_704 : vector<16xf32>
        %ge3A_706 = arith.constant 0.000000e+00 : f32
        %ge3A_707 = vector.broadcast %ge3A_706 : f32 to vector<16xf32>
        %ge3A_708 = arith.cmpf oge, %add3A_705, %ge3A_707 : vector<16xf32>
        %mul3A_709 = arith.constant 2.000000e-01 : f32
        %mul3A_710 = vector.broadcast %mul3A_709 : f32 to vector<16xf32>
        %mul3A_711 = arith.mulf %add3A_705, %mul3A_710 : vector<16xf32>
        %select_n3A_712 = arith.select %ge3A_708, %add3A_705, %mul3A_711 : vector<16xi1>, vector<16xf32>
        %exp3A_713 = math.exp %select_n3A_712 : vector<16xf32>
        %broadcast_in_dim3A_714 = arith.constant 129 : i32
        %broadcast_in_dim3A_715 = vector.broadcast %broadcast_in_dim3A_714 : i32 to vector<16xi32>
        tpu.vector_store_idx %arg14[%add3A_681, %broadcast_in_dim3A_715], %exp3A_713 : memref<80x144xf32, #tpu.memory_space<vmem>>[vector<16xi32>, vector<16xi32>], vector<16xf32>,
        %broadcast_in_dim3A_716 = arith.constant 130 : i32
        %broadcast_in_dim3A_717 = vector.broadcast %broadcast_in_dim3A_716 : i32 to vector<16xi32>
        %gather3A_718 = tpu.vector_load_idx %arg14[%add3A_681, %broadcast_in_dim3A_717] : memref<80x144xf32, #tpu.memory_space<vmem>>[vector<16xi32>, vector<16xi32>], vector<16xf32>,
        %broadcast_in_dim3A_719 = arith.constant 2 : i32
        %broadcast_in_dim3A_720 = vector.broadcast %broadcast_in_dim3A_719 : i32 to vector<16xi32>
        %gather3A_721 = tpu.vector_load_idx %arg15[%add3A_681, %broadcast_in_dim3A_720] : memref<80x16xf32, #tpu.memory_space<vmem>>[vector<16xi32>, vector<16xi32>], vector<16xf32>,
        %add3A_722 = arith.addf %gather3A_718, %gather3A_721 : vector<16xf32>
        %ge3A_723 = arith.constant 0.000000e+00 : f32
        %ge3A_724 = vector.broadcast %ge3A_723 : f32 to vector<16xf32>
        %ge3A_725 = arith.cmpf oge, %add3A_722, %ge3A_724 : vector<16xf32>
        %mul3A_726 = arith.constant 2.000000e-01 : f32
        %mul3A_727 = vector.broadcast %mul3A_726 : f32 to vector<16xf32>
        %mul3A_728 = arith.mulf %add3A_722, %mul3A_727 : vector<16xf32>
        %select_n3A_729 = arith.select %ge3A_725, %add3A_722, %mul3A_728 : vector<16xi1>, vector<16xf32>
        %exp3A_730 = math.exp %select_n3A_729 : vector<16xf32>
        %broadcast_in_dim3A_731 = arith.constant 130 : i32
        %broadcast_in_dim3A_732 = vector.broadcast %broadcast_in_dim3A_731 : i32 to vector<16xi32>
        tpu.vector_store_idx %arg14[%add3A_681, %broadcast_in_dim3A_732], %exp3A_730 : memref<80x144xf32, #tpu.memory_space<vmem>>[vector<16xi32>, vector<16xi32>], vector<16xf32>,
        %broadcast_in_dim3A_733 = arith.constant 131 : i32
        %broadcast_in_dim3A_734 = vector.broadcast %broadcast_in_dim3A_733 : i32 to vector<16xi32>
        %gather3A_735 = tpu.vector_load_idx %arg14[%add3A_681, %broadcast_in_dim3A_734] : memref<80x144xf32, #tpu.memory_space<vmem>>[vector<16xi32>, vector<16xi32>], vector<16xf32>,
        %broadcast_in_dim3A_736 = arith.constant 3 : i32
        %broadcast_in_dim3A_737 = vector.broadcast %broadcast_in_dim3A_736 : i32 to vector<16xi32>
        %gather3A_738 = tpu.vector_load_idx %arg15[%add3A_681, %broadcast_in_dim3A_737] : memref<80x16xf32, #tpu.memory_space<vmem>>[vector<16xi32>, vector<16xi32>], vector<16xf32>,
        %add3A_739 = arith.addf %gather3A_735, %gather3A_738 : vector<16xf32>
        %ge3A_740 = arith.constant 0.000000e+00 : f32
        %ge3A_741 = vector.broadcast %ge3A_740 : f32 to vector<16xf32>
        %ge3A_742 = arith.cmpf oge, %add3A_739, %ge3A_741 : vector<16xf32>
        %mul3A_743 = arith.constant 2.000000e-01 : f32
        %mul3A_744 = vector.broadcast %mul3A_743 : f32 to vector<16xf32>
        %mul3A_745 = arith.mulf %add3A_739, %mul3A_744 : vector<16xf32>
        %select_n3A_746 = arith.select %ge3A_742, %add3A_739, %mul3A_745 : vector<16xi1>, vector<16xf32>
        %exp3A_747 = math.exp %select_n3A_746 : vector<16xf32>
        %broadcast_in_dim3A_748 = arith.constant 131 : i32
        %broadcast_in_dim3A_749 = vector.broadcast %broadcast_in_dim3A_748 : i32 to vector<16xi32>
        tpu.vector_store_idx %arg14[%add3A_681, %broadcast_in_dim3A_749], %exp3A_747 : memref<80x144xf32, #tpu.memory_space<vmem>>[vector<16xi32>, vector<16xi32>], vector<16xf32>,
        %add3A_750 = arith.constant 32 : i32
        %add3A_751 = vector.broadcast %add3A_750 : i32 to vector<16xi32>
        %add3A_752 = arith.addi %iota3A, %add3A_751 : vector<16xi32>
        %broadcast_in_dim3A_753 = arith.constant 128 : i32
        %broadcast_in_dim3A_754 = vector.broadcast %broadcast_in_dim3A_753 : i32 to vector<16xi32>
        %gather3A_755 = tpu.vector_load_idx %arg14[%add3A_752, %broadcast_in_dim3A_754] : memref<80x144xf32, #tpu.memory_space<vmem>>[vector<16xi32>, vector<16xi32>], vector<16xf32>,
        %broadcast_in_dim3A_756 = arith.constant 0 : i32
        %broadcast_in_dim3A_757 = vector.broadcast %broadcast_in_dim3A_756 : i32 to vector<16xi32>
        %gather3A_758 = tpu.vector_load_idx %arg15[%add3A_752, %broadcast_in_dim3A_757] : memref<80x16xf32, #tpu.memory_space<vmem>>[vector<16xi32>, vector<16xi32>], vector<16xf32>,
        %add3A_759 = arith.addf %gather3A_755, %gather3A_758 : vector<16xf32>
        %ge3A_760 = arith.constant 0.000000e+00 : f32
        %ge3A_761 = vector.broadcast %ge3A_760 : f32 to vector<16xf32>
        %ge3A_762 = arith.cmpf oge, %add3A_759, %ge3A_761 : vector<16xf32>
        %mul3A_763 = arith.constant 2.000000e-01 : f32
        %mul3A_764 = vector.broadcast %mul3A_763 : f32 to vector<16xf32>
        %mul3A_765 = arith.mulf %add3A_759, %mul3A_764 : vector<16xf32>
        %select_n3A_766 = arith.select %ge3A_762, %add3A_759, %mul3A_765 : vector<16xi1>, vector<16xf32>
        %exp3A_767 = math.exp %select_n3A_766 : vector<16xf32>
        %broadcast_in_dim3A_768 = arith.constant 128 : i32
        %broadcast_in_dim3A_769 = vector.broadcast %broadcast_in_dim3A_768 : i32 to vector<16xi32>
        tpu.vector_store_idx %arg14[%add3A_752, %broadcast_in_dim3A_769], %exp3A_767 : memref<80x144xf32, #tpu.memory_space<vmem>>[vector<16xi32>, vector<16xi32>], vector<16xf32>,
        %broadcast_in_dim3A_770 = arith.constant 129 : i32
        %broadcast_in_dim3A_771 = vector.broadcast %broadcast_in_dim3A_770 : i32 to vector<16xi32>
        %gather3A_772 = tpu.vector_load_idx %arg14[%add3A_752, %broadcast_in_dim3A_771] : memref<80x144xf32, #tpu.memory_space<vmem>>[vector<16xi32>, vector<16xi32>], vector<16xf32>,
        %broadcast_in_dim3A_773 = arith.constant 1 : i32
        %broadcast_in_dim3A_774 = vector.broadcast %broadcast_in_dim3A_773 : i32 to vector<16xi32>
        %gather3A_775 = tpu.vector_load_idx %arg15[%add3A_752, %broadcast_in_dim3A_774] : memref<80x16xf32, #tpu.memory_space<vmem>>[vector<16xi32>, vector<16xi32>], vector<16xf32>,
        %add3A_776 = arith.addf %gather3A_772, %gather3A_775 : vector<16xf32>
        %ge3A_777 = arith.constant 0.000000e+00 : f32
        %ge3A_778 = vector.broadcast %ge3A_777 : f32 to vector<16xf32>
        %ge3A_779 = arith.cmpf oge, %add3A_776, %ge3A_778 : vector<16xf32>
        %mul3A_780 = arith.constant 2.000000e-01 : f32
        %mul3A_781 = vector.broadcast %mul3A_780 : f32 to vector<16xf32>
        %mul3A_782 = arith.mulf %add3A_776, %mul3A_781 : vector<16xf32>
        %select_n3A_783 = arith.select %ge3A_779, %add3A_776, %mul3A_782 : vector<16xi1>, vector<16xf32>
        %exp3A_784 = math.exp %select_n3A_783 : vector<16xf32>
        %broadcast_in_dim3A_785 = arith.constant 129 : i32
        %broadcast_in_dim3A_786 = vector.broadcast %broadcast_in_dim3A_785 : i32 to vector<16xi32>
        tpu.vector_store_idx %arg14[%add3A_752, %broadcast_in_dim3A_786], %exp3A_784 : memref<80x144xf32, #tpu.memory_space<vmem>>[vector<16xi32>, vector<16xi32>], vector<16xf32>,
        %broadcast_in_dim3A_787 = arith.constant 130 : i32
        %broadcast_in_dim3A_788 = vector.broadcast %broadcast_in_dim3A_787 : i32 to vector<16xi32>
        %gather3A_789 = tpu.vector_load_idx %arg14[%add3A_752, %broadcast_in_dim3A_788] : memref<80x144xf32, #tpu.memory_space<vmem>>[vector<16xi32>, vector<16xi32>], vector<16xf32>,
        %broadcast_in_dim3A_790 = arith.constant 2 : i32
        %broadcast_in_dim3A_791 = vector.broadcast %broadcast_in_dim3A_790 : i32 to vector<16xi32>
        %gather3A_792 = tpu.vector_load_idx %arg15[%add3A_752, %broadcast_in_dim3A_791] : memref<80x16xf32, #tpu.memory_space<vmem>>[vector<16xi32>, vector<16xi32>], vector<16xf32>,
        %add3A_793 = arith.addf %gather3A_789, %gather3A_792 : vector<16xf32>
        %ge3A_794 = arith.constant 0.000000e+00 : f32
        %ge3A_795 = vector.broadcast %ge3A_794 : f32 to vector<16xf32>
        %ge3A_796 = arith.cmpf oge, %add3A_793, %ge3A_795 : vector<16xf32>
        %mul3A_797 = arith.constant 2.000000e-01 : f32
        %mul3A_798 = vector.broadcast %mul3A_797 : f32 to vector<16xf32>
        %mul3A_799 = arith.mulf %add3A_793, %mul3A_798 : vector<16xf32>
        %select_n3A_800 = arith.select %ge3A_796, %add3A_793, %mul3A_799 : vector<16xi1>, vector<16xf32>
        %exp3A_801 = math.exp %select_n3A_800 : vector<16xf32>
        %broadcast_in_dim3A_802 = arith.constant 130 : i32
        %broadcast_in_dim3A_803 = vector.broadcast %broadcast_in_dim3A_802 : i32 to vector<16xi32>
        tpu.vector_store_idx %arg14[%add3A_752, %broadcast_in_dim3A_803], %exp3A_801 : memref<80x144xf32, #tpu.memory_space<vmem>>[vector<16xi32>, vector<16xi32>], vector<16xf32>,
        %broadcast_in_dim3A_804 = arith.constant 131 : i32
        %broadcast_in_dim3A_805 = vector.broadcast %broadcast_in_dim3A_804 : i32 to vector<16xi32>
        %gather3A_806 = tpu.vector_load_idx %arg14[%add3A_752, %broadcast_in_dim3A_805] : memref<80x144xf32, #tpu.memory_space<vmem>>[vector<16xi32>, vector<16xi32>], vector<16xf32>,
        %broadcast_in_dim3A_807 = arith.constant 3 : i32
        %broadcast_in_dim3A_808 = vector.broadcast %broadcast_in_dim3A_807 : i32 to vector<16xi32>
        %gather3A_809 = tpu.vector_load_idx %arg15[%add3A_752, %broadcast_in_dim3A_808] : memref<80x16xf32, #tpu.memory_space<vmem>>[vector<16xi32>, vector<16xi32>], vector<16xf32>,
        %add3A_810 = arith.addf %gather3A_806, %gather3A_809 : vector<16xf32>
        %ge3A_811 = arith.constant 0.000000e+00 : f32
        %ge3A_812 = vector.broadcast %ge3A_811 : f32 to vector<16xf32>
        %ge3A_813 = arith.cmpf oge, %add3A_810, %ge3A_812 : vector<16xf32>
        %mul3A_814 = arith.constant 2.000000e-01 : f32
        %mul3A_815 = vector.broadcast %mul3A_814 : f32 to vector<16xf32>
        %mul3A_816 = arith.mulf %add3A_810, %mul3A_815 : vector<16xf32>
        %select_n3A_817 = arith.select %ge3A_813, %add3A_810, %mul3A_816 : vector<16xi1>, vector<16xf32>
        %exp3A_818 = math.exp %select_n3A_817 : vector<16xf32>
        %broadcast_in_dim3A_819 = arith.constant 131 : i32
        %broadcast_in_dim3A_820 = vector.broadcast %broadcast_in_dim3A_819 : i32 to vector<16xi32>
        tpu.vector_store_idx %arg14[%add3A_752, %broadcast_in_dim3A_820], %exp3A_818 : memref<80x144xf32, #tpu.memory_space<vmem>>[vector<16xi32>, vector<16xi32>], vector<16xf32>,
        %add3A_821 = arith.constant 48 : i32
        %add3A_822 = vector.broadcast %add3A_821 : i32 to vector<16xi32>
        %add3A_823 = arith.addi %iota3A, %add3A_822 : vector<16xi32>
        %broadcast_in_dim3A_824 = arith.constant 128 : i32
        %broadcast_in_dim3A_825 = vector.broadcast %broadcast_in_dim3A_824 : i32 to vector<16xi32>
        %gather3A_826 = tpu.vector_load_idx %arg14[%add3A_823, %broadcast_in_dim3A_825] : memref<80x144xf32, #tpu.memory_space<vmem>>[vector<16xi32>, vector<16xi32>], vector<16xf32>,
        %broadcast_in_dim3A_827 = arith.constant 0 : i32
        %broadcast_in_dim3A_828 = vector.broadcast %broadcast_in_dim3A_827 : i32 to vector<16xi32>
        %gather3A_829 = tpu.vector_load_idx %arg15[%add3A_823, %broadcast_in_dim3A_828] : memref<80x16xf32, #tpu.memory_space<vmem>>[vector<16xi32>, vector<16xi32>], vector<16xf32>,
        %add3A_830 = arith.addf %gather3A_826, %gather3A_829 : vector<16xf32>
        %ge3A_831 = arith.constant 0.000000e+00 : f32
        %ge3A_832 = vector.broadcast %ge3A_831 : f32 to vector<16xf32>
        %ge3A_833 = arith.cmpf oge, %add3A_830, %ge3A_832 : vector<16xf32>
        %mul3A_834 = arith.constant 2.000000e-01 : f32
        %mul3A_835 = vector.broadcast %mul3A_834 : f32 to vector<16xf32>
        %mul3A_836 = arith.mulf %add3A_830, %mul3A_835 : vector<16xf32>
        %select_n3A_837 = arith.select %ge3A_833, %add3A_830, %mul3A_836 : vector<16xi1>, vector<16xf32>
        %exp3A_838 = math.exp %select_n3A_837 : vector<16xf32>
        %broadcast_in_dim3A_839 = arith.constant 128 : i32
        %broadcast_in_dim3A_840 = vector.broadcast %broadcast_in_dim3A_839 : i32 to vector<16xi32>
        tpu.vector_store_idx %arg14[%add3A_823, %broadcast_in_dim3A_840], %exp3A_838 : memref<80x144xf32, #tpu.memory_space<vmem>>[vector<16xi32>, vector<16xi32>], vector<16xf32>,
        %broadcast_in_dim3A_841 = arith.constant 129 : i32
        %broadcast_in_dim3A_842 = vector.broadcast %broadcast_in_dim3A_841 : i32 to vector<16xi32>
        %gather3A_843 = tpu.vector_load_idx %arg14[%add3A_823, %broadcast_in_dim3A_842] : memref<80x144xf32, #tpu.memory_space<vmem>>[vector<16xi32>, vector<16xi32>], vector<16xf32>,
        %broadcast_in_dim3A_844 = arith.constant 1 : i32
        %broadcast_in_dim3A_845 = vector.broadcast %broadcast_in_dim3A_844 : i32 to vector<16xi32>
        %gather3A_846 = tpu.vector_load_idx %arg15[%add3A_823, %broadcast_in_dim3A_845] : memref<80x16xf32, #tpu.memory_space<vmem>>[vector<16xi32>, vector<16xi32>], vector<16xf32>,
        %add3A_847 = arith.addf %gather3A_843, %gather3A_846 : vector<16xf32>
        %ge3A_848 = arith.constant 0.000000e+00 : f32
        %ge3A_849 = vector.broadcast %ge3A_848 : f32 to vector<16xf32>
        %ge3A_850 = arith.cmpf oge, %add3A_847, %ge3A_849 : vector<16xf32>
        %mul3A_851 = arith.constant 2.000000e-01 : f32
        %mul3A_852 = vector.broadcast %mul3A_851 : f32 to vector<16xf32>
        %mul3A_853 = arith.mulf %add3A_847, %mul3A_852 : vector<16xf32>
        %select_n3A_854 = arith.select %ge3A_850, %add3A_847, %mul3A_853 : vector<16xi1>, vector<16xf32>
        %exp3A_855 = math.exp %select_n3A_854 : vector<16xf32>
        %broadcast_in_dim3A_856 = arith.constant 129 : i32
        %broadcast_in_dim3A_857 = vector.broadcast %broadcast_in_dim3A_856 : i32 to vector<16xi32>
        tpu.vector_store_idx %arg14[%add3A_823, %broadcast_in_dim3A_857], %exp3A_855 : memref<80x144xf32, #tpu.memory_space<vmem>>[vector<16xi32>, vector<16xi32>], vector<16xf32>,
        %broadcast_in_dim3A_858 = arith.constant 130 : i32
        %broadcast_in_dim3A_859 = vector.broadcast %broadcast_in_dim3A_858 : i32 to vector<16xi32>
        %gather3A_860 = tpu.vector_load_idx %arg14[%add3A_823, %broadcast_in_dim3A_859] : memref<80x144xf32, #tpu.memory_space<vmem>>[vector<16xi32>, vector<16xi32>], vector<16xf32>,
        %broadcast_in_dim3A_861 = arith.constant 2 : i32
        %broadcast_in_dim3A_862 = vector.broadcast %broadcast_in_dim3A_861 : i32 to vector<16xi32>
        %gather3A_863 = tpu.vector_load_idx %arg15[%add3A_823, %broadcast_in_dim3A_862] : memref<80x16xf32, #tpu.memory_space<vmem>>[vector<16xi32>, vector<16xi32>], vector<16xf32>,
        %add3A_864 = arith.addf %gather3A_860, %gather3A_863 : vector<16xf32>
        %ge3A_865 = arith.constant 0.000000e+00 : f32
        %ge3A_866 = vector.broadcast %ge3A_865 : f32 to vector<16xf32>
        %ge3A_867 = arith.cmpf oge, %add3A_864, %ge3A_866 : vector<16xf32>
        %mul3A_868 = arith.constant 2.000000e-01 : f32
        %mul3A_869 = vector.broadcast %mul3A_868 : f32 to vector<16xf32>
        %mul3A_870 = arith.mulf %add3A_864, %mul3A_869 : vector<16xf32>
        %select_n3A_871 = arith.select %ge3A_867, %add3A_864, %mul3A_870 : vector<16xi1>, vector<16xf32>
        %exp3A_872 = math.exp %select_n3A_871 : vector<16xf32>
        %broadcast_in_dim3A_873 = arith.constant 130 : i32
        %broadcast_in_dim3A_874 = vector.broadcast %broadcast_in_dim3A_873 : i32 to vector<16xi32>
        tpu.vector_store_idx %arg14[%add3A_823, %broadcast_in_dim3A_874], %exp3A_872 : memref<80x144xf32, #tpu.memory_space<vmem>>[vector<16xi32>, vector<16xi32>], vector<16xf32>,
        %broadcast_in_dim3A_875 = arith.constant 131 : i32
        %broadcast_in_dim3A_876 = vector.broadcast %broadcast_in_dim3A_875 : i32 to vector<16xi32>
        %gather3A_877 = tpu.vector_load_idx %arg14[%add3A_823, %broadcast_in_dim3A_876] : memref<80x144xf32, #tpu.memory_space<vmem>>[vector<16xi32>, vector<16xi32>], vector<16xf32>,
        %broadcast_in_dim3A_878 = arith.constant 3 : i32
        %broadcast_in_dim3A_879 = vector.broadcast %broadcast_in_dim3A_878 : i32 to vector<16xi32>
        %gather3A_880 = tpu.vector_load_idx %arg15[%add3A_823, %broadcast_in_dim3A_879] : memref<80x16xf32, #tpu.memory_space<vmem>>[vector<16xi32>, vector<16xi32>], vector<16xf32>,
        %add3A_881 = arith.addf %gather3A_877, %gather3A_880 : vector<16xf32>
        %ge3A_882 = arith.constant 0.000000e+00 : f32
        %ge3A_883 = vector.broadcast %ge3A_882 : f32 to vector<16xf32>
        %ge3A_884 = arith.cmpf oge, %add3A_881, %ge3A_883 : vector<16xf32>
        %mul3A_885 = arith.constant 2.000000e-01 : f32
        %mul3A_886 = vector.broadcast %mul3A_885 : f32 to vector<16xf32>
        %mul3A_887 = arith.mulf %add3A_881, %mul3A_886 : vector<16xf32>
        %select_n3A_888 = arith.select %ge3A_884, %add3A_881, %mul3A_887 : vector<16xi1>, vector<16xf32>
        %exp3A_889 = math.exp %select_n3A_888 : vector<16xf32>
        %broadcast_in_dim3A_890 = arith.constant 131 : i32
        %broadcast_in_dim3A_891 = vector.broadcast %broadcast_in_dim3A_890 : i32 to vector<16xi32>
        tpu.vector_store_idx %arg14[%add3A_823, %broadcast_in_dim3A_891], %exp3A_889 : memref<80x144xf32, #tpu.memory_space<vmem>>[vector<16xi32>, vector<16xi32>], vector<16xf32>,
        %add3A_892 = arith.constant 64 : i32
        %add3A_893 = vector.broadcast %add3A_892 : i32 to vector<16xi32>
        %add3A_894 = arith.addi %iota3A, %add3A_893 : vector<16xi32>
        %broadcast_in_dim3A_895 = arith.constant 128 : i32
        %broadcast_in_dim3A_896 = vector.broadcast %broadcast_in_dim3A_895 : i32 to vector<16xi32>
        %gather3A_897 = tpu.vector_load_idx %arg14[%add3A_894, %broadcast_in_dim3A_896] : memref<80x144xf32, #tpu.memory_space<vmem>>[vector<16xi32>, vector<16xi32>], vector<16xf32>,
        %broadcast_in_dim3A_898 = arith.constant 0 : i32
        %broadcast_in_dim3A_899 = vector.broadcast %broadcast_in_dim3A_898 : i32 to vector<16xi32>
        %gather3A_900 = tpu.vector_load_idx %arg15[%add3A_894, %broadcast_in_dim3A_899] : memref<80x16xf32, #tpu.memory_space<vmem>>[vector<16xi32>, vector<16xi32>], vector<16xf32>,
        %add3A_901 = arith.addf %gather3A_897, %gather3A_900 : vector<16xf32>
        %ge3A_902 = arith.constant 0.000000e+00 : f32
        %ge3A_903 = vector.broadcast %ge3A_902 : f32 to vector<16xf32>
        %ge3A_904 = arith.cmpf oge, %add3A_901, %ge3A_903 : vector<16xf32>
        %mul3A_905 = arith.constant 2.000000e-01 : f32
        %mul3A_906 = vector.broadcast %mul3A_905 : f32 to vector<16xf32>
        %mul3A_907 = arith.mulf %add3A_901, %mul3A_906 : vector<16xf32>
        %select_n3A_908 = arith.select %ge3A_904, %add3A_901, %mul3A_907 : vector<16xi1>, vector<16xf32>
        %exp3A_909 = math.exp %select_n3A_908 : vector<16xf32>
        %broadcast_in_dim3A_910 = arith.constant 128 : i32
        %broadcast_in_dim3A_911 = vector.broadcast %broadcast_in_dim3A_910 : i32 to vector<16xi32>
        tpu.vector_store_idx %arg14[%add3A_894, %broadcast_in_dim3A_911], %exp3A_909 : memref<80x144xf32, #tpu.memory_space<vmem>>[vector<16xi32>, vector<16xi32>], vector<16xf32>,
        %broadcast_in_dim3A_912 = arith.constant 129 : i32
        %broadcast_in_dim3A_913 = vector.broadcast %broadcast_in_dim3A_912 : i32 to vector<16xi32>
        %gather3A_914 = tpu.vector_load_idx %arg14[%add3A_894, %broadcast_in_dim3A_913] : memref<80x144xf32, #tpu.memory_space<vmem>>[vector<16xi32>, vector<16xi32>], vector<16xf32>,
        %broadcast_in_dim3A_915 = arith.constant 1 : i32
        %broadcast_in_dim3A_916 = vector.broadcast %broadcast_in_dim3A_915 : i32 to vector<16xi32>
        %gather3A_917 = tpu.vector_load_idx %arg15[%add3A_894, %broadcast_in_dim3A_916] : memref<80x16xf32, #tpu.memory_space<vmem>>[vector<16xi32>, vector<16xi32>], vector<16xf32>,
        %add3A_918 = arith.addf %gather3A_914, %gather3A_917 : vector<16xf32>
        %ge3A_919 = arith.constant 0.000000e+00 : f32
        %ge3A_920 = vector.broadcast %ge3A_919 : f32 to vector<16xf32>
        %ge3A_921 = arith.cmpf oge, %add3A_918, %ge3A_920 : vector<16xf32>
        %mul3A_922 = arith.constant 2.000000e-01 : f32
        %mul3A_923 = vector.broadcast %mul3A_922 : f32 to vector<16xf32>
        %mul3A_924 = arith.mulf %add3A_918, %mul3A_923 : vector<16xf32>
        %select_n3A_925 = arith.select %ge3A_921, %add3A_918, %mul3A_924 : vector<16xi1>, vector<16xf32>
        %exp3A_926 = math.exp %select_n3A_925 : vector<16xf32>
        %broadcast_in_dim3A_927 = arith.constant 129 : i32
        %broadcast_in_dim3A_928 = vector.broadcast %broadcast_in_dim3A_927 : i32 to vector<16xi32>
        tpu.vector_store_idx %arg14[%add3A_894, %broadcast_in_dim3A_928], %exp3A_926 : memref<80x144xf32, #tpu.memory_space<vmem>>[vector<16xi32>, vector<16xi32>], vector<16xf32>,
        %broadcast_in_dim3A_929 = arith.constant 130 : i32
        %broadcast_in_dim3A_930 = vector.broadcast %broadcast_in_dim3A_929 : i32 to vector<16xi32>
        %gather3A_931 = tpu.vector_load_idx %arg14[%add3A_894, %broadcast_in_dim3A_930] : memref<80x144xf32, #tpu.memory_space<vmem>>[vector<16xi32>, vector<16xi32>], vector<16xf32>,
        %broadcast_in_dim3A_932 = arith.constant 2 : i32
        %broadcast_in_dim3A_933 = vector.broadcast %broadcast_in_dim3A_932 : i32 to vector<16xi32>
        %gather3A_934 = tpu.vector_load_idx %arg15[%add3A_894, %broadcast_in_dim3A_933] : memref<80x16xf32, #tpu.memory_space<vmem>>[vector<16xi32>, vector<16xi32>], vector<16xf32>,
        %add3A_935 = arith.addf %gather3A_931, %gather3A_934 : vector<16xf32>
        %ge3A_936 = arith.constant 0.000000e+00 : f32
        %ge3A_937 = vector.broadcast %ge3A_936 : f32 to vector<16xf32>
        %ge3A_938 = arith.cmpf oge, %add3A_935, %ge3A_937 : vector<16xf32>
        %mul3A_939 = arith.constant 2.000000e-01 : f32
        %mul3A_940 = vector.broadcast %mul3A_939 : f32 to vector<16xf32>
        %mul3A_941 = arith.mulf %add3A_935, %mul3A_940 : vector<16xf32>
        %select_n3A_942 = arith.select %ge3A_938, %add3A_935, %mul3A_941 : vector<16xi1>, vector<16xf32>
        %exp3A_943 = math.exp %select_n3A_942 : vector<16xf32>
        %broadcast_in_dim3A_944 = arith.constant 130 : i32
        %broadcast_in_dim3A_945 = vector.broadcast %broadcast_in_dim3A_944 : i32 to vector<16xi32>
        tpu.vector_store_idx %arg14[%add3A_894, %broadcast_in_dim3A_945], %exp3A_943 : memref<80x144xf32, #tpu.memory_space<vmem>>[vector<16xi32>, vector<16xi32>], vector<16xf32>,
        %broadcast_in_dim3A_946 = arith.constant 131 : i32
        %broadcast_in_dim3A_947 = vector.broadcast %broadcast_in_dim3A_946 : i32 to vector<16xi32>
        %gather3A_948 = tpu.vector_load_idx %arg14[%add3A_894, %broadcast_in_dim3A_947] : memref<80x144xf32, #tpu.memory_space<vmem>>[vector<16xi32>, vector<16xi32>], vector<16xf32>,
        %broadcast_in_dim3A_949 = arith.constant 3 : i32
        %broadcast_in_dim3A_950 = vector.broadcast %broadcast_in_dim3A_949 : i32 to vector<16xi32>
        %gather3A_951 = tpu.vector_load_idx %arg15[%add3A_894, %broadcast_in_dim3A_950] : memref<80x16xf32, #tpu.memory_space<vmem>>[vector<16xi32>, vector<16xi32>], vector<16xf32>,
        %add3A_952 = arith.addf %gather3A_948, %gather3A_951 : vector<16xf32>
        %ge3A_953 = arith.constant 0.000000e+00 : f32
        %ge3A_954 = vector.broadcast %ge3A_953 : f32 to vector<16xf32>
        %ge3A_955 = arith.cmpf oge, %add3A_952, %ge3A_954 : vector<16xf32>
        %mul3A_956 = arith.constant 2.000000e-01 : f32
        %mul3A_957 = vector.broadcast %mul3A_956 : f32 to vector<16xf32>
        %mul3A_958 = arith.mulf %add3A_952, %mul3A_957 : vector<16xf32>
        %select_n3A_959 = arith.select %ge3A_955, %add3A_952, %mul3A_958 : vector<16xi1>, vector<16xf32>
        %exp3A_960 = math.exp %select_n3A_959 : vector<16xf32>
        %broadcast_in_dim3A_961 = arith.constant 131 : i32
        %broadcast_in_dim3A_962 = vector.broadcast %broadcast_in_dim3A_961 : i32 to vector<16xi32>
        tpu.vector_store_idx %arg14[%add3A_894, %broadcast_in_dim3A_962], %exp3A_960 : memref<80x144xf32, #tpu.memory_space<vmem>>[vector<16xi32>, vector<16xi32>], vector<16xf32>,
        %scan3A_963 = arith.constant 0 : i32
        %scan3A_964 = arith.constant 20 : i32
        %scan3A_965 = arith.addi %scan3A_963, %scan3A_964 : i32
        %scan3A_966 = arith.constant 1 : i32
        scf.for %scan3A_983 = %scan3A_963 to %scan3A_965 step %scan3A_966  : i32 {
          %mul3A_984 = arith.constant 4 : i32
          %mul3A_985 = arith.muli %scan3A_983, %mul3A_984 : i32
          %add3A_986 = arith.constant 0 : i32
          %add3A_987 = arith.addi %add3A_986, %mul3A_985 : i32
          %add3A_988 = arith.constant 0 : i32
          %add3A_989 = arith.addi %add3A_987, %add3A_988 : i32
          %get3A_990 = arith.index_cast %add3A_989 : i32 to index
          %get3A_991 = arith.constant 128 : index
          %get3A_992 = tpu.vector_load %arg14[%get3A_990, %get3A_991] {strides = array<i32>} : memref<80x144xf32, #tpu.memory_space<vmem>>, vector<16xf32>,
          %slice3A = vector.extract_strided_slice %get3A_992 {offsets = [0], sizes = [1], strides = [1]} : vector<16xf32> to vector<1xf32>
          %squeeze3A = vector.extract %slice3A[0] : f32 from vector<1xf32>
          %get3A_993 = arith.index_cast %add3A_989 : i32 to index
          %get3A_994 = arith.constant 0 : index
          %get3A_995 = tpu.vector_load %arg14[%get3A_993, %get3A_994] {strides = array<i32>} : memref<80x144xf32, #tpu.memory_space<vmem>>, vector<16xf32>,
          %mul3A_996 = vector.broadcast %squeeze3A : f32 to vector<16xf32>
          %mul3A_997 = arith.mulf %get3A_995, %mul3A_996 : vector<16xf32>
          %swap3A_998 = arith.index_cast %add3A_989 : i32 to index
          %swap3A_999 = arith.constant 0 : index
          %swap3A_1000 = tpu.vector_load %arg14[%swap3A_998, %swap3A_999] {strides = array<i32>} : memref<80x144xf32, #tpu.memory_space<vmem>>, vector<16xf32>,
          tpu.vector_store %arg14[%swap3A_998, %swap3A_999], %mul3A_997 {strides = array<i32>} : memref<80x144xf32, #tpu.memory_space<vmem>>, vector<16xf32>,
          %get3A_1001 = arith.index_cast %add3A_989 : i32 to index
          %get3A_1002 = arith.constant 16 : index
          %get3A_1003 = tpu.vector_load %arg14[%get3A_1001, %get3A_1002] {strides = array<i32>} : memref<80x144xf32, #tpu.memory_space<vmem>>, vector<16xf32>,
          %mul3A_1004 = vector.broadcast %squeeze3A : f32 to vector<16xf32>
          %mul3A_1005 = arith.mulf %get3A_1003, %mul3A_1004 : vector<16xf32>
          %swap3A_1006 = arith.index_cast %add3A_989 : i32 to index
          %swap3A_1007 = arith.constant 16 : index
          %swap3A_1008 = tpu.vector_load %arg14[%swap3A_1006, %swap3A_1007] {strides = array<i32>} : memref<80x144xf32, #tpu.memory_space<vmem>>, vector<16xf32>,
          tpu.vector_store %arg14[%swap3A_1006, %swap3A_1007], %mul3A_1005 {strides = array<i32>} : memref<80x144xf32, #tpu.memory_space<vmem>>, vector<16xf32>,
          %slice3A_1009 = vector.extract_strided_slice %get3A_992 {offsets = [1], sizes = [1], strides = [1]} : vector<16xf32> to vector<1xf32>
          %squeeze3A_1010 = vector.extract %slice3A_1009[0] : f32 from vector<1xf32>
          %get3A_1011 = arith.index_cast %add3A_989 : i32 to index
          %get3A_1012 = arith.constant 32 : index
          %get3A_1013 = tpu.vector_load %arg14[%get3A_1011, %get3A_1012] {strides = array<i32>} : memref<80x144xf32, #tpu.memory_space<vmem>>, vector<16xf32>,
          %mul3A_1014 = vector.broadcast %squeeze3A_1010 : f32 to vector<16xf32>
          %mul3A_1015 = arith.mulf %get3A_1013, %mul3A_1014 : vector<16xf32>
          %swap3A_1016 = arith.index_cast %add3A_989 : i32 to index
          %swap3A_1017 = arith.constant 32 : index
          %swap3A_1018 = tpu.vector_load %arg14[%swap3A_1016, %swap3A_1017] {strides = array<i32>} : memref<80x144xf32, #tpu.memory_space<vmem>>, vector<16xf32>,
          tpu.vector_store %arg14[%swap3A_1016, %swap3A_1017], %mul3A_1015 {strides = array<i32>} : memref<80x144xf32, #tpu.memory_space<vmem>>, vector<16xf32>,
          %get3A_1019 = arith.index_cast %add3A_989 : i32 to index
          %get3A_1020 = arith.constant 48 : index
          %get3A_1021 = tpu.vector_load %arg14[%get3A_1019, %get3A_1020] {strides = array<i32>} : memref<80x144xf32, #tpu.memory_space<vmem>>, vector<16xf32>,
          %mul3A_1022 = vector.broadcast %squeeze3A_1010 : f32 to vector<16xf32>
          %mul3A_1023 = arith.mulf %get3A_1021, %mul3A_1022 : vector<16xf32>
          %swap3A_1024 = arith.index_cast %add3A_989 : i32 to index
          %swap3A_1025 = arith.constant 48 : index
          %swap3A_1026 = tpu.vector_load %arg14[%swap3A_1024, %swap3A_1025] {strides = array<i32>} : memref<80x144xf32, #tpu.memory_space<vmem>>, vector<16xf32>,
          tpu.vector_store %arg14[%swap3A_1024, %swap3A_1025], %mul3A_1023 {strides = array<i32>} : memref<80x144xf32, #tpu.memory_space<vmem>>, vector<16xf32>,
          %slice3A_1027 = vector.extract_strided_slice %get3A_992 {offsets = [2], sizes = [1], strides = [1]} : vector<16xf32> to vector<1xf32>
          %squeeze3A_1028 = vector.extract %slice3A_1027[0] : f32 from vector<1xf32>
          %get3A_1029 = arith.index_cast %add3A_989 : i32 to index
          %get3A_1030 = arith.constant 64 : index
          %get3A_1031 = tpu.vector_load %arg14[%get3A_1029, %get3A_1030] {strides = array<i32>} : memref<80x144xf32, #tpu.memory_space<vmem>>, vector<16xf32>,
          %mul3A_1032 = vector.broadcast %squeeze3A_1028 : f32 to vector<16xf32>
          %mul3A_1033 = arith.mulf %get3A_1031, %mul3A_1032 : vector<16xf32>
          %swap3A_1034 = arith.index_cast %add3A_989 : i32 to index
          %swap3A_1035 = arith.constant 64 : index
          %swap3A_1036 = tpu.vector_load %arg14[%swap3A_1034, %swap3A_1035] {strides = array<i32>} : memref<80x144xf32, #tpu.memory_space<vmem>>, vector<16xf32>,
          tpu.vector_store %arg14[%swap3A_1034, %swap3A_1035], %mul3A_1033 {strides = array<i32>} : memref<80x144xf32, #tpu.memory_space<vmem>>, vector<16xf32>,
          %get3A_1037 = arith.index_cast %add3A_989 : i32 to index
          %get3A_1038 = arith.constant 80 : index
          %get3A_1039 = tpu.vector_load %arg14[%get3A_1037, %get3A_1038] {strides = array<i32>} : memref<80x144xf32, #tpu.memory_space<vmem>>, vector<16xf32>,
          %mul3A_1040 = vector.broadcast %squeeze3A_1028 : f32 to vector<16xf32>
          %mul3A_1041 = arith.mulf %get3A_1039, %mul3A_1040 : vector<16xf32>
          %swap3A_1042 = arith.index_cast %add3A_989 : i32 to index
          %swap3A_1043 = arith.constant 80 : index
          %swap3A_1044 = tpu.vector_load %arg14[%swap3A_1042, %swap3A_1043] {strides = array<i32>} : memref<80x144xf32, #tpu.memory_space<vmem>>, vector<16xf32>,
          tpu.vector_store %arg14[%swap3A_1042, %swap3A_1043], %mul3A_1041 {strides = array<i32>} : memref<80x144xf32, #tpu.memory_space<vmem>>, vector<16xf32>,
          %slice3A_1045 = vector.extract_strided_slice %get3A_992 {offsets = [3], sizes = [1], strides = [1]} : vector<16xf32> to vector<1xf32>
          %squeeze3A_1046 = vector.extract %slice3A_1045[0] : f32 from vector<1xf32>
          %get3A_1047 = arith.index_cast %add3A_989 : i32 to index
          %get3A_1048 = arith.constant 96 : index
          %get3A_1049 = tpu.vector_load %arg14[%get3A_1047, %get3A_1048] {strides = array<i32>} : memref<80x144xf32, #tpu.memory_space<vmem>>, vector<16xf32>,
          %mul3A_1050 = vector.broadcast %squeeze3A_1046 : f32 to vector<16xf32>
          %mul3A_1051 = arith.mulf %get3A_1049, %mul3A_1050 : vector<16xf32>
          %swap3A_1052 = arith.index_cast %add3A_989 : i32 to index
          %swap3A_1053 = arith.constant 96 : index
          %swap3A_1054 = tpu.vector_load %arg14[%swap3A_1052, %swap3A_1053] {strides = array<i32>} : memref<80x144xf32, #tpu.memory_space<vmem>>, vector<16xf32>,
          tpu.vector_store %arg14[%swap3A_1052, %swap3A_1053], %mul3A_1051 {strides = array<i32>} : memref<80x144xf32, #tpu.memory_space<vmem>>, vector<16xf32>,
          %get3A_1055 = arith.index_cast %add3A_989 : i32 to index
          %get3A_1056 = arith.constant 112 : index
          %get3A_1057 = tpu.vector_load %arg14[%get3A_1055, %get3A_1056] {strides = array<i32>} : memref<80x144xf32, #tpu.memory_space<vmem>>, vector<16xf32>,
          %mul3A_1058 = vector.broadcast %squeeze3A_1046 : f32 to vector<16xf32>
          %mul3A_1059 = arith.mulf %get3A_1057, %mul3A_1058 : vector<16xf32>
          %swap3A_1060 = arith.index_cast %add3A_989 : i32 to index
          %swap3A_1061 = arith.constant 112 : index
          %swap3A_1062 = tpu.vector_load %arg14[%swap3A_1060, %swap3A_1061] {strides = array<i32>} : memref<80x144xf32, #tpu.memory_space<vmem>>, vector<16xf32>,
          tpu.vector_store %arg14[%swap3A_1060, %swap3A_1061], %mul3A_1059 {strides = array<i32>} : memref<80x144xf32, #tpu.memory_space<vmem>>, vector<16xf32>,
          %add3A_1063 = arith.constant 1 : i32
          %add3A_1064 = arith.addi %add3A_987, %add3A_1063 : i32
          %get3A_1065 = arith.index_cast %add3A_1064 : i32 to index
          %get3A_1066 = arith.constant 128 : index
          %get3A_1067 = tpu.vector_load %arg14[%get3A_1065, %get3A_1066] {strides = array<i32>} : memref<80x144xf32, #tpu.memory_space<vmem>>, vector<16xf32>,
          %slice3A_1068 = vector.extract_strided_slice %get3A_1067 {offsets = [0], sizes = [1], strides = [1]} : vector<16xf32> to vector<1xf32>
          %squeeze3A_1069 = vector.extract %slice3A_1068[0] : f32 from vector<1xf32>
          %get3A_1070 = arith.index_cast %add3A_1064 : i32 to index
          %get3A_1071 = arith.constant 0 : index
          %get3A_1072 = tpu.vector_load %arg14[%get3A_1070, %get3A_1071] {strides = array<i32>} : memref<80x144xf32, #tpu.memory_space<vmem>>, vector<16xf32>,
          %mul3A_1073 = vector.broadcast %squeeze3A_1069 : f32 to vector<16xf32>
          %mul3A_1074 = arith.mulf %get3A_1072, %mul3A_1073 : vector<16xf32>
          %swap3A_1075 = arith.index_cast %add3A_1064 : i32 to index
          %swap3A_1076 = arith.constant 0 : index
          %swap3A_1077 = tpu.vector_load %arg14[%swap3A_1075, %swap3A_1076] {strides = array<i32>} : memref<80x144xf32, #tpu.memory_space<vmem>>, vector<16xf32>,
          tpu.vector_store %arg14[%swap3A_1075, %swap3A_1076], %mul3A_1074 {strides = array<i32>} : memref<80x144xf32, #tpu.memory_space<vmem>>, vector<16xf32>,
          %get3A_1078 = arith.index_cast %add3A_1064 : i32 to index
          %get3A_1079 = arith.constant 16 : index
          %get3A_1080 = tpu.vector_load %arg14[%get3A_1078, %get3A_1079] {strides = array<i32>} : memref<80x144xf32, #tpu.memory_space<vmem>>, vector<16xf32>,
          %mul3A_1081 = vector.broadcast %squeeze3A_1069 : f32 to vector<16xf32>
          %mul3A_1082 = arith.mulf %get3A_1080, %mul3A_1081 : vector<16xf32>
          %swap3A_1083 = arith.index_cast %add3A_1064 : i32 to index
          %swap3A_1084 = arith.constant 16 : index
          %swap3A_1085 = tpu.vector_load %arg14[%swap3A_1083, %swap3A_1084] {strides = array<i32>} : memref<80x144xf32, #tpu.memory_space<vmem>>, vector<16xf32>,
          tpu.vector_store %arg14[%swap3A_1083, %swap3A_1084], %mul3A_1082 {strides = array<i32>} : memref<80x144xf32, #tpu.memory_space<vmem>>, vector<16xf32>,
          %slice3A_1086 = vector.extract_strided_slice %get3A_1067 {offsets = [1], sizes = [1], strides = [1]} : vector<16xf32> to vector<1xf32>
          %squeeze3A_1087 = vector.extract %slice3A_1086[0] : f32 from vector<1xf32>
          %get3A_1088 = arith.index_cast %add3A_1064 : i32 to index
          %get3A_1089 = arith.constant 32 : index
          %get3A_1090 = tpu.vector_load %arg14[%get3A_1088, %get3A_1089] {strides = array<i32>} : memref<80x144xf32, #tpu.memory_space<vmem>>, vector<16xf32>,
          %mul3A_1091 = vector.broadcast %squeeze3A_1087 : f32 to vector<16xf32>
          %mul3A_1092 = arith.mulf %get3A_1090, %mul3A_1091 : vector<16xf32>
          %swap3A_1093 = arith.index_cast %add3A_1064 : i32 to index
          %swap3A_1094 = arith.constant 32 : index
          %swap3A_1095 = tpu.vector_load %arg14[%swap3A_1093, %swap3A_1094] {strides = array<i32>} : memref<80x144xf32, #tpu.memory_space<vmem>>, vector<16xf32>,
          tpu.vector_store %arg14[%swap3A_1093, %swap3A_1094], %mul3A_1092 {strides = array<i32>} : memref<80x144xf32, #tpu.memory_space<vmem>>, vector<16xf32>,
          %get3A_1096 = arith.index_cast %add3A_1064 : i32 to index
          %get3A_1097 = arith.constant 48 : index
          %get3A_1098 = tpu.vector_load %arg14[%get3A_1096, %get3A_1097] {strides = array<i32>} : memref<80x144xf32, #tpu.memory_space<vmem>>, vector<16xf32>,
          %mul3A_1099 = vector.broadcast %squeeze3A_1087 : f32 to vector<16xf32>
          %mul3A_1100 = arith.mulf %get3A_1098, %mul3A_1099 : vector<16xf32>
          %swap3A_1101 = arith.index_cast %add3A_1064 : i32 to index
          %swap3A_1102 = arith.constant 48 : index
          %swap3A_1103 = tpu.vector_load %arg14[%swap3A_1101, %swap3A_1102] {strides = array<i32>} : memref<80x144xf32, #tpu.memory_space<vmem>>, vector<16xf32>,
          tpu.vector_store %arg14[%swap3A_1101, %swap3A_1102], %mul3A_1100 {strides = array<i32>} : memref<80x144xf32, #tpu.memory_space<vmem>>, vector<16xf32>,
          %slice3A_1104 = vector.extract_strided_slice %get3A_1067 {offsets = [2], sizes = [1], strides = [1]} : vector<16xf32> to vector<1xf32>
          %squeeze3A_1105 = vector.extract %slice3A_1104[0] : f32 from vector<1xf32>
          %get3A_1106 = arith.index_cast %add3A_1064 : i32 to index
          %get3A_1107 = arith.constant 64 : index
          %get3A_1108 = tpu.vector_load %arg14[%get3A_1106, %get3A_1107] {strides = array<i32>} : memref<80x144xf32, #tpu.memory_space<vmem>>, vector<16xf32>,
          %mul3A_1109 = vector.broadcast %squeeze3A_1105 : f32 to vector<16xf32>
          %mul3A_1110 = arith.mulf %get3A_1108, %mul3A_1109 : vector<16xf32>
          %swap3A_1111 = arith.index_cast %add3A_1064 : i32 to index
          %swap3A_1112 = arith.constant 64 : index
          %swap3A_1113 = tpu.vector_load %arg14[%swap3A_1111, %swap3A_1112] {strides = array<i32>} : memref<80x144xf32, #tpu.memory_space<vmem>>, vector<16xf32>,
          tpu.vector_store %arg14[%swap3A_1111, %swap3A_1112], %mul3A_1110 {strides = array<i32>} : memref<80x144xf32, #tpu.memory_space<vmem>>, vector<16xf32>,
          %get3A_1114 = arith.index_cast %add3A_1064 : i32 to index
          %get3A_1115 = arith.constant 80 : index
          %get3A_1116 = tpu.vector_load %arg14[%get3A_1114, %get3A_1115] {strides = array<i32>} : memref<80x144xf32, #tpu.memory_space<vmem>>, vector<16xf32>,
          %mul3A_1117 = vector.broadcast %squeeze3A_1105 : f32 to vector<16xf32>
          %mul3A_1118 = arith.mulf %get3A_1116, %mul3A_1117 : vector<16xf32>
          %swap3A_1119 = arith.index_cast %add3A_1064 : i32 to index
          %swap3A_1120 = arith.constant 80 : index
          %swap3A_1121 = tpu.vector_load %arg14[%swap3A_1119, %swap3A_1120] {strides = array<i32>} : memref<80x144xf32, #tpu.memory_space<vmem>>, vector<16xf32>,
          tpu.vector_store %arg14[%swap3A_1119, %swap3A_1120], %mul3A_1118 {strides = array<i32>} : memref<80x144xf32, #tpu.memory_space<vmem>>, vector<16xf32>,
          %slice3A_1122 = vector.extract_strided_slice %get3A_1067 {offsets = [3], sizes = [1], strides = [1]} : vector<16xf32> to vector<1xf32>
          %squeeze3A_1123 = vector.extract %slice3A_1122[0] : f32 from vector<1xf32>
          %get3A_1124 = arith.index_cast %add3A_1064 : i32 to index
          %get3A_1125 = arith.constant 96 : index
          %get3A_1126 = tpu.vector_load %arg14[%get3A_1124, %get3A_1125] {strides = array<i32>} : memref<80x144xf32, #tpu.memory_space<vmem>>, vector<16xf32>,
          %mul3A_1127 = vector.broadcast %squeeze3A_1123 : f32 to vector<16xf32>
          %mul3A_1128 = arith.mulf %get3A_1126, %mul3A_1127 : vector<16xf32>
          %swap3A_1129 = arith.index_cast %add3A_1064 : i32 to index
          %swap3A_1130 = arith.constant 96 : index
          %swap3A_1131 = tpu.vector_load %arg14[%swap3A_1129, %swap3A_1130] {strides = array<i32>} : memref<80x144xf32, #tpu.memory_space<vmem>>, vector<16xf32>,
          tpu.vector_store %arg14[%swap3A_1129, %swap3A_1130], %mul3A_1128 {strides = array<i32>} : memref<80x144xf32, #tpu.memory_space<vmem>>, vector<16xf32>,
          %get3A_1132 = arith.index_cast %add3A_1064 : i32 to index
          %get3A_1133 = arith.constant 112 : index
          %get3A_1134 = tpu.vector_load %arg14[%get3A_1132, %get3A_1133] {strides = array<i32>} : memref<80x144xf32, #tpu.memory_space<vmem>>, vector<16xf32>,
          %mul3A_1135 = vector.broadcast %squeeze3A_1123 : f32 to vector<16xf32>
          %mul3A_1136 = arith.mulf %get3A_1134, %mul3A_1135 : vector<16xf32>
          %swap3A_1137 = arith.index_cast %add3A_1064 : i32 to index
          %swap3A_1138 = arith.constant 112 : index
          %swap3A_1139 = tpu.vector_load %arg14[%swap3A_1137, %swap3A_1138] {strides = array<i32>} : memref<80x144xf32, #tpu.memory_space<vmem>>, vector<16xf32>,
          tpu.vector_store %arg14[%swap3A_1137, %swap3A_1138], %mul3A_1136 {strides = array<i32>} : memref<80x144xf32, #tpu.memory_space<vmem>>, vector<16xf32>,
          %add3A_1140 = arith.constant 2 : i32
          %add3A_1141 = arith.addi %add3A_987, %add3A_1140 : i32
          %get3A_1142 = arith.index_cast %add3A_1141 : i32 to index
          %get3A_1143 = arith.constant 128 : index
          %get3A_1144 = tpu.vector_load %arg14[%get3A_1142, %get3A_1143] {strides = array<i32>} : memref<80x144xf32, #tpu.memory_space<vmem>>, vector<16xf32>,
          %slice3A_1145 = vector.extract_strided_slice %get3A_1144 {offsets = [0], sizes = [1], strides = [1]} : vector<16xf32> to vector<1xf32>
          %squeeze3A_1146 = vector.extract %slice3A_1145[0] : f32 from vector<1xf32>
          %get3A_1147 = arith.index_cast %add3A_1141 : i32 to index
          %get3A_1148 = arith.constant 0 : index
          %get3A_1149 = tpu.vector_load %arg14[%get3A_1147, %get3A_1148] {strides = array<i32>} : memref<80x144xf32, #tpu.memory_space<vmem>>, vector<16xf32>,
          %mul3A_1150 = vector.broadcast %squeeze3A_1146 : f32 to vector<16xf32>
          %mul3A_1151 = arith.mulf %get3A_1149, %mul3A_1150 : vector<16xf32>
          %swap3A_1152 = arith.index_cast %add3A_1141 : i32 to index
          %swap3A_1153 = arith.constant 0 : index
          %swap3A_1154 = tpu.vector_load %arg14[%swap3A_1152, %swap3A_1153] {strides = array<i32>} : memref<80x144xf32, #tpu.memory_space<vmem>>, vector<16xf32>,
          tpu.vector_store %arg14[%swap3A_1152, %swap3A_1153], %mul3A_1151 {strides = array<i32>} : memref<80x144xf32, #tpu.memory_space<vmem>>, vector<16xf32>,
          %get3A_1155 = arith.index_cast %add3A_1141 : i32 to index
          %get3A_1156 = arith.constant 16 : index
          %get3A_1157 = tpu.vector_load %arg14[%get3A_1155, %get3A_1156] {strides = array<i32>} : memref<80x144xf32, #tpu.memory_space<vmem>>, vector<16xf32>,
          %mul3A_1158 = vector.broadcast %squeeze3A_1146 : f32 to vector<16xf32>
          %mul3A_1159 = arith.mulf %get3A_1157, %mul3A_1158 : vector<16xf32>
          %swap3A_1160 = arith.index_cast %add3A_1141 : i32 to index
          %swap3A_1161 = arith.constant 16 : index
          %swap3A_1162 = tpu.vector_load %arg14[%swap3A_1160, %swap3A_1161] {strides = array<i32>} : memref<80x144xf32, #tpu.memory_space<vmem>>, vector<16xf32>,
          tpu.vector_store %arg14[%swap3A_1160, %swap3A_1161], %mul3A_1159 {strides = array<i32>} : memref<80x144xf32, #tpu.memory_space<vmem>>, vector<16xf32>,
          %slice3A_1163 = vector.extract_strided_slice %get3A_1144 {offsets = [1], sizes = [1], strides = [1]} : vector<16xf32> to vector<1xf32>
          %squeeze3A_1164 = vector.extract %slice3A_1163[0] : f32 from vector<1xf32>
          %get3A_1165 = arith.index_cast %add3A_1141 : i32 to index
          %get3A_1166 = arith.constant 32 : index
          %get3A_1167 = tpu.vector_load %arg14[%get3A_1165, %get3A_1166] {strides = array<i32>} : memref<80x144xf32, #tpu.memory_space<vmem>>, vector<16xf32>,
          %mul3A_1168 = vector.broadcast %squeeze3A_1164 : f32 to vector<16xf32>
          %mul3A_1169 = arith.mulf %get3A_1167, %mul3A_1168 : vector<16xf32>
          %swap3A_1170 = arith.index_cast %add3A_1141 : i32 to index
          %swap3A_1171 = arith.constant 32 : index
          %swap3A_1172 = tpu.vector_load %arg14[%swap3A_1170, %swap3A_1171] {strides = array<i32>} : memref<80x144xf32, #tpu.memory_space<vmem>>, vector<16xf32>,
          tpu.vector_store %arg14[%swap3A_1170, %swap3A_1171], %mul3A_1169 {strides = array<i32>} : memref<80x144xf32, #tpu.memory_space<vmem>>, vector<16xf32>,
          %get3A_1173 = arith.index_cast %add3A_1141 : i32 to index
          %get3A_1174 = arith.constant 48 : index
          %get3A_1175 = tpu.vector_load %arg14[%get3A_1173, %get3A_1174] {strides = array<i32>} : memref<80x144xf32, #tpu.memory_space<vmem>>, vector<16xf32>,
          %mul3A_1176 = vector.broadcast %squeeze3A_1164 : f32 to vector<16xf32>
          %mul3A_1177 = arith.mulf %get3A_1175, %mul3A_1176 : vector<16xf32>
          %swap3A_1178 = arith.index_cast %add3A_1141 : i32 to index
          %swap3A_1179 = arith.constant 48 : index
          %swap3A_1180 = tpu.vector_load %arg14[%swap3A_1178, %swap3A_1179] {strides = array<i32>} : memref<80x144xf32, #tpu.memory_space<vmem>>, vector<16xf32>,
          tpu.vector_store %arg14[%swap3A_1178, %swap3A_1179], %mul3A_1177 {strides = array<i32>} : memref<80x144xf32, #tpu.memory_space<vmem>>, vector<16xf32>,
          %slice3A_1181 = vector.extract_strided_slice %get3A_1144 {offsets = [2], sizes = [1], strides = [1]} : vector<16xf32> to vector<1xf32>
          %squeeze3A_1182 = vector.extract %slice3A_1181[0] : f32 from vector<1xf32>
          %get3A_1183 = arith.index_cast %add3A_1141 : i32 to index
          %get3A_1184 = arith.constant 64 : index
          %get3A_1185 = tpu.vector_load %arg14[%get3A_1183, %get3A_1184] {strides = array<i32>} : memref<80x144xf32, #tpu.memory_space<vmem>>, vector<16xf32>,
          %mul3A_1186 = vector.broadcast %squeeze3A_1182 : f32 to vector<16xf32>
          %mul3A_1187 = arith.mulf %get3A_1185, %mul3A_1186 : vector<16xf32>
          %swap3A_1188 = arith.index_cast %add3A_1141 : i32 to index
          %swap3A_1189 = arith.constant 64 : index
          %swap3A_1190 = tpu.vector_load %arg14[%swap3A_1188, %swap3A_1189] {strides = array<i32>} : memref<80x144xf32, #tpu.memory_space<vmem>>, vector<16xf32>,
          tpu.vector_store %arg14[%swap3A_1188, %swap3A_1189], %mul3A_1187 {strides = array<i32>} : memref<80x144xf32, #tpu.memory_space<vmem>>, vector<16xf32>,
          %get3A_1191 = arith.index_cast %add3A_1141 : i32 to index
          %get3A_1192 = arith.constant 80 : index
          %get3A_1193 = tpu.vector_load %arg14[%get3A_1191, %get3A_1192] {strides = array<i32>} : memref<80x144xf32, #tpu.memory_space<vmem>>, vector<16xf32>,
          %mul3A_1194 = vector.broadcast %squeeze3A_1182 : f32 to vector<16xf32>
          %mul3A_1195 = arith.mulf %get3A_1193, %mul3A_1194 : vector<16xf32>
          %swap3A_1196 = arith.index_cast %add3A_1141 : i32 to index
          %swap3A_1197 = arith.constant 80 : index
          %swap3A_1198 = tpu.vector_load %arg14[%swap3A_1196, %swap3A_1197] {strides = array<i32>} : memref<80x144xf32, #tpu.memory_space<vmem>>, vector<16xf32>,
          tpu.vector_store %arg14[%swap3A_1196, %swap3A_1197], %mul3A_1195 {strides = array<i32>} : memref<80x144xf32, #tpu.memory_space<vmem>>, vector<16xf32>,
          %slice3A_1199 = vector.extract_strided_slice %get3A_1144 {offsets = [3], sizes = [1], strides = [1]} : vector<16xf32> to vector<1xf32>
          %squeeze3A_1200 = vector.extract %slice3A_1199[0] : f32 from vector<1xf32>
          %get3A_1201 = arith.index_cast %add3A_1141 : i32 to index
          %get3A_1202 = arith.constant 96 : index
          %get3A_1203 = tpu.vector_load %arg14[%get3A_1201, %get3A_1202] {strides = array<i32>} : memref<80x144xf32, #tpu.memory_space<vmem>>, vector<16xf32>,
          %mul3A_1204 = vector.broadcast %squeeze3A_1200 : f32 to vector<16xf32>
          %mul3A_1205 = arith.mulf %get3A_1203, %mul3A_1204 : vector<16xf32>
          %swap3A_1206 = arith.index_cast %add3A_1141 : i32 to index
          %swap3A_1207 = arith.constant 96 : index
          %swap3A_1208 = tpu.vector_load %arg14[%swap3A_1206, %swap3A_1207] {strides = array<i32>} : memref<80x144xf32, #tpu.memory_space<vmem>>, vector<16xf32>,
          tpu.vector_store %arg14[%swap3A_1206, %swap3A_1207], %mul3A_1205 {strides = array<i32>} : memref<80x144xf32, #tpu.memory_space<vmem>>, vector<16xf32>,
          %get3A_1209 = arith.index_cast %add3A_1141 : i32 to index
          %get3A_1210 = arith.constant 112 : index
          %get3A_1211 = tpu.vector_load %arg14[%get3A_1209, %get3A_1210] {strides = array<i32>} : memref<80x144xf32, #tpu.memory_space<vmem>>, vector<16xf32>,
          %mul3A_1212 = vector.broadcast %squeeze3A_1200 : f32 to vector<16xf32>
          %mul3A_1213 = arith.mulf %get3A_1211, %mul3A_1212 : vector<16xf32>
          %swap3A_1214 = arith.index_cast %add3A_1141 : i32 to index
          %swap3A_1215 = arith.constant 112 : index
          %swap3A_1216 = tpu.vector_load %arg14[%swap3A_1214, %swap3A_1215] {strides = array<i32>} : memref<80x144xf32, #tpu.memory_space<vmem>>, vector<16xf32>,
          tpu.vector_store %arg14[%swap3A_1214, %swap3A_1215], %mul3A_1213 {strides = array<i32>} : memref<80x144xf32, #tpu.memory_space<vmem>>, vector<16xf32>,
          %add3A_1217 = arith.constant 3 : i32
          %add3A_1218 = arith.addi %add3A_987, %add3A_1217 : i32
          %get3A_1219 = arith.index_cast %add3A_1218 : i32 to index
          %get3A_1220 = arith.constant 128 : index
          %get3A_1221 = tpu.vector_load %arg14[%get3A_1219, %get3A_1220] {strides = array<i32>} : memref<80x144xf32, #tpu.memory_space<vmem>>, vector<16xf32>,
          %slice3A_1222 = vector.extract_strided_slice %get3A_1221 {offsets = [0], sizes = [1], strides = [1]} : vector<16xf32> to vector<1xf32>
          %squeeze3A_1223 = vector.extract %slice3A_1222[0] : f32 from vector<1xf32>
          %get3A_1224 = arith.index_cast %add3A_1218 : i32 to index
          %get3A_1225 = arith.constant 0 : index
          %get3A_1226 = tpu.vector_load %arg14[%get3A_1224, %get3A_1225] {strides = array<i32>} : memref<80x144xf32, #tpu.memory_space<vmem>>, vector<16xf32>,
          %mul3A_1227 = vector.broadcast %squeeze3A_1223 : f32 to vector<16xf32>
          %mul3A_1228 = arith.mulf %get3A_1226, %mul3A_1227 : vector<16xf32>
          %swap3A_1229 = arith.index_cast %add3A_1218 : i32 to index
          %swap3A_1230 = arith.constant 0 : index
          %swap3A_1231 = tpu.vector_load %arg14[%swap3A_1229, %swap3A_1230] {strides = array<i32>} : memref<80x144xf32, #tpu.memory_space<vmem>>, vector<16xf32>,
          tpu.vector_store %arg14[%swap3A_1229, %swap3A_1230], %mul3A_1228 {strides = array<i32>} : memref<80x144xf32, #tpu.memory_space<vmem>>, vector<16xf32>,
          %get3A_1232 = arith.index_cast %add3A_1218 : i32 to index
          %get3A_1233 = arith.constant 16 : index
          %get3A_1234 = tpu.vector_load %arg14[%get3A_1232, %get3A_1233] {strides = array<i32>} : memref<80x144xf32, #tpu.memory_space<vmem>>, vector<16xf32>,
          %mul3A_1235 = vector.broadcast %squeeze3A_1223 : f32 to vector<16xf32>
          %mul3A_1236 = arith.mulf %get3A_1234, %mul3A_1235 : vector<16xf32>
          %swap3A_1237 = arith.index_cast %add3A_1218 : i32 to index
          %swap3A_1238 = arith.constant 16 : index
          %swap3A_1239 = tpu.vector_load %arg14[%swap3A_1237, %swap3A_1238] {strides = array<i32>} : memref<80x144xf32, #tpu.memory_space<vmem>>, vector<16xf32>,
          tpu.vector_store %arg14[%swap3A_1237, %swap3A_1238], %mul3A_1236 {strides = array<i32>} : memref<80x144xf32, #tpu.memory_space<vmem>>, vector<16xf32>,
          %slice3A_1240 = vector.extract_strided_slice %get3A_1221 {offsets = [1], sizes = [1], strides = [1]} : vector<16xf32> to vector<1xf32>
          %squeeze3A_1241 = vector.extract %slice3A_1240[0] : f32 from vector<1xf32>
          %get3A_1242 = arith.index_cast %add3A_1218 : i32 to index
          %get3A_1243 = arith.constant 32 : index
          %get3A_1244 = tpu.vector_load %arg14[%get3A_1242, %get3A_1243] {strides = array<i32>} : memref<80x144xf32, #tpu.memory_space<vmem>>, vector<16xf32>,
          %mul3A_1245 = vector.broadcast %squeeze3A_1241 : f32 to vector<16xf32>
          %mul3A_1246 = arith.mulf %get3A_1244, %mul3A_1245 : vector<16xf32>
          %swap3A_1247 = arith.index_cast %add3A_1218 : i32 to index
          %swap3A_1248 = arith.constant 32 : index
          %swap3A_1249 = tpu.vector_load %arg14[%swap3A_1247, %swap3A_1248] {strides = array<i32>} : memref<80x144xf32, #tpu.memory_space<vmem>>, vector<16xf32>,
          tpu.vector_store %arg14[%swap3A_1247, %swap3A_1248], %mul3A_1246 {strides = array<i32>} : memref<80x144xf32, #tpu.memory_space<vmem>>, vector<16xf32>,
          %get3A_1250 = arith.index_cast %add3A_1218 : i32 to index
          %get3A_1251 = arith.constant 48 : index
          %get3A_1252 = tpu.vector_load %arg14[%get3A_1250, %get3A_1251] {strides = array<i32>} : memref<80x144xf32, #tpu.memory_space<vmem>>, vector<16xf32>,
          %mul3A_1253 = vector.broadcast %squeeze3A_1241 : f32 to vector<16xf32>
          %mul3A_1254 = arith.mulf %get3A_1252, %mul3A_1253 : vector<16xf32>
          %swap3A_1255 = arith.index_cast %add3A_1218 : i32 to index
          %swap3A_1256 = arith.constant 48 : index
          %swap3A_1257 = tpu.vector_load %arg14[%swap3A_1255, %swap3A_1256] {strides = array<i32>} : memref<80x144xf32, #tpu.memory_space<vmem>>, vector<16xf32>,
          tpu.vector_store %arg14[%swap3A_1255, %swap3A_1256], %mul3A_1254 {strides = array<i32>} : memref<80x144xf32, #tpu.memory_space<vmem>>, vector<16xf32>,
          %slice3A_1258 = vector.extract_strided_slice %get3A_1221 {offsets = [2], sizes = [1], strides = [1]} : vector<16xf32> to vector<1xf32>
          %squeeze3A_1259 = vector.extract %slice3A_1258[0] : f32 from vector<1xf32>
          %get3A_1260 = arith.index_cast %add3A_1218 : i32 to index
          %get3A_1261 = arith.constant 64 : index
          %get3A_1262 = tpu.vector_load %arg14[%get3A_1260, %get3A_1261] {strides = array<i32>} : memref<80x144xf32, #tpu.memory_space<vmem>>, vector<16xf32>,
          %mul3A_1263 = vector.broadcast %squeeze3A_1259 : f32 to vector<16xf32>
          %mul3A_1264 = arith.mulf %get3A_1262, %mul3A_1263 : vector<16xf32>
          %swap3A_1265 = arith.index_cast %add3A_1218 : i32 to index
          %swap3A_1266 = arith.constant 64 : index
          %swap3A_1267 = tpu.vector_load %arg14[%swap3A_1265, %swap3A_1266] {strides = array<i32>} : memref<80x144xf32, #tpu.memory_space<vmem>>, vector<16xf32>,
          tpu.vector_store %arg14[%swap3A_1265, %swap3A_1266], %mul3A_1264 {strides = array<i32>} : memref<80x144xf32, #tpu.memory_space<vmem>>, vector<16xf32>,
          %get3A_1268 = arith.index_cast %add3A_1218 : i32 to index
          %get3A_1269 = arith.constant 80 : index
          %get3A_1270 = tpu.vector_load %arg14[%get3A_1268, %get3A_1269] {strides = array<i32>} : memref<80x144xf32, #tpu.memory_space<vmem>>, vector<16xf32>,
          %mul3A_1271 = vector.broadcast %squeeze3A_1259 : f32 to vector<16xf32>
          %mul3A_1272 = arith.mulf %get3A_1270, %mul3A_1271 : vector<16xf32>
          %swap3A_1273 = arith.index_cast %add3A_1218 : i32 to index
          %swap3A_1274 = arith.constant 80 : index
          %swap3A_1275 = tpu.vector_load %arg14[%swap3A_1273, %swap3A_1274] {strides = array<i32>} : memref<80x144xf32, #tpu.memory_space<vmem>>, vector<16xf32>,
          tpu.vector_store %arg14[%swap3A_1273, %swap3A_1274], %mul3A_1272 {strides = array<i32>} : memref<80x144xf32, #tpu.memory_space<vmem>>, vector<16xf32>,
          %slice3A_1276 = vector.extract_strided_slice %get3A_1221 {offsets = [3], sizes = [1], strides = [1]} : vector<16xf32> to vector<1xf32>
          %squeeze3A_1277 = vector.extract %slice3A_1276[0] : f32 from vector<1xf32>
          %get3A_1278 = arith.index_cast %add3A_1218 : i32 to index
          %get3A_1279 = arith.constant 96 : index
          %get3A_1280 = tpu.vector_load %arg14[%get3A_1278, %get3A_1279] {strides = array<i32>} : memref<80x144xf32, #tpu.memory_space<vmem>>, vector<16xf32>,
          %mul3A_1281 = vector.broadcast %squeeze3A_1277 : f32 to vector<16xf32>
          %mul3A_1282 = arith.mulf %get3A_1280, %mul3A_1281 : vector<16xf32>
          %swap3A_1283 = arith.index_cast %add3A_1218 : i32 to index
          %swap3A_1284 = arith.constant 96 : index
          %swap3A_1285 = tpu.vector_load %arg14[%swap3A_1283, %swap3A_1284] {strides = array<i32>} : memref<80x144xf32, #tpu.memory_space<vmem>>, vector<16xf32>,
          tpu.vector_store %arg14[%swap3A_1283, %swap3A_1284], %mul3A_1282 {strides = array<i32>} : memref<80x144xf32, #tpu.memory_space<vmem>>, vector<16xf32>,
          %get3A_1286 = arith.index_cast %add3A_1218 : i32 to index
          %get3A_1287 = arith.constant 112 : index
          %get3A_1288 = tpu.vector_load %arg14[%get3A_1286, %get3A_1287] {strides = array<i32>} : memref<80x144xf32, #tpu.memory_space<vmem>>, vector<16xf32>,
          %mul3A_1289 = vector.broadcast %squeeze3A_1277 : f32 to vector<16xf32>
          %mul3A_1290 = arith.mulf %get3A_1288, %mul3A_1289 : vector<16xf32>
          %swap3A_1291 = arith.index_cast %add3A_1218 : i32 to index
          %swap3A_1292 = arith.constant 112 : index
          %swap3A_1293 = tpu.vector_load %arg14[%swap3A_1291, %swap3A_1292] {strides = array<i32>} : memref<80x144xf32, #tpu.memory_space<vmem>>, vector<16xf32>,
          tpu.vector_store %arg14[%swap3A_1291, %swap3A_1292], %mul3A_1290 {strides = array<i32>} : memref<80x144xf32, #tpu.memory_space<vmem>>, vector<16xf32>,
        }
        %scan3A_967 = arith.constant 20 : i32
        %dma_start3A_968 = arith.constant 0 : i32
        %dma_start3A_969 = arith.constant 0 : i32
        %dma_start3A_970 = tpu.memref_slice %arg22[%dma_start3A_968, %dma_start3A_969] : memref<10000x144xf32, #tpu.memory_space<vmem_shared>> -> memref<10000x144xf32, #tpu.memory_space<vmem_shared>>
        tpu.enqueue_indirect_dma source(%arg14 : memref<80x144xf32, #tpu.memory_space<vmem>>) target(%dma_start3A_970 : memref<10000x144xf32, #tpu.memory_space<vmem_shared>>) offsets(%arg16 : memref<80xi32, #tpu.memory_space<vmem>>) semaphore(%arg28 : memref<!tpu.dma_semaphore, #tpu.memory_space<semaphore_mem>>) {add = true}
        %ge3A_971 = arith.constant 1 : i32
        %ge3A_972 = arith.cmpi sge, %add3A_562, %ge3A_971 : i32
        %convert_element_type3A_973 = arith.extui %ge3A_972 : i1 to i32
        %cond3A_974 = arith.constant 0 : i32
        %cond3A_975 = arith.cmpi ne, %convert_element_type3A_973, %cond3A_974 : i32
        scf.if %cond3A_975 {
          %dma_wait3A_983 = arith.constant 0 : i32
          %dma_wait3A_984 = arith.constant 0 : i32
          %dma_wait3A_985 = tpu.memref_slice %arg22[%dma_wait3A_983, %dma_wait3A_984] : memref<10000x144xf32, #tpu.memory_space<vmem_shared>> -> memref<80x144xf32, #tpu.memory_space<vmem_shared>>
          %dma_wait3A_986 = arith.constant 0 : i32
          %dma_wait3A_987 = arith.constant 0 : i32
          %dma_wait3A_988 = tpu.memref_slice %arg22[%dma_wait3A_986, %dma_wait3A_987] : memref<10000x144xf32, #tpu.memory_space<vmem_shared>> -> memref<80x144xf32, #tpu.memory_space<vmem_shared>>
          tpu.wait_dma2 semaphore(%arg25 : memref<!tpu.dma_semaphore, #tpu.memory_space<semaphore_mem>>) src(%arg9 : memref<80x144xf32, #tpu.memory_space<vmem>>) dst(%dma_wait3A_988 : memref<80x144xf32, #tpu.memory_space<vmem_shared>>)
        } else {
        }
        %add3A_976 = arith.constant 2 : i32
        %add3A_977 = arith.addi %add3A_562, %add3A_976 : i32
        %lt3A_978 = arith.constant 125 : i32
        %lt3A_979 = arith.cmpi slt, %add3A_977, %lt3A_978 : i32
        %convert_element_type3A_980 = arith.extui %lt3A_979 : i1 to i32
        %cond3A_981 = arith.constant 0 : i32
        %cond3A_982 = arith.cmpi ne, %convert_element_type3A_980, %cond3A_981 : i32
        scf.if %cond3A_982 {
          %dma_wait3A_983 = arith.constant 0 : i32
          %dma_wait3A_984 = tpu.memref_slice %arg4[%dma_wait3A_983] : memref<320000xi32, #tpu.memory_space<hbm>> -> memref<80xi32, #tpu.memory_space<hbm>>
          %dma_wait3A_985 = arith.constant 0 : i32
          %dma_wait3A_986 = tpu.memref_slice %arg4[%dma_wait3A_985] : memref<320000xi32, #tpu.memory_space<hbm>> -> memref<80xi32, #tpu.memory_space<hbm>>
          tpu.wait_dma2 semaphore(%arg23 : memref<!tpu.dma_semaphore, #tpu.memory_space<semaphore_mem>>) src(%dma_wait3A_986 : memref<80xi32, #tpu.memory_space<hbm>>) dst(%arg7 : memref<80xi32, #tpu.memory_space<vmem>>)
          %dma_wait3A_987 = arith.constant 0 : i32
          %dma_wait3A_988 = tpu.memref_slice %arg5[%dma_wait3A_987] : memref<320000xi32, #tpu.memory_space<hbm>> -> memref<80xi32, #tpu.memory_space<hbm>>
          %dma_wait3A_989 = arith.constant 0 : i32
          %dma_wait3A_990 = tpu.memref_slice %arg5[%dma_wait3A_989] : memref<320000xi32, #tpu.memory_space<hbm>> -> memref<80xi32, #tpu.memory_space<hbm>>
          tpu.wait_dma2 semaphore(%arg23 : memref<!tpu.dma_semaphore, #tpu.memory_space<semaphore_mem>>) src(%dma_wait3A_990 : memref<80xi32, #tpu.memory_space<hbm>>) dst(%arg8 : memref<80xi32, #tpu.memory_space<vmem>>)
          %dma_start3A_991 = arith.constant 0 : i32
          %dma_start3A_992 = arith.constant 0 : i32
          %dma_start3A_993 = tpu.memref_slice %arg2[%dma_start3A_991, %dma_start3A_992] : memref<10000x144xf32, #tpu.memory_space<hbm>> -> memref<10000x144xf32, #tpu.memory_space<hbm>>
          tpu.enqueue_indirect_dma source(%dma_start3A_993 : memref<10000x144xf32, #tpu.memory_space<hbm>>) target(%arg9 : memref<80x144xf32, #tpu.memory_space<vmem>>) offsets(%arg7 : memref<80xi32, #tpu.memory_space<vmem>>) semaphore(%arg24 : memref<!tpu.dma_semaphore, #tpu.memory_space<semaphore_mem>>)
          %dma_start3A_994 = arith.constant 0 : i32
          %dma_start3A_995 = arith.constant 0 : i32
          %dma_start3A_996 = tpu.memref_slice %arg3[%dma_start3A_994, %dma_start3A_995] : memref<10000x16xf32, #tpu.memory_space<hbm>> -> memref<10000x16xf32, #tpu.memory_space<hbm>>
          tpu.enqueue_indirect_dma source(%dma_start3A_996 : memref<10000x16xf32, #tpu.memory_space<hbm>>) target(%arg10 : memref<80x16xf32, #tpu.memory_space<vmem>>) offsets(%arg8 : memref<80xi32, #tpu.memory_space<vmem>>) semaphore(%arg24 : memref<!tpu.dma_semaphore, #tpu.memory_space<semaphore_mem>>)
        } else {
        }
      } else {
      }
      %add3A_568 = arith.constant 2 : i32
      %add3A_569 = arith.addi %add3A_158, %add3A_568 : i32
      %lt3A_570 = arith.constant 125 : i32
      %lt3A_571 = arith.cmpi slt, %add3A_569, %lt3A_570 : i32
      %convert_element_type3A_572 = arith.extui %lt3A_571 : i1 to i32
      %cond3A_573 = arith.constant 0 : i32
      %cond3A_574 = arith.cmpi ne, %convert_element_type3A_572, %cond3A_573 : i32
      scf.if %cond3A_574 {
        %dma_wait3A_575 = arith.constant 0 : i32
        %dma_wait3A_576 = arith.constant 0 : i32
        %dma_wait3A_577 = tpu.memref_slice %arg2[%dma_wait3A_575, %dma_wait3A_576] : memref<10000x144xf32, #tpu.memory_space<hbm>> -> memref<10000x144xf32, #tpu.memory_space<hbm>>
        tpu.wait_indirect_dma semaphore(%arg30 : memref<!tpu.dma_semaphore, #tpu.memory_space<semaphore_mem>>) src(%dma_wait3A_577 : memref<10000x144xf32, #tpu.memory_space<hbm>>) dst(%arg19 : memref<80x144xf32, #tpu.memory_space<vmem>>)
        %dma_wait3A_578 = arith.constant 0 : i32
        %dma_wait3A_579 = arith.constant 0 : i32
        %dma_wait3A_580 = tpu.memref_slice %arg3[%dma_wait3A_578, %dma_wait3A_579] : memref<10000x16xf32, #tpu.memory_space<hbm>> -> memref<10000x16xf32, #tpu.memory_space<hbm>>
        tpu.wait_indirect_dma semaphore(%arg30 : memref<!tpu.dma_semaphore, #tpu.memory_space<semaphore_mem>>) src(%dma_wait3A_580 : memref<10000x16xf32, #tpu.memory_space<hbm>>) dst(%arg20 : memref<80x16xf32, #tpu.memory_space<vmem>>)
        %get3A_581 = arith.constant 0 : index
        %get3A_582 = tpu.vector_load %arg18[%get3A_581] {strides = array<i32>} : memref<80xi32, #tpu.memory_space<vmem>>, vector<16xi32>,
        %swap3A_583 = arith.constant 0 : index
        %swap3A_584 = tpu.vector_load %arg21[%swap3A_583] {strides = array<i32>} : memref<80xi32, #tpu.memory_space<vmem>>, vector<16xi32>,
        tpu.vector_store %arg21[%swap3A_583], %get3A_582 {strides = array<i32>} : memref<80xi32, #tpu.memory_space<vmem>>, vector<16xi32>,
        %get3A_585 = arith.constant 16 : index
        %get3A_586 = tpu.vector_load %arg18[%get3A_585] {strides = array<i32>} : memref<80xi32, #tpu.memory_space<vmem>>, vector<16xi32>,
        %swap3A_587 = arith.constant 16 : index
        %swap3A_588 = tpu.vector_load %arg21[%swap3A_587] {strides = array<i32>} : memref<80xi32, #tpu.memory_space<vmem>>, vector<16xi32>,
        tpu.vector_store %arg21[%swap3A_587], %get3A_586 {strides = array<i32>} : memref<80xi32, #tpu.memory_space<vmem>>, vector<16xi32>,
        %get3A_589 = arith.constant 32 : index
        %get3A_590 = tpu.vector_load %arg18[%get3A_589] {strides = array<i32>} : memref<80xi32, #tpu.memory_space<vmem>>, vector<16xi32>,
        %swap3A_591 = arith.constant 32 : index
        %swap3A_592 = tpu.vector_load %arg21[%swap3A_591] {strides = array<i32>} : memref<80xi32, #tpu.memory_space<vmem>>, vector<16xi32>,
        tpu.vector_store %arg21[%swap3A_591], %get3A_590 {strides = array<i32>} : memref<80xi32, #tpu.memory_space<vmem>>, vector<16xi32>,
        %get3A_593 = arith.constant 48 : index
        %get3A_594 = tpu.vector_load %arg18[%get3A_593] {strides = array<i32>} : memref<80xi32, #tpu.memory_space<vmem>>, vector<16xi32>,
        %swap3A_595 = arith.constant 48 : index
        %swap3A_596 = tpu.vector_load %arg21[%swap3A_595] {strides = array<i32>} : memref<80xi32, #tpu.memory_space<vmem>>, vector<16xi32>,
        tpu.vector_store %arg21[%swap3A_595], %get3A_594 {strides = array<i32>} : memref<80xi32, #tpu.memory_space<vmem>>, vector<16xi32>,
        %get3A_597 = arith.constant 64 : index
        %get3A_598 = tpu.vector_load %arg18[%get3A_597] {strides = array<i32>} : memref<80xi32, #tpu.memory_space<vmem>>, vector<16xi32>,
        %swap3A_599 = arith.constant 64 : index
        %swap3A_600 = tpu.vector_load %arg21[%swap3A_599] {strides = array<i32>} : memref<80xi32, #tpu.memory_space<vmem>>, vector<16xi32>,
        tpu.vector_store %arg21[%swap3A_599], %get3A_598 {strides = array<i32>} : memref<80xi32, #tpu.memory_space<vmem>>, vector<16xi32>,
        %add3A_601 = arith.constant 2 : i32
        %add3A_602 = arith.addi %add3A_569, %add3A_601 : i32
        %lt3A_603 = arith.constant 125 : i32
        %lt3A_604 = arith.cmpi slt, %add3A_602, %lt3A_603 : i32
        %convert_element_type3A_605 = arith.extui %lt3A_604 : i1 to i32
        %cond3A_606 = arith.constant 0 : i32
        %cond3A_607 = arith.cmpi ne, %convert_element_type3A_605, %cond3A_606 : i32
        scf.if %cond3A_607 {
          %add3A_983 = arith.constant 2 : i32
          %add3A_984 = arith.addi %add3A_569, %add3A_983 : i32
          %mul3A_985 = arith.constant 80 : i32
          %mul3A_986 = arith.muli %add3A_984, %mul3A_985 : i32
          %add3A_987 = arith.addi %mul3A_3, %mul3A_986 : i32
          %multiple_of3A_988 = tpu.assume_multiple %add3A_987, 8 : i32
          %dma_start3A_989 = tpu.memref_slice %arg4[%multiple_of3A_988] : memref<320000xi32, #tpu.memory_space<hbm>> -> memref<80xi32, #tpu.memory_space<hbm>>
          %dma_start3A_990 = tpu.memref_slice %arg4[%multiple_of3A_988] : memref<320000xi32, #tpu.memory_space<hbm>> -> memref<80xi32, #tpu.memory_space<hbm>>
          tpu.enqueue_dma source(%dma_start3A_990 : memref<80xi32, #tpu.memory_space<hbm>>) target(%arg12 : memref<80xi32, #tpu.memory_space<vmem>>) target_semaphore(%arg26 : memref<!tpu.dma_semaphore, #tpu.memory_space<semaphore_mem>>)
          %dma_start3A_991 = tpu.memref_slice %arg5[%multiple_of3A_988] : memref<320000xi32, #tpu.memory_space<hbm>> -> memref<80xi32, #tpu.memory_space<hbm>>
          %dma_start3A_992 = tpu.memref_slice %arg5[%multiple_of3A_988] : memref<320000xi32, #tpu.memory_space<hbm>> -> memref<80xi32, #tpu.memory_space<hbm>>
          tpu.enqueue_dma source(%dma_start3A_992 : memref<80xi32, #tpu.memory_space<hbm>>) target(%arg13 : memref<80xi32, #tpu.memory_space<vmem>>) target_semaphore(%arg26 : memref<!tpu.dma_semaphore, #tpu.memory_space<semaphore_mem>>)
        } else {
        }
        %add3A_608 = arith.constant 0 : i32
        %add3A_609 = vector.broadcast %add3A_608 : i32 to vector<16xi32>
        %add3A_610 = arith.addi %iota3A, %add3A_609 : vector<16xi32>
        %broadcast_in_dim3A_611 = arith.constant 128 : i32
        %broadcast_in_dim3A_612 = vector.broadcast %broadcast_in_dim3A_611 : i32 to vector<16xi32>
        %gather3A_613 = tpu.vector_load_idx %arg19[%add3A_610, %broadcast_in_dim3A_612] : memref<80x144xf32, #tpu.memory_space<vmem>>[vector<16xi32>, vector<16xi32>], vector<16xf32>,
        %broadcast_in_dim3A_614 = arith.constant 0 : i32
        %broadcast_in_dim3A_615 = vector.broadcast %broadcast_in_dim3A_614 : i32 to vector<16xi32>
        %gather3A_616 = tpu.vector_load_idx %arg20[%add3A_610, %broadcast_in_dim3A_615] : memref<80x16xf32, #tpu.memory_space<vmem>>[vector<16xi32>, vector<16xi32>], vector<16xf32>,
        %add3A_617 = arith.addf %gather3A_613, %gather3A_616 : vector<16xf32>
        %ge3A_618 = arith.constant 0.000000e+00 : f32
        %ge3A_619 = vector.broadcast %ge3A_618 : f32 to vector<16xf32>
        %ge3A_620 = arith.cmpf oge, %add3A_617, %ge3A_619 : vector<16xf32>
        %mul3A_621 = arith.constant 2.000000e-01 : f32
        %mul3A_622 = vector.broadcast %mul3A_621 : f32 to vector<16xf32>
        %mul3A_623 = arith.mulf %add3A_617, %mul3A_622 : vector<16xf32>
        %select_n3A_624 = arith.select %ge3A_620, %add3A_617, %mul3A_623 : vector<16xi1>, vector<16xf32>
        %exp3A_625 = math.exp %select_n3A_624 : vector<16xf32>
        %broadcast_in_dim3A_626 = arith.constant 128 : i32
        %broadcast_in_dim3A_627 = vector.broadcast %broadcast_in_dim3A_626 : i32 to vector<16xi32>
        tpu.vector_store_idx %arg19[%add3A_610, %broadcast_in_dim3A_627], %exp3A_625 : memref<80x144xf32, #tpu.memory_space<vmem>>[vector<16xi32>, vector<16xi32>], vector<16xf32>,
        %broadcast_in_dim3A_628 = arith.constant 129 : i32
        %broadcast_in_dim3A_629 = vector.broadcast %broadcast_in_dim3A_628 : i32 to vector<16xi32>
        %gather3A_630 = tpu.vector_load_idx %arg19[%add3A_610, %broadcast_in_dim3A_629] : memref<80x144xf32, #tpu.memory_space<vmem>>[vector<16xi32>, vector<16xi32>], vector<16xf32>,
        %broadcast_in_dim3A_631 = arith.constant 1 : i32
        %broadcast_in_dim3A_632 = vector.broadcast %broadcast_in_dim3A_631 : i32 to vector<16xi32>
        %gather3A_633 = tpu.vector_load_idx %arg20[%add3A_610, %broadcast_in_dim3A_632] : memref<80x16xf32, #tpu.memory_space<vmem>>[vector<16xi32>, vector<16xi32>], vector<16xf32>,
        %add3A_634 = arith.addf %gather3A_630, %gather3A_633 : vector<16xf32>
        %ge3A_635 = arith.constant 0.000000e+00 : f32
        %ge3A_636 = vector.broadcast %ge3A_635 : f32 to vector<16xf32>
        %ge3A_637 = arith.cmpf oge, %add3A_634, %ge3A_636 : vector<16xf32>
        %mul3A_638 = arith.constant 2.000000e-01 : f32
        %mul3A_639 = vector.broadcast %mul3A_638 : f32 to vector<16xf32>
        %mul3A_640 = arith.mulf %add3A_634, %mul3A_639 : vector<16xf32>
        %select_n3A_641 = arith.select %ge3A_637, %add3A_634, %mul3A_640 : vector<16xi1>, vector<16xf32>
        %exp3A_642 = math.exp %select_n3A_641 : vector<16xf32>
        %broadcast_in_dim3A_643 = arith.constant 129 : i32
        %broadcast_in_dim3A_644 = vector.broadcast %broadcast_in_dim3A_643 : i32 to vector<16xi32>
        tpu.vector_store_idx %arg19[%add3A_610, %broadcast_in_dim3A_644], %exp3A_642 : memref<80x144xf32, #tpu.memory_space<vmem>>[vector<16xi32>, vector<16xi32>], vector<16xf32>,
        %broadcast_in_dim3A_645 = arith.constant 130 : i32
        %broadcast_in_dim3A_646 = vector.broadcast %broadcast_in_dim3A_645 : i32 to vector<16xi32>
        %gather3A_647 = tpu.vector_load_idx %arg19[%add3A_610, %broadcast_in_dim3A_646] : memref<80x144xf32, #tpu.memory_space<vmem>>[vector<16xi32>, vector<16xi32>], vector<16xf32>,
        %broadcast_in_dim3A_648 = arith.constant 2 : i32
        %broadcast_in_dim3A_649 = vector.broadcast %broadcast_in_dim3A_648 : i32 to vector<16xi32>
        %gather3A_650 = tpu.vector_load_idx %arg20[%add3A_610, %broadcast_in_dim3A_649] : memref<80x16xf32, #tpu.memory_space<vmem>>[vector<16xi32>, vector<16xi32>], vector<16xf32>,
        %add3A_651 = arith.addf %gather3A_647, %gather3A_650 : vector<16xf32>
        %ge3A_652 = arith.constant 0.000000e+00 : f32
        %ge3A_653 = vector.broadcast %ge3A_652 : f32 to vector<16xf32>
        %ge3A_654 = arith.cmpf oge, %add3A_651, %ge3A_653 : vector<16xf32>
        %mul3A_655 = arith.constant 2.000000e-01 : f32
        %mul3A_656 = vector.broadcast %mul3A_655 : f32 to vector<16xf32>
        %mul3A_657 = arith.mulf %add3A_651, %mul3A_656 : vector<16xf32>
        %select_n3A_658 = arith.select %ge3A_654, %add3A_651, %mul3A_657 : vector<16xi1>, vector<16xf32>
        %exp3A_659 = math.exp %select_n3A_658 : vector<16xf32>
        %broadcast_in_dim3A_660 = arith.constant 130 : i32
        %broadcast_in_dim3A_661 = vector.broadcast %broadcast_in_dim3A_660 : i32 to vector<16xi32>
        tpu.vector_store_idx %arg19[%add3A_610, %broadcast_in_dim3A_661], %exp3A_659 : memref<80x144xf32, #tpu.memory_space<vmem>>[vector<16xi32>, vector<16xi32>], vector<16xf32>,
        %broadcast_in_dim3A_662 = arith.constant 131 : i32
        %broadcast_in_dim3A_663 = vector.broadcast %broadcast_in_dim3A_662 : i32 to vector<16xi32>
        %gather3A_664 = tpu.vector_load_idx %arg19[%add3A_610, %broadcast_in_dim3A_663] : memref<80x144xf32, #tpu.memory_space<vmem>>[vector<16xi32>, vector<16xi32>], vector<16xf32>,
        %broadcast_in_dim3A_665 = arith.constant 3 : i32
        %broadcast_in_dim3A_666 = vector.broadcast %broadcast_in_dim3A_665 : i32 to vector<16xi32>
        %gather3A_667 = tpu.vector_load_idx %arg20[%add3A_610, %broadcast_in_dim3A_666] : memref<80x16xf32, #tpu.memory_space<vmem>>[vector<16xi32>, vector<16xi32>], vector<16xf32>,
        %add3A_668 = arith.addf %gather3A_664, %gather3A_667 : vector<16xf32>
        %ge3A_669 = arith.constant 0.000000e+00 : f32
        %ge3A_670 = vector.broadcast %ge3A_669 : f32 to vector<16xf32>
        %ge3A_671 = arith.cmpf oge, %add3A_668, %ge3A_670 : vector<16xf32>
        %mul3A_672 = arith.constant 2.000000e-01 : f32
        %mul3A_673 = vector.broadcast %mul3A_672 : f32 to vector<16xf32>
        %mul3A_674 = arith.mulf %add3A_668, %mul3A_673 : vector<16xf32>
        %select_n3A_675 = arith.select %ge3A_671, %add3A_668, %mul3A_674 : vector<16xi1>, vector<16xf32>
        %exp3A_676 = math.exp %select_n3A_675 : vector<16xf32>
        %broadcast_in_dim3A_677 = arith.constant 131 : i32
        %broadcast_in_dim3A_678 = vector.broadcast %broadcast_in_dim3A_677 : i32 to vector<16xi32>
        tpu.vector_store_idx %arg19[%add3A_610, %broadcast_in_dim3A_678], %exp3A_676 : memref<80x144xf32, #tpu.memory_space<vmem>>[vector<16xi32>, vector<16xi32>], vector<16xf32>,
        %add3A_679 = arith.constant 16 : i32
        %add3A_680 = vector.broadcast %add3A_679 : i32 to vector<16xi32>
        %add3A_681 = arith.addi %iota3A, %add3A_680 : vector<16xi32>
        %broadcast_in_dim3A_682 = arith.constant 128 : i32
        %broadcast_in_dim3A_683 = vector.broadcast %broadcast_in_dim3A_682 : i32 to vector<16xi32>
        %gather3A_684 = tpu.vector_load_idx %arg19[%add3A_681, %broadcast_in_dim3A_683] : memref<80x144xf32, #tpu.memory_space<vmem>>[vector<16xi32>, vector<16xi32>], vector<16xf32>,
        %broadcast_in_dim3A_685 = arith.constant 0 : i32
        %broadcast_in_dim3A_686 = vector.broadcast %broadcast_in_dim3A_685 : i32 to vector<16xi32>
        %gather3A_687 = tpu.vector_load_idx %arg20[%add3A_681, %broadcast_in_dim3A_686] : memref<80x16xf32, #tpu.memory_space<vmem>>[vector<16xi32>, vector<16xi32>], vector<16xf32>,
        %add3A_688 = arith.addf %gather3A_684, %gather3A_687 : vector<16xf32>
        %ge3A_689 = arith.constant 0.000000e+00 : f32
        %ge3A_690 = vector.broadcast %ge3A_689 : f32 to vector<16xf32>
        %ge3A_691 = arith.cmpf oge, %add3A_688, %ge3A_690 : vector<16xf32>
        %mul3A_692 = arith.constant 2.000000e-01 : f32
        %mul3A_693 = vector.broadcast %mul3A_692 : f32 to vector<16xf32>
        %mul3A_694 = arith.mulf %add3A_688, %mul3A_693 : vector<16xf32>
        %select_n3A_695 = arith.select %ge3A_691, %add3A_688, %mul3A_694 : vector<16xi1>, vector<16xf32>
        %exp3A_696 = math.exp %select_n3A_695 : vector<16xf32>
        %broadcast_in_dim3A_697 = arith.constant 128 : i32
        %broadcast_in_dim3A_698 = vector.broadcast %broadcast_in_dim3A_697 : i32 to vector<16xi32>
        tpu.vector_store_idx %arg19[%add3A_681, %broadcast_in_dim3A_698], %exp3A_696 : memref<80x144xf32, #tpu.memory_space<vmem>>[vector<16xi32>, vector<16xi32>], vector<16xf32>,
        %broadcast_in_dim3A_699 = arith.constant 129 : i32
        %broadcast_in_dim3A_700 = vector.broadcast %broadcast_in_dim3A_699 : i32 to vector<16xi32>
        %gather3A_701 = tpu.vector_load_idx %arg19[%add3A_681, %broadcast_in_dim3A_700] : memref<80x144xf32, #tpu.memory_space<vmem>>[vector<16xi32>, vector<16xi32>], vector<16xf32>,
        %broadcast_in_dim3A_702 = arith.constant 1 : i32
        %broadcast_in_dim3A_703 = vector.broadcast %broadcast_in_dim3A_702 : i32 to vector<16xi32>
        %gather3A_704 = tpu.vector_load_idx %arg20[%add3A_681, %broadcast_in_dim3A_703] : memref<80x16xf32, #tpu.memory_space<vmem>>[vector<16xi32>, vector<16xi32>], vector<16xf32>,
        %add3A_705 = arith.addf %gather3A_701, %gather3A_704 : vector<16xf32>
        %ge3A_706 = arith.constant 0.000000e+00 : f32
        %ge3A_707 = vector.broadcast %ge3A_706 : f32 to vector<16xf32>
        %ge3A_708 = arith.cmpf oge, %add3A_705, %ge3A_707 : vector<16xf32>
        %mul3A_709 = arith.constant 2.000000e-01 : f32
        %mul3A_710 = vector.broadcast %mul3A_709 : f32 to vector<16xf32>
        %mul3A_711 = arith.mulf %add3A_705, %mul3A_710 : vector<16xf32>
        %select_n3A_712 = arith.select %ge3A_708, %add3A_705, %mul3A_711 : vector<16xi1>, vector<16xf32>
        %exp3A_713 = math.exp %select_n3A_712 : vector<16xf32>
        %broadcast_in_dim3A_714 = arith.constant 129 : i32
        %broadcast_in_dim3A_715 = vector.broadcast %broadcast_in_dim3A_714 : i32 to vector<16xi32>
        tpu.vector_store_idx %arg19[%add3A_681, %broadcast_in_dim3A_715], %exp3A_713 : memref<80x144xf32, #tpu.memory_space<vmem>>[vector<16xi32>, vector<16xi32>], vector<16xf32>,
        %broadcast_in_dim3A_716 = arith.constant 130 : i32
        %broadcast_in_dim3A_717 = vector.broadcast %broadcast_in_dim3A_716 : i32 to vector<16xi32>
        %gather3A_718 = tpu.vector_load_idx %arg19[%add3A_681, %broadcast_in_dim3A_717] : memref<80x144xf32, #tpu.memory_space<vmem>>[vector<16xi32>, vector<16xi32>], vector<16xf32>,
        %broadcast_in_dim3A_719 = arith.constant 2 : i32
        %broadcast_in_dim3A_720 = vector.broadcast %broadcast_in_dim3A_719 : i32 to vector<16xi32>
        %gather3A_721 = tpu.vector_load_idx %arg20[%add3A_681, %broadcast_in_dim3A_720] : memref<80x16xf32, #tpu.memory_space<vmem>>[vector<16xi32>, vector<16xi32>], vector<16xf32>,
        %add3A_722 = arith.addf %gather3A_718, %gather3A_721 : vector<16xf32>
        %ge3A_723 = arith.constant 0.000000e+00 : f32
        %ge3A_724 = vector.broadcast %ge3A_723 : f32 to vector<16xf32>
        %ge3A_725 = arith.cmpf oge, %add3A_722, %ge3A_724 : vector<16xf32>
        %mul3A_726 = arith.constant 2.000000e-01 : f32
        %mul3A_727 = vector.broadcast %mul3A_726 : f32 to vector<16xf32>
        %mul3A_728 = arith.mulf %add3A_722, %mul3A_727 : vector<16xf32>
        %select_n3A_729 = arith.select %ge3A_725, %add3A_722, %mul3A_728 : vector<16xi1>, vector<16xf32>
        %exp3A_730 = math.exp %select_n3A_729 : vector<16xf32>
        %broadcast_in_dim3A_731 = arith.constant 130 : i32
        %broadcast_in_dim3A_732 = vector.broadcast %broadcast_in_dim3A_731 : i32 to vector<16xi32>
        tpu.vector_store_idx %arg19[%add3A_681, %broadcast_in_dim3A_732], %exp3A_730 : memref<80x144xf32, #tpu.memory_space<vmem>>[vector<16xi32>, vector<16xi32>], vector<16xf32>,
        %broadcast_in_dim3A_733 = arith.constant 131 : i32
        %broadcast_in_dim3A_734 = vector.broadcast %broadcast_in_dim3A_733 : i32 to vector<16xi32>
        %gather3A_735 = tpu.vector_load_idx %arg19[%add3A_681, %broadcast_in_dim3A_734] : memref<80x144xf32, #tpu.memory_space<vmem>>[vector<16xi32>, vector<16xi32>], vector<16xf32>,
        %broadcast_in_dim3A_736 = arith.constant 3 : i32
        %broadcast_in_dim3A_737 = vector.broadcast %broadcast_in_dim3A_736 : i32 to vector<16xi32>
        %gather3A_738 = tpu.vector_load_idx %arg20[%add3A_681, %broadcast_in_dim3A_737] : memref<80x16xf32, #tpu.memory_space<vmem>>[vector<16xi32>, vector<16xi32>], vector<16xf32>,
        %add3A_739 = arith.addf %gather3A_735, %gather3A_738 : vector<16xf32>
        %ge3A_740 = arith.constant 0.000000e+00 : f32
        %ge3A_741 = vector.broadcast %ge3A_740 : f32 to vector<16xf32>
        %ge3A_742 = arith.cmpf oge, %add3A_739, %ge3A_741 : vector<16xf32>
        %mul3A_743 = arith.constant 2.000000e-01 : f32
        %mul3A_744 = vector.broadcast %mul3A_743 : f32 to vector<16xf32>
        %mul3A_745 = arith.mulf %add3A_739, %mul3A_744 : vector<16xf32>
        %select_n3A_746 = arith.select %ge3A_742, %add3A_739, %mul3A_745 : vector<16xi1>, vector<16xf32>
        %exp3A_747 = math.exp %select_n3A_746 : vector<16xf32>
        %broadcast_in_dim3A_748 = arith.constant 131 : i32
        %broadcast_in_dim3A_749 = vector.broadcast %broadcast_in_dim3A_748 : i32 to vector<16xi32>
        tpu.vector_store_idx %arg19[%add3A_681, %broadcast_in_dim3A_749], %exp3A_747 : memref<80x144xf32, #tpu.memory_space<vmem>>[vector<16xi32>, vector<16xi32>], vector<16xf32>,
        %add3A_750 = arith.constant 32 : i32
        %add3A_751 = vector.broadcast %add3A_750 : i32 to vector<16xi32>
        %add3A_752 = arith.addi %iota3A, %add3A_751 : vector<16xi32>
        %broadcast_in_dim3A_753 = arith.constant 128 : i32
        %broadcast_in_dim3A_754 = vector.broadcast %broadcast_in_dim3A_753 : i32 to vector<16xi32>
        %gather3A_755 = tpu.vector_load_idx %arg19[%add3A_752, %broadcast_in_dim3A_754] : memref<80x144xf32, #tpu.memory_space<vmem>>[vector<16xi32>, vector<16xi32>], vector<16xf32>,
        %broadcast_in_dim3A_756 = arith.constant 0 : i32
        %broadcast_in_dim3A_757 = vector.broadcast %broadcast_in_dim3A_756 : i32 to vector<16xi32>
        %gather3A_758 = tpu.vector_load_idx %arg20[%add3A_752, %broadcast_in_dim3A_757] : memref<80x16xf32, #tpu.memory_space<vmem>>[vector<16xi32>, vector<16xi32>], vector<16xf32>,
        %add3A_759 = arith.addf %gather3A_755, %gather3A_758 : vector<16xf32>
        %ge3A_760 = arith.constant 0.000000e+00 : f32
        %ge3A_761 = vector.broadcast %ge3A_760 : f32 to vector<16xf32>
        %ge3A_762 = arith.cmpf oge, %add3A_759, %ge3A_761 : vector<16xf32>
        %mul3A_763 = arith.constant 2.000000e-01 : f32
        %mul3A_764 = vector.broadcast %mul3A_763 : f32 to vector<16xf32>
        %mul3A_765 = arith.mulf %add3A_759, %mul3A_764 : vector<16xf32>
        %select_n3A_766 = arith.select %ge3A_762, %add3A_759, %mul3A_765 : vector<16xi1>, vector<16xf32>
        %exp3A_767 = math.exp %select_n3A_766 : vector<16xf32>
        %broadcast_in_dim3A_768 = arith.constant 128 : i32
        %broadcast_in_dim3A_769 = vector.broadcast %broadcast_in_dim3A_768 : i32 to vector<16xi32>
        tpu.vector_store_idx %arg19[%add3A_752, %broadcast_in_dim3A_769], %exp3A_767 : memref<80x144xf32, #tpu.memory_space<vmem>>[vector<16xi32>, vector<16xi32>], vector<16xf32>,
        %broadcast_in_dim3A_770 = arith.constant 129 : i32
        %broadcast_in_dim3A_771 = vector.broadcast %broadcast_in_dim3A_770 : i32 to vector<16xi32>
        %gather3A_772 = tpu.vector_load_idx %arg19[%add3A_752, %broadcast_in_dim3A_771] : memref<80x144xf32, #tpu.memory_space<vmem>>[vector<16xi32>, vector<16xi32>], vector<16xf32>,
        %broadcast_in_dim3A_773 = arith.constant 1 : i32
        %broadcast_in_dim3A_774 = vector.broadcast %broadcast_in_dim3A_773 : i32 to vector<16xi32>
        %gather3A_775 = tpu.vector_load_idx %arg20[%add3A_752, %broadcast_in_dim3A_774] : memref<80x16xf32, #tpu.memory_space<vmem>>[vector<16xi32>, vector<16xi32>], vector<16xf32>,
        %add3A_776 = arith.addf %gather3A_772, %gather3A_775 : vector<16xf32>
        %ge3A_777 = arith.constant 0.000000e+00 : f32
        %ge3A_778 = vector.broadcast %ge3A_777 : f32 to vector<16xf32>
        %ge3A_779 = arith.cmpf oge, %add3A_776, %ge3A_778 : vector<16xf32>
        %mul3A_780 = arith.constant 2.000000e-01 : f32
        %mul3A_781 = vector.broadcast %mul3A_780 : f32 to vector<16xf32>
        %mul3A_782 = arith.mulf %add3A_776, %mul3A_781 : vector<16xf32>
        %select_n3A_783 = arith.select %ge3A_779, %add3A_776, %mul3A_782 : vector<16xi1>, vector<16xf32>
        %exp3A_784 = math.exp %select_n3A_783 : vector<16xf32>
        %broadcast_in_dim3A_785 = arith.constant 129 : i32
        %broadcast_in_dim3A_786 = vector.broadcast %broadcast_in_dim3A_785 : i32 to vector<16xi32>
        tpu.vector_store_idx %arg19[%add3A_752, %broadcast_in_dim3A_786], %exp3A_784 : memref<80x144xf32, #tpu.memory_space<vmem>>[vector<16xi32>, vector<16xi32>], vector<16xf32>,
        %broadcast_in_dim3A_787 = arith.constant 130 : i32
        %broadcast_in_dim3A_788 = vector.broadcast %broadcast_in_dim3A_787 : i32 to vector<16xi32>
        %gather3A_789 = tpu.vector_load_idx %arg19[%add3A_752, %broadcast_in_dim3A_788] : memref<80x144xf32, #tpu.memory_space<vmem>>[vector<16xi32>, vector<16xi32>], vector<16xf32>,
        %broadcast_in_dim3A_790 = arith.constant 2 : i32
        %broadcast_in_dim3A_791 = vector.broadcast %broadcast_in_dim3A_790 : i32 to vector<16xi32>
        %gather3A_792 = tpu.vector_load_idx %arg20[%add3A_752, %broadcast_in_dim3A_791] : memref<80x16xf32, #tpu.memory_space<vmem>>[vector<16xi32>, vector<16xi32>], vector<16xf32>,
        %add3A_793 = arith.addf %gather3A_789, %gather3A_792 : vector<16xf32>
        %ge3A_794 = arith.constant 0.000000e+00 : f32
        %ge3A_795 = vector.broadcast %ge3A_794 : f32 to vector<16xf32>
        %ge3A_796 = arith.cmpf oge, %add3A_793, %ge3A_795 : vector<16xf32>
        %mul3A_797 = arith.constant 2.000000e-01 : f32
        %mul3A_798 = vector.broadcast %mul3A_797 : f32 to vector<16xf32>
        %mul3A_799 = arith.mulf %add3A_793, %mul3A_798 : vector<16xf32>
        %select_n3A_800 = arith.select %ge3A_796, %add3A_793, %mul3A_799 : vector<16xi1>, vector<16xf32>
        %exp3A_801 = math.exp %select_n3A_800 : vector<16xf32>
        %broadcast_in_dim3A_802 = arith.constant 130 : i32
        %broadcast_in_dim3A_803 = vector.broadcast %broadcast_in_dim3A_802 : i32 to vector<16xi32>
        tpu.vector_store_idx %arg19[%add3A_752, %broadcast_in_dim3A_803], %exp3A_801 : memref<80x144xf32, #tpu.memory_space<vmem>>[vector<16xi32>, vector<16xi32>], vector<16xf32>,
        %broadcast_in_dim3A_804 = arith.constant 131 : i32
        %broadcast_in_dim3A_805 = vector.broadcast %broadcast_in_dim3A_804 : i32 to vector<16xi32>
        %gather3A_806 = tpu.vector_load_idx %arg19[%add3A_752, %broadcast_in_dim3A_805] : memref<80x144xf32, #tpu.memory_space<vmem>>[vector<16xi32>, vector<16xi32>], vector<16xf32>,
        %broadcast_in_dim3A_807 = arith.constant 3 : i32
        %broadcast_in_dim3A_808 = vector.broadcast %broadcast_in_dim3A_807 : i32 to vector<16xi32>
        %gather3A_809 = tpu.vector_load_idx %arg20[%add3A_752, %broadcast_in_dim3A_808] : memref<80x16xf32, #tpu.memory_space<vmem>>[vector<16xi32>, vector<16xi32>], vector<16xf32>,
        %add3A_810 = arith.addf %gather3A_806, %gather3A_809 : vector<16xf32>
        %ge3A_811 = arith.constant 0.000000e+00 : f32
        %ge3A_812 = vector.broadcast %ge3A_811 : f32 to vector<16xf32>
        %ge3A_813 = arith.cmpf oge, %add3A_810, %ge3A_812 : vector<16xf32>
        %mul3A_814 = arith.constant 2.000000e-01 : f32
        %mul3A_815 = vector.broadcast %mul3A_814 : f32 to vector<16xf32>
        %mul3A_816 = arith.mulf %add3A_810, %mul3A_815 : vector<16xf32>
        %select_n3A_817 = arith.select %ge3A_813, %add3A_810, %mul3A_816 : vector<16xi1>, vector<16xf32>
        %exp3A_818 = math.exp %select_n3A_817 : vector<16xf32>
        %broadcast_in_dim3A_819 = arith.constant 131 : i32
        %broadcast_in_dim3A_820 = vector.broadcast %broadcast_in_dim3A_819 : i32 to vector<16xi32>
        tpu.vector_store_idx %arg19[%add3A_752, %broadcast_in_dim3A_820], %exp3A_818 : memref<80x144xf32, #tpu.memory_space<vmem>>[vector<16xi32>, vector<16xi32>], vector<16xf32>,
        %add3A_821 = arith.constant 48 : i32
        %add3A_822 = vector.broadcast %add3A_821 : i32 to vector<16xi32>
        %add3A_823 = arith.addi %iota3A, %add3A_822 : vector<16xi32>
        %broadcast_in_dim3A_824 = arith.constant 128 : i32
        %broadcast_in_dim3A_825 = vector.broadcast %broadcast_in_dim3A_824 : i32 to vector<16xi32>
        %gather3A_826 = tpu.vector_load_idx %arg19[%add3A_823, %broadcast_in_dim3A_825] : memref<80x144xf32, #tpu.memory_space<vmem>>[vector<16xi32>, vector<16xi32>], vector<16xf32>,
        %broadcast_in_dim3A_827 = arith.constant 0 : i32
        %broadcast_in_dim3A_828 = vector.broadcast %broadcast_in_dim3A_827 : i32 to vector<16xi32>
        %gather3A_829 = tpu.vector_load_idx %arg20[%add3A_823, %broadcast_in_dim3A_828] : memref<80x16xf32, #tpu.memory_space<vmem>>[vector<16xi32>, vector<16xi32>], vector<16xf32>,
        %add3A_830 = arith.addf %gather3A_826, %gather3A_829 : vector<16xf32>
        %ge3A_831 = arith.constant 0.000000e+00 : f32
        %ge3A_832 = vector.broadcast %ge3A_831 : f32 to vector<16xf32>
        %ge3A_833 = arith.cmpf oge, %add3A_830, %ge3A_832 : vector<16xf32>
        %mul3A_834 = arith.constant 2.000000e-01 : f32
        %mul3A_835 = vector.broadcast %mul3A_834 : f32 to vector<16xf32>
        %mul3A_836 = arith.mulf %add3A_830, %mul3A_835 : vector<16xf32>
        %select_n3A_837 = arith.select %ge3A_833, %add3A_830, %mul3A_836 : vector<16xi1>, vector<16xf32>
        %exp3A_838 = math.exp %select_n3A_837 : vector<16xf32>
        %broadcast_in_dim3A_839 = arith.constant 128 : i32
        %broadcast_in_dim3A_840 = vector.broadcast %broadcast_in_dim3A_839 : i32 to vector<16xi32>
        tpu.vector_store_idx %arg19[%add3A_823, %broadcast_in_dim3A_840], %exp3A_838 : memref<80x144xf32, #tpu.memory_space<vmem>>[vector<16xi32>, vector<16xi32>], vector<16xf32>,
        %broadcast_in_dim3A_841 = arith.constant 129 : i32
        %broadcast_in_dim3A_842 = vector.broadcast %broadcast_in_dim3A_841 : i32 to vector<16xi32>
        %gather3A_843 = tpu.vector_load_idx %arg19[%add3A_823, %broadcast_in_dim3A_842] : memref<80x144xf32, #tpu.memory_space<vmem>>[vector<16xi32>, vector<16xi32>], vector<16xf32>,
        %broadcast_in_dim3A_844 = arith.constant 1 : i32
        %broadcast_in_dim3A_845 = vector.broadcast %broadcast_in_dim3A_844 : i32 to vector<16xi32>
        %gather3A_846 = tpu.vector_load_idx %arg20[%add3A_823, %broadcast_in_dim3A_845] : memref<80x16xf32, #tpu.memory_space<vmem>>[vector<16xi32>, vector<16xi32>], vector<16xf32>,
        %add3A_847 = arith.addf %gather3A_843, %gather3A_846 : vector<16xf32>
        %ge3A_848 = arith.constant 0.000000e+00 : f32
        %ge3A_849 = vector.broadcast %ge3A_848 : f32 to vector<16xf32>
        %ge3A_850 = arith.cmpf oge, %add3A_847, %ge3A_849 : vector<16xf32>
        %mul3A_851 = arith.constant 2.000000e-01 : f32
        %mul3A_852 = vector.broadcast %mul3A_851 : f32 to vector<16xf32>
        %mul3A_853 = arith.mulf %add3A_847, %mul3A_852 : vector<16xf32>
        %select_n3A_854 = arith.select %ge3A_850, %add3A_847, %mul3A_853 : vector<16xi1>, vector<16xf32>
        %exp3A_855 = math.exp %select_n3A_854 : vector<16xf32>
        %broadcast_in_dim3A_856 = arith.constant 129 : i32
        %broadcast_in_dim3A_857 = vector.broadcast %broadcast_in_dim3A_856 : i32 to vector<16xi32>
        tpu.vector_store_idx %arg19[%add3A_823, %broadcast_in_dim3A_857], %exp3A_855 : memref<80x144xf32, #tpu.memory_space<vmem>>[vector<16xi32>, vector<16xi32>], vector<16xf32>,
        %broadcast_in_dim3A_858 = arith.constant 130 : i32
        %broadcast_in_dim3A_859 = vector.broadcast %broadcast_in_dim3A_858 : i32 to vector<16xi32>
        %gather3A_860 = tpu.vector_load_idx %arg19[%add3A_823, %broadcast_in_dim3A_859] : memref<80x144xf32, #tpu.memory_space<vmem>>[vector<16xi32>, vector<16xi32>], vector<16xf32>,
        %broadcast_in_dim3A_861 = arith.constant 2 : i32
        %broadcast_in_dim3A_862 = vector.broadcast %broadcast_in_dim3A_861 : i32 to vector<16xi32>
        %gather3A_863 = tpu.vector_load_idx %arg20[%add3A_823, %broadcast_in_dim3A_862] : memref<80x16xf32, #tpu.memory_space<vmem>>[vector<16xi32>, vector<16xi32>], vector<16xf32>,
        %add3A_864 = arith.addf %gather3A_860, %gather3A_863 : vector<16xf32>
        %ge3A_865 = arith.constant 0.000000e+00 : f32
        %ge3A_866 = vector.broadcast %ge3A_865 : f32 to vector<16xf32>
        %ge3A_867 = arith.cmpf oge, %add3A_864, %ge3A_866 : vector<16xf32>
        %mul3A_868 = arith.constant 2.000000e-01 : f32
        %mul3A_869 = vector.broadcast %mul3A_868 : f32 to vector<16xf32>
        %mul3A_870 = arith.mulf %add3A_864, %mul3A_869 : vector<16xf32>
        %select_n3A_871 = arith.select %ge3A_867, %add3A_864, %mul3A_870 : vector<16xi1>, vector<16xf32>
        %exp3A_872 = math.exp %select_n3A_871 : vector<16xf32>
        %broadcast_in_dim3A_873 = arith.constant 130 : i32
        %broadcast_in_dim3A_874 = vector.broadcast %broadcast_in_dim3A_873 : i32 to vector<16xi32>
        tpu.vector_store_idx %arg19[%add3A_823, %broadcast_in_dim3A_874], %exp3A_872 : memref<80x144xf32, #tpu.memory_space<vmem>>[vector<16xi32>, vector<16xi32>], vector<16xf32>,
        %broadcast_in_dim3A_875 = arith.constant 131 : i32
        %broadcast_in_dim3A_876 = vector.broadcast %broadcast_in_dim3A_875 : i32 to vector<16xi32>
        %gather3A_877 = tpu.vector_load_idx %arg19[%add3A_823, %broadcast_in_dim3A_876] : memref<80x144xf32, #tpu.memory_space<vmem>>[vector<16xi32>, vector<16xi32>], vector<16xf32>,
        %broadcast_in_dim3A_878 = arith.constant 3 : i32
        %broadcast_in_dim3A_879 = vector.broadcast %broadcast_in_dim3A_878 : i32 to vector<16xi32>
        %gather3A_880 = tpu.vector_load_idx %arg20[%add3A_823, %broadcast_in_dim3A_879] : memref<80x16xf32, #tpu.memory_space<vmem>>[vector<16xi32>, vector<16xi32>], vector<16xf32>,
        %add3A_881 = arith.addf %gather3A_877, %gather3A_880 : vector<16xf32>
        %ge3A_882 = arith.constant 0.000000e+00 : f32
        %ge3A_883 = vector.broadcast %ge3A_882 : f32 to vector<16xf32>
        %ge3A_884 = arith.cmpf oge, %add3A_881, %ge3A_883 : vector<16xf32>
        %mul3A_885 = arith.constant 2.000000e-01 : f32
        %mul3A_886 = vector.broadcast %mul3A_885 : f32 to vector<16xf32>
        %mul3A_887 = arith.mulf %add3A_881, %mul3A_886 : vector<16xf32>
        %select_n3A_888 = arith.select %ge3A_884, %add3A_881, %mul3A_887 : vector<16xi1>, vector<16xf32>
        %exp3A_889 = math.exp %select_n3A_888 : vector<16xf32>
        %broadcast_in_dim3A_890 = arith.constant 131 : i32
        %broadcast_in_dim3A_891 = vector.broadcast %broadcast_in_dim3A_890 : i32 to vector<16xi32>
        tpu.vector_store_idx %arg19[%add3A_823, %broadcast_in_dim3A_891], %exp3A_889 : memref<80x144xf32, #tpu.memory_space<vmem>>[vector<16xi32>, vector<16xi32>], vector<16xf32>,
        %add3A_892 = arith.constant 64 : i32
        %add3A_893 = vector.broadcast %add3A_892 : i32 to vector<16xi32>
        %add3A_894 = arith.addi %iota3A, %add3A_893 : vector<16xi32>
        %broadcast_in_dim3A_895 = arith.constant 128 : i32
        %broadcast_in_dim3A_896 = vector.broadcast %broadcast_in_dim3A_895 : i32 to vector<16xi32>
        %gather3A_897 = tpu.vector_load_idx %arg19[%add3A_894, %broadcast_in_dim3A_896] : memref<80x144xf32, #tpu.memory_space<vmem>>[vector<16xi32>, vector<16xi32>], vector<16xf32>,
        %broadcast_in_dim3A_898 = arith.constant 0 : i32
        %broadcast_in_dim3A_899 = vector.broadcast %broadcast_in_dim3A_898 : i32 to vector<16xi32>
        %gather3A_900 = tpu.vector_load_idx %arg20[%add3A_894, %broadcast_in_dim3A_899] : memref<80x16xf32, #tpu.memory_space<vmem>>[vector<16xi32>, vector<16xi32>], vector<16xf32>,
        %add3A_901 = arith.addf %gather3A_897, %gather3A_900 : vector<16xf32>
        %ge3A_902 = arith.constant 0.000000e+00 : f32
        %ge3A_903 = vector.broadcast %ge3A_902 : f32 to vector<16xf32>
        %ge3A_904 = arith.cmpf oge, %add3A_901, %ge3A_903 : vector<16xf32>
        %mul3A_905 = arith.constant 2.000000e-01 : f32
        %mul3A_906 = vector.broadcast %mul3A_905 : f32 to vector<16xf32>
        %mul3A_907 = arith.mulf %add3A_901, %mul3A_906 : vector<16xf32>
        %select_n3A_908 = arith.select %ge3A_904, %add3A_901, %mul3A_907 : vector<16xi1>, vector<16xf32>
        %exp3A_909 = math.exp %select_n3A_908 : vector<16xf32>
        %broadcast_in_dim3A_910 = arith.constant 128 : i32
        %broadcast_in_dim3A_911 = vector.broadcast %broadcast_in_dim3A_910 : i32 to vector<16xi32>
        tpu.vector_store_idx %arg19[%add3A_894, %broadcast_in_dim3A_911], %exp3A_909 : memref<80x144xf32, #tpu.memory_space<vmem>>[vector<16xi32>, vector<16xi32>], vector<16xf32>,
        %broadcast_in_dim3A_912 = arith.constant 129 : i32
        %broadcast_in_dim3A_913 = vector.broadcast %broadcast_in_dim3A_912 : i32 to vector<16xi32>
        %gather3A_914 = tpu.vector_load_idx %arg19[%add3A_894, %broadcast_in_dim3A_913] : memref<80x144xf32, #tpu.memory_space<vmem>>[vector<16xi32>, vector<16xi32>], vector<16xf32>,
        %broadcast_in_dim3A_915 = arith.constant 1 : i32
        %broadcast_in_dim3A_916 = vector.broadcast %broadcast_in_dim3A_915 : i32 to vector<16xi32>
        %gather3A_917 = tpu.vector_load_idx %arg20[%add3A_894, %broadcast_in_dim3A_916] : memref<80x16xf32, #tpu.memory_space<vmem>>[vector<16xi32>, vector<16xi32>], vector<16xf32>,
        %add3A_918 = arith.addf %gather3A_914, %gather3A_917 : vector<16xf32>
        %ge3A_919 = arith.constant 0.000000e+00 : f32
        %ge3A_920 = vector.broadcast %ge3A_919 : f32 to vector<16xf32>
        %ge3A_921 = arith.cmpf oge, %add3A_918, %ge3A_920 : vector<16xf32>
        %mul3A_922 = arith.constant 2.000000e-01 : f32
        %mul3A_923 = vector.broadcast %mul3A_922 : f32 to vector<16xf32>
        %mul3A_924 = arith.mulf %add3A_918, %mul3A_923 : vector<16xf32>
        %select_n3A_925 = arith.select %ge3A_921, %add3A_918, %mul3A_924 : vector<16xi1>, vector<16xf32>
        %exp3A_926 = math.exp %select_n3A_925 : vector<16xf32>
        %broadcast_in_dim3A_927 = arith.constant 129 : i32
        %broadcast_in_dim3A_928 = vector.broadcast %broadcast_in_dim3A_927 : i32 to vector<16xi32>
        tpu.vector_store_idx %arg19[%add3A_894, %broadcast_in_dim3A_928], %exp3A_926 : memref<80x144xf32, #tpu.memory_space<vmem>>[vector<16xi32>, vector<16xi32>], vector<16xf32>,
        %broadcast_in_dim3A_929 = arith.constant 130 : i32
        %broadcast_in_dim3A_930 = vector.broadcast %broadcast_in_dim3A_929 : i32 to vector<16xi32>
        %gather3A_931 = tpu.vector_load_idx %arg19[%add3A_894, %broadcast_in_dim3A_930] : memref<80x144xf32, #tpu.memory_space<vmem>>[vector<16xi32>, vector<16xi32>], vector<16xf32>,
        %broadcast_in_dim3A_932 = arith.constant 2 : i32
        %broadcast_in_dim3A_933 = vector.broadcast %broadcast_in_dim3A_932 : i32 to vector<16xi32>
        %gather3A_934 = tpu.vector_load_idx %arg20[%add3A_894, %broadcast_in_dim3A_933] : memref<80x16xf32, #tpu.memory_space<vmem>>[vector<16xi32>, vector<16xi32>], vector<16xf32>,
        %add3A_935 = arith.addf %gather3A_931, %gather3A_934 : vector<16xf32>
        %ge3A_936 = arith.constant 0.000000e+00 : f32
        %ge3A_937 = vector.broadcast %ge3A_936 : f32 to vector<16xf32>
        %ge3A_938 = arith.cmpf oge, %add3A_935, %ge3A_937 : vector<16xf32>
        %mul3A_939 = arith.constant 2.000000e-01 : f32
        %mul3A_940 = vector.broadcast %mul3A_939 : f32 to vector<16xf32>
        %mul3A_941 = arith.mulf %add3A_935, %mul3A_940 : vector<16xf32>
        %select_n3A_942 = arith.select %ge3A_938, %add3A_935, %mul3A_941 : vector<16xi1>, vector<16xf32>
        %exp3A_943 = math.exp %select_n3A_942 : vector<16xf32>
        %broadcast_in_dim3A_944 = arith.constant 130 : i32
        %broadcast_in_dim3A_945 = vector.broadcast %broadcast_in_dim3A_944 : i32 to vector<16xi32>
        tpu.vector_store_idx %arg19[%add3A_894, %broadcast_in_dim3A_945], %exp3A_943 : memref<80x144xf32, #tpu.memory_space<vmem>>[vector<16xi32>, vector<16xi32>], vector<16xf32>,
        %broadcast_in_dim3A_946 = arith.constant 131 : i32
        %broadcast_in_dim3A_947 = vector.broadcast %broadcast_in_dim3A_946 : i32 to vector<16xi32>
        %gather3A_948 = tpu.vector_load_idx %arg19[%add3A_894, %broadcast_in_dim3A_947] : memref<80x144xf32, #tpu.memory_space<vmem>>[vector<16xi32>, vector<16xi32>], vector<16xf32>,
        %broadcast_in_dim3A_949 = arith.constant 3 : i32
        %broadcast_in_dim3A_950 = vector.broadcast %broadcast_in_dim3A_949 : i32 to vector<16xi32>
        %gather3A_951 = tpu.vector_load_idx %arg20[%add3A_894, %broadcast_in_dim3A_950] : memref<80x16xf32, #tpu.memory_space<vmem>>[vector<16xi32>, vector<16xi32>], vector<16xf32>,
        %add3A_952 = arith.addf %gather3A_948, %gather3A_951 : vector<16xf32>
        %ge3A_953 = arith.constant 0.000000e+00 : f32
        %ge3A_954 = vector.broadcast %ge3A_953 : f32 to vector<16xf32>
        %ge3A_955 = arith.cmpf oge, %add3A_952, %ge3A_954 : vector<16xf32>
        %mul3A_956 = arith.constant 2.000000e-01 : f32
        %mul3A_957 = vector.broadcast %mul3A_956 : f32 to vector<16xf32>
        %mul3A_958 = arith.mulf %add3A_952, %mul3A_957 : vector<16xf32>
        %select_n3A_959 = arith.select %ge3A_955, %add3A_952, %mul3A_958 : vector<16xi1>, vector<16xf32>
        %exp3A_960 = math.exp %select_n3A_959 : vector<16xf32>
        %broadcast_in_dim3A_961 = arith.constant 131 : i32
        %broadcast_in_dim3A_962 = vector.broadcast %broadcast_in_dim3A_961 : i32 to vector<16xi32>
        tpu.vector_store_idx %arg19[%add3A_894, %broadcast_in_dim3A_962], %exp3A_960 : memref<80x144xf32, #tpu.memory_space<vmem>>[vector<16xi32>, vector<16xi32>], vector<16xf32>,
        %scan3A_963 = arith.constant 0 : i32
        %scan3A_964 = arith.constant 20 : i32
        %scan3A_965 = arith.addi %scan3A_963, %scan3A_964 : i32
        %scan3A_966 = arith.constant 1 : i32
        scf.for %scan3A_983 = %scan3A_963 to %scan3A_965 step %scan3A_966  : i32 {
          %mul3A_984 = arith.constant 4 : i32
          %mul3A_985 = arith.muli %scan3A_983, %mul3A_984 : i32
          %add3A_986 = arith.constant 0 : i32
          %add3A_987 = arith.addi %add3A_986, %mul3A_985 : i32
          %add3A_988 = arith.constant 0 : i32
          %add3A_989 = arith.addi %add3A_987, %add3A_988 : i32
          %get3A_990 = arith.index_cast %add3A_989 : i32 to index
          %get3A_991 = arith.constant 128 : index
          %get3A_992 = tpu.vector_load %arg19[%get3A_990, %get3A_991] {strides = array<i32>} : memref<80x144xf32, #tpu.memory_space<vmem>>, vector<16xf32>,
          %slice3A = vector.extract_strided_slice %get3A_992 {offsets = [0], sizes = [1], strides = [1]} : vector<16xf32> to vector<1xf32>
          %squeeze3A = vector.extract %slice3A[0] : f32 from vector<1xf32>
          %get3A_993 = arith.index_cast %add3A_989 : i32 to index
          %get3A_994 = arith.constant 0 : index
          %get3A_995 = tpu.vector_load %arg19[%get3A_993, %get3A_994] {strides = array<i32>} : memref<80x144xf32, #tpu.memory_space<vmem>>, vector<16xf32>,
          %mul3A_996 = vector.broadcast %squeeze3A : f32 to vector<16xf32>
          %mul3A_997 = arith.mulf %get3A_995, %mul3A_996 : vector<16xf32>
          %swap3A_998 = arith.index_cast %add3A_989 : i32 to index
          %swap3A_999 = arith.constant 0 : index
          %swap3A_1000 = tpu.vector_load %arg19[%swap3A_998, %swap3A_999] {strides = array<i32>} : memref<80x144xf32, #tpu.memory_space<vmem>>, vector<16xf32>,
          tpu.vector_store %arg19[%swap3A_998, %swap3A_999], %mul3A_997 {strides = array<i32>} : memref<80x144xf32, #tpu.memory_space<vmem>>, vector<16xf32>,
          %get3A_1001 = arith.index_cast %add3A_989 : i32 to index
          %get3A_1002 = arith.constant 16 : index
          %get3A_1003 = tpu.vector_load %arg19[%get3A_1001, %get3A_1002] {strides = array<i32>} : memref<80x144xf32, #tpu.memory_space<vmem>>, vector<16xf32>,
          %mul3A_1004 = vector.broadcast %squeeze3A : f32 to vector<16xf32>
          %mul3A_1005 = arith.mulf %get3A_1003, %mul3A_1004 : vector<16xf32>
          %swap3A_1006 = arith.index_cast %add3A_989 : i32 to index
          %swap3A_1007 = arith.constant 16 : index
          %swap3A_1008 = tpu.vector_load %arg19[%swap3A_1006, %swap3A_1007] {strides = array<i32>} : memref<80x144xf32, #tpu.memory_space<vmem>>, vector<16xf32>,
          tpu.vector_store %arg19[%swap3A_1006, %swap3A_1007], %mul3A_1005 {strides = array<i32>} : memref<80x144xf32, #tpu.memory_space<vmem>>, vector<16xf32>,
          %slice3A_1009 = vector.extract_strided_slice %get3A_992 {offsets = [1], sizes = [1], strides = [1]} : vector<16xf32> to vector<1xf32>
          %squeeze3A_1010 = vector.extract %slice3A_1009[0] : f32 from vector<1xf32>
          %get3A_1011 = arith.index_cast %add3A_989 : i32 to index
          %get3A_1012 = arith.constant 32 : index
          %get3A_1013 = tpu.vector_load %arg19[%get3A_1011, %get3A_1012] {strides = array<i32>} : memref<80x144xf32, #tpu.memory_space<vmem>>, vector<16xf32>,
          %mul3A_1014 = vector.broadcast %squeeze3A_1010 : f32 to vector<16xf32>
          %mul3A_1015 = arith.mulf %get3A_1013, %mul3A_1014 : vector<16xf32>
          %swap3A_1016 = arith.index_cast %add3A_989 : i32 to index
          %swap3A_1017 = arith.constant 32 : index
          %swap3A_1018 = tpu.vector_load %arg19[%swap3A_1016, %swap3A_1017] {strides = array<i32>} : memref<80x144xf32, #tpu.memory_space<vmem>>, vector<16xf32>,
          tpu.vector_store %arg19[%swap3A_1016, %swap3A_1017], %mul3A_1015 {strides = array<i32>} : memref<80x144xf32, #tpu.memory_space<vmem>>, vector<16xf32>,
          %get3A_1019 = arith.index_cast %add3A_989 : i32 to index
          %get3A_1020 = arith.constant 48 : index
          %get3A_1021 = tpu.vector_load %arg19[%get3A_1019, %get3A_1020] {strides = array<i32>} : memref<80x144xf32, #tpu.memory_space<vmem>>, vector<16xf32>,
          %mul3A_1022 = vector.broadcast %squeeze3A_1010 : f32 to vector<16xf32>
          %mul3A_1023 = arith.mulf %get3A_1021, %mul3A_1022 : vector<16xf32>
          %swap3A_1024 = arith.index_cast %add3A_989 : i32 to index
          %swap3A_1025 = arith.constant 48 : index
          %swap3A_1026 = tpu.vector_load %arg19[%swap3A_1024, %swap3A_1025] {strides = array<i32>} : memref<80x144xf32, #tpu.memory_space<vmem>>, vector<16xf32>,
          tpu.vector_store %arg19[%swap3A_1024, %swap3A_1025], %mul3A_1023 {strides = array<i32>} : memref<80x144xf32, #tpu.memory_space<vmem>>, vector<16xf32>,
          %slice3A_1027 = vector.extract_strided_slice %get3A_992 {offsets = [2], sizes = [1], strides = [1]} : vector<16xf32> to vector<1xf32>
          %squeeze3A_1028 = vector.extract %slice3A_1027[0] : f32 from vector<1xf32>
          %get3A_1029 = arith.index_cast %add3A_989 : i32 to index
          %get3A_1030 = arith.constant 64 : index
          %get3A_1031 = tpu.vector_load %arg19[%get3A_1029, %get3A_1030] {strides = array<i32>} : memref<80x144xf32, #tpu.memory_space<vmem>>, vector<16xf32>,
          %mul3A_1032 = vector.broadcast %squeeze3A_1028 : f32 to vector<16xf32>
          %mul3A_1033 = arith.mulf %get3A_1031, %mul3A_1032 : vector<16xf32>
          %swap3A_1034 = arith.index_cast %add3A_989 : i32 to index
          %swap3A_1035 = arith.constant 64 : index
          %swap3A_1036 = tpu.vector_load %arg19[%swap3A_1034, %swap3A_1035] {strides = array<i32>} : memref<80x144xf32, #tpu.memory_space<vmem>>, vector<16xf32>,
          tpu.vector_store %arg19[%swap3A_1034, %swap3A_1035], %mul3A_1033 {strides = array<i32>} : memref<80x144xf32, #tpu.memory_space<vmem>>, vector<16xf32>,
          %get3A_1037 = arith.index_cast %add3A_989 : i32 to index
          %get3A_1038 = arith.constant 80 : index
          %get3A_1039 = tpu.vector_load %arg19[%get3A_1037, %get3A_1038] {strides = array<i32>} : memref<80x144xf32, #tpu.memory_space<vmem>>, vector<16xf32>,
          %mul3A_1040 = vector.broadcast %squeeze3A_1028 : f32 to vector<16xf32>
          %mul3A_1041 = arith.mulf %get3A_1039, %mul3A_1040 : vector<16xf32>
          %swap3A_1042 = arith.index_cast %add3A_989 : i32 to index
          %swap3A_1043 = arith.constant 80 : index
          %swap3A_1044 = tpu.vector_load %arg19[%swap3A_1042, %swap3A_1043] {strides = array<i32>} : memref<80x144xf32, #tpu.memory_space<vmem>>, vector<16xf32>,
          tpu.vector_store %arg19[%swap3A_1042, %swap3A_1043], %mul3A_1041 {strides = array<i32>} : memref<80x144xf32, #tpu.memory_space<vmem>>, vector<16xf32>,
          %slice3A_1045 = vector.extract_strided_slice %get3A_992 {offsets = [3], sizes = [1], strides = [1]} : vector<16xf32> to vector<1xf32>
          %squeeze3A_1046 = vector.extract %slice3A_1045[0] : f32 from vector<1xf32>
          %get3A_1047 = arith.index_cast %add3A_989 : i32 to index
          %get3A_1048 = arith.constant 96 : index
          %get3A_1049 = tpu.vector_load %arg19[%get3A_1047, %get3A_1048] {strides = array<i32>} : memref<80x144xf32, #tpu.memory_space<vmem>>, vector<16xf32>,
          %mul3A_1050 = vector.broadcast %squeeze3A_1046 : f32 to vector<16xf32>
          %mul3A_1051 = arith.mulf %get3A_1049, %mul3A_1050 : vector<16xf32>
          %swap3A_1052 = arith.index_cast %add3A_989 : i32 to index
          %swap3A_1053 = arith.constant 96 : index
          %swap3A_1054 = tpu.vector_load %arg19[%swap3A_1052, %swap3A_1053] {strides = array<i32>} : memref<80x144xf32, #tpu.memory_space<vmem>>, vector<16xf32>,
          tpu.vector_store %arg19[%swap3A_1052, %swap3A_1053], %mul3A_1051 {strides = array<i32>} : memref<80x144xf32, #tpu.memory_space<vmem>>, vector<16xf32>,
          %get3A_1055 = arith.index_cast %add3A_989 : i32 to index
          %get3A_1056 = arith.constant 112 : index
          %get3A_1057 = tpu.vector_load %arg19[%get3A_1055, %get3A_1056] {strides = array<i32>} : memref<80x144xf32, #tpu.memory_space<vmem>>, vector<16xf32>,
          %mul3A_1058 = vector.broadcast %squeeze3A_1046 : f32 to vector<16xf32>
          %mul3A_1059 = arith.mulf %get3A_1057, %mul3A_1058 : vector<16xf32>
          %swap3A_1060 = arith.index_cast %add3A_989 : i32 to index
          %swap3A_1061 = arith.constant 112 : index
          %swap3A_1062 = tpu.vector_load %arg19[%swap3A_1060, %swap3A_1061] {strides = array<i32>} : memref<80x144xf32, #tpu.memory_space<vmem>>, vector<16xf32>,
          tpu.vector_store %arg19[%swap3A_1060, %swap3A_1061], %mul3A_1059 {strides = array<i32>} : memref<80x144xf32, #tpu.memory_space<vmem>>, vector<16xf32>,
          %add3A_1063 = arith.constant 1 : i32
          %add3A_1064 = arith.addi %add3A_987, %add3A_1063 : i32
          %get3A_1065 = arith.index_cast %add3A_1064 : i32 to index
          %get3A_1066 = arith.constant 128 : index
          %get3A_1067 = tpu.vector_load %arg19[%get3A_1065, %get3A_1066] {strides = array<i32>} : memref<80x144xf32, #tpu.memory_space<vmem>>, vector<16xf32>,
          %slice3A_1068 = vector.extract_strided_slice %get3A_1067 {offsets = [0], sizes = [1], strides = [1]} : vector<16xf32> to vector<1xf32>
          %squeeze3A_1069 = vector.extract %slice3A_1068[0] : f32 from vector<1xf32>
          %get3A_1070 = arith.index_cast %add3A_1064 : i32 to index
          %get3A_1071 = arith.constant 0 : index
          %get3A_1072 = tpu.vector_load %arg19[%get3A_1070, %get3A_1071] {strides = array<i32>} : memref<80x144xf32, #tpu.memory_space<vmem>>, vector<16xf32>,
          %mul3A_1073 = vector.broadcast %squeeze3A_1069 : f32 to vector<16xf32>
          %mul3A_1074 = arith.mulf %get3A_1072, %mul3A_1073 : vector<16xf32>
          %swap3A_1075 = arith.index_cast %add3A_1064 : i32 to index
          %swap3A_1076 = arith.constant 0 : index
          %swap3A_1077 = tpu.vector_load %arg19[%swap3A_1075, %swap3A_1076] {strides = array<i32>} : memref<80x144xf32, #tpu.memory_space<vmem>>, vector<16xf32>,
          tpu.vector_store %arg19[%swap3A_1075, %swap3A_1076], %mul3A_1074 {strides = array<i32>} : memref<80x144xf32, #tpu.memory_space<vmem>>, vector<16xf32>,
          %get3A_1078 = arith.index_cast %add3A_1064 : i32 to index
          %get3A_1079 = arith.constant 16 : index
          %get3A_1080 = tpu.vector_load %arg19[%get3A_1078, %get3A_1079] {strides = array<i32>} : memref<80x144xf32, #tpu.memory_space<vmem>>, vector<16xf32>,
          %mul3A_1081 = vector.broadcast %squeeze3A_1069 : f32 to vector<16xf32>
          %mul3A_1082 = arith.mulf %get3A_1080, %mul3A_1081 : vector<16xf32>
          %swap3A_1083 = arith.index_cast %add3A_1064 : i32 to index
          %swap3A_1084 = arith.constant 16 : index
          %swap3A_1085 = tpu.vector_load %arg19[%swap3A_1083, %swap3A_1084] {strides = array<i32>} : memref<80x144xf32, #tpu.memory_space<vmem>>, vector<16xf32>,
          tpu.vector_store %arg19[%swap3A_1083, %swap3A_1084], %mul3A_1082 {strides = array<i32>} : memref<80x144xf32, #tpu.memory_space<vmem>>, vector<16xf32>,
          %slice3A_1086 = vector.extract_strided_slice %get3A_1067 {offsets = [1], sizes = [1], strides = [1]} : vector<16xf32> to vector<1xf32>
          %squeeze3A_1087 = vector.extract %slice3A_1086[0] : f32 from vector<1xf32>
          %get3A_1088 = arith.index_cast %add3A_1064 : i32 to index
          %get3A_1089 = arith.constant 32 : index
          %get3A_1090 = tpu.vector_load %arg19[%get3A_1088, %get3A_1089] {strides = array<i32>} : memref<80x144xf32, #tpu.memory_space<vmem>>, vector<16xf32>,
          %mul3A_1091 = vector.broadcast %squeeze3A_1087 : f32 to vector<16xf32>
          %mul3A_1092 = arith.mulf %get3A_1090, %mul3A_1091 : vector<16xf32>
          %swap3A_1093 = arith.index_cast %add3A_1064 : i32 to index
          %swap3A_1094 = arith.constant 32 : index
          %swap3A_1095 = tpu.vector_load %arg19[%swap3A_1093, %swap3A_1094] {strides = array<i32>} : memref<80x144xf32, #tpu.memory_space<vmem>>, vector<16xf32>,
          tpu.vector_store %arg19[%swap3A_1093, %swap3A_1094], %mul3A_1092 {strides = array<i32>} : memref<80x144xf32, #tpu.memory_space<vmem>>, vector<16xf32>,
          %get3A_1096 = arith.index_cast %add3A_1064 : i32 to index
          %get3A_1097 = arith.constant 48 : index
          %get3A_1098 = tpu.vector_load %arg19[%get3A_1096, %get3A_1097] {strides = array<i32>} : memref<80x144xf32, #tpu.memory_space<vmem>>, vector<16xf32>,
          %mul3A_1099 = vector.broadcast %squeeze3A_1087 : f32 to vector<16xf32>
          %mul3A_1100 = arith.mulf %get3A_1098, %mul3A_1099 : vector<16xf32>
          %swap3A_1101 = arith.index_cast %add3A_1064 : i32 to index
          %swap3A_1102 = arith.constant 48 : index
          %swap3A_1103 = tpu.vector_load %arg19[%swap3A_1101, %swap3A_1102] {strides = array<i32>} : memref<80x144xf32, #tpu.memory_space<vmem>>, vector<16xf32>,
          tpu.vector_store %arg19[%swap3A_1101, %swap3A_1102], %mul3A_1100 {strides = array<i32>} : memref<80x144xf32, #tpu.memory_space<vmem>>, vector<16xf32>,
          %slice3A_1104 = vector.extract_strided_slice %get3A_1067 {offsets = [2], sizes = [1], strides = [1]} : vector<16xf32> to vector<1xf32>
          %squeeze3A_1105 = vector.extract %slice3A_1104[0] : f32 from vector<1xf32>
          %get3A_1106 = arith.index_cast %add3A_1064 : i32 to index
          %get3A_1107 = arith.constant 64 : index
          %get3A_1108 = tpu.vector_load %arg19[%get3A_1106, %get3A_1107] {strides = array<i32>} : memref<80x144xf32, #tpu.memory_space<vmem>>, vector<16xf32>,
          %mul3A_1109 = vector.broadcast %squeeze3A_1105 : f32 to vector<16xf32>
          %mul3A_1110 = arith.mulf %get3A_1108, %mul3A_1109 : vector<16xf32>
          %swap3A_1111 = arith.index_cast %add3A_1064 : i32 to index
          %swap3A_1112 = arith.constant 64 : index
          %swap3A_1113 = tpu.vector_load %arg19[%swap3A_1111, %swap3A_1112] {strides = array<i32>} : memref<80x144xf32, #tpu.memory_space<vmem>>, vector<16xf32>,
          tpu.vector_store %arg19[%swap3A_1111, %swap3A_1112], %mul3A_1110 {strides = array<i32>} : memref<80x144xf32, #tpu.memory_space<vmem>>, vector<16xf32>,
          %get3A_1114 = arith.index_cast %add3A_1064 : i32 to index
          %get3A_1115 = arith.constant 80 : index
          %get3A_1116 = tpu.vector_load %arg19[%get3A_1114, %get3A_1115] {strides = array<i32>} : memref<80x144xf32, #tpu.memory_space<vmem>>, vector<16xf32>,
          %mul3A_1117 = vector.broadcast %squeeze3A_1105 : f32 to vector<16xf32>
          %mul3A_1118 = arith.mulf %get3A_1116, %mul3A_1117 : vector<16xf32>
          %swap3A_1119 = arith.index_cast %add3A_1064 : i32 to index
          %swap3A_1120 = arith.constant 80 : index
          %swap3A_1121 = tpu.vector_load %arg19[%swap3A_1119, %swap3A_1120] {strides = array<i32>} : memref<80x144xf32, #tpu.memory_space<vmem>>, vector<16xf32>,
          tpu.vector_store %arg19[%swap3A_1119, %swap3A_1120], %mul3A_1118 {strides = array<i32>} : memref<80x144xf32, #tpu.memory_space<vmem>>, vector<16xf32>,
          %slice3A_1122 = vector.extract_strided_slice %get3A_1067 {offsets = [3], sizes = [1], strides = [1]} : vector<16xf32> to vector<1xf32>
          %squeeze3A_1123 = vector.extract %slice3A_1122[0] : f32 from vector<1xf32>
          %get3A_1124 = arith.index_cast %add3A_1064 : i32 to index
          %get3A_1125 = arith.constant 96 : index
          %get3A_1126 = tpu.vector_load %arg19[%get3A_1124, %get3A_1125] {strides = array<i32>} : memref<80x144xf32, #tpu.memory_space<vmem>>, vector<16xf32>,
          %mul3A_1127 = vector.broadcast %squeeze3A_1123 : f32 to vector<16xf32>
          %mul3A_1128 = arith.mulf %get3A_1126, %mul3A_1127 : vector<16xf32>
          %swap3A_1129 = arith.index_cast %add3A_1064 : i32 to index
          %swap3A_1130 = arith.constant 96 : index
          %swap3A_1131 = tpu.vector_load %arg19[%swap3A_1129, %swap3A_1130] {strides = array<i32>} : memref<80x144xf32, #tpu.memory_space<vmem>>, vector<16xf32>,
          tpu.vector_store %arg19[%swap3A_1129, %swap3A_1130], %mul3A_1128 {strides = array<i32>} : memref<80x144xf32, #tpu.memory_space<vmem>>, vector<16xf32>,
          %get3A_1132 = arith.index_cast %add3A_1064 : i32 to index
          %get3A_1133 = arith.constant 112 : index
          %get3A_1134 = tpu.vector_load %arg19[%get3A_1132, %get3A_1133] {strides = array<i32>} : memref<80x144xf32, #tpu.memory_space<vmem>>, vector<16xf32>,
          %mul3A_1135 = vector.broadcast %squeeze3A_1123 : f32 to vector<16xf32>
          %mul3A_1136 = arith.mulf %get3A_1134, %mul3A_1135 : vector<16xf32>
          %swap3A_1137 = arith.index_cast %add3A_1064 : i32 to index
          %swap3A_1138 = arith.constant 112 : index
          %swap3A_1139 = tpu.vector_load %arg19[%swap3A_1137, %swap3A_1138] {strides = array<i32>} : memref<80x144xf32, #tpu.memory_space<vmem>>, vector<16xf32>,
          tpu.vector_store %arg19[%swap3A_1137, %swap3A_1138], %mul3A_1136 {strides = array<i32>} : memref<80x144xf32, #tpu.memory_space<vmem>>, vector<16xf32>,
          %add3A_1140 = arith.constant 2 : i32
          %add3A_1141 = arith.addi %add3A_987, %add3A_1140 : i32
          %get3A_1142 = arith.index_cast %add3A_1141 : i32 to index
          %get3A_1143 = arith.constant 128 : index
          %get3A_1144 = tpu.vector_load %arg19[%get3A_1142, %get3A_1143] {strides = array<i32>} : memref<80x144xf32, #tpu.memory_space<vmem>>, vector<16xf32>,
          %slice3A_1145 = vector.extract_strided_slice %get3A_1144 {offsets = [0], sizes = [1], strides = [1]} : vector<16xf32> to vector<1xf32>
          %squeeze3A_1146 = vector.extract %slice3A_1145[0] : f32 from vector<1xf32>
          %get3A_1147 = arith.index_cast %add3A_1141 : i32 to index
          %get3A_1148 = arith.constant 0 : index
          %get3A_1149 = tpu.vector_load %arg19[%get3A_1147, %get3A_1148] {strides = array<i32>} : memref<80x144xf32, #tpu.memory_space<vmem>>, vector<16xf32>,
          %mul3A_1150 = vector.broadcast %squeeze3A_1146 : f32 to vector<16xf32>
          %mul3A_1151 = arith.mulf %get3A_1149, %mul3A_1150 : vector<16xf32>
          %swap3A_1152 = arith.index_cast %add3A_1141 : i32 to index
          %swap3A_1153 = arith.constant 0 : index
          %swap3A_1154 = tpu.vector_load %arg19[%swap3A_1152, %swap3A_1153] {strides = array<i32>} : memref<80x144xf32, #tpu.memory_space<vmem>>, vector<16xf32>,
          tpu.vector_store %arg19[%swap3A_1152, %swap3A_1153], %mul3A_1151 {strides = array<i32>} : memref<80x144xf32, #tpu.memory_space<vmem>>, vector<16xf32>,
          %get3A_1155 = arith.index_cast %add3A_1141 : i32 to index
          %get3A_1156 = arith.constant 16 : index
          %get3A_1157 = tpu.vector_load %arg19[%get3A_1155, %get3A_1156] {strides = array<i32>} : memref<80x144xf32, #tpu.memory_space<vmem>>, vector<16xf32>,
          %mul3A_1158 = vector.broadcast %squeeze3A_1146 : f32 to vector<16xf32>
          %mul3A_1159 = arith.mulf %get3A_1157, %mul3A_1158 : vector<16xf32>
          %swap3A_1160 = arith.index_cast %add3A_1141 : i32 to index
          %swap3A_1161 = arith.constant 16 : index
          %swap3A_1162 = tpu.vector_load %arg19[%swap3A_1160, %swap3A_1161] {strides = array<i32>} : memref<80x144xf32, #tpu.memory_space<vmem>>, vector<16xf32>,
          tpu.vector_store %arg19[%swap3A_1160, %swap3A_1161], %mul3A_1159 {strides = array<i32>} : memref<80x144xf32, #tpu.memory_space<vmem>>, vector<16xf32>,
          %slice3A_1163 = vector.extract_strided_slice %get3A_1144 {offsets = [1], sizes = [1], strides = [1]} : vector<16xf32> to vector<1xf32>
          %squeeze3A_1164 = vector.extract %slice3A_1163[0] : f32 from vector<1xf32>
          %get3A_1165 = arith.index_cast %add3A_1141 : i32 to index
          %get3A_1166 = arith.constant 32 : index
          %get3A_1167 = tpu.vector_load %arg19[%get3A_1165, %get3A_1166] {strides = array<i32>} : memref<80x144xf32, #tpu.memory_space<vmem>>, vector<16xf32>,
          %mul3A_1168 = vector.broadcast %squeeze3A_1164 : f32 to vector<16xf32>
          %mul3A_1169 = arith.mulf %get3A_1167, %mul3A_1168 : vector<16xf32>
          %swap3A_1170 = arith.index_cast %add3A_1141 : i32 to index
          %swap3A_1171 = arith.constant 32 : index
          %swap3A_1172 = tpu.vector_load %arg19[%swap3A_1170, %swap3A_1171] {strides = array<i32>} : memref<80x144xf32, #tpu.memory_space<vmem>>, vector<16xf32>,
          tpu.vector_store %arg19[%swap3A_1170, %swap3A_1171], %mul3A_1169 {strides = array<i32>} : memref<80x144xf32, #tpu.memory_space<vmem>>, vector<16xf32>,
          %get3A_1173 = arith.index_cast %add3A_1141 : i32 to index
          %get3A_1174 = arith.constant 48 : index
          %get3A_1175 = tpu.vector_load %arg19[%get3A_1173, %get3A_1174] {strides = array<i32>} : memref<80x144xf32, #tpu.memory_space<vmem>>, vector<16xf32>,
          %mul3A_1176 = vector.broadcast %squeeze3A_1164 : f32 to vector<16xf32>
          %mul3A_1177 = arith.mulf %get3A_1175, %mul3A_1176 : vector<16xf32>
          %swap3A_1178 = arith.index_cast %add3A_1141 : i32 to index
          %swap3A_1179 = arith.constant 48 : index
          %swap3A_1180 = tpu.vector_load %arg19[%swap3A_1178, %swap3A_1179] {strides = array<i32>} : memref<80x144xf32, #tpu.memory_space<vmem>>, vector<16xf32>,
          tpu.vector_store %arg19[%swap3A_1178, %swap3A_1179], %mul3A_1177 {strides = array<i32>} : memref<80x144xf32, #tpu.memory_space<vmem>>, vector<16xf32>,
          %slice3A_1181 = vector.extract_strided_slice %get3A_1144 {offsets = [2], sizes = [1], strides = [1]} : vector<16xf32> to vector<1xf32>
          %squeeze3A_1182 = vector.extract %slice3A_1181[0] : f32 from vector<1xf32>
          %get3A_1183 = arith.index_cast %add3A_1141 : i32 to index
          %get3A_1184 = arith.constant 64 : index
          %get3A_1185 = tpu.vector_load %arg19[%get3A_1183, %get3A_1184] {strides = array<i32>} : memref<80x144xf32, #tpu.memory_space<vmem>>, vector<16xf32>,
          %mul3A_1186 = vector.broadcast %squeeze3A_1182 : f32 to vector<16xf32>
          %mul3A_1187 = arith.mulf %get3A_1185, %mul3A_1186 : vector<16xf32>
          %swap3A_1188 = arith.index_cast %add3A_1141 : i32 to index
          %swap3A_1189 = arith.constant 64 : index
          %swap3A_1190 = tpu.vector_load %arg19[%swap3A_1188, %swap3A_1189] {strides = array<i32>} : memref<80x144xf32, #tpu.memory_space<vmem>>, vector<16xf32>,
          tpu.vector_store %arg19[%swap3A_1188, %swap3A_1189], %mul3A_1187 {strides = array<i32>} : memref<80x144xf32, #tpu.memory_space<vmem>>, vector<16xf32>,
          %get3A_1191 = arith.index_cast %add3A_1141 : i32 to index
          %get3A_1192 = arith.constant 80 : index
          %get3A_1193 = tpu.vector_load %arg19[%get3A_1191, %get3A_1192] {strides = array<i32>} : memref<80x144xf32, #tpu.memory_space<vmem>>, vector<16xf32>,
          %mul3A_1194 = vector.broadcast %squeeze3A_1182 : f32 to vector<16xf32>
          %mul3A_1195 = arith.mulf %get3A_1193, %mul3A_1194 : vector<16xf32>
          %swap3A_1196 = arith.index_cast %add3A_1141 : i32 to index
          %swap3A_1197 = arith.constant 80 : index
          %swap3A_1198 = tpu.vector_load %arg19[%swap3A_1196, %swap3A_1197] {strides = array<i32>} : memref<80x144xf32, #tpu.memory_space<vmem>>, vector<16xf32>,
          tpu.vector_store %arg19[%swap3A_1196, %swap3A_1197], %mul3A_1195 {strides = array<i32>} : memref<80x144xf32, #tpu.memory_space<vmem>>, vector<16xf32>,
          %slice3A_1199 = vector.extract_strided_slice %get3A_1144 {offsets = [3], sizes = [1], strides = [1]} : vector<16xf32> to vector<1xf32>
          %squeeze3A_1200 = vector.extract %slice3A_1199[0] : f32 from vector<1xf32>
          %get3A_1201 = arith.index_cast %add3A_1141 : i32 to index
          %get3A_1202 = arith.constant 96 : index
          %get3A_1203 = tpu.vector_load %arg19[%get3A_1201, %get3A_1202] {strides = array<i32>} : memref<80x144xf32, #tpu.memory_space<vmem>>, vector<16xf32>,
          %mul3A_1204 = vector.broadcast %squeeze3A_1200 : f32 to vector<16xf32>
          %mul3A_1205 = arith.mulf %get3A_1203, %mul3A_1204 : vector<16xf32>
          %swap3A_1206 = arith.index_cast %add3A_1141 : i32 to index
          %swap3A_1207 = arith.constant 96 : index
          %swap3A_1208 = tpu.vector_load %arg19[%swap3A_1206, %swap3A_1207] {strides = array<i32>} : memref<80x144xf32, #tpu.memory_space<vmem>>, vector<16xf32>,
          tpu.vector_store %arg19[%swap3A_1206, %swap3A_1207], %mul3A_1205 {strides = array<i32>} : memref<80x144xf32, #tpu.memory_space<vmem>>, vector<16xf32>,
          %get3A_1209 = arith.index_cast %add3A_1141 : i32 to index
          %get3A_1210 = arith.constant 112 : index
          %get3A_1211 = tpu.vector_load %arg19[%get3A_1209, %get3A_1210] {strides = array<i32>} : memref<80x144xf32, #tpu.memory_space<vmem>>, vector<16xf32>,
          %mul3A_1212 = vector.broadcast %squeeze3A_1200 : f32 to vector<16xf32>
          %mul3A_1213 = arith.mulf %get3A_1211, %mul3A_1212 : vector<16xf32>
          %swap3A_1214 = arith.index_cast %add3A_1141 : i32 to index
          %swap3A_1215 = arith.constant 112 : index
          %swap3A_1216 = tpu.vector_load %arg19[%swap3A_1214, %swap3A_1215] {strides = array<i32>} : memref<80x144xf32, #tpu.memory_space<vmem>>, vector<16xf32>,
          tpu.vector_store %arg19[%swap3A_1214, %swap3A_1215], %mul3A_1213 {strides = array<i32>} : memref<80x144xf32, #tpu.memory_space<vmem>>, vector<16xf32>,
          %add3A_1217 = arith.constant 3 : i32
          %add3A_1218 = arith.addi %add3A_987, %add3A_1217 : i32
          %get3A_1219 = arith.index_cast %add3A_1218 : i32 to index
          %get3A_1220 = arith.constant 128 : index
          %get3A_1221 = tpu.vector_load %arg19[%get3A_1219, %get3A_1220] {strides = array<i32>} : memref<80x144xf32, #tpu.memory_space<vmem>>, vector<16xf32>,
          %slice3A_1222 = vector.extract_strided_slice %get3A_1221 {offsets = [0], sizes = [1], strides = [1]} : vector<16xf32> to vector<1xf32>
          %squeeze3A_1223 = vector.extract %slice3A_1222[0] : f32 from vector<1xf32>
          %get3A_1224 = arith.index_cast %add3A_1218 : i32 to index
          %get3A_1225 = arith.constant 0 : index
          %get3A_1226 = tpu.vector_load %arg19[%get3A_1224, %get3A_1225] {strides = array<i32>} : memref<80x144xf32, #tpu.memory_space<vmem>>, vector<16xf32>,
          %mul3A_1227 = vector.broadcast %squeeze3A_1223 : f32 to vector<16xf32>
          %mul3A_1228 = arith.mulf %get3A_1226, %mul3A_1227 : vector<16xf32>
          %swap3A_1229 = arith.index_cast %add3A_1218 : i32 to index
          %swap3A_1230 = arith.constant 0 : index
          %swap3A_1231 = tpu.vector_load %arg19[%swap3A_1229, %swap3A_1230] {strides = array<i32>} : memref<80x144xf32, #tpu.memory_space<vmem>>, vector<16xf32>,
          tpu.vector_store %arg19[%swap3A_1229, %swap3A_1230], %mul3A_1228 {strides = array<i32>} : memref<80x144xf32, #tpu.memory_space<vmem>>, vector<16xf32>,
          %get3A_1232 = arith.index_cast %add3A_1218 : i32 to index
          %get3A_1233 = arith.constant 16 : index
          %get3A_1234 = tpu.vector_load %arg19[%get3A_1232, %get3A_1233] {strides = array<i32>} : memref<80x144xf32, #tpu.memory_space<vmem>>, vector<16xf32>,
          %mul3A_1235 = vector.broadcast %squeeze3A_1223 : f32 to vector<16xf32>
          %mul3A_1236 = arith.mulf %get3A_1234, %mul3A_1235 : vector<16xf32>
          %swap3A_1237 = arith.index_cast %add3A_1218 : i32 to index
          %swap3A_1238 = arith.constant 16 : index
          %swap3A_1239 = tpu.vector_load %arg19[%swap3A_1237, %swap3A_1238] {strides = array<i32>} : memref<80x144xf32, #tpu.memory_space<vmem>>, vector<16xf32>,
          tpu.vector_store %arg19[%swap3A_1237, %swap3A_1238], %mul3A_1236 {strides = array<i32>} : memref<80x144xf32, #tpu.memory_space<vmem>>, vector<16xf32>,
          %slice3A_1240 = vector.extract_strided_slice %get3A_1221 {offsets = [1], sizes = [1], strides = [1]} : vector<16xf32> to vector<1xf32>
          %squeeze3A_1241 = vector.extract %slice3A_1240[0] : f32 from vector<1xf32>
          %get3A_1242 = arith.index_cast %add3A_1218 : i32 to index
          %get3A_1243 = arith.constant 32 : index
          %get3A_1244 = tpu.vector_load %arg19[%get3A_1242, %get3A_1243] {strides = array<i32>} : memref<80x144xf32, #tpu.memory_space<vmem>>, vector<16xf32>,
          %mul3A_1245 = vector.broadcast %squeeze3A_1241 : f32 to vector<16xf32>
          %mul3A_1246 = arith.mulf %get3A_1244, %mul3A_1245 : vector<16xf32>
          %swap3A_1247 = arith.index_cast %add3A_1218 : i32 to index
          %swap3A_1248 = arith.constant 32 : index
          %swap3A_1249 = tpu.vector_load %arg19[%swap3A_1247, %swap3A_1248] {strides = array<i32>} : memref<80x144xf32, #tpu.memory_space<vmem>>, vector<16xf32>,
          tpu.vector_store %arg19[%swap3A_1247, %swap3A_1248], %mul3A_1246 {strides = array<i32>} : memref<80x144xf32, #tpu.memory_space<vmem>>, vector<16xf32>,
          %get3A_1250 = arith.index_cast %add3A_1218 : i32 to index
          %get3A_1251 = arith.constant 48 : index
          %get3A_1252 = tpu.vector_load %arg19[%get3A_1250, %get3A_1251] {strides = array<i32>} : memref<80x144xf32, #tpu.memory_space<vmem>>, vector<16xf32>,
          %mul3A_1253 = vector.broadcast %squeeze3A_1241 : f32 to vector<16xf32>
          %mul3A_1254 = arith.mulf %get3A_1252, %mul3A_1253 : vector<16xf32>
          %swap3A_1255 = arith.index_cast %add3A_1218 : i32 to index
          %swap3A_1256 = arith.constant 48 : index
          %swap3A_1257 = tpu.vector_load %arg19[%swap3A_1255, %swap3A_1256] {strides = array<i32>} : memref<80x144xf32, #tpu.memory_space<vmem>>, vector<16xf32>,
          tpu.vector_store %arg19[%swap3A_1255, %swap3A_1256], %mul3A_1254 {strides = array<i32>} : memref<80x144xf32, #tpu.memory_space<vmem>>, vector<16xf32>,
          %slice3A_1258 = vector.extract_strided_slice %get3A_1221 {offsets = [2], sizes = [1], strides = [1]} : vector<16xf32> to vector<1xf32>
          %squeeze3A_1259 = vector.extract %slice3A_1258[0] : f32 from vector<1xf32>
          %get3A_1260 = arith.index_cast %add3A_1218 : i32 to index
          %get3A_1261 = arith.constant 64 : index
          %get3A_1262 = tpu.vector_load %arg19[%get3A_1260, %get3A_1261] {strides = array<i32>} : memref<80x144xf32, #tpu.memory_space<vmem>>, vector<16xf32>,
          %mul3A_1263 = vector.broadcast %squeeze3A_1259 : f32 to vector<16xf32>
          %mul3A_1264 = arith.mulf %get3A_1262, %mul3A_1263 : vector<16xf32>
          %swap3A_1265 = arith.index_cast %add3A_1218 : i32 to index
          %swap3A_1266 = arith.constant 64 : index
          %swap3A_1267 = tpu.vector_load %arg19[%swap3A_1265, %swap3A_1266] {strides = array<i32>} : memref<80x144xf32, #tpu.memory_space<vmem>>, vector<16xf32>,
          tpu.vector_store %arg19[%swap3A_1265, %swap3A_1266], %mul3A_1264 {strides = array<i32>} : memref<80x144xf32, #tpu.memory_space<vmem>>, vector<16xf32>,
          %get3A_1268 = arith.index_cast %add3A_1218 : i32 to index
          %get3A_1269 = arith.constant 80 : index
          %get3A_1270 = tpu.vector_load %arg19[%get3A_1268, %get3A_1269] {strides = array<i32>} : memref<80x144xf32, #tpu.memory_space<vmem>>, vector<16xf32>,
          %mul3A_1271 = vector.broadcast %squeeze3A_1259 : f32 to vector<16xf32>
          %mul3A_1272 = arith.mulf %get3A_1270, %mul3A_1271 : vector<16xf32>
          %swap3A_1273 = arith.index_cast %add3A_1218 : i32 to index
          %swap3A_1274 = arith.constant 80 : index
          %swap3A_1275 = tpu.vector_load %arg19[%swap3A_1273, %swap3A_1274] {strides = array<i32>} : memref<80x144xf32, #tpu.memory_space<vmem>>, vector<16xf32>,
          tpu.vector_store %arg19[%swap3A_1273, %swap3A_1274], %mul3A_1272 {strides = array<i32>} : memref<80x144xf32, #tpu.memory_space<vmem>>, vector<16xf32>,
          %slice3A_1276 = vector.extract_strided_slice %get3A_1221 {offsets = [3], sizes = [1], strides = [1]} : vector<16xf32> to vector<1xf32>
          %squeeze3A_1277 = vector.extract %slice3A_1276[0] : f32 from vector<1xf32>
          %get3A_1278 = arith.index_cast %add3A_1218 : i32 to index
          %get3A_1279 = arith.constant 96 : index
          %get3A_1280 = tpu.vector_load %arg19[%get3A_1278, %get3A_1279] {strides = array<i32>} : memref<80x144xf32, #tpu.memory_space<vmem>>, vector<16xf32>,
          %mul3A_1281 = vector.broadcast %squeeze3A_1277 : f32 to vector<16xf32>
          %mul3A_1282 = arith.mulf %get3A_1280, %mul3A_1281 : vector<16xf32>
          %swap3A_1283 = arith.index_cast %add3A_1218 : i32 to index
          %swap3A_1284 = arith.constant 96 : index
          %swap3A_1285 = tpu.vector_load %arg19[%swap3A_1283, %swap3A_1284] {strides = array<i32>} : memref<80x144xf32, #tpu.memory_space<vmem>>, vector<16xf32>,
          tpu.vector_store %arg19[%swap3A_1283, %swap3A_1284], %mul3A_1282 {strides = array<i32>} : memref<80x144xf32, #tpu.memory_space<vmem>>, vector<16xf32>,
          %get3A_1286 = arith.index_cast %add3A_1218 : i32 to index
          %get3A_1287 = arith.constant 112 : index
          %get3A_1288 = tpu.vector_load %arg19[%get3A_1286, %get3A_1287] {strides = array<i32>} : memref<80x144xf32, #tpu.memory_space<vmem>>, vector<16xf32>,
          %mul3A_1289 = vector.broadcast %squeeze3A_1277 : f32 to vector<16xf32>
          %mul3A_1290 = arith.mulf %get3A_1288, %mul3A_1289 : vector<16xf32>
          %swap3A_1291 = arith.index_cast %add3A_1218 : i32 to index
          %swap3A_1292 = arith.constant 112 : index
          %swap3A_1293 = tpu.vector_load %arg19[%swap3A_1291, %swap3A_1292] {strides = array<i32>} : memref<80x144xf32, #tpu.memory_space<vmem>>, vector<16xf32>,
          tpu.vector_store %arg19[%swap3A_1291, %swap3A_1292], %mul3A_1290 {strides = array<i32>} : memref<80x144xf32, #tpu.memory_space<vmem>>, vector<16xf32>,
        }
        %scan3A_967 = arith.constant 20 : i32
        %dma_start3A_968 = arith.constant 0 : i32
        %dma_start3A_969 = arith.constant 0 : i32
        %dma_start3A_970 = tpu.memref_slice %arg22[%dma_start3A_968, %dma_start3A_969] : memref<10000x144xf32, #tpu.memory_space<vmem_shared>> -> memref<10000x144xf32, #tpu.memory_space<vmem_shared>>
        tpu.enqueue_indirect_dma source(%arg19 : memref<80x144xf32, #tpu.memory_space<vmem>>) target(%dma_start3A_970 : memref<10000x144xf32, #tpu.memory_space<vmem_shared>>) offsets(%arg21 : memref<80xi32, #tpu.memory_space<vmem>>) semaphore(%arg31 : memref<!tpu.dma_semaphore, #tpu.memory_space<semaphore_mem>>) {add = true}
        %ge3A_971 = arith.constant 1 : i32
        %ge3A_972 = arith.cmpi sge, %add3A_569, %ge3A_971 : i32
        %convert_element_type3A_973 = arith.extui %ge3A_972 : i1 to i32
        %cond3A_974 = arith.constant 0 : i32
        %cond3A_975 = arith.cmpi ne, %convert_element_type3A_973, %cond3A_974 : i32
        scf.if %cond3A_975 {
          %dma_wait3A_983 = arith.constant 0 : i32
          %dma_wait3A_984 = arith.constant 0 : i32
          %dma_wait3A_985 = tpu.memref_slice %arg22[%dma_wait3A_983, %dma_wait3A_984] : memref<10000x144xf32, #tpu.memory_space<vmem_shared>> -> memref<80x144xf32, #tpu.memory_space<vmem_shared>>
          %dma_wait3A_986 = arith.constant 0 : i32
          %dma_wait3A_987 = arith.constant 0 : i32
          %dma_wait3A_988 = tpu.memref_slice %arg22[%dma_wait3A_986, %dma_wait3A_987] : memref<10000x144xf32, #tpu.memory_space<vmem_shared>> -> memref<80x144xf32, #tpu.memory_space<vmem_shared>>
          tpu.wait_dma2 semaphore(%arg28 : memref<!tpu.dma_semaphore, #tpu.memory_space<semaphore_mem>>) src(%arg14 : memref<80x144xf32, #tpu.memory_space<vmem>>) dst(%dma_wait3A_988 : memref<80x144xf32, #tpu.memory_space<vmem_shared>>)
        } else {
        }
        %add3A_976 = arith.constant 2 : i32
        %add3A_977 = arith.addi %add3A_569, %add3A_976 : i32
        %lt3A_978 = arith.constant 125 : i32
        %lt3A_979 = arith.cmpi slt, %add3A_977, %lt3A_978 : i32
        %convert_element_type3A_980 = arith.extui %lt3A_979 : i1 to i32
        %cond3A_981 = arith.constant 0 : i32
        %cond3A_982 = arith.cmpi ne, %convert_element_type3A_980, %cond3A_981 : i32
        scf.if %cond3A_982 {
          %dma_wait3A_983 = arith.constant 0 : i32
          %dma_wait3A_984 = tpu.memref_slice %arg4[%dma_wait3A_983] : memref<320000xi32, #tpu.memory_space<hbm>> -> memref<80xi32, #tpu.memory_space<hbm>>
          %dma_wait3A_985 = arith.constant 0 : i32
          %dma_wait3A_986 = tpu.memref_slice %arg4[%dma_wait3A_985] : memref<320000xi32, #tpu.memory_space<hbm>> -> memref<80xi32, #tpu.memory_space<hbm>>
          tpu.wait_dma2 semaphore(%arg26 : memref<!tpu.dma_semaphore, #tpu.memory_space<semaphore_mem>>) src(%dma_wait3A_986 : memref<80xi32, #tpu.memory_space<hbm>>) dst(%arg12 : memref<80xi32, #tpu.memory_space<vmem>>)
          %dma_wait3A_987 = arith.constant 0 : i32
          %dma_wait3A_988 = tpu.memref_slice %arg5[%dma_wait3A_987] : memref<320000xi32, #tpu.memory_space<hbm>> -> memref<80xi32, #tpu.memory_space<hbm>>
          %dma_wait3A_989 = arith.constant 0 : i32
          %dma_wait3A_990 = tpu.memref_slice %arg5[%dma_wait3A_989] : memref<320000xi32, #tpu.memory_space<hbm>> -> memref<80xi32, #tpu.memory_space<hbm>>
          tpu.wait_dma2 semaphore(%arg26 : memref<!tpu.dma_semaphore, #tpu.memory_space<semaphore_mem>>) src(%dma_wait3A_990 : memref<80xi32, #tpu.memory_space<hbm>>) dst(%arg13 : memref<80xi32, #tpu.memory_space<vmem>>)
          %dma_start3A_991 = arith.constant 0 : i32
          %dma_start3A_992 = arith.constant 0 : i32
          %dma_start3A_993 = tpu.memref_slice %arg2[%dma_start3A_991, %dma_start3A_992] : memref<10000x144xf32, #tpu.memory_space<hbm>> -> memref<10000x144xf32, #tpu.memory_space<hbm>>
          tpu.enqueue_indirect_dma source(%dma_start3A_993 : memref<10000x144xf32, #tpu.memory_space<hbm>>) target(%arg14 : memref<80x144xf32, #tpu.memory_space<vmem>>) offsets(%arg12 : memref<80xi32, #tpu.memory_space<vmem>>) semaphore(%arg27 : memref<!tpu.dma_semaphore, #tpu.memory_space<semaphore_mem>>)
          %dma_start3A_994 = arith.constant 0 : i32
          %dma_start3A_995 = arith.constant 0 : i32
          %dma_start3A_996 = tpu.memref_slice %arg3[%dma_start3A_994, %dma_start3A_995] : memref<10000x16xf32, #tpu.memory_space<hbm>> -> memref<10000x16xf32, #tpu.memory_space<hbm>>
          tpu.enqueue_indirect_dma source(%dma_start3A_996 : memref<10000x16xf32, #tpu.memory_space<hbm>>) target(%arg15 : memref<80x16xf32, #tpu.memory_space<vmem>>) offsets(%arg13 : memref<80xi32, #tpu.memory_space<vmem>>) semaphore(%arg27 : memref<!tpu.dma_semaphore, #tpu.memory_space<semaphore_mem>>)
        } else {
        }
      } else {
      }
    }
    %scan3A_109 = arith.constant 42 : i32
    %dma_wait3A_110 = arith.constant 0 : i32
    %dma_wait3A_111 = arith.constant 0 : i32
    %dma_wait3A_112 = tpu.memref_slice %arg22[%dma_wait3A_110, %dma_wait3A_111] : memref<10000x144xf32, #tpu.memory_space<vmem_shared>> -> memref<80x144xf32, #tpu.memory_space<vmem_shared>>
    %dma_wait3A_113 = arith.constant 0 : i32
    %dma_wait3A_114 = arith.constant 0 : i32
    %dma_wait3A_115 = tpu.memref_slice %arg22[%dma_wait3A_113, %dma_wait3A_114] : memref<10000x144xf32, #tpu.memory_space<vmem_shared>> -> memref<80x144xf32, #tpu.memory_space<vmem_shared>>
    tpu.wait_dma2 semaphore(%arg28 : memref<!tpu.dma_semaphore, #tpu.memory_space<semaphore_mem>>) src(%arg14 : memref<80x144xf32, #tpu.memory_space<vmem>>) dst(%dma_wait3A_115 : memref<80x144xf32, #tpu.memory_space<vmem_shared>>)
    %barrier3A_116 = arith.constant 0 : index
    tpu.barrier barrier_id(%barrier3A_116)
    %sub3A_117 = arith.constant 125 : i32
    %sub3A_118 = arith.subi %sub3A_117, %arg1 : i32
    %sub3A_119 = arith.constant 16 : i32
    %sub3A_120 = arith.constant 1 : i32
    %sub3A_121 = arith.subi %sub3A_119, %sub3A_120 : i32
    %add3A_122 = arith.addi %sub3A_118, %sub3A_121 : i32
    %div3A_123 = arith.constant 16 : i32
    %div3A_124 = arith.divsi %add3A_122, %div3A_123 : i32
    %while3A_125 = arith.constant 16 : i32
    %while3A_126 = arith.constant 0 : i32
    %while3A_127 = arith.subi %div3A_124, %while3A_126 : i32
    %while3A_128 = arith.addi %while3A_126, %while3A_127 : i32
    %while3A_129 = arith.constant 1 : i32
    %while3A_130 = arith.divsi %while3A_127, %while3A_129 : i32
    %while3A_131 = arith.muli %while3A_130, %while3A_129 : i32
    %while3A_132 = arith.addi %while3A_126, %while3A_131 : i32
    %while3A_133 = arith.constant 1 : i32
    scf.for %while3A_154 = %while3A_126 to %while3A_132 step %while3A_133  : i32 {
      %mul3A_155 = arith.muli %while3A_154, %while3A_125 : i32
      %add3A_156 = arith.addi %arg1, %mul3A_155 : i32
      %mul3A_157 = arith.constant 80 : i32
      %mul3A_158 = arith.muli %add3A_156, %mul3A_157 : i32
      %mul3A_159 = arith.constant 80 : i32
      %mul3A_160 = arith.muli %add3A_156, %mul3A_159 : i32
      %dma_start3A_161 = arith.constant 0 : i32
      %dma_start3A_162 = tpu.memref_slice %arg6[%arg0, %mul3A_160, %dma_start3A_161] : memref<2x10000x144xf32, #tpu.memory_space<hbm>> -> memref<1x80x144xf32, #tpu.memory_space<hbm>>
      %dma_start3A_163 = tpu.memref_squeeze %dma_start3A_162 : memref<1x80x144xf32, #tpu.memory_space<hbm>> -> memref<80x144xf32, #tpu.memory_space<hbm>>
      %dma_start3A_164 = arith.constant 0 : i32
      %dma_start3A_165 = tpu.memref_slice %arg22[%mul3A_158, %dma_start3A_164] : memref<10000x144xf32, #tpu.memory_space<vmem_shared>> -> memref<80x144xf32, #tpu.memory_space<vmem_shared>>
      tpu.enqueue_dma source(%dma_start3A_165 : memref<80x144xf32, #tpu.memory_space<vmem_shared>>) target(%dma_start3A_163 : memref<80x144xf32, #tpu.memory_space<hbm>>) target_semaphore(%arg32 : memref<!tpu.dma_semaphore, #tpu.memory_space<semaphore_mem>>)
    }
    %while3A_134 = arith.constant 1 : i32
    scf.for %while3A_154 = %while3A_132 to %while3A_128 step %while3A_134  : i32 {
      %mul3A_155 = arith.muli %while3A_154, %while3A_125 : i32
      %add3A_156 = arith.addi %arg1, %mul3A_155 : i32
      %mul3A_157 = arith.constant 80 : i32
      %mul3A_158 = arith.muli %add3A_156, %mul3A_157 : i32
      %mul3A_159 = arith.constant 80 : i32
      %mul3A_160 = arith.muli %add3A_156, %mul3A_159 : i32
      %dma_start3A_161 = arith.constant 0 : i32
      %dma_start3A_162 = tpu.memref_slice %arg6[%arg0, %mul3A_160, %dma_start3A_161] : memref<2x10000x144xf32, #tpu.memory_space<hbm>> -> memref<1x80x144xf32, #tpu.memory_space<hbm>>
      %dma_start3A_163 = tpu.memref_squeeze %dma_start3A_162 : memref<1x80x144xf32, #tpu.memory_space<hbm>> -> memref<80x144xf32, #tpu.memory_space<hbm>>
      %dma_start3A_164 = arith.constant 0 : i32
      %dma_start3A_165 = tpu.memref_slice %arg22[%mul3A_158, %dma_start3A_164] : memref<10000x144xf32, #tpu.memory_space<vmem_shared>> -> memref<80x144xf32, #tpu.memory_space<vmem_shared>>
      tpu.enqueue_dma source(%dma_start3A_165 : memref<80x144xf32, #tpu.memory_space<vmem_shared>>) target(%dma_start3A_163 : memref<80x144xf32, #tpu.memory_space<hbm>>) target_semaphore(%arg32 : memref<!tpu.dma_semaphore, #tpu.memory_space<semaphore_mem>>)
    }
    %sub3A_135 = arith.constant 0 : i32
    %sub3A_136 = arith.subi %select_n3A, %sub3A_135 : i32
    %sub3A_137 = arith.constant 1 : i32
    %sub3A_138 = arith.constant 1 : i32
    %sub3A_139 = arith.subi %sub3A_137, %sub3A_138 : i32
    %add3A_140 = arith.addi %sub3A_136, %sub3A_139 : i32
    %div3A_141 = arith.constant 1 : i32
    %div3A_142 = arith.divsi %add3A_140, %div3A_141 : i32
    %while3A_143 = arith.constant 1 : i32
    %while3A_144 = arith.constant 0 : i32
    %while3A_145 = arith.constant 0 : i32
    %while3A_146 = arith.subi %div3A_142, %while3A_145 : i32
    %while3A_147 = arith.addi %while3A_145, %while3A_146 : i32
    %while3A_148 = arith.constant 1 : i32
    %while3A_149 = arith.divsi %while3A_146, %while3A_148 : i32
    %while3A_150 = arith.muli %while3A_149, %while3A_148 : i32
    %while3A_151 = arith.addi %while3A_145, %while3A_150 : i32
    %while3A_152 = arith.constant 1 : i32
    scf.for %while3A_154 = %while3A_145 to %while3A_151 step %while3A_152  : i32 {
      %mul3A_155 = arith.muli %while3A_154, %while3A_143 : i32
      %add3A_156 = arith.addi %while3A_144, %mul3A_155 : i32
      %dma_wait3A_157 = arith.constant 0 : i32
      %dma_wait3A_158 = arith.constant 0 : i32
      %dma_wait3A_159 = arith.constant 0 : i32
      %dma_wait3A_160 = tpu.memref_slice %arg6[%dma_wait3A_157, %dma_wait3A_158, %dma_wait3A_159] : memref<2x10000x144xf32, #tpu.memory_space<hbm>> -> memref<1x80x144xf32, #tpu.memory_space<hbm>>
      %dma_wait3A_161 = tpu.memref_squeeze %dma_wait3A_160 : memref<1x80x144xf32, #tpu.memory_space<hbm>> -> memref<80x144xf32, #tpu.memory_space<hbm>>
      %dma_wait3A_162 = arith.constant 0 : i32
      %dma_wait3A_163 = arith.constant 0 : i32
      %dma_wait3A_164 = tpu.memref_slice %arg22[%dma_wait3A_162, %dma_wait3A_163] : memref<10000x144xf32, #tpu.memory_space<vmem_shared>> -> memref<80x144xf32, #tpu.memory_space<vmem_shared>>
      tpu.wait_dma2 semaphore(%arg32 : memref<!tpu.dma_semaphore, #tpu.memory_space<semaphore_mem>>) src(%dma_wait3A_164 : memref<80x144xf32, #tpu.memory_space<vmem_shared>>) dst(%dma_wait3A_161 : memref<80x144xf32, #tpu.memory_space<hbm>>)
    }
    %while3A_153 = arith.constant 1 : i32
    scf.for %while3A_154 = %while3A_151 to %while3A_147 step %while3A_153  : i32 {
      %mul3A_155 = arith.muli %while3A_154, %while3A_143 : i32
      %add3A_156 = arith.addi %while3A_144, %mul3A_155 : i32
      %dma_wait3A_157 = arith.constant 0 : i32
      %dma_wait3A_158 = arith.constant 0 : i32
      %dma_wait3A_159 = arith.constant 0 : i32
      %dma_wait3A_160 = tpu.memref_slice %arg6[%dma_wait3A_157, %dma_wait3A_158, %dma_wait3A_159] : memref<2x10000x144xf32, #tpu.memory_space<hbm>> -> memref<1x80x144xf32, #tpu.memory_space<hbm>>
      %dma_wait3A_161 = tpu.memref_squeeze %dma_wait3A_160 : memref<1x80x144xf32, #tpu.memory_space<hbm>> -> memref<80x144xf32, #tpu.memory_space<hbm>>
      %dma_wait3A_162 = arith.constant 0 : i32
      %dma_wait3A_163 = arith.constant 0 : i32
      %dma_wait3A_164 = tpu.memref_slice %arg22[%dma_wait3A_162, %dma_wait3A_163] : memref<10000x144xf32, #tpu.memory_space<vmem_shared>> -> memref<80x144xf32, #tpu.memory_space<vmem_shared>>
      tpu.wait_dma2 semaphore(%arg32 : memref<!tpu.dma_semaphore, #tpu.memory_space<semaphore_mem>>) src(%dma_wait3A_164 : memref<80x144xf32, #tpu.memory_space<vmem_shared>>) dst(%dma_wait3A_161 : memref<80x144xf32, #tpu.memory_space<hbm>>)
    }
    return
  }
}

module attributes {stable_mosaic.version = 14 : i64} {
  func.func @_phase1_body(%arg0: i32, %arg1: memref<2000x128xf32, #tpu.memory_space<vmem>>, %arg2: memref<128x128xf32, #tpu.memory_space<vmem>>, %arg3: memref<128x8xf32, #tpu.memory_space<vmem>>, %arg4: memref<2000x144xf32, #tpu.memory_space<vmem>>, %arg5: memref<2000x16xf32, #tpu.memory_space<vmem>>) attributes {dimension_semantics = [#tpu.dimension_semantics<arbitrary>], iteration_bounds = array<i64: 5>, scalar_prefetch = 0 : i64, scratch_operands = 0 : i64, tpu.core_type = #tpu.core_type<tc>, window_params = [{transform_indices = @transform_0, window_bounds = array<i64: 2000, 128>}, {pipeline_mode = #tpu.pipeline_mode<synchronous>, transform_indices = @transform_1, window_bounds = array<i64: 128, 128>}, {pipeline_mode = #tpu.pipeline_mode<synchronous>, transform_indices = @transform_2, window_bounds = array<i64: 128, 8>}, {transform_indices = @transform_3, window_bounds = array<i64: 2000, 144>}, {transform_indices = @transform_4, window_bounds = array<i64: 2000, 16>}]} {
    %get3A = arith.constant 0 : index
    %get3A_0 = arith.constant 0 : index
    %get3A_1 = vector.load %arg1[%get3A, %get3A_0] : memref<2000x128xf32, #tpu.memory_space<vmem>>, vector<2000x128xf32>
    %get3A_2 = arith.constant 0 : index
    %get3A_3 = arith.constant 0 : index
    %get3A_4 = vector.load %arg2[%get3A_2, %get3A_3] : memref<128x128xf32, #tpu.memory_space<vmem>>, vector<128x128xf32>
    %dot_general3A = arith.constant dense<0.000000e+00> : vector<2000x128xf32>
    %dot_general3A_5 = tpu.matmul %get3A_1, %get3A_4, %dot_general3A {dimension_numbers = #tpu.dot_dimension_numbers<[1], [0], [0], [1], [0, 0, 1, 1], [], []>, precision = #tpu.contract_precision<fp32>, transpose_lhs_hint = false} : vector<2000x128xf32>, vector<128x128xf32>, vector<2000x128xf32> -> vector<2000x128xf32>
    %get3A_6 = arith.constant 0 : index
    %get3A_7 = arith.constant 0 : index
    %get3A_8 = vector.load %arg3[%get3A_6, %get3A_7] : memref<128x8xf32, #tpu.memory_space<vmem>>, vector<128x8xf32>
    %dot_general3A_9 = arith.constant dense<0.000000e+00> : vector<2000x8xf32>
    %dot_general3A_10 = tpu.matmul %dot_general3A_5, %get3A_8, %dot_general3A_9 {dimension_numbers = #tpu.dot_dimension_numbers<[1], [0], [0], [1], [0, 0, 1, 1], [], []>, precision = #tpu.contract_precision<fp32>, transpose_lhs_hint = false} : vector<2000x128xf32>, vector<128x8xf32>, vector<2000x8xf32> -> vector<2000x8xf32>
    %broadcast_in_dim3A = arith.constant 0.000000e+00 : f32
    %broadcast_in_dim3A_11 = vector.broadcast %broadcast_in_dim3A : f32 to vector<2000x12xf32>
    %slice3A = vector.extract_strided_slice %dot_general3A_10 {offsets = [0, 0], sizes = [2000, 4], strides = [1, 1]} : vector<2000x8xf32> to vector<2000x4xf32>
    %concatenate3A = tpu.concatenate %dot_general3A_5, %slice3A, %broadcast_in_dim3A_11 in 1 : vector<2000x128xf32>, vector<2000x4xf32>, vector<2000x12xf32> -> vector<2000x144xf32>
    %swap3A = arith.constant 0 : index
    %swap3A_12 = arith.constant 0 : index
    %swap3A_13 = vector.load %arg4[%swap3A, %swap3A_12] : memref<2000x144xf32, #tpu.memory_space<vmem>>, vector<2000x144xf32>
    tpu.vector_store %arg4[%swap3A, %swap3A_12], %concatenate3A {strides = array<i32>} : memref<2000x144xf32, #tpu.memory_space<vmem>>, vector<2000x144xf32>,
    %slice3A_14 = vector.extract_strided_slice %dot_general3A_10 {offsets = [0, 4], sizes = [2000, 4], strides = [1, 1]} : vector<2000x8xf32> to vector<2000x4xf32>
    %broadcast_in_dim3A_15 = arith.constant 0.000000e+00 : f32
    %broadcast_in_dim3A_16 = vector.broadcast %broadcast_in_dim3A_15 : f32 to vector<2000x12xf32>
    %concatenate3A_17 = tpu.concatenate %slice3A_14, %broadcast_in_dim3A_16 in 1 : vector<2000x4xf32>, vector<2000x12xf32> -> vector<2000x16xf32>
    %swap3A_18 = arith.constant 0 : index
    %swap3A_19 = arith.constant 0 : index
    %swap3A_20 = vector.load %arg5[%swap3A_18, %swap3A_19] : memref<2000x16xf32, #tpu.memory_space<vmem>>, vector<2000x16xf32>
    tpu.vector_store %arg5[%swap3A_18, %swap3A_19], %concatenate3A_17 {strides = array<i32>} : memref<2000x16xf32, #tpu.memory_space<vmem>>, vector<2000x16xf32>,
    return
  }
  func.func @transform_0(%arg0: i32) -> (i32, i32) {
    %c0_i32 = arith.constant 0 : i32
    %c0_i32_0 = arith.constant 0 : i32
    return %arg0, %c0_i32 : i32, i32
  }
  func.func @transform_1(%arg0: i32) -> (i32, i32) {
    %c0_i32 = arith.constant 0 : i32
    %c0_i32_0 = arith.constant 0 : i32
    %c0_i32_1 = arith.constant 0 : i32
    return %c0_i32, %c0_i32_0 : i32, i32
  }
  func.func @transform_2(%arg0: i32) -> (i32, i32) {
    %c0_i32 = arith.constant 0 : i32
    %c0_i32_0 = arith.constant 0 : i32
    %c0_i32_1 = arith.constant 0 : i32
    return %c0_i32, %c0_i32_0 : i32, i32
  }
  func.func @transform_3(%arg0: i32) -> (i32, i32) {
    %c0_i32 = arith.constant 0 : i32
    %c0_i32_0 = arith.constant 0 : i32
    return %arg0, %c0_i32 : i32, i32
  }
  func.func @transform_4(%arg0: i32) -> (i32, i32) {
    %c0_i32 = arith.constant 0 : i32
    %c0_i32_0 = arith.constant 0 : i32
    return %arg0, %c0_i32 : i32, i32
  }
}

module attributes {stable_mosaic.version = 14 : i64} {
  func.func @_phase3_body(%arg0: i32, %arg1: i32, %arg2: memref<2x1000x144xf32, #tpu.memory_space<vmem>>, %arg3: memref<1000x144xf32, #tpu.memory_space<vmem>>, %arg4: memref<1000x16xf32, #tpu.memory_space<vmem>>, %arg5: memref<1000x128xf32, #tpu.memory_space<vmem>>, %arg6: memref<1x128xf32, #tpu.memory_space<vmem>>, %arg7: memref<1x128xf32, #tpu.memory_space<vmem>>, %arg8: memref<4x128xf32, #tpu.memory_space<vmem>>, %arg9: memref<1000x128xf32, #tpu.memory_space<vmem>>, %arg10: memref<1x128xf32, #tpu.memory_space<vmem>>, %arg11: memref<1x128xf32, #tpu.memory_space<vmem>>, %arg12: memref<10000x128xf32, #tpu.memory_space<vmem>>) attributes {dimension_semantics = [#tpu.dimension_semantics<arbitrary>, #tpu.dimension_semantics<arbitrary>], iteration_bounds = array<i64: 2, 10>, scalar_prefetch = 0 : i64, scratch_operands = 1 : i64, tpu.core_type = #tpu.core_type<tc>, window_params = [{transform_indices = @transform_0, window_bounds = array<i64: 2, 1000, 144>}, {transform_indices = @transform_1, window_bounds = array<i64: 1000, 144>}, {transform_indices = @transform_2, window_bounds = array<i64: 1000, 16>}, {transform_indices = @transform_3, window_bounds = array<i64: 1000, 128>}, {pipeline_mode = #tpu.pipeline_mode<synchronous>, transform_indices = @transform_4, window_bounds = array<i64: 1, 128>}, {pipeline_mode = #tpu.pipeline_mode<synchronous>, transform_indices = @transform_5, window_bounds = array<i64: 1, 128>}, {pipeline_mode = #tpu.pipeline_mode<synchronous>, transform_indices = @transform_6, window_bounds = array<i64: 4, 128>}, {transform_indices = @transform_7, window_bounds = array<i64: 1000, 128>}, {pipeline_mode = #tpu.pipeline_mode<synchronous>, transform_indices = @transform_8, window_bounds = array<i64: 1, 128>}, {pipeline_mode = #tpu.pipeline_mode<synchronous>, transform_indices = @transform_9, window_bounds = array<i64: 1, 128>}]} {
    %eq3A = arith.constant 0 : i32
    %eq3A_0 = arith.cmpi eq, %arg0, %eq3A : i32
    %convert_element_type3A = arith.extui %eq3A_0 : i1 to i32
    %cond3A = arith.constant 0 : i32
    %cond3A_1 = arith.cmpi ne, %convert_element_type3A, %cond3A : i32
    scf.if %cond3A_1 {
      %get3A = arith.constant 0 : index
      %get3A_7 = arith.constant 0 : index
      %get3A_8 = arith.constant 0 : index
      %get3A_9 = vector.load %arg2[%get3A, %get3A_7, %get3A_8] : memref<2x1000x144xf32, #tpu.memory_space<vmem>>, vector<1x1000x128xf32>
      %get3A_10 = vector.shape_cast %get3A_9 : vector<1x1000x128xf32> to vector<1000x128xf32>
      %get3A_11 = arith.constant 1 : index
      %get3A_12 = arith.constant 0 : index
      %get3A_13 = arith.constant 0 : index
      %get3A_14 = vector.load %arg2[%get3A_11, %get3A_12, %get3A_13] : memref<2x1000x144xf32, #tpu.memory_space<vmem>>, vector<1x1000x128xf32>
      %get3A_15 = vector.shape_cast %get3A_14 : vector<1x1000x128xf32> to vector<1000x128xf32>
      %add3A = arith.addf %get3A_10, %get3A_15 : vector<1000x128xf32>
      %get3A_16 = arith.constant 0 : index
      %get3A_17 = arith.constant 0 : index
      %get3A_18 = arith.constant 128 : index
      %get3A_19 = vector.load %arg2[%get3A_16, %get3A_17, %get3A_18] : memref<2x1000x144xf32, #tpu.memory_space<vmem>>, vector<1x1000x4xf32>
      %get3A_20 = vector.shape_cast %get3A_19 : vector<1x1000x4xf32> to vector<1000x4xf32>
      %get3A_21 = arith.constant 1 : index
      %get3A_22 = arith.constant 0 : index
      %get3A_23 = arith.constant 128 : index
      %get3A_24 = vector.load %arg2[%get3A_21, %get3A_22, %get3A_23] : memref<2x1000x144xf32, #tpu.memory_space<vmem>>, vector<1x1000x4xf32>
      %get3A_25 = vector.shape_cast %get3A_24 : vector<1x1000x4xf32> to vector<1000x4xf32>
      %add3A_26 = arith.addf %get3A_20, %get3A_25 : vector<1000x4xf32>
      %get3A_27 = arith.constant 0 : index
      %get3A_28 = arith.constant 0 : index
      %get3A_29 = vector.load %arg3[%get3A_27, %get3A_28] : memref<1000x144xf32, #tpu.memory_space<vmem>>, vector<1000x128xf32>
      %get3A_30 = arith.constant 0 : index
      %get3A_31 = arith.constant 128 : index
      %get3A_32 = vector.load %arg3[%get3A_30, %get3A_31] : memref<1000x144xf32, #tpu.memory_space<vmem>>, vector<1000x4xf32>
      %get3A_33 = arith.constant 0 : index
      %get3A_34 = arith.constant 0 : index
      %get3A_35 = vector.load %arg4[%get3A_33, %get3A_34] : memref<1000x16xf32, #tpu.memory_space<vmem>>, vector<1000x4xf32>
      %add3A_36 = arith.addf %get3A_32, %get3A_35 : vector<1000x4xf32>
      %ge3A = arith.constant 0.000000e+00 : f32
      %ge3A_37 = vector.broadcast %ge3A : f32 to vector<1000x4xf32>
      %ge3A_38 = arith.cmpf oge, %add3A_36, %ge3A_37 : vector<1000x4xf32>
      %mul3A = arith.constant 2.000000e-01 : f32
      %mul3A_39 = vector.broadcast %mul3A : f32 to vector<1000x4xf32>
      %mul3A_40 = arith.mulf %add3A_36, %mul3A_39 : vector<1000x4xf32>
      %select_n3A = arith.select %ge3A_38, %add3A_36, %mul3A_40 : vector<1000x4xi1>, vector<1000x4xf32>
      %exp3A = math.exp %select_n3A : vector<1000x4xf32>
      %add3A_41 = arith.addf %add3A_26, %exp3A : vector<1000x4xf32>
      %get3A_42 = arith.constant 0 : index
      %get3A_43 = arith.constant 0 : index
      %get3A_44 = vector.load %arg8[%get3A_42, %get3A_43] : memref<4x128xf32, #tpu.memory_space<vmem>>, vector<4x128xf32>
      %dot_general3A = arith.constant dense<0.000000e+00> : vector<1000x128xf32>
      %dot_general3A_45 = tpu.matmul %exp3A, %get3A_44, %dot_general3A {dimension_numbers = #tpu.dot_dimension_numbers<[1], [0], [0], [1], [0, 0, 1, 1], [], []>, precision = #tpu.contract_precision<fp32>, transpose_lhs_hint = false} : vector<1000x4xf32>, vector<4x128xf32>, vector<1000x128xf32> -> vector<1000x128xf32>
      %mul3A_46 = arith.mulf %dot_general3A_45, %get3A_29 : vector<1000x128xf32>
      %add3A_47 = arith.addf %add3A, %mul3A_46 : vector<1000x128xf32>
      %dot_general3A_48 = arith.constant dense<0.000000e+00> : vector<1000x128xf32>
      %dot_general3A_49 = tpu.matmul %add3A_41, %get3A_44, %dot_general3A_48 {dimension_numbers = #tpu.dot_dimension_numbers<[1], [0], [0], [1], [0, 0, 1, 1], [], []>, precision = #tpu.contract_precision<fp32>, transpose_lhs_hint = false} : vector<1000x4xf32>, vector<4x128xf32>, vector<1000x128xf32> -> vector<1000x128xf32>
      %add3A_50 = arith.constant 1.000000e-16 : f32
      %add3A_51 = vector.broadcast %add3A_50 : f32 to vector<1000x128xf32>
      %add3A_52 = arith.addf %dot_general3A_49, %add3A_51 : vector<1000x128xf32>
      %div3A = arith.divf %add3A_47, %add3A_52 : vector<1000x128xf32>
      %mul3A_53 = arith.constant 1000 : i32
      %mul3A_54 = arith.muli %arg1, %mul3A_53 : i32
      %swap3A = arith.index_cast %mul3A_54 : i32 to index
      %swap3A_55 = arith.constant 0 : index
      %swap3A_56 = vector.load %arg12[%swap3A, %swap3A_55] : memref<10000x128xf32, #tpu.memory_space<vmem>>, vector<1000x128xf32>
      tpu.vector_store %arg12[%swap3A, %swap3A_55], %div3A {strides = array<i32>} : memref<10000x128xf32, #tpu.memory_space<vmem>>, vector<1000x128xf32>,
      %eq3A_57 = arith.constant 0 : i32
      %eq3A_58 = arith.cmpi eq, %arg1, %eq3A_57 : i32
      %convert_element_type3A_59 = arith.extui %eq3A_58 : i1 to i32
      %cond3A_60 = arith.constant 0 : i32
      %cond3A_61 = arith.cmpi ne, %convert_element_type3A_59, %cond3A_60 : i32
      scf.if %cond3A_61 {
        %broadcast_in_dim3A_81 = arith.constant 0.000000e+00 : f32
        %broadcast_in_dim3A_82 = vector.broadcast %broadcast_in_dim3A_81 : f32 to vector<1x128xf32>
        %swap3A_83 = arith.constant 0 : index
        %swap3A_84 = arith.constant 0 : index
        %swap3A_85 = vector.load %arg10[%swap3A_83, %swap3A_84] : memref<1x128xf32, #tpu.memory_space<vmem>>, vector<1x128xf32>
        tpu.vector_store %arg10[%swap3A_83, %swap3A_84], %broadcast_in_dim3A_82 {strides = array<i32>} : memref<1x128xf32, #tpu.memory_space<vmem>>, vector<1x128xf32>,
        %broadcast_in_dim3A_86 = arith.constant 0.000000e+00 : f32
        %broadcast_in_dim3A_87 = vector.broadcast %broadcast_in_dim3A_86 : f32 to vector<1x128xf32>
        %swap3A_88 = arith.constant 0 : index
        %swap3A_89 = arith.constant 0 : index
        %swap3A_90 = vector.load %arg11[%swap3A_88, %swap3A_89] : memref<1x128xf32, #tpu.memory_space<vmem>>, vector<1x128xf32>
        tpu.vector_store %arg11[%swap3A_88, %swap3A_89], %broadcast_in_dim3A_87 {strides = array<i32>} : memref<1x128xf32, #tpu.memory_space<vmem>>, vector<1x128xf32>,
      } else {
      }
      %get3A_62 = arith.constant 0 : index
      %get3A_63 = arith.constant 0 : index
      %get3A_64 = vector.load %arg10[%get3A_62, %get3A_63] : memref<1x128xf32, #tpu.memory_space<vmem>>, vector<1x128xf32>
      %reduce_sum3A = arith.constant dense<0.000000e+00> : vector<128xf32>
      %reduce_sum3A_65 = vector.multi_reduction <add>, %div3A, %reduce_sum3A [0] : vector<1000x128xf32> to vector<128xf32>
      %broadcast_in_dim3A = vector.shape_cast %reduce_sum3A_65 : vector<128xf32> to vector<1x128xf32>
      %add3A_66 = arith.addf %get3A_64, %broadcast_in_dim3A : vector<1x128xf32>
      %swap3A_67 = arith.constant 0 : index
      %swap3A_68 = arith.constant 0 : index
      %swap3A_69 = vector.load %arg10[%swap3A_67, %swap3A_68] : memref<1x128xf32, #tpu.memory_space<vmem>>, vector<1x128xf32>
      tpu.vector_store %arg10[%swap3A_67, %swap3A_68], %add3A_66 {strides = array<i32>} : memref<1x128xf32, #tpu.memory_space<vmem>>, vector<1x128xf32>,
      %get3A_70 = arith.constant 0 : index
      %get3A_71 = arith.constant 0 : index
      %get3A_72 = vector.load %arg11[%get3A_70, %get3A_71] : memref<1x128xf32, #tpu.memory_space<vmem>>, vector<1x128xf32>
      %mul3A_73 = arith.mulf %div3A, %div3A : vector<1000x128xf32>
      %reduce_sum3A_74 = arith.constant dense<0.000000e+00> : vector<128xf32>
      %reduce_sum3A_75 = vector.multi_reduction <add>, %mul3A_73, %reduce_sum3A_74 [0] : vector<1000x128xf32> to vector<128xf32>
      %broadcast_in_dim3A_76 = vector.shape_cast %reduce_sum3A_75 : vector<128xf32> to vector<1x128xf32>
      %add3A_77 = arith.addf %get3A_72, %broadcast_in_dim3A_76 : vector<1x128xf32>
      %swap3A_78 = arith.constant 0 : index
      %swap3A_79 = arith.constant 0 : index
      %swap3A_80 = vector.load %arg11[%swap3A_78, %swap3A_79] : memref<1x128xf32, #tpu.memory_space<vmem>>, vector<1x128xf32>
      tpu.vector_store %arg11[%swap3A_78, %swap3A_79], %add3A_77 {strides = array<i32>} : memref<1x128xf32, #tpu.memory_space<vmem>>, vector<1x128xf32>,
    } else {
    }
    %eq3A_2 = arith.constant 1 : i32
    %eq3A_3 = arith.cmpi eq, %arg0, %eq3A_2 : i32
    %convert_element_type3A_4 = arith.extui %eq3A_3 : i1 to i32
    %cond3A_5 = arith.constant 0 : i32
    %cond3A_6 = arith.cmpi ne, %convert_element_type3A_4, %cond3A_5 : i32
    scf.if %cond3A_6 {
      %get3A = arith.constant 0 : index
      %get3A_7 = arith.constant 0 : index
      %get3A_8 = vector.load %arg10[%get3A, %get3A_7] : memref<1x128xf32, #tpu.memory_space<vmem>>, vector<1x128xf32>
      %mul3A = arith.constant 9.99999974E-5 : f32
      %mul3A_9 = vector.broadcast %mul3A : f32 to vector<1x128xf32>
      %mul3A_10 = arith.mulf %get3A_8, %mul3A_9 : vector<1x128xf32>
      %get3A_11 = arith.constant 0 : index
      %get3A_12 = arith.constant 0 : index
      %get3A_13 = vector.load %arg11[%get3A_11, %get3A_12] : memref<1x128xf32, #tpu.memory_space<vmem>>, vector<1x128xf32>
      %mul3A_14 = arith.constant 9.99999974E-5 : f32
      %mul3A_15 = vector.broadcast %mul3A_14 : f32 to vector<1x128xf32>
      %mul3A_16 = arith.mulf %get3A_13, %mul3A_15 : vector<1x128xf32>
      %mul3A_17 = arith.mulf %mul3A_10, %mul3A_10 : vector<1x128xf32>
      %sub3A = arith.subf %mul3A_16, %mul3A_17 : vector<1x128xf32>
      %mul3A_18 = arith.constant 1000 : i32
      %mul3A_19 = arith.muli %arg1, %mul3A_18 : i32
      %get3A_20 = arith.index_cast %mul3A_19 : i32 to index
      %get3A_21 = arith.constant 0 : index
      %get3A_22 = vector.load %arg12[%get3A_20, %get3A_21] : memref<10000x128xf32, #tpu.memory_space<vmem>>, vector<1000x128xf32>
      %sub3A_23 = vector.broadcast %mul3A_10 : vector<1x128xf32> to vector<1000x128xf32>
      %sub3A_24 = arith.subf %get3A_22, %sub3A_23 : vector<1000x128xf32>
      %add3A = arith.constant 9.99999974E-6 : f32
      %add3A_25 = vector.broadcast %add3A : f32 to vector<1x128xf32>
      %add3A_26 = arith.addf %sub3A, %add3A_25 : vector<1x128xf32>
      %rsqrt3A = math.rsqrt %add3A_26 : vector<1x128xf32>
      %mul3A_27 = vector.broadcast %rsqrt3A : vector<1x128xf32> to vector<1000x128xf32>
      %mul3A_28 = arith.mulf %sub3A_24, %mul3A_27 : vector<1000x128xf32>
      %get3A_29 = arith.constant 0 : index
      %get3A_30 = arith.constant 0 : index
      %get3A_31 = vector.load %arg6[%get3A_29, %get3A_30] : memref<1x128xf32, #tpu.memory_space<vmem>>, vector<1x128xf32>
      %mul3A_32 = vector.broadcast %get3A_31 : vector<1x128xf32> to vector<1000x128xf32>
      %mul3A_33 = arith.mulf %mul3A_28, %mul3A_32 : vector<1000x128xf32>
      %get3A_34 = arith.constant 0 : index
      %get3A_35 = arith.constant 0 : index
      %get3A_36 = vector.load %arg7[%get3A_34, %get3A_35] : memref<1x128xf32, #tpu.memory_space<vmem>>, vector<1x128xf32>
      %add3A_37 = vector.broadcast %get3A_36 : vector<1x128xf32> to vector<1000x128xf32>
      %add3A_38 = arith.addf %mul3A_33, %add3A_37 : vector<1000x128xf32>
      %max3A = arith.constant 0.000000e+00 : f32
      %max3A_39 = vector.broadcast %max3A : f32 to vector<1000x128xf32>
      %max3A_40 = arith.maximumf %add3A_38, %max3A_39 : vector<1000x128xf32>
      %get3A_41 = arith.constant 0 : index
      %get3A_42 = arith.constant 0 : index
      %get3A_43 = vector.load %arg5[%get3A_41, %get3A_42] : memref<1000x128xf32, #tpu.memory_space<vmem>>, vector<1000x128xf32>
      %add3A_44 = arith.addf %max3A_40, %get3A_43 : vector<1000x128xf32>
      %swap3A = arith.constant 0 : index
      %swap3A_45 = arith.constant 0 : index
      %swap3A_46 = vector.load %arg9[%swap3A, %swap3A_45] : memref<1000x128xf32, #tpu.memory_space<vmem>>, vector<1000x128xf32>
      tpu.vector_store %arg9[%swap3A, %swap3A_45], %add3A_44 {strides = array<i32>} : memref<1000x128xf32, #tpu.memory_space<vmem>>, vector<1000x128xf32>,
    } else {
    }
    return
  }
  func.func @transform_0(%arg0: i32, %arg1: i32) -> (i32, i32, i32) {
    %sub3A = arith.constant 1 : i32
    %sub3A_0 = arith.subi %sub3A, %arg0 : i32
    %mul3A = arith.muli %arg1, %sub3A_0 : i32
    %c0_i32 = arith.constant 0 : i32
    %c0_i32_1 = arith.constant 0 : i32
    %c0_i32_2 = arith.constant 0 : i32
    return %c0_i32, %mul3A, %c0_i32_1 : i32, i32, i32
  }
  func.func @transform_1(%arg0: i32, %arg1: i32) -> (i32, i32) {
    %sub3A = arith.constant 1 : i32
    %sub3A_0 = arith.subi %sub3A, %arg0 : i32
    %mul3A = arith.muli %arg1, %sub3A_0 : i32
    %c0_i32 = arith.constant 0 : i32
    %c0_i32_1 = arith.constant 0 : i32
    return %mul3A, %c0_i32 : i32, i32
  }
  func.func @transform_2(%arg0: i32, %arg1: i32) -> (i32, i32) {
    %sub3A = arith.constant 1 : i32
    %sub3A_0 = arith.subi %sub3A, %arg0 : i32
    %mul3A = arith.muli %arg1, %sub3A_0 : i32
    %c0_i32 = arith.constant 0 : i32
    %c0_i32_1 = arith.constant 0 : i32
    return %mul3A, %c0_i32 : i32, i32
  }
  func.func @transform_3(%arg0: i32, %arg1: i32) -> (i32, i32) {
    %mul3A = arith.muli %arg1, %arg0 : i32
    %c0_i32 = arith.constant 0 : i32
    %c0_i32_0 = arith.constant 0 : i32
    return %mul3A, %c0_i32 : i32, i32
  }
  func.func @transform_4(%arg0: i32, %arg1: i32) -> (i32, i32) {
    %c0_i32 = arith.constant 0 : i32
    %c0_i32_0 = arith.constant 0 : i32
    %c0_i32_1 = arith.constant 0 : i32
    return %c0_i32, %c0_i32_0 : i32, i32
  }
  func.func @transform_5(%arg0: i32, %arg1: i32) -> (i32, i32) {
    %c0_i32 = arith.constant 0 : i32
    %c0_i32_0 = arith.constant 0 : i32
    %c0_i32_1 = arith.constant 0 : i32
    return %c0_i32, %c0_i32_0 : i32, i32
  }
  func.func @transform_6(%arg0: i32, %arg1: i32) -> (i32, i32) {
    %c0_i32 = arith.constant 0 : i32
    %c0_i32_0 = arith.constant 0 : i32
    %c0_i32_1 = arith.constant 0 : i32
    return %c0_i32, %c0_i32_0 : i32, i32
  }
  func.func @transform_7(%arg0: i32, %arg1: i32) -> (i32, i32) {
    %mul3A = arith.muli %arg1, %arg0 : i32
    %c0_i32 = arith.constant 0 : i32
    %c0_i32_0 = arith.constant 0 : i32
    return %mul3A, %c0_i32 : i32, i32
  }
  func.func @transform_8(%arg0: i32, %arg1: i32) -> (i32, i32) {
    %c0_i32 = arith.constant 0 : i32
    %c0_i32_0 = arith.constant 0 : i32
    %c0_i32_1 = arith.constant 0 : i32
    return %c0_i32, %c0_i32_0 : i32, i32
  }
  func.func @transform_9(%arg0: i32, %arg1: i32) -> (i32, i32) {
    %c0_i32 = arith.constant 0 : i32
    %c0_i32_0 = arith.constant 0 : i32
    %c0_i32_1 = arith.constant 0 : i32
    return %c0_i32, %c0_i32_0 : i32, i32
  }
}

</mosaic_0001>

<sc_bundles>
// kernel: kernel.5.cloned.1.call-start
scs
__scs_entry_jumppad:
0x0: {  	(pc) =	sbr.rel $0x88, $3  }
0x1: {  	(tag) =	ssettag $0x0;
	lr =	simm.s32 $0x1  }
0x2: {  	[smem:$0x3F9A] =	sst lr;
	_ =	strace $0xD0000000  }
0x3: {  	_ = 	snop  }
0x4: {  	_ = 	snop  }
0x5: {  	_ = 	snop  }
0x6: {  	_ = 	snop  }
0x7: {  	_ = 	snop  }
__scs_overlays_trampoline_lowered:
0x8: {  	[smem:$0x3FA9] =	sst s0  }
0x9: {  	[smem:$0x3FAA] =	sst s1  }
0xa: {  	[smem:$0x3FAB] =	sst s2  }
0xb: {  	[smem:$0x3FAC] =	sst s3  }
0xc: {  	[smem:$0x3FAD] =	sst s4  }
0xd: {  	[smem:$0x3FAE] =	sst s5  }
0xe: {  	[smem:$0x3FAF] =	sst s6  }
0xf: {  	[smem:$0x3FB0] =	sst s7  }
0x10: {  	[smem:$0x3FB1] =	sst s8  }
0x11: {  	[smem:$0x3FB2] =	sst s9;
	s0 =	simm.s32 @!p0 $0x0  }
0x12: {  	s1 =	sld [smem:$0x3F98];
	s0 =	simm.s32 @p0 $0x1  }
0x13: {  	[smem:$0x3FB3] =	sst s0;
	s0 =	simm.s32 @!p1 $0x0  }
0x14: {  	s2 =	sld [smem:$0x3F97];
	s0 =	simm.s32 @p1 $0x1  }
0x15: {  	[smem:$0x3FB4] =	sst s0;
	s0 =	simm.s32 @!p2 $0x0  }
0x16: {  	s3 =	sld [smem:$0x3FDB];
	s0 =	simm.s32 @p2 $0x1  }
0x17: {  	s4 =	simm.s32 $0x1BF5;
	[smem:$0x3FB6] =	sst s0  }
0x18: {  	s0 =	sld [smem:$0x3F99];
	_ =	swait.ge [sflag:s4], $0x0  }
0x19: {  	s7 =	sld [smem:$0x3F9A]  }
0x1a: {  	s8 =	sadd.s32 $0xFFFFE003, lr  }
0x1b: {  	s9 =	sadd.s32 $0xFFFFFEF7, lr;
	s5 =	simm.s32 $0xFFFFFFFF;
	p2 =	slt.u32 s8, $0xFFFFF086  }
0x1c: {  	p1 =	slt.u32 s9, $0xF7A;
	s5 =	simm.s32 @!p2 $0x0  }
0x1d: {  	s5 =	simm.s32 @p1 $0x1;
	p0 =	seq.s32 s7, s2  }
0x1e: {  	s7 =	smul.u32 @!p0 $0xF7A, s2;
	p2 =	seq.s32 @!p0 s5, $0x0  }
0x1f: {  	s9 =	smul.u32 $0xF7A, s1;
	s8 =	simm.s32 @!p0 $0x1BF5;
	p2 =	por !p2, p0  }
0x20: {  	[sflag:s8] =	ssyncset.s32 @!p0 $0xFFFFF086;
	s6 =	sadd.s32 @!p0 s3, s7;
	s7 =	simm.s32 @!p0 $0x108  }
0x21: {  	s3 =	sadd.s32 s3, s9;
	s6 =	sadd.s32 @!p0 $0x88, s6;
	s7 =	simm.s32 @p2 $0x1082  }
0x22: {  	[simem:s7], [sflag:s8] =	dma.local @!p0 [hbm:s6], $0xF7A  }
0x23: {  	s9 =	sor.u32 $0xD0000000, s2;
	s6 =	simm.s32 $0x108;
	_ =	swait.ge @!p0 [sflag:s8], $0x0  }
0x24: {  	s3 =	sadd.s32 $0x88, s3;
	s6 =	simm.s32 @!p1 $0x1082;
	[sflag:s4] =	ssyncset.s32 $0xFFFFF086  }
0x25: {  	[simem:s6], [sflag:s4] =	dma.local [hbm:s3], $0xF7A  }
0x26: {  	[smem:$0x3F9A] =	sst s1;
	(tag) =	ssettag s2;
	_ =	strace s9  }
0x27: {  	s1 =	sld [smem:$0x3FAA]  }
0x28: {  	s2 =	sld [smem:$0x3FAB]  }
0x29: {  	s4 =	sld [smem:$0x3FAD]  }
0x2a: {  	p0 =	seq.s32 s5, $0x0;
	s5 =	sld [smem:$0x3FAE]  }
0x2b: {  	s6 =	sld [smem:$0x3FAF]  }
0x2c: {  	s7 =	sld [smem:$0x3FB0]  }
0x2d: {  	s3 =	simm.s32 $0x108;
	s8 =	sld [smem:$0x3FB1]  }
0x2e: {  	s3 =	simm.s32 @!p0 $0x1082;
	s9 =	sld [smem:$0x3FB2]  }
0x2f: {  	lr =	sadd.s32 s0, s3;
	s0 =	sld [smem:$0x3FA9]  }
0x30: {  	s3 =	sld [smem:$0x3FAC]  }
0x31: {  	[smem:$0x3FB5] =	sst s10  }
0x32: {  	s10 =	sld [smem:$0x3FB3];
	_ =	sdelay $0x3  }
0x33: {  	p0 =	seq.s32 s10, $0x1;
	s10 =	sld [smem:$0x3FB5];
	_ =	sdelay $0x3  }
0x34: {  	[smem:$0x3FB5] =	sst s10  }
0x35: {  	s10 =	sld [smem:$0x3FB4];
	_ =	sdelay $0x3  }
0x36: {  	p1 =	seq.s32 s10, $0x1;
	s10 =	sld [smem:$0x3FB5];
	_ =	sdelay $0x3  }
0x37: {  	[smem:$0x3FB5] =	sst s10  }
0x38: {  	s10 =	sld [smem:$0x3FB6]  }
0x39: {  	_ = 	snop;
	(pc) =	sbr.ind lr, $3  }
0x3a: {  	_ = 	snop  }
0x3b: {  	_ = 	snop  }
0x3c: {  	p2 =	seq.s32 s10, $0x1;
	s10 =	sld [smem:$0x3FB5]  }
0x3d: {  	_ =	shalt  }
0x3e: {  	_ =	shalt  }
0x3f: {  	_ =	shalt  }
0x40: {  	_ =	shalt  }
0x41: {  	_ =	shalt  }
0x42: {  	_ =	shalt  }
0x43: {  	_ =	shalt  }
0x44: {  	_ =	shalt  }
0x45: {  	_ =	shalt  }
0x46: {  	_ =	shalt  }
0x47: {  	_ =	shalt  }
0x48: {  	_ =	shalt  }
0x49: {  	_ =	shalt  }
0x4a: {  	_ =	shalt  }
0x4b: {  	_ =	shalt  }
0x4c: {  	_ =	shalt  }
0x4d: {  	_ =	shalt  }
0x4e: {  	_ =	shalt  }
0x4f: {  	_ =	shalt  }
0x50: {  	_ =	shalt  }
0x51: {  	_ =	shalt  }
0x52: {  	_ =	shalt  }
0x53: {  	_ =	shalt  }
0x54: {  	_ =	shalt  }
0x55: {  	_ =	shalt  }
0x56: {  	_ =	shalt  }
0x57: {  	_ =	shalt  }
0x58: {  	_ =	shalt  }
0x59: {  	_ =	shalt  }
0x5a: {  	_ =	shalt  }
0x5b: {  	_ =	shalt  }
0x5c: {  	_ =	shalt  }
0x5d: {  	_ =	shalt  }
0x5e: {  	_ =	shalt  }
0x5f: {  	_ =	shalt  }
0x60: {  	_ =	shalt  }
0x61: {  	_ =	shalt  }
0x62: {  	_ =	shalt  }
0x63: {  	_ =	shalt  }
0x64: {  	_ =	shalt  }
0x65: {  	_ =	shalt  }
0x66: {  	_ =	shalt  }
0x67: {  	_ =	shalt  }
0x68: {  	_ =	shalt  }
0x69: {  	_ =	shalt  }
0x6a: {  	_ =	shalt  }
0x6b: {  	_ =	shalt  }
0x6c: {  	_ =	shalt  }
0x6d: {  	_ =	shalt  }
0x6e: {  	_ =	shalt  }
0x6f: {  	_ =	shalt  }
0x70: {  	_ =	shalt  }
0x71: {  	_ =	shalt  }
0x72: {  	_ =	shalt  }
0x73: {  	_ =	shalt  }
0x74: {  	_ =	shalt  }
0x75: {  	_ =	shalt  }
0x76: {  	_ =	shalt  }
0x77: {  	_ =	shalt  }
0x78: {  	_ =	shalt  }
0x79: {  	_ =	shalt  }
0x7a: {  	_ =	shalt  }
0x7b: {  	_ =	shalt  }
0x7c: {  	_ =	shalt  }
0x7d: {  	_ =	shalt  }
0x7e: {  	_ =	shalt  }
0x7f: {  	_ =	shalt  }
0x80: {  	_ =	shalt  }
0x81: {  	_ =	shalt  }
0x82: {  	_ =	shalt  }
0x83: {  	_ =	shalt  }
0x84: {  	_ =	shalt  }
0x85: {  	_ =	shalt  }
0x86: {  	_ =	shalt  }
0x87: {  	_ =	shalt  }
.Lfunc_end0:
.L_simem_size_0:
called_computation_lowered:
.L_overlay_start_0:
0x88: {  	s2 =	sld [smem:$0x3FD9]  }
0x89: {  	s3 =	sld [smem:$0x3FFE];
	_ =	sdelay $0x1  }
0x8a: {  	s1 =	srdreg.scid  }
0x8b: {  	s0 =	sand.u32 $0x1, s1  }
0x8c: {  	s17 =	sshll.u32 s0, $0xA;
	s2 =	sadd.s32 s3, s2  }
0x8d: {  	s2 =	sadd.s32 s2, s17  }
0x8e: {  	[smem:$0x3FC1] =	sst s2  }
0x8f: {  	_ = 	snop  }
0x90: {  	s2 =	sld [smem:$0x3FD0];
	(tm) =	ssettm $0x1  }
0x91: {  	s18 =	sld [smem:$0x3FFB];
	_ =	sdelay $0x3  }
0x92: {  	_ =	strace s18  }
0x93: {  	s3 =	sld [smem:$0x3FFC];
	_ =	sdelay $0x3  }
0x94: {  	_ =	strace s3  }
0x95: {  	s3 =	sld [smem:$0x3FFD];
	_ =	sdelay $0x3  }
0x96: {  	_ =	strace s3  }
0x97: {  	_ =	strace $0x8FFFFFFF  }
0x98: {  	s19 =	sld [smem:$0x3FDB];
	_ =	sdelay $0x1  }
0x99: {  	s4 =	simm.s32 $_scs_section_size  }
0x9a: {  	s5 =	simm.s32 $_size__tile_overlayer_lowered;
	s6 =	simm.s32 $_tile_overlayer_lowered  }
0x9b: {  	s22 =	simm.s32 $0x1BFF;
	s21 =	sshll.u32 s6, $0x1;
	s3 =	sadd.s32 s4, s19  }
0x9c: {  	s7 =	simm.s32 $0x0;
	s20 =	sshll.u32 s5, $0x1;
	s5 =	sadd.s32 s21, s3  }
0x9d: {  	[timem:s7], [sflag:s22] =	dma.local [hbm:s5], s20  }
0x9e: {  	_ =	swait.ge [sflag:s22], s20  }
0x9f: {  	s4 =	ssub.s32 $0x0, s20;
	[sflag:s22] =	ssyncset.done $0x0  }
0xa0: {  	[sflag:s22] =	ssyncadd.s32 s4;
	_ =	sdelay $0x1  }
0xa1: {  	s23 =	simm.s32 $0x1B8B  }
0xa2: {  	_ =	swait.ge [sflag:s23], $0x1  }
0xa3: {  	[sflag:s23] =	ssyncset.done $0x0  }
0xa4: {  	s25 =	simm.s32 $0x1B8E;
	s24 =	sld [smem:$0x3FFE];
	[sflag:s23] =	ssyncadd.s32 $0xFFFFFFFF  }
0xa5: {  	s26 =	simm.s32 $execute0_lowered;
	[smem:$0x3FD2] =	sst s25  }
0xa6: {  	s5 =	sshll.u32 s26, $0x1;
	_ =	strace $0x80000046;
	[dreg:$0x1] =	wrdreg $0xFFFFFFFF  }
0xa7: {  	s28 =	simm.s32 $_size_execute0_lowered;
	s3 =	sadd.s32 s3, s5;
	[dreg:$0x0] =	wrdreg $0x0  }
0xa8: {  	s5 =	sshll.u32 s28, $0x1;
	[dreg:$0x2] =	wrdreg s3  }
0xa9: {  	[dreg:$0x3] =	wrdreg s5  }
0xaa: {  	[dreg:$0x4] =	wrdreg $0xC0  }
0xab: {  	_ =	task [dreg:s7], $0x5FFFF  }
0xac: {  	[dreg:$0x1] =	wrdreg $0xFFFFFFFF  }
0xad: {  	[dreg:$0x0] =	wrdreg $0x60  }
0xae: {  	[dreg:$0x2] =	wrdreg s24  }
0xaf: {  	[dreg:$0x3] =	wrdreg s2  }
0xb0: {  	[dreg:$0x4] =	wrdreg $0x98D00  }
0xb1: {  	[dreg:$0x5] =	wrdreg $0x9  }
0xb2: {  	_ =	task.clear_ibuf [dreg:s7], $0x6FFFF;
	_ =	strace $0x90000046  }
0xb3: {  	s29 =	simm.s32 $0x9;
	_ =	strace $0x80000048  }
0xb4: {  	_ =	swait.ge [sflag:s29], $0x1  }
0xb5: {  	[sflag:s29] =	ssyncadd.s32 $0xFFFFFFFF  }
0xb6: {  	_ =	strace $0x90000048  }
0xb7: {  	_ =	sfence  }
0xb8: {  	s30 =	sld [smem:$0x0];
	_ =	sdelay $0x2  }
0xb9: {  	s31 =	sshll.u32 s1, $0xD;
	s1 =	sshrl.u32 s1, $0x2  }
0xba: {  	s3 =	sand.u32 $0x4000, s31;
	s1 =	sadd.s32 s1, s30  }
0xbb: {  	s0 =	sor.u32 s3, s0;
	s1 =	sshll.u32 s1, $0x11  }
0xbc: {  	s0 =	sor.u32 s1, s0  }
0xbd: {  	s0 =	sadd.s32 $0x8F2B, s0  }
0xbe: {  	[sflag:s0] =	ssyncadd.remote.s32 $0x1  }
0xbf: {  	_ =	sfence.sel $0xFFFF  }
0xc0: {  	[dreg:$0x0] =	wrdreg $0xFFFFFFFF;
	(pc) =	sbr.abs _section_cstart, $3  }
0xc1: {  	[dreg:$0x1] =	wrdreg $0xFFFFFFFF  }
0xc2: {  	_ =	task.clear_ibuf [dreg:s7], $0x2FFFF;
	_ =	strace $0x9FFFFFFF  }
0xc3: {  	(tm) =	ssettm $0x7FFFFFFF  }
tec
execute0_lowered:
.L_overlay_start_1:
0x0: {  	(tag) =	ssettag $0x1  }
0x1: {  	s0 =	rddreg [dreg:$0x0]  }
0x2: {  	s1 =	rddreg [dreg:$0x1]  }
0x3: {  	s2 =	rddreg [dreg:$0x2]  }
0x4: {  	s15 =	simm.s32 $0x0;
	s3 =	srdreg.scid;
	s10 =	stileid.u32  }
0x5: {  	s28 =	simm.s32 $0x3390;
	s29 =	simm.s32 $0x6090;
	s30 =	simm.s32 $0x2  }
0x6: {  	s11 =	simm.s32 $0x8;
	s12 =	simm.s32 $0x6680;
	s16 =	simm.s32 $0x9380  }
0x7: {  	s17 =	simm.s32 $0x7;
	[smem:$0x7FF] =	sst s15;
	s3 =	sand.u32 $0x1, s3  }
0x8: {  	s8 =	smul.u32 $0x2D00, s10;
	s5 =	sadd.s32 $0xFA00, s0;
	s6 =	sadd.s32 $0xAA00, s0  }
0x9: {  	v0 =	vlaneseq.u32;
	s7 =	sadd.s32 $0xC00, s0;
	s20 =	ssub.s32 $0x8C, s10;
	s4 =	smul.u32 $0x15F900, s3  }
0xa: {  	v39 =	vmul.u32 $0x90, v0;
	v0 =	vmul.u32 $0x10, v0;
	_ =	strace $0x80000047;
	s9 =	sshll.u32 s3, $0x4;
	s3 =	ssub.s32 $0x2, s3  }
0xb: {  	v1 =	vimm.f32 $0.0e+00;
	s18 =	sor.u32 s10, s9;
	s19 =	sshrl.u32 s3, $0x1;
	s10 =	smul.u32 $0xB400, s10  }
0xc: {  	v2 =	vadd.s32 $0x80, v39;
	v3 =	vadd.s32 $0x81, v39;
	v4 =	vor.u32 $0x1, v0;
	s9 =	simm.s32 $0x3;
	s4 =	sadd.s32 s8, s4;
	s8 =	smul.u32 $0x2710, s18  }
0xd: {  	v5 =	vadd.s32 $0x82, v39;
	v6 =	vor.u32 $0x2, v0;
	v7 =	vadd.s32 $0x83, v39;
	s3 =	ssub.s32 s3, s19;
	s18 =	sshrl.u32 s20, $0x4;
	s19 =	simm.s32 $0xA0  }
0xe: {  	v8 =	vor.u32 $0x3, v0;
	v9 =	vadd.s32 $0x980, v39;
	v10 =	vor.u32 $0x100, v0;
	s20 =	simm.s32 $0xA;
	s4 =	sshrl.u32 s4, $0x3;
	s26 =	sshrl.u32 s10, $0x2  }
0xf: {  	v11 =	vadd.s32 $0x981, v39;
	v12 =	vor.u32 $0x101, v0;
	v13 =	vadd.s32 $0x982, v39;
	s3 =	smax.u32 s3, $0x1;
	s10 =	simm.s32 $0x6;
	[dreg:$0x5] =	wrdreg s18  }
0x10: {  	v14 =	vor.u32 $0x102, v0;
	v15 =	vadd.s32 $0x983, v39;
	v16 =	vor.u32 $0x103, v0;
	s0 =	sadd.s32 s4, s0;
	s21 =	sshrl.u32 s8, $0x3;
	s13 =	sadd.s32 $0xA0, s8  }
0x11: {  	v17 =	vadd.s32 $0x1280, v39;
	v18 =	vor.u32 $0x200, v0;
	v19 =	vadd.s32 $0x1281, v39;
	s14 =	sadd.s32 $0xF0, s8;
	s8 =	sadd.s32 $0x140, s8;
	[dreg:$0xb] =	wrdreg s3  }
0x12: {  	v20 =	vor.u32 $0x201, v0;
	v21 =	vadd.s32 $0x1282, v39;
	v22 =	vor.u32 $0x202, v0;
	s31 =	sadd.s32 s26, s2;
	s26 =	simm.s32 $0x4;
	[dreg:$0xa] =	wrdreg s8  }
0x13: {  	v23 =	vadd.s32 $0x1283, v39;
	v24 =	vor.u32 $0x203, v0;
	v25 =	vadd.s32 $0x1B80, v39;
	s22 =	sadd.s32 s7, s21;
	s23 =	sadd.s32 $0xA, s21;
	[dreg:$0xc] =	wrdreg s31  }
0x14: {  	v26 =	vor.u32 $0x300, v0;
	v27 =	vadd.s32 $0x1B81, v39;
	v28 =	vor.u32 $0x301, v0;
	s4 =	sadd.s32 s1, s21;
	s0 =	sadd.s32 $0x3BA00, s0;
	[dreg:$0x6] =	wrdreg s22  }
0x15: {  	v29 =	vadd.s32 $0x1B82, v39;
	v30 =	vor.u32 $0x302, v0;
	v31 =	vadd.s32 $0x1B83, v39;
	s21 =	simm.s32 $0x50;
	[dreg:$0x7] =	wrdreg s4;
	s24 =	sadd.s32 s7, s23  }
0x16: {  	v32 =	vor.u32 $0x303, v0;
	v33 =	vadd.s32 $0x2480, v39;
	v34 =	vor.u32 $0x400, v0;
	s25 =	sadd.s32 s1, s23;
	[dreg:$0xd] =	wrdreg s0;
	s22 =	simm.s32 $0x32F0  }
0x17: {  	v35 =	vadd.s32 $0x2481, v39;
	v36 =	vor.u32 $0x401, v0;
	v37 =	vadd.s32 $0x2482, v39;
	s23 =	simm.s32 $0x3340;
	s0 =	simm.s32 $0x5;
	[dreg:$0x8] =	wrdreg s24  }
0x18: {  	v38 =	vor.u32 $0x402, v0;
	v39 =	vadd.s32 $0x2483, v39;
	v40 =	vor.u32 $0x403, v0;
	[dreg:$0x9] =	wrdreg s25;
	s24 =	simm.s32 $0x1;
	s25 =	simm.s32 $0x2DA0  }
.LBB2_1:
0x19: {  	s4 =	simm.s32 $0x0;
	s8 =	simm.s32 $0x240  }
.LBB2_2:
0x1a: {  	p0 =	sne.s32 s8, $0xB1C0;
	[tilespmem:s4+$0x120] =	vst v1  }
0x1b: {  	[tilespmem:s4+$0xA0] =	vst v1  }
0x1c: {  	[tilespmem:s4+$0xB0] =	vst v1  }
0x1d: {  	[tilespmem:s4+$0xC0] =	vst v1  }
.Ltmp0:
0x1e: {  	[tilespmem:s4+$0xD0] =	vst v1;
	(pc) =	sbr.rel @p0 .LBB2_2-.Ltmp0, $4  }
0x1f: {  	[tilespmem:s4+$0xE0] =	vst v1  }
0x20: {  	[tilespmem:s4+$0xF0] =	vst v1  }
0x21: {  	[tilespmem:s4+$0x100] =	vst v1  }
0x22: {  	[tilespmem:s4+$0x110] =	vst v1;
	s4 =	sshra.s32 s8, $0x2;
	s8 =	sadd.s32 $0x240, s8  }
0x23: {  	[tilespmem:s4+$0x120] =	vst v1  }
0x24: {  	[tilespmem:s4+$0xA0] =	vst v1  }
0x25: {  	[tilespmem:s4+$0xB0] =	vst v1  }
0x26: {  	[tilespmem:s4+$0xC0] =	vst v1  }
0x27: {  	[tilespmem:s4+$0xD0] =	vst v1;
	p0 =	sne.s32 s18, $0x1  }
.Ltmp1:
0x28: {  	[tilespmem:s4+$0xE0] =	vst v1;
	(pc) =	sbr.rel @!p0 .LBB2_5-.Ltmp1, $4  }
0x29: {  	[tilespmem:s4+$0xF0] =	vst v1  }
0x2a: {  	[tilespmem:s4+$0x100] =	vst v1  }
0x2b: {  	[tilespmem:s4+$0x110] =	vst v1;
	s8 =	rddreg [dreg:$0xc];
	s4 =	sadd.s32 $0xFFFFFFFF, s18  }
0x2c: {  	[spmem:s8] =	stream.linear.scatter [tilespmem:s19], [sflag:$0xA], $0x2D00, $0x38;
	[tilespmem:$0x1F860] =	vst v63  }
.LBB2_4:
0x2d: {  	p1 =	sne.s32 s4, $0x1  }
.Ltmp2:
0x2e: {  	_ = 	snop;
	(pc) =	sbr.rel @p1 .LBB2_4-.Ltmp2, $3  }
0x2f: {  	_ = 	snop  }
0x30: {  	s4 =	sadd.s32 $0xFFFFFFFF, s4;
	s8 =	sadd.s32 $0x2D000, s8;
	_ =	sdelay $0x1  }
0x31: {  	[spmem:s8] =	stream.linear.scatter [tilespmem:s19], [sflag:$0xA], $0x2D00, $0x38;
	[tilespmem:$0x1F860] =	vst v63  }
.LBB2_5:
.Ltmp3:
0x32: {  	(pc) =	sbr.rel @!p0 .LBB2_7-.Ltmp3, $4  }
0x33: {  	_ = 	snop  }
0x34: {  	[dreg:$0x4] =	wrdreg s15  }
0x35: {  	_ =	swait.ge [sflag:s20], $0x2D00  }
0x36: {  	s4 =	sadd.s32 $0xFFFFFFFF, s18;
	[sflag:s20] =	ssyncset.done $0x0  }
.LBB2_6:
0x37: {  	p1 =	sne.s32 s4, $0x1;
	s4 =	sadd.s32 $0xFFFFFFFF, s4;
	[sflag:s20] =	ssyncadd.s32 $0xFFFFD300  }
.Ltmp4:
0x38: {  	(pc) =	sbr.rel @p1 .LBB2_6-.Ltmp4, $3  }
0x39: {  	_ =	sdelay $0x1  }
0x3a: {  	_ =	swait.ge [sflag:s20], $0x2D00  }
0x3b: {  	[sflag:s20] =	ssyncset.done $0x0  }
.LBB2_7:
0x3c: {  	[sflag:s20] =	ssyncadd.s32 $0xFFFFD300  }
0x3d: {  	[bflag:$0x0] =	sbarrier.arrive $0xFFFF  }
0x3e: {  	s8 =	simm.s32 $0x0;
	s3 =	rddreg [dreg:$0x6]  }
0x3f: {  	[tilespmem:s8], [sflag:$0x1] =	stream.linear.gather [hbm4b:s3+s8], $0x50, $0x38;
	[tilespmem:$0x1F860] =	vst v63  }
0x40: {  	s15 =	rddreg [dreg:$0x7]  }
0x41: {  	[tilespmem:s21], [sflag:$0x1] =	stream.linear.gather [hbm4b:s15+s8], $0x50, $0x38;
	[tilespmem:$0x1F860] =	vst v63  }
0x42: {  	s18 =	rddreg [dreg:$0x8]  }
0x43: {  	[tilespmem:s22], [sflag:$0x4] =	stream.linear.gather [hbm4b:s18+s8], $0x50, $0x38;
	[tilespmem:$0x1F860] =	vst v63  }
0x44: {  	s31 =	rddreg [dreg:$0x9]  }
0x45: {  	[tilespmem:s23], [sflag:$0x4] =	stream.linear.gather [hbm4b:s31+s8], $0x50, $0x38;
	[tilespmem:$0x1F860] =	vst v63  }
0x46: {  	_ =	swait.ge [sflag:s24], $0x50  }
0x47: {  	[sflag:s24] =	ssyncset.done $0x0  }
0x48: {  	[sflag:s24] =	ssyncadd.s32 $0xFFFFFFB0  }
0x49: {  	_ =	swait.ge [sflag:s24], $0x50  }
0x4a: {  	[sflag:s24] =	ssyncset.done $0x0  }
0x4b: {  	[sflag:s24] =	ssyncadd.s32 $0xFFFFFFB0  }
0x4c: {  	[tilespmem:s19], [sflag:$0x2] =	stream.indirect.gather [hbm4b:s5+s21], $0x90, s8, s21, $0xb8;
	[tilespmem:$0x1F860] =	vst v63  }
0x4d: {  	_ = 	snop  }
0x4e: {  	[tilespmem:s25], [sflag:$0x2] =	stream.indirect.gather [hbm4b:s6+s21], $0x10, s21, s21, $0xb8;
	[tilespmem:$0x1F860] =	vst v63  }
0x4f: {  	_ =	swait.ge [sflag:s26], $0x50  }
0x50: {  	[sflag:s26] =	ssyncset.done $0x0  }
0x51: {  	[sflag:s26] =	ssyncadd.s32 $0xFFFFFFB0  }
0x52: {  	_ =	swait.ge [sflag:s26], $0x50  }
0x53: {  	[sflag:s26] =	ssyncset.done $0x0  }
0x54: {  	[sflag:s26] =	ssyncadd.s32 $0xFFFFFFB0  }
0x55: {  	[tilespmem:s28], [sflag:$0x5] =	stream.indirect.gather [hbm4b:s5+s21], $0x90, s22, s21, $0xb8;
	[tilespmem:$0x1F860] =	vst v63  }
0x56: {  	_ = 	snop  }
0x57: {  	[tilespmem:s29], [sflag:$0x5] =	stream.indirect.gather [hbm4b:s6+s21], $0x10, s23, s21, $0xb8;
	[tilespmem:$0x1F860] =	vst v63  }
.LBB2_8:
0x58: {  	_ =	swait.ge [sflag:s30], $0x2D00  }
0x59: {  	[sflag:s30] =	ssyncset.done $0x0  }
0x5a: {  	[sflag:s30] =	ssyncadd.s32 $0xFFFFD300  }
0x5b: {  	_ =	swait.ge [sflag:s30], $0x500  }
0x5c: {  	[sflag:s30] =	ssyncset.done $0x0  }
0x5d: {  	[sflag:s30] =	ssyncadd.s32 $0xFFFFFB00  }
0x5e: {  	v41 =	vld [tilespmem:$0x50]  }
0x5f: {  	v42 =	vld [tilespmem:$0x60]  }
0x60: {  	v43 =	vld [tilespmem:$0x70]  }
0x61: {  	v44 =	vld [tilespmem:$0x80]  }
0x62: {  	p1 =	seq.s32 s8, $0x29;
	v45 =	vld [tilespmem:$0x90]  }
0x63: {  	s4 =	smul.u32 @!p1 $0xF0, s8;
	[tilespmem:$0x32A0] =	vst v41  }
0x64: {  	[tilespmem:$0x32B0] =	vst v42  }
0x65: {  	s18 =	sadd.s32 @!p1 s4, s13;
	[tilespmem:$0x32C0] =	vst v43  }
0x66: {  	s18 =	sshrl.u32 @!p1 s18, $0x3;
	[tilespmem:$0x32D0] =	vst v44  }
0x67: {  	s3 =	simm.s32 @!p1 $0x0;
	s15 =	simm.s32 @!p1 $0x65E0;
	s31 =	sadd.s32 @!p1 s7, s18;
	[tilespmem:$0x32E0] =	vst v45  }
0x68: {  	[tilespmem:s15], [sflag:$0x7] =	stream.linear.gather @!p1 [hbm4b:s31+s3], $0x50, $0x38;
	[tilespmem:$0x1F860] =	vst v63  }
0x69: {  	s15 =	sadd.s32 @!p1 s1, s18;
	s18 =	simm.s32 @!p1 $0x6630  }
0x6a: {  	[tilespmem:s18], [sflag:$0x7] =	stream.linear.gather @!p1 [hbm4b:s15+s3], $0x50, $0x38;
	[tilespmem:$0x1F860] =	vst v63  }
0x6b: {  	v41 =	vld.idx.msk [tilespmem:v2+s19+$0x0], $0xffff  }
0x6c: {  	v42 =	vld.idx.msk [tilespmem:v0+s25+$0x0], $0xffff;
	_ =	sdelay $0x4  }
0x6d: {  	v41 =	vadd.f32 v42, v41;
	_ =	sdelay $0x1  }
0x6e: {  	v42 =	vmul.f32 $2.000000030e-01, v41  }
0x6f: {  	vm0 =	vge.f32 v41, $0.0e+00  }
0x70: {  	v41 =	vsel vm0, v41, v42  }
0x71: {  	v41 =	vmul.f32 $1.442695020e+00, v41;
	_ =	sdelay $0x1  }
0x72: {  	(erf) = vpow2.f32 v41;
	_ =	sdelay $0x8  }
0x73: {  	v41 =	vpop (erf)  }
0x74: {  	[tilespmem:v2+s19+$0x0] =	vst.idx.msk $0xffff, v41  }
0x75: {  	v41 =	vld.idx.msk [tilespmem:v3+s19+$0x0], $0xffff  }
0x76: {  	v62 =	vld.idx.msk [tilespmem:v4+s25+$0x0], $0xffff;
	_ =	sdelay $0x4  }
0x77: {  	v41 =	vadd.f32 v62, v41;
	_ =	sdelay $0x1  }
0x78: {  	v42 =	vmul.f32 $2.000000030e-01, v41  }
0x79: {  	vm9 =	vge.f32 v41, $0.0e+00  }
0x7a: {  	v41 =	vsel vm9, v41, v42  }
0x7b: {  	v41 =	vmul.f32 $1.442695020e+00, v41;
	_ =	sdelay $0x1  }
0x7c: {  	(erf) = vpow2.f32 v41;
	_ =	sdelay $0x8  }
0x7d: {  	v41 =	vpop (erf)  }
0x7e: {  	[tilespmem:v3+s19+$0x0] =	vst.idx.msk $0xffff, v41  }
0x7f: {  	v41 =	vld.idx.msk [tilespmem:v5+s19+$0x0], $0xffff  }
0x80: {  	v63 =	vld.idx.msk [tilespmem:v6+s25+$0x0], $0xffff;
	_ =	sdelay $0x4  }
0x81: {  	v41 =	vadd.f32 v63, v41;
	_ =	sdelay $0x1  }
0x82: {  	v42 =	vmul.f32 $2.000000030e-01, v41  }
0x83: {  	vm10 =	vge.f32 v41, $0.0e+00  }
0x84: {  	v41 =	vsel vm10, v41, v42  }
0x85: {  	v41 =	vmul.f32 $1.442695020e+00, v41;
	_ =	sdelay $0x1  }
0x86: {  	(erf) = vpow2.f32 v41;
	_ =	sdelay $0x8  }
0x87: {  	v41 =	vpop (erf)  }
0x88: {  	[tilespmem:v5+s19+$0x0] =	vst.idx.msk $0xffff, v41  }
0x89: {  	v41 =	vld.idx.msk [tilespmem:v7+s19+$0x0], $0xffff  }
0x8a: {  	v45 =	vld.idx.msk [tilespmem:v8+s25+$0x0], $0xffff;
	_ =	sdelay $0x4  }
0x8b: {  	v41 =	vadd.f32 v45, v41;
	_ =	sdelay $0x1  }
0x8c: {  	v42 =	vmul.f32 $2.000000030e-01, v41  }
0x8d: {  	vm11 =	vge.f32 v41, $0.0e+00  }
0x8e: {  	v41 =	vsel vm11, v41, v42  }
0x8f: {  	v41 =	vmul.f32 $1.442695020e+00, v41;
	_ =	sdelay $0x1  }
0x90: {  	(erf) = vpow2.f32 v41;
	_ =	sdelay $0x8  }
0x91: {  	v41 =	vpop (erf)  }
0x92: {  	[tilespmem:v7+s19+$0x0] =	vst.idx.msk $0xffff, v41  }
0x93: {  	v41 =	vld.idx.msk [tilespmem:v9+s19+$0x0], $0xffff  }
0x94: {  	v46 =	vld.idx.msk [tilespmem:v10+s25+$0x0], $0xffff;
	_ =	sdelay $0x4  }
0x95: {  	v41 =	vadd.f32 v46, v41;
	_ =	sdelay $0x1  }
0x96: {  	v42 =	vmul.f32 $2.000000030e-01, v41  }
0x97: {  	vm12 =	vge.f32 v41, $0.0e+00  }
0x98: {  	v41 =	vsel vm12, v41, v42  }
0x99: {  	v41 =	vmul.f32 $1.442695020e+00, v41;
	_ =	sdelay $0x1  }
0x9a: {  	(erf) = vpow2.f32 v41;
	_ =	sdelay $0x8  }
0x9b: {  	v41 =	vpop (erf)  }
0x9c: {  	[tilespmem:v9+s19+$0x0] =	vst.idx.msk $0xffff, v41  }
0x9d: {  	v41 =	vld.idx.msk [tilespmem:v11+s19+$0x0], $0xffff  }
0x9e: {  	v47 =	vld.idx.msk [tilespmem:v12+s25+$0x0], $0xffff;
	_ =	sdelay $0x4  }
0x9f: {  	v41 =	vadd.f32 v47, v41;
	_ =	sdelay $0x1  }
0xa0: {  	v42 =	vmul.f32 $2.000000030e-01, v41  }
0xa1: {  	vm13 =	vge.f32 v41, $0.0e+00  }
0xa2: {  	v41 =	vsel vm13, v41, v42  }
0xa3: {  	v41 =	vmul.f32 $1.442695020e+00, v41;
	_ =	sdelay $0x1  }
0xa4: {  	(erf) = vpow2.f32 v41;
	_ =	sdelay $0x8  }
0xa5: {  	v41 =	vpop (erf)  }
0xa6: {  	[tilespmem:v11+s19+$0x0] =	vst.idx.msk $0xffff, v41  }
0xa7: {  	v41 =	vld.idx.msk [tilespmem:v13+s19+$0x0], $0xffff  }
0xa8: {  	v48 =	vld.idx.msk [tilespmem:v14+s25+$0x0], $0xffff;
	_ =	sdelay $0x4  }
0xa9: {  	v41 =	vadd.f32 v48, v41;
	_ =	sdelay $0x1  }
0xaa: {  	v42 =	vmul.f32 $2.000000030e-01, v41  }
0xab: {  	vm14 =	vge.f32 v41, $0.0e+00  }
0xac: {  	v41 =	vsel vm14, v41, v42  }
0xad: {  	v41 =	vmul.f32 $1.442695020e+00, v41;
	_ =	sdelay $0x1  }
0xae: {  	(erf) = vpow2.f32 v41;
	_ =	sdelay $0x8  }
0xaf: {  	v41 =	vpop (erf)  }
0xb0: {  	[tilespmem:v13+s19+$0x0] =	vst.idx.msk $0xffff, v41  }
0xb1: {  	v41 =	vld.idx.msk [tilespmem:v15+s19+$0x0], $0xffff  }
0xb2: {  	v49 =	vld.idx.msk [tilespmem:v16+s25+$0x0], $0xffff;
	_ =	sdelay $0x4  }
0xb3: {  	v41 =	vadd.f32 v49, v41;
	_ =	sdelay $0x1  }
0xb4: {  	v42 =	vmul.f32 $2.000000030e-01, v41  }
0xb5: {  	vm15 =	vge.f32 v41, $0.0e+00  }
0xb6: {  	v41 =	vsel vm15, v41, v42  }
0xb7: {  	v41 =	vmul.f32 $1.442695020e+00, v41;
	_ =	sdelay $0x1  }
0xb8: {  	(erf) = vpow2.f32 v41;
	_ =	sdelay $0x8  }
0xb9: {  	v41 =	vpop (erf)  }
0xba: {  	[tilespmem:v15+s19+$0x0] =	vst.idx.msk $0xffff, v41  }
0xbb: {  	v41 =	vld.idx.msk [tilespmem:v17+s19+$0x0], $0xffff  }
0xbc: {  	v50 =	vld.idx.msk [tilespmem:v18+s25+$0x0], $0xffff;
	_ =	sdelay $0x4  }
0xbd: {  	v41 =	vadd.f32 v50, v41;
	_ =	sdelay $0x1  }
0xbe: {  	v42 =	vmul.f32 $2.000000030e-01, v41  }
0xbf: {  	vm4 =	vge.f32 v41, $0.0e+00  }
0xc0: {  	v41 =	vsel vm4, v41, v42  }
0xc1: {  	v41 =	vmul.f32 $1.442695020e+00, v41;
	_ =	sdelay $0x1  }
0xc2: {  	(erf) = vpow2.f32 v41;
	_ =	sdelay $0x8  }
0xc3: {  	v41 =	vpop (erf)  }
0xc4: {  	[tilespmem:v17+s19+$0x0] =	vst.idx.msk $0xffff, v41  }
0xc5: {  	v41 =	vld.idx.msk [tilespmem:v19+s19+$0x0], $0xffff  }
0xc6: {  	v51 =	vld.idx.msk [tilespmem:v20+s25+$0x0], $0xffff;
	_ =	sdelay $0x4  }
0xc7: {  	v41 =	vadd.f32 v51, v41;
	_ =	sdelay $0x1  }
0xc8: {  	v42 =	vmul.f32 $2.000000030e-01, v41  }
0xc9: {  	vm5 =	vge.f32 v41, $0.0e+00  }
0xca: {  	v41 =	vsel vm5, v41, v42  }
0xcb: {  	v41 =	vmul.f32 $1.442695020e+00, v41;
	_ =	sdelay $0x1  }
0xcc: {  	(erf) = vpow2.f32 v41;
	_ =	sdelay $0x8  }
0xcd: {  	v41 =	vpop (erf)  }
0xce: {  	[tilespmem:v19+s19+$0x0] =	vst.idx.msk $0xffff, v41  }
0xcf: {  	v41 =	vld.idx.msk [tilespmem:v21+s19+$0x0], $0xffff  }
0xd0: {  	v52 =	vld.idx.msk [tilespmem:v22+s25+$0x0], $0xffff;
	_ =	sdelay $0x4  }
0xd1: {  	v41 =	vadd.f32 v52, v41;
	_ =	sdelay $0x1  }
0xd2: {  	v42 =	vmul.f32 $2.000000030e-01, v41  }
0xd3: {  	vm6 =	vge.f32 v41, $0.0e+00  }
0xd4: {  	v41 =	vsel vm6, v41, v42  }
0xd5: {  	v41 =	vmul.f32 $1.442695020e+00, v41;
	_ =	sdelay $0x1  }
0xd6: {  	(erf) = vpow2.f32 v41;
	_ =	sdelay $0x8  }
0xd7: {  	v41 =	vpop (erf)  }
0xd8: {  	[tilespmem:v21+s19+$0x0] =	vst.idx.msk $0xffff, v41  }
0xd9: {  	v41 =	vld.idx.msk [tilespmem:v23+s19+$0x0], $0xffff  }
0xda: {  	v53 =	vld.idx.msk [tilespmem:v24+s25+$0x0], $0xffff;
	_ =	sdelay $0x4  }
0xdb: {  	v41 =	vadd.f32 v53, v41;
	_ =	sdelay $0x1  }
0xdc: {  	v42 =	vmul.f32 $2.000000030e-01, v41  }
0xdd: {  	vm7 =	vge.f32 v41, $0.0e+00  }
0xde: {  	v41 =	vsel vm7, v41, v42  }
0xdf: {  	v41 =	vmul.f32 $1.442695020e+00, v41;
	_ =	sdelay $0x1  }
0xe0: {  	(erf) = vpow2.f32 v41;
	_ =	sdelay $0x8  }
0xe1: {  	v41 =	vpop (erf)  }
0xe2: {  	[tilespmem:v23+s19+$0x0] =	vst.idx.msk $0xffff, v41  }
0xe3: {  	v41 =	vld.idx.msk [tilespmem:v25+s19+$0x0], $0xffff  }
0xe4: {  	v54 =	vld.idx.msk [tilespmem:v26+s25+$0x0], $0xffff;
	_ =	sdelay $0x4  }
0xe5: {  	v41 =	vadd.f32 v54, v41;
	_ =	sdelay $0x1  }
0xe6: {  	v42 =	vmul.f32 $2.000000030e-01, v41  }
0xe7: {  	vm8 =	vge.f32 v41, $0.0e+00  }
0xe8: {  	v41 =	vsel vm8, v41, v42  }
0xe9: {  	v41 =	vmul.f32 $1.442695020e+00, v41;
	_ =	sdelay $0x1  }
0xea: {  	(erf) = vpow2.f32 v41;
	_ =	sdelay $0x8  }
0xeb: {  	v41 =	vpop (erf)  }
0xec: {  	[tilespmem:v25+s19+$0x0] =	vst.idx.msk $0xffff, v41  }
0xed: {  	v41 =	vld.idx.msk [tilespmem:v27+s19+$0x0], $0xffff  }
0xee: {  	v55 =	vld.idx.msk [tilespmem:v28+s25+$0x0], $0xffff;
	_ =	sdelay $0x4  }
0xef: {  	v41 =	vadd.f32 v55, v41;
	_ =	sdelay $0x1  }
0xf0: {  	v42 =	vmul.f32 $2.000000030e-01, v41  }
0xf1: {  	vm9 =	vge.f32 v41, $0.0e+00  }
0xf2: {  	v41 =	vsel vm9, v41, v42  }
0xf3: {  	v41 =	vmul.f32 $1.442695020e+00, v41;
	_ =	sdelay $0x1  }
0xf4: {  	(erf) = vpow2.f32 v41;
	_ =	sdelay $0x8  }
0xf5: {  	v41 =	vpop (erf)  }
0xf6: {  	[tilespmem:v27+s19+$0x0] =	vst.idx.msk $0xffff, v41  }
0xf7: {  	v41 =	vld.idx.msk [tilespmem:v29+s19+$0x0], $0xffff  }
0xf8: {  	v56 =	vld.idx.msk [tilespmem:v30+s25+$0x0], $0xffff;
	_ =	sdelay $0x4  }
0xf9: {  	v41 =	vadd.f32 v56, v41;
	_ =	sdelay $0x1  }
0xfa: {  	v42 =	vmul.f32 $2.000000030e-01, v41  }
0xfb: {  	vm10 =	vge.f32 v41, $0.0e+00  }
0xfc: {  	v41 =	vsel vm10, v41, v42  }
0xfd: {  	v41 =	vmul.f32 $1.442695020e+00, v41;
	_ =	sdelay $0x1  }
0xfe: {  	(erf) = vpow2.f32 v41;
	_ =	sdelay $0x8  }
0xff: {  	v41 =	vpop (erf)  }
0x100: {  	[tilespmem:v29+s19+$0x0] =	vst.idx.msk $0xffff, v41  }
0x101: {  	v41 =	vld.idx.msk [tilespmem:v31+s19+$0x0], $0xffff  }
0x102: {  	v57 =	vld.idx.msk [tilespmem:v32+s25+$0x0], $0xffff;
	_ =	sdelay $0x4  }
0x103: {  	v41 =	vadd.f32 v57, v41;
	_ =	sdelay $0x1  }
0x104: {  	v42 =	vmul.f32 $2.000000030e-01, v41  }
0x105: {  	vm11 =	vge.f32 v41, $0.0e+00  }
0x106: {  	v41 =	vsel vm11, v41, v42  }
0x107: {  	v41 =	vmul.f32 $1.442695020e+00, v41;
	_ =	sdelay $0x1  }
0x108: {  	(erf) = vpow2.f32 v41;
	_ =	sdelay $0x8  }
0x109: {  	v41 =	vpop (erf)  }
0x10a: {  	[tilespmem:v31+s19+$0x0] =	vst.idx.msk $0xffff, v41  }
0x10b: {  	v41 =	vld.idx.msk [tilespmem:v33+s19+$0x0], $0xffff  }
0x10c: {  	v58 =	vld.idx.msk [tilespmem:v34+s25+$0x0], $0xffff;
	_ =	sdelay $0x4  }
0x10d: {  	v41 =	vadd.f32 v58, v41;
	_ =	sdelay $0x1  }
0x10e: {  	v42 =	vmul.f32 $2.000000030e-01, v41  }
0x10f: {  	vm12 =	vge.f32 v41, $0.0e+00  }
0x110: {  	v41 =	vsel vm12, v41, v42  }
0x111: {  	v41 =	vmul.f32 $1.442695020e+00, v41;
	_ =	sdelay $0x1  }
0x112: {  	(erf) = vpow2.f32 v41;
	_ =	sdelay $0x8  }
0x113: {  	v41 =	vpop (erf)  }
0x114: {  	[tilespmem:v33+s19+$0x0] =	vst.idx.msk $0xffff, v41  }
0x115: {  	v41 =	vld.idx.msk [tilespmem:v35+s19+$0x0], $0xffff  }
0x116: {  	v59 =	vld.idx.msk [tilespmem:v36+s25+$0x0], $0xffff;
	_ =	sdelay $0x4  }
0x117: {  	v41 =	vadd.f32 v59, v41;
	_ =	sdelay $0x1  }
0x118: {  	v42 =	vmul.f32 $2.000000030e-01, v41  }
0x119: {  	vm13 =	vge.f32 v41, $0.0e+00  }
0x11a: {  	v41 =	vsel vm13, v41, v42  }
0x11b: {  	v41 =	vmul.f32 $1.442695020e+00, v41;
	_ =	sdelay $0x1  }
0x11c: {  	(erf) = vpow2.f32 v41;
	_ =	sdelay $0x8  }
0x11d: {  	v41 =	vpop (erf)  }
0x11e: {  	[tilespmem:v35+s19+$0x0] =	vst.idx.msk $0xffff, v41  }
0x11f: {  	v41 =	vld.idx.msk [tilespmem:v37+s19+$0x0], $0xffff  }
0x120: {  	v60 =	vld.idx.msk [tilespmem:v38+s25+$0x0], $0xffff;
	_ =	sdelay $0x4  }
0x121: {  	v41 =	vadd.f32 v60, v41;
	_ =	sdelay $0x1  }
0x122: {  	v42 =	vmul.f32 $2.000000030e-01, v41  }
0x123: {  	vm14 =	vge.f32 v41, $0.0e+00  }
0x124: {  	v41 =	vsel vm14, v41, v42  }
0x125: {  	v41 =	vmul.f32 $1.442695020e+00, v41;
	_ =	sdelay $0x1  }
0x126: {  	(erf) = vpow2.f32 v41;
	_ =	sdelay $0x8  }
0x127: {  	v41 =	vpop (erf)  }
0x128: {  	[tilespmem:v37+s19+$0x0] =	vst.idx.msk $0xffff, v41  }
0x129: {  	v41 =	vld.idx.msk [tilespmem:v39+s19+$0x0], $0xffff  }
0x12a: {  	v61 =	vld.idx.msk [tilespmem:v40+s25+$0x0], $0xffff;
	_ =	sdelay $0x4  }
0x12b: {  	v41 =	vadd.f32 v61, v41;
	_ =	sdelay $0x1  }
0x12c: {  	v42 =	vmul.f32 $2.000000030e-01, v41  }
0x12d: {  	vm15 =	vge.f32 v41, $0.0e+00  }
0x12e: {  	v41 =	vsel vm15, v41, v42  }
0x12f: {  	v41 =	vmul.f32 $1.442695020e+00, v41;
	_ =	sdelay $0x1  }
0x130: {  	(erf) = vpow2.f32 v41;
	_ =	sdelay $0x8  }
0x131: {  	v41 =	vpop (erf)  }
0x132: {  	s18 =	simm.s32 $0x0;
	[tilespmem:v39+s19+$0x0] =	vst.idx.msk $0xffff, v41  }
0x133: {  	v62 =	vld [tilespmem:s18+$0x120]  }
0x134: {  	v43 =	vld [tilespmem:s18+$0x1B0]  }
0x135: {  	v46 =	vld [tilespmem:s18+$0x240]  }
0x136: {  	v44 =	vld [tilespmem:s18+$0xA0]  }
0x137: {  	v45 =	vld [tilespmem:s18+$0xB0]  }
0x138: {  	v47 =	vld [tilespmem:s18+$0xC0]  }
0x139: {  	v49 =	vld [tilespmem:s18+$0xD0]  }
0x13a: {  	v50 =	vld [tilespmem:s18+$0xE0];
	v48 =	vbroadcast v62, $0x0  }
0x13b: {  	v51 =	vld [tilespmem:s18+$0xF0]  }
0x13c: {  	v52 =	vld [tilespmem:s18+$0x100];
	v53 =	vbroadcast v62, $0x1;
	v44 =	vmul.f32 v48, v44  }
0x13d: {  	v63 =	vld [tilespmem:s18+$0x110];
	v45 =	vmul.f32 v45, v48  }
0x13e: {  	v56 =	vld [tilespmem:s18+$0x130];
	v57 =	vbroadcast v62, $0x2;
	v47 =	vmul.f32 v47, v53;
	[tilespmem:s18+$0xA0] =	vst v44  }
0x13f: {  	v58 =	vld [tilespmem:s18+$0x140];
	v49 =	vmul.f32 v49, v53;
	[tilespmem:s18+$0xB0] =	vst v45  }
0x140: {  	v59 =	vld [tilespmem:s18+$0x150];
	v42 =	vbroadcast v62, $0x3;
	v50 =	vmul.f32 v50, v57;
	[tilespmem:s18+$0xC0] =	vst v47  }
0x141: {  	v61 =	vbroadcast v43, $0x0;
	v62 =	vld [tilespmem:s18+$0x180];
	v48 =	vmul.f32 v51, v57;
	[tilespmem:s18+$0xD0] =	vst v49  }
0x142: {  	v60 =	vmul.f32 v52, v42;
	v42 =	vmul.f32 v63, v42;
	v63 =	vld [tilespmem:s18+$0x190];
	[tilespmem:s18+$0xE0] =	vst v50  }
0x143: {  	v57 =	vld [tilespmem:s18+$0x1A0];
	[tilespmem:s18+$0xF0] =	vst v48;
	v45 =	vmul.f32 v61, v56;
	v56 =	vbroadcast v43, $0x1  }
0x144: {  	v50 =	vld [tilespmem:s18+$0x160];
	[tilespmem:s18+$0x100] =	vst v60;
	v47 =	vmul.f32 v58, v61  }
0x145: {  	v48 =	vld [tilespmem:s18+$0x170];
	[tilespmem:s18+$0x110] =	vst v42;
	v49 =	vmul.f32 v59, v56;
	v59 =	vbroadcast v43, $0x2  }
0x146: {  	v58 =	vld [tilespmem:s18+$0x1C0];
	[tilespmem:s18+$0x130] =	vst v45;
	v43 =	vbroadcast v43, $0x3  }
0x147: {  	v60 =	vld [tilespmem:s18+$0x1D0];
	[tilespmem:s18+$0x140] =	vst v47;
	v44 =	vmul.f32 v62, v59  }
0x148: {  	v61 =	vld [tilespmem:s18+$0x1E0];
	[tilespmem:s18+$0x150] =	vst v49;
	v42 =	vmul.f32 v63, v43  }
0x149: {  	v41 =	vld [tilespmem:s18+$0x2D0];
	v43 =	vmul.f32 v57, v43;
	[tilespmem:s18+$0x180] =	vst v44  }
0x14a: {  	v51 =	vld [tilespmem:s18+$0x200];
	v62 =	vbroadcast v46, $0x0;
	v48 =	vmul.f32 v48, v59;
	[tilespmem:s18+$0x190] =	vst v42  }
0x14b: {  	v57 =	vbroadcast v46, $0x1;
	v50 =	vmul.f32 v50, v56;
	v42 =	vld [tilespmem:s18+$0x210];
	[tilespmem:s18+$0x1A0] =	vst v43  }
0x14c: {  	v63 =	vmul.f32 v62, v58;
	v58 =	vmul.f32 v60, v62;
	[tilespmem:s18+$0x170] =	vst v48;
	v48 =	vld [tilespmem:s18+$0x1F0]  }
0x14d: {  	v56 =	vld [tilespmem:s18+$0x220];
	v60 =	vmul.f32 v61, v57;
	v61 =	vbroadcast v46, $0x2;
	[tilespmem:s18+$0x160] =	vst v50  }
0x14e: {  	v59 =	vld [tilespmem:s18+$0x230];
	[tilespmem:s18+$0x1C0] =	vst v63  }
0x14f: {  	v43 =	vld [tilespmem:s18+$0x250];
	[tilespmem:s18+$0x1D0] =	vst v58;
	v63 =	vmul.f32 v51, v61  }
0x150: {  	v44 =	vld [tilespmem:s18+$0x260];
	v46 =	vbroadcast v46, $0x3;
	[tilespmem:s18+$0x1E0] =	vst v60;
	v50 =	vmul.f32 v42, v61  }
0x151: {  	v45 =	vld [tilespmem:s18+$0x270];
	[tilespmem:s18+$0x200] =	vst v63;
	v62 =	vmul.f32 v48, v57  }
0x152: {  	v47 =	vbroadcast v41, $0x0;
	v42 =	vld [tilespmem:s18+$0x280];
	v48 =	vmul.f32 v56, v46;
	[tilespmem:s18+$0x210] =	vst v50  }
0x153: {  	s31 =	simm.s32 $0x900;
	v49 =	vmul.f32 v59, v46;
	v46 =	vld [tilespmem:s18+$0x290];
	[tilespmem:s18+$0x1F0] =	vst v62  }
.LBB2_9:
0x154: {  	p2 =	sne.s32 s31, $0xAB00;
	[tilespmem:s18+$0x220] =	vst v48;
	v43 =	vmul.f32 v47, v43;
	v48 =	vbroadcast v41, $0x1;
	v50 =	vld [tilespmem:s18+$0x2A0]  }
0x155: {  	[tilespmem:s18+$0x230] =	vst v49;
	v44 =	vmul.f32 v44, v47;
	v47 =	vld [tilespmem:s18+$0x2B0]  }
0x156: {  	s3 =	sshra.s32 s31, $0x2;
	[tilespmem:s18+$0x250] =	vst v43;
	v43 =	vmul.f32 v45, v48;
	v45 =	vbroadcast v41, $0x2;
	v49 =	vld [tilespmem:s18+$0x2C0]  }
0x157: {  	v51 =	vld [tilespmem:s3+$0x120];
	[tilespmem:s18+$0x260] =	vst v44;
	v42 =	vmul.f32 v42, v48  }
0x158: {  	v44 =	vld [tilespmem:s3+$0x1B0];
	[tilespmem:s18+$0x270] =	vst v43;
	v43 =	vmul.f32 v46, v45;
	v46 =	vbroadcast v41, $0x3  }
0x159: {  	v48 =	vld [tilespmem:s3+$0x240];
	[tilespmem:s18+$0x280] =	vst v42;
	v42 =	vmul.f32 v50, v45  }
0x15a: {  	v41 =	vld [tilespmem:s3+$0x2D0];
	[tilespmem:s18+$0x290] =	vst v43;
	v43 =	vmul.f32 v47, v46  }
0x15b: {  	v45 =	vld [tilespmem:s3+$0xA0];
	[tilespmem:s18+$0x2A0] =	vst v42;
	v42 =	vmul.f32 v49, v46  }
0x15c: {  	v46 =	vld [tilespmem:s3+$0xB0];
	[tilespmem:s18+$0x2B0] =	vst v43  }
0x15d: {  	v43 =	vld [tilespmem:s3+$0xC0];
	[tilespmem:s18+$0x2C0] =	vst v42;
	s18 =	smov.u32 s3  }
0x15e: {  	v42 =	vbroadcast v51, $0x0;
	v47 =	vld [tilespmem:s18+$0xD0]  }
0x15f: {  	v49 =	vld [tilespmem:s18+$0xE0]  }
0x160: {  	v50 =	vbroadcast v51, $0x1;
	v45 =	vmul.f32 v42, v45;
	v52 =	vld [tilespmem:s18+$0xF0]  }
0x161: {  	v42 =	vmul.f32 v46, v42;
	v46 =	vld [tilespmem:s18+$0x100]  }
0x162: {  	[tilespmem:s18+$0xA0] =	vst v45;
	v43 =	vmul.f32 v43, v50;
	v45 =	vbroadcast v51, $0x2;
	v53 =	vld [tilespmem:s18+$0x110]  }
0x163: {  	[tilespmem:s18+$0xB0] =	vst v42;
	v42 =	vmul.f32 v47, v50;
	v47 =	vld [tilespmem:s18+$0x130]  }
0x164: {  	[tilespmem:s18+$0xC0] =	vst v43;
	v43 =	vmul.f32 v49, v45;
	v49 =	vbroadcast v51, $0x3;
	v50 =	vld [tilespmem:s18+$0x140]  }
0x165: {  	[tilespmem:s18+$0xD0] =	vst v42;
	v42 =	vmul.f32 v52, v45;
	v45 =	vld [tilespmem:s18+$0x150]  }
0x166: {  	[tilespmem:s18+$0xE0] =	vst v43;
	v43 =	vmul.f32 v46, v49;
	v46 =	vbroadcast v44, $0x0;
	v51 =	vld [tilespmem:s18+$0x160]  }
0x167: {  	[tilespmem:s18+$0xF0] =	vst v42;
	v42 =	vmul.f32 v53, v49;
	v49 =	vld [tilespmem:s18+$0x170]  }
0x168: {  	[tilespmem:s18+$0x100] =	vst v43;
	v43 =	vmul.f32 v46, v47;
	v47 =	vbroadcast v44, $0x1;
	v52 =	vld [tilespmem:s18+$0x180]  }
0x169: {  	[tilespmem:s18+$0x110] =	vst v42;
	v42 =	vmul.f32 v50, v46;
	v46 =	vld [tilespmem:s18+$0x190]  }
0x16a: {  	[tilespmem:s18+$0x130] =	vst v43;
	v43 =	vmul.f32 v45, v47;
	v45 =	vbroadcast v44, $0x2;
	v50 =	vld [tilespmem:s18+$0x1A0]  }
0x16b: {  	[tilespmem:s18+$0x140] =	vst v42;
	v42 =	vmul.f32 v51, v47;
	v47 =	vld [tilespmem:s18+$0x1C0]  }
0x16c: {  	v44 =	vbroadcast v44, $0x3;
	[tilespmem:s18+$0x150] =	vst v43;
	v43 =	vmul.f32 v49, v45;
	v49 =	vld [tilespmem:s18+$0x1D0]  }
0x16d: {  	[tilespmem:s18+$0x160] =	vst v42;
	v42 =	vmul.f32 v52, v45;
	v45 =	vld [tilespmem:s18+$0x1E0]  }
0x16e: {  	[tilespmem:s18+$0x170] =	vst v43;
	v43 =	vmul.f32 v46, v44;
	v46 =	vbroadcast v48, $0x0;
	v51 =	vld [tilespmem:s18+$0x1F0]  }
0x16f: {  	[tilespmem:s18+$0x180] =	vst v42;
	v42 =	vmul.f32 v50, v44;
	v44 =	vld [tilespmem:s18+$0x200]  }
0x170: {  	[tilespmem:s18+$0x190] =	vst v43;
	v43 =	vmul.f32 v46, v47;
	v47 =	vbroadcast v48, $0x1;
	v50 =	vld [tilespmem:s18+$0x210]  }
0x171: {  	[tilespmem:s18+$0x1A0] =	vst v42;
	v42 =	vmul.f32 v49, v46;
	v46 =	vld [tilespmem:s18+$0x220]  }
0x172: {  	v49 =	vbroadcast v48, $0x2;
	[tilespmem:s18+$0x1C0] =	vst v43;
	v45 =	vmul.f32 v45, v47;
	v52 =	vld [tilespmem:s18+$0x230]  }
.Ltmp5:
0x173: {  	[tilespmem:s18+$0x1D0] =	vst v42;
	v42 =	vmul.f32 v51, v47;
	v43 =	vld [tilespmem:s18+$0x250];
	(pc) =	sbr.rel @p2 .LBB2_9-.Ltmp5, $4  }
0x174: {  	v51 =	vbroadcast v48, $0x3;
	[tilespmem:s18+$0x1E0] =	vst v45;
	v47 =	vmul.f32 v44, v49;
	v44 =	vld [tilespmem:s18+$0x260]  }
0x175: {  	[tilespmem:s18+$0x1F0] =	vst v42;
	v49 =	vmul.f32 v50, v49;
	v45 =	vld [tilespmem:s18+$0x270]  }
0x176: {  	[tilespmem:s18+$0x200] =	vst v47;
	v48 =	vmul.f32 v46, v51;
	v47 =	vbroadcast v41, $0x0;
	v42 =	vld [tilespmem:s18+$0x280]  }
0x177: {  	s31 =	sadd.s32 $0x900, s31;
	[tilespmem:s18+$0x210] =	vst v49;
	v49 =	vmul.f32 v52, v51;
	v46 =	vld [tilespmem:s18+$0x290]  }
0x178: {  	[tilespmem:s18+$0x220] =	vst v48;
	v59 =	vld [tilespmem:s18+$0x2A0];
	v43 =	vmul.f32 v47, v43;
	v60 =	vbroadcast v41, $0x1  }
0x179: {  	v50 =	vld [tilespmem:s18+$0x2B0];
	[tilespmem:s18+$0x230] =	vst v49;
	v44 =	vmul.f32 v44, v47  }
0x17a: {  	v62 =	vbroadcast v41, $0x2;
	v63 =	vld [tilespmem:s18+$0x2C0];
	[tilespmem:s18+$0x250] =	vst v43;
	v61 =	vmul.f32 v45, v60  }
0x17b: {  	[tilespmem:s18+$0x260] =	vst v44;
	v42 =	vmul.f32 v42, v60  }
0x17c: {  	v51 =	vbroadcast v41, $0x3;
	[tilespmem:s18+$0x270] =	vst v61;
	v49 =	vmul.f32 v46, v62  }
0x17d: {  	[tilespmem:s18+$0x280] =	vst v42;
	v52 =	vmul.f32 v59, v62  }
0x17e: {  	v53 =	vmul.f32 v50, v51;
	[tilespmem:s18+$0x290] =	vst v49  }
0x17f: {  	v41 =	vmul.f32 v63, v51;
	[tilespmem:s18+$0x2A0] =	vst v52  }
0x180: {  	[tilespmem:s18+$0x2B0] =	vst v53  }
0x181: {  	s3 =	simm.s32 $0x32A0;
	p2 =	seq.s32 s8, $0x0;
	[tilespmem:s18+$0x2C0] =	vst v41  }
0x182: {  	[spmem:s2] =	stream.indirect.scatter.add.f32 [tilespmem:s19], [sflag:$0x3], $0x90, s3, s21, $0xb8;
	[tilespmem:$0x1F860] =	vst v63  }
0x183: {  	s3 =	simm.s32 @!p2 $0x9  }
0x184: {  	_ =	swait.ge @!p2 [sflag:s3], $0x2D00  }
0x185: {  	p3 =	seq.s32 @!p2 s8, $0x29;
	[sflag:s3] =	ssyncset.done @!p2 $0x0  }
0x186: {  	p3 =	por p2, !p3;
	[sflag:s3] =	ssyncadd.s32 @!p2 $0xFFFFD300  }
0x187: {  	_ =	swait.ge @p3 [sflag:s17], $0x50  }
0x188: {  	[sflag:s17] =	ssyncset.done @p3 $0x0  }
0x189: {  	[sflag:s17] =	ssyncadd.s32 @p3 $0xFFFFFFB0  }
0x18a: {  	_ =	swait.ge @p3 [sflag:s17], $0x50  }
0x18b: {  	[sflag:s17] =	ssyncset.done @p3 $0x0  }
0x18c: {  	s3 =	simm.s32 @p3 $0x65E0;
	[sflag:s17] =	ssyncadd.s32 @p3 $0xFFFFFFB0  }
0x18d: {  	[tilespmem:s12], [sflag:$0x8] =	stream.indirect.gather @p3 [hbm4b:s5+s21], $0x90, s3, s21, $0xb8;
	[tilespmem:$0x1F860] =	vst v63  }
0x18e: {  	s3 =	simm.s32 @p3 $0x6630  }
0x18f: {  	[tilespmem:s16], [sflag:$0x8] =	stream.indirect.gather @p3 [hbm4b:s6+s21], $0x10, s3, s21, $0xb8;
	[tilespmem:$0x1F860] =	vst v63  }
0x190: {  	_ =	swait.ge [sflag:s0], $0x2D00  }
0x191: {  	[sflag:s0] =	ssyncset.done $0x0  }
0x192: {  	[sflag:s0] =	ssyncadd.s32 $0xFFFFD300  }
0x193: {  	_ =	swait.ge [sflag:s0], $0x500  }
0x194: {  	[sflag:s0] =	ssyncset.done $0x0  }
0x195: {  	[sflag:s0] =	ssyncadd.s32 $0xFFFFFB00  }
0x196: {  	v54 =	vld [tilespmem:$0x3340]  }
0x197: {  	v55 =	vld [tilespmem:$0x3350]  }
0x198: {  	v56 =	vld [tilespmem:$0x3360]  }
0x199: {  	v57 =	vld [tilespmem:$0x3370]  }
0x19a: {  	v58 =	vld [tilespmem:$0x3380]  }
0x19b: {  	[tilespmem:$0x6590] =	vst v54  }
0x19c: {  	[tilespmem:$0x65A0] =	vst v55  }
0x19d: {  	s3 =	sadd.s32 @!p1 s4, s14;
	[tilespmem:$0x65B0] =	vst v56  }
0x19e: {  	s3 =	sshrl.u32 @!p1 s3, $0x3;
	[tilespmem:$0x65C0] =	vst v57  }
0x19f: {  	s15 =	simm.s32 @!p1 $0x0;
	s4 =	sadd.s32 @!p1 s7, s3;
	[tilespmem:$0x65D0] =	vst v58  }
0x1a0: {  	[tilespmem:s15], [sflag:$0x1] =	stream.linear.gather @!p1 [hbm4b:s4+s15], $0x50, $0x38;
	[tilespmem:$0x1F860] =	vst v63  }
0x1a1: {  	s3 =	sadd.s32 @!p1 s1, s3;
	s4 =	simm.s32 @!p1 $0x50  }
0x1a2: {  	[tilespmem:s4], [sflag:$0x1] =	stream.linear.gather @!p1 [hbm4b:s3+s15], $0x50, $0x38;
	[tilespmem:$0x1F860] =	vst v63  }
0x1a3: {  	v41 =	vld.idx.msk [tilespmem:v2+s28+$0x0], $0xffff  }
0x1a4: {  	v42 =	vld.idx.msk [tilespmem:v0+s29+$0x0], $0xffff;
	_ =	sdelay $0x4  }
0x1a5: {  	v41 =	vadd.f32 v42, v41;
	_ =	sdelay $0x1  }
0x1a6: {  	v42 =	vmul.f32 $2.000000030e-01, v41  }
0x1a7: {  	vm0 =	vge.f32 v41, $0.0e+00  }
0x1a8: {  	v41 =	vsel vm0, v41, v42  }
0x1a9: {  	v41 =	vmul.f32 $1.442695020e+00, v41;
	_ =	sdelay $0x1  }
0x1aa: {  	(erf) = vpow2.f32 v41;
	_ =	sdelay $0x8  }
0x1ab: {  	v41 =	vpop (erf)  }
0x1ac: {  	[tilespmem:v2+s28+$0x0] =	vst.idx.msk $0xffff, v41  }
0x1ad: {  	v41 =	vld.idx.msk [tilespmem:v3+s28+$0x0], $0xffff  }
0x1ae: {  	v59 =	vld.idx.msk [tilespmem:v4+s29+$0x0], $0xffff;
	_ =	sdelay $0x4  }
0x1af: {  	v41 =	vadd.f32 v59, v41;
	_ =	sdelay $0x1  }
0x1b0: {  	v42 =	vmul.f32 $2.000000030e-01, v41  }
0x1b1: {  	vm9 =	vge.f32 v41, $0.0e+00  }
0x1b2: {  	v41 =	vsel vm9, v41, v42  }
0x1b3: {  	v41 =	vmul.f32 $1.442695020e+00, v41;
	_ =	sdelay $0x1  }
0x1b4: {  	(erf) = vpow2.f32 v41;
	_ =	sdelay $0x8  }
0x1b5: {  	v41 =	vpop (erf)  }
0x1b6: {  	[tilespmem:v3+s28+$0x0] =	vst.idx.msk $0xffff, v41  }
0x1b7: {  	v41 =	vld.idx.msk [tilespmem:v5+s28+$0x0], $0xffff  }
0x1b8: {  	v60 =	vld.idx.msk [tilespmem:v6+s29+$0x0], $0xffff;
	_ =	sdelay $0x4  }
0x1b9: {  	v41 =	vadd.f32 v60, v41;
	_ =	sdelay $0x1  }
0x1ba: {  	v42 =	vmul.f32 $2.000000030e-01, v41  }
0x1bb: {  	vm10 =	vge.f32 v41, $0.0e+00  }
0x1bc: {  	v41 =	vsel vm10, v41, v42  }
0x1bd: {  	v41 =	vmul.f32 $1.442695020e+00, v41;
	_ =	sdelay $0x1  }
0x1be: {  	(erf) = vpow2.f32 v41;
	_ =	sdelay $0x8  }
0x1bf: {  	v41 =	vpop (erf)  }
0x1c0: {  	[tilespmem:v5+s28+$0x0] =	vst.idx.msk $0xffff, v41  }
0x1c1: {  	v41 =	vld.idx.msk [tilespmem:v7+s28+$0x0], $0xffff  }
0x1c2: {  	v61 =	vld.idx.msk [tilespmem:v8+s29+$0x0], $0xffff;
	_ =	sdelay $0x4  }
0x1c3: {  	v41 =	vadd.f32 v61, v41;
	_ =	sdelay $0x1  }
0x1c4: {  	v42 =	vmul.f32 $2.000000030e-01, v41  }
0x1c5: {  	vm11 =	vge.f32 v41, $0.0e+00  }
0x1c6: {  	v41 =	vsel vm11, v41, v42  }
0x1c7: {  	v41 =	vmul.f32 $1.442695020e+00, v41;
	_ =	sdelay $0x1  }
0x1c8: {  	(erf) = vpow2.f32 v41;
	_ =	sdelay $0x8  }
0x1c9: {  	v41 =	vpop (erf)  }
0x1ca: {  	[tilespmem:v7+s28+$0x0] =	vst.idx.msk $0xffff, v41  }
0x1cb: {  	v41 =	vld.idx.msk [tilespmem:v9+s28+$0x0], $0xffff  }
0x1cc: {  	v62 =	vld.idx.msk [tilespmem:v10+s29+$0x0], $0xffff;
	_ =	sdelay $0x4  }
0x1cd: {  	v41 =	vadd.f32 v62, v41;
	_ =	sdelay $0x1  }
0x1ce: {  	v42 =	vmul.f32 $2.000000030e-01, v41  }
0x1cf: {  	vm12 =	vge.f32 v41, $0.0e+00  }
0x1d0: {  	v41 =	vsel vm12, v41, v42  }
0x1d1: {  	v41 =	vmul.f32 $1.442695020e+00, v41;
	_ =	sdelay $0x1  }
0x1d2: {  	(erf) = vpow2.f32 v41;
	_ =	sdelay $0x8  }
0x1d3: {  	v41 =	vpop (erf)  }
0x1d4: {  	[tilespmem:v9+s28+$0x0] =	vst.idx.msk $0xffff, v41  }
0x1d5: {  	v41 =	vld.idx.msk [tilespmem:v11+s28+$0x0], $0xffff  }
0x1d6: {  	v63 =	vld.idx.msk [tilespmem:v12+s29+$0x0], $0xffff;
	_ =	sdelay $0x4  }
0x1d7: {  	v41 =	vadd.f32 v63, v41;
	_ =	sdelay $0x1  }
0x1d8: {  	v42 =	vmul.f32 $2.000000030e-01, v41  }
0x1d9: {  	vm13 =	vge.f32 v41, $0.0e+00  }
0x1da: {  	v41 =	vsel vm13, v41, v42  }
0x1db: {  	v41 =	vmul.f32 $1.442695020e+00, v41;
	_ =	sdelay $0x1  }
0x1dc: {  	(erf) = vpow2.f32 v41;
	_ =	sdelay $0x8  }
0x1dd: {  	v41 =	vpop (erf)  }
0x1de: {  	[tilespmem:v11+s28+$0x0] =	vst.idx.msk $0xffff, v41  }
0x1df: {  	v41 =	vld.idx.msk [tilespmem:v13+s28+$0x0], $0xffff  }
0x1e0: {  	v45 =	vld.idx.msk [tilespmem:v14+s29+$0x0], $0xffff;
	_ =	sdelay $0x4  }
0x1e1: {  	v41 =	vadd.f32 v45, v41;
	_ =	sdelay $0x1  }
0x1e2: {  	v42 =	vmul.f32 $2.000000030e-01, v41  }
0x1e3: {  	vm14 =	vge.f32 v41, $0.0e+00  }
0x1e4: {  	v41 =	vsel vm14, v41, v42  }
0x1e5: {  	v41 =	vmul.f32 $1.442695020e+00, v41;
	_ =	sdelay $0x1  }
0x1e6: {  	(erf) = vpow2.f32 v41;
	_ =	sdelay $0x8  }
0x1e7: {  	v41 =	vpop (erf)  }
0x1e8: {  	[tilespmem:v13+s28+$0x0] =	vst.idx.msk $0xffff, v41  }
0x1e9: {  	v41 =	vld.idx.msk [tilespmem:v15+s28+$0x0], $0xffff  }
0x1ea: {  	v46 =	vld.idx.msk [tilespmem:v16+s29+$0x0], $0xffff;
	_ =	sdelay $0x4  }
0x1eb: {  	v41 =	vadd.f32 v46, v41;
	_ =	sdelay $0x1  }
0x1ec: {  	v42 =	vmul.f32 $2.000000030e-01, v41  }
0x1ed: {  	vm15 =	vge.f32 v41, $0.0e+00  }
0x1ee: {  	v41 =	vsel vm15, v41, v42  }
0x1ef: {  	v41 =	vmul.f32 $1.442695020e+00, v41;
	_ =	sdelay $0x1  }
0x1f0: {  	(erf) = vpow2.f32 v41;
	_ =	sdelay $0x8  }
0x1f1: {  	v41 =	vpop (erf)  }
0x1f2: {  	[tilespmem:v15+s28+$0x0] =	vst.idx.msk $0xffff, v41  }
0x1f3: {  	v41 =	vld.idx.msk [tilespmem:v17+s28+$0x0], $0xffff  }
0x1f4: {  	v47 =	vld.idx.msk [tilespmem:v18+s29+$0x0], $0xffff;
	_ =	sdelay $0x4  }
0x1f5: {  	v41 =	vadd.f32 v47, v41;
	_ =	sdelay $0x1  }
0x1f6: {  	v42 =	vmul.f32 $2.000000030e-01, v41  }
0x1f7: {  	vm4 =	vge.f32 v41, $0.0e+00  }
0x1f8: {  	v41 =	vsel vm4, v41, v42  }
0x1f9: {  	v41 =	vmul.f32 $1.442695020e+00, v41;
	_ =	sdelay $0x1  }
0x1fa: {  	(erf) = vpow2.f32 v41;
	_ =	sdelay $0x8  }
0x1fb: {  	v41 =	vpop (erf)  }
0x1fc: {  	[tilespmem:v17+s28+$0x0] =	vst.idx.msk $0xffff, v41  }
0x1fd: {  	v41 =	vld.idx.msk [tilespmem:v19+s28+$0x0], $0xffff  }
0x1fe: {  	v48 =	vld.idx.msk [tilespmem:v20+s29+$0x0], $0xffff;
	_ =	sdelay $0x4  }
0x1ff: {  	v41 =	vadd.f32 v48, v41;
	_ =	sdelay $0x1  }
0x200: {  	v42 =	vmul.f32 $2.000000030e-01, v41  }
0x201: {  	vm5 =	vge.f32 v41, $0.0e+00  }
0x202: {  	v41 =	vsel vm5, v41, v42  }
0x203: {  	v41 =	vmul.f32 $1.442695020e+00, v41;
	_ =	sdelay $0x1  }
0x204: {  	(erf) = vpow2.f32 v41;
	_ =	sdelay $0x8  }
0x205: {  	v41 =	vpop (erf)  }
0x206: {  	[tilespmem:v19+s28+$0x0] =	vst.idx.msk $0xffff, v41  }
0x207: {  	v41 =	vld.idx.msk [tilespmem:v21+s28+$0x0], $0xffff  }
0x208: {  	v49 =	vld.idx.msk [tilespmem:v22+s29+$0x0], $0xffff;
	_ =	sdelay $0x4  }
0x209: {  	v41 =	vadd.f32 v49, v41;
	_ =	sdelay $0x1  }
0x20a: {  	v42 =	vmul.f32 $2.000000030e-01, v41  }
0x20b: {  	vm6 =	vge.f32 v41, $0.0e+00  }
0x20c: {  	v41 =	vsel vm6, v41, v42  }
0x20d: {  	v41 =	vmul.f32 $1.442695020e+00, v41;
	_ =	sdelay $0x1  }
0x20e: {  	(erf) = vpow2.f32 v41;
	_ =	sdelay $0x8  }
0x20f: {  	v41 =	vpop (erf)  }
0x210: {  	[tilespmem:v21+s28+$0x0] =	vst.idx.msk $0xffff, v41  }
0x211: {  	v41 =	vld.idx.msk [tilespmem:v23+s28+$0x0], $0xffff  }
0x212: {  	v50 =	vld.idx.msk [tilespmem:v24+s29+$0x0], $0xffff;
	_ =	sdelay $0x4  }
0x213: {  	v41 =	vadd.f32 v50, v41;
	_ =	sdelay $0x1  }
0x214: {  	v42 =	vmul.f32 $2.000000030e-01, v41  }
0x215: {  	vm7 =	vge.f32 v41, $0.0e+00  }
0x216: {  	v41 =	vsel vm7, v41, v42  }
0x217: {  	v41 =	vmul.f32 $1.442695020e+00, v41;
	_ =	sdelay $0x1  }
0x218: {  	(erf) = vpow2.f32 v41;
	_ =	sdelay $0x8  }
0x219: {  	v41 =	vpop (erf)  }
0x21a: {  	[tilespmem:v23+s28+$0x0] =	vst.idx.msk $0xffff, v41  }
0x21b: {  	v41 =	vld.idx.msk [tilespmem:v25+s28+$0x0], $0xffff  }
0x21c: {  	v51 =	vld.idx.msk [tilespmem:v26+s29+$0x0], $0xffff;
	_ =	sdelay $0x4  }
0x21d: {  	v41 =	vadd.f32 v51, v41;
	_ =	sdelay $0x1  }
0x21e: {  	v42 =	vmul.f32 $2.000000030e-01, v41  }
0x21f: {  	vm8 =	vge.f32 v41, $0.0e+00  }
0x220: {  	v41 =	vsel vm8, v41, v42  }
0x221: {  	v41 =	vmul.f32 $1.442695020e+00, v41;
	_ =	sdelay $0x1  }
0x222: {  	(erf) = vpow2.f32 v41;
	_ =	sdelay $0x8  }
0x223: {  	v41 =	vpop (erf)  }
0x224: {  	[tilespmem:v25+s28+$0x0] =	vst.idx.msk $0xffff, v41  }
0x225: {  	v41 =	vld.idx.msk [tilespmem:v27+s28+$0x0], $0xffff  }
0x226: {  	v52 =	vld.idx.msk [tilespmem:v28+s29+$0x0], $0xffff;
	_ =	sdelay $0x4  }
0x227: {  	v41 =	vadd.f32 v52, v41;
	_ =	sdelay $0x1  }
0x228: {  	v42 =	vmul.f32 $2.000000030e-01, v41  }
0x229: {  	vm9 =	vge.f32 v41, $0.0e+00  }
0x22a: {  	v41 =	vsel vm9, v41, v42  }
0x22b: {  	v41 =	vmul.f32 $1.442695020e+00, v41;
	_ =	sdelay $0x1  }
0x22c: {  	(erf) = vpow2.f32 v41;
	_ =	sdelay $0x8  }
0x22d: {  	v41 =	vpop (erf)  }
0x22e: {  	[tilespmem:v27+s28+$0x0] =	vst.idx.msk $0xffff, v41  }
0x22f: {  	v41 =	vld.idx.msk [tilespmem:v29+s28+$0x0], $0xffff  }
0x230: {  	v53 =	vld.idx.msk [tilespmem:v30+s29+$0x0], $0xffff;
	_ =	sdelay $0x4  }
0x231: {  	v41 =	vadd.f32 v53, v41;
	_ =	sdelay $0x1  }
0x232: {  	v42 =	vmul.f32 $2.000000030e-01, v41  }
0x233: {  	vm10 =	vge.f32 v41, $0.0e+00  }
0x234: {  	v41 =	vsel vm10, v41, v42  }
0x235: {  	v41 =	vmul.f32 $1.442695020e+00, v41;
	_ =	sdelay $0x1  }
0x236: {  	(erf) = vpow2.f32 v41;
	_ =	sdelay $0x8  }
0x237: {  	v41 =	vpop (erf)  }
0x238: {  	[tilespmem:v29+s28+$0x0] =	vst.idx.msk $0xffff, v41  }
0x239: {  	v41 =	vld.idx.msk [tilespmem:v31+s28+$0x0], $0xffff  }
0x23a: {  	v54 =	vld.idx.msk [tilespmem:v32+s29+$0x0], $0xffff;
	_ =	sdelay $0x4  }
0x23b: {  	v41 =	vadd.f32 v54, v41;
	_ =	sdelay $0x1  }
0x23c: {  	v42 =	vmul.f32 $2.000000030e-01, v41  }
0x23d: {  	vm11 =	vge.f32 v41, $0.0e+00  }
0x23e: {  	v41 =	vsel vm11, v41, v42  }
0x23f: {  	v41 =	vmul.f32 $1.442695020e+00, v41;
	_ =	sdelay $0x1  }
0x240: {  	(erf) = vpow2.f32 v41;
	_ =	sdelay $0x8  }
0x241: {  	v41 =	vpop (erf)  }
0x242: {  	[tilespmem:v31+s28+$0x0] =	vst.idx.msk $0xffff, v41  }
0x243: {  	v41 =	vld.idx.msk [tilespmem:v33+s28+$0x0], $0xffff  }
0x244: {  	v55 =	vld.idx.msk [tilespmem:v34+s29+$0x0], $0xffff;
	_ =	sdelay $0x4  }
0x245: {  	v41 =	vadd.f32 v55, v41;
	_ =	sdelay $0x1  }
0x246: {  	v42 =	vmul.f32 $2.000000030e-01, v41  }
0x247: {  	vm12 =	vge.f32 v41, $0.0e+00  }
0x248: {  	v41 =	vsel vm12, v41, v42  }
0x249: {  	v41 =	vmul.f32 $1.442695020e+00, v41;
	_ =	sdelay $0x1  }
0x24a: {  	(erf) = vpow2.f32 v41;
	_ =	sdelay $0x8  }
0x24b: {  	v41 =	vpop (erf)  }
0x24c: {  	[tilespmem:v33+s28+$0x0] =	vst.idx.msk $0xffff, v41  }
0x24d: {  	v41 =	vld.idx.msk [tilespmem:v35+s28+$0x0], $0xffff  }
0x24e: {  	v56 =	vld.idx.msk [tilespmem:v36+s29+$0x0], $0xffff;
	_ =	sdelay $0x4  }
0x24f: {  	v41 =	vadd.f32 v56, v41;
	_ =	sdelay $0x1  }
0x250: {  	v42 =	vmul.f32 $2.000000030e-01, v41  }
0x251: {  	vm13 =	vge.f32 v41, $0.0e+00  }
0x252: {  	v41 =	vsel vm13, v41, v42  }
0x253: {  	v41 =	vmul.f32 $1.442695020e+00, v41;
	_ =	sdelay $0x1  }
0x254: {  	(erf) = vpow2.f32 v41;
	_ =	sdelay $0x8  }
0x255: {  	v41 =	vpop (erf)  }
0x256: {  	[tilespmem:v35+s28+$0x0] =	vst.idx.msk $0xffff, v41  }
0x257: {  	v41 =	vld.idx.msk [tilespmem:v37+s28+$0x0], $0xffff  }
0x258: {  	v57 =	vld.idx.msk [tilespmem:v38+s29+$0x0], $0xffff;
	_ =	sdelay $0x4  }
0x259: {  	v41 =	vadd.f32 v57, v41;
	_ =	sdelay $0x1  }
0x25a: {  	v42 =	vmul.f32 $2.000000030e-01, v41  }
0x25b: {  	vm14 =	vge.f32 v41, $0.0e+00  }
0x25c: {  	v41 =	vsel vm14, v41, v42  }
0x25d: {  	v41 =	vmul.f32 $1.442695020e+00, v41;
	_ =	sdelay $0x1  }
0x25e: {  	(erf) = vpow2.f32 v41;
	_ =	sdelay $0x8  }
0x25f: {  	v41 =	vpop (erf)  }
0x260: {  	[tilespmem:v37+s28+$0x0] =	vst.idx.msk $0xffff, v41  }
0x261: {  	v41 =	vld.idx.msk [tilespmem:v39+s28+$0x0], $0xffff  }
0x262: {  	v58 =	vld.idx.msk [tilespmem:v40+s29+$0x0], $0xffff;
	_ =	sdelay $0x4  }
0x263: {  	v41 =	vadd.f32 v58, v41;
	_ =	sdelay $0x1  }
0x264: {  	v42 =	vmul.f32 $2.000000030e-01, v41  }
0x265: {  	vm15 =	vge.f32 v41, $0.0e+00  }
0x266: {  	v41 =	vsel vm15, v41, v42  }
0x267: {  	v41 =	vmul.f32 $1.442695020e+00, v41;
	_ =	sdelay $0x1  }
0x268: {  	(erf) = vpow2.f32 v41;
	_ =	sdelay $0x8  }
0x269: {  	v41 =	vpop (erf)  }
0x26a: {  	s4 =	simm.s32 $0x0;
	[tilespmem:v39+s28+$0x0] =	vst.idx.msk $0xffff, v41  }
0x26b: {  	v42 =	vld [tilespmem:s4+$0x3410]  }
0x26c: {  	v43 =	vld [tilespmem:s4+$0x34A0]  }
0x26d: {  	v46 =	vld [tilespmem:s4+$0x3530]  }
0x26e: {  	v44 =	vld [tilespmem:s4+$0x3390]  }
0x26f: {  	v45 =	vld [tilespmem:s4+$0x33A0]  }
0x270: {  	v59 =	vld [tilespmem:s4+$0x33B0]  }
0x271: {  	v61 =	vld [tilespmem:s4+$0x33C0]  }
0x272: {  	v62 =	vld [tilespmem:s4+$0x33D0];
	v60 =	vbroadcast v42, $0x0  }
0x273: {  	v51 =	vld [tilespmem:s4+$0x33E0]  }
0x274: {  	v52 =	vld [tilespmem:s4+$0x33F0];
	v53 =	vbroadcast v42, $0x1;
	v44 =	vmul.f32 v60, v44  }
0x275: {  	v63 =	vld [tilespmem:s4+$0x3400];
	v45 =	vmul.f32 v45, v60  }
0x276: {  	v56 =	vld [tilespmem:s4+$0x3420];
	v57 =	vbroadcast v42, $0x2;
	v47 =	vmul.f32 v59, v53;
	[tilespmem:s4+$0x3390] =	vst v44  }
0x277: {  	v58 =	vld [tilespmem:s4+$0x3430];
	v49 =	vmul.f32 v61, v53;
	[tilespmem:s4+$0x33A0] =	vst v45  }
0x278: {  	v42 =	vbroadcast v42, $0x3;
	v50 =	vmul.f32 v62, v57;
	v59 =	vld [tilespmem:s4+$0x3440];
	[tilespmem:s4+$0x33B0] =	vst v47  }
0x279: {  	v48 =	vmul.f32 v51, v57;
	v62 =	vld [tilespmem:s4+$0x3470];
	[tilespmem:s4+$0x33C0] =	vst v49  }
0x27a: {  	v60 =	vmul.f32 v52, v42;
	v61 =	vbroadcast v43, $0x0;
	[tilespmem:s4+$0x33D0] =	vst v50;
	v50 =	vld [tilespmem:s4+$0x3450]  }
0x27b: {  	v42 =	vmul.f32 v63, v42;
	[tilespmem:s4+$0x33E0] =	vst v48;
	v48 =	vld [tilespmem:s4+$0x3460]  }
0x27c: {  	v63 =	vld [tilespmem:s4+$0x3480];
	[tilespmem:s4+$0x33F0] =	vst v60;
	v45 =	vmul.f32 v61, v56;
	v56 =	vbroadcast v43, $0x1  }
0x27d: {  	v57 =	vld [tilespmem:s4+$0x3490];
	[tilespmem:s4+$0x3400] =	vst v42;
	v47 =	vmul.f32 v58, v61  }
0x27e: {  	v58 =	vld [tilespmem:s4+$0x34B0];
	[tilespmem:s4+$0x3420] =	vst v45;
	v49 =	vmul.f32 v59, v56;
	v59 =	vbroadcast v43, $0x2  }
0x27f: {  	v60 =	vld [tilespmem:s4+$0x34C0];
	[tilespmem:s4+$0x3430] =	vst v47;
	v50 =	vmul.f32 v50, v56  }
0x280: {  	v61 =	vld [tilespmem:s4+$0x34D0];
	v43 =	vbroadcast v43, $0x3;
	[tilespmem:s4+$0x3440] =	vst v49;
	v48 =	vmul.f32 v48, v59  }
0x281: {  	v41 =	vld [tilespmem:s4+$0x35C0];
	v44 =	vmul.f32 v62, v59;
	[tilespmem:s4+$0x3450] =	vst v50  }
0x282: {  	v51 =	vld [tilespmem:s4+$0x34F0];
	v42 =	vmul.f32 v63, v43;
	v62 =	vbroadcast v46, $0x0;
	[tilespmem:s4+$0x3460] =	vst v48  }
0x283: {  	v43 =	vmul.f32 v57, v43;
	v57 =	vbroadcast v46, $0x1;
	v48 =	vld [tilespmem:s4+$0x34E0];
	[tilespmem:s4+$0x3470] =	vst v44  }
0x284: {  	[tilespmem:s4+$0x3480] =	vst v42;
	v42 =	vld [tilespmem:s4+$0x3500];
	v63 =	vmul.f32 v62, v58;
	v58 =	vmul.f32 v60, v62  }
0x285: {  	v56 =	vld [tilespmem:s4+$0x3510];
	[tilespmem:s4+$0x3490] =	vst v43;
	v60 =	vmul.f32 v61, v57;
	v61 =	vbroadcast v46, $0x2  }
0x286: {  	v59 =	vld [tilespmem:s4+$0x3520];
	[tilespmem:s4+$0x34B0] =	vst v63  }
0x287: {  	v43 =	vld [tilespmem:s4+$0x3540];
	[tilespmem:s4+$0x34C0] =	vst v58;
	v63 =	vmul.f32 v51, v61  }
0x288: {  	v44 =	vld [tilespmem:s4+$0x3550];
	v46 =	vbroadcast v46, $0x3;
	[tilespmem:s4+$0x34D0] =	vst v60;
	v62 =	vmul.f32 v48, v57  }
0x289: {  	v45 =	vld [tilespmem:s4+$0x3560];
	[tilespmem:s4+$0x34F0] =	vst v63;
	v50 =	vmul.f32 v42, v61  }
0x28a: {  	v47 =	vbroadcast v41, $0x0;
	v42 =	vld [tilespmem:s4+$0x3570];
	v48 =	vmul.f32 v56, v46;
	[tilespmem:s4+$0x34E0] =	vst v62  }
0x28b: {  	s18 =	simm.s32 $0x900;
	v49 =	vmul.f32 v59, v46;
	v46 =	vld [tilespmem:s4+$0x3580];
	[tilespmem:s4+$0x3500] =	vst v50  }
.LBB2_11:
0x28c: {  	p2 =	sne.s32 s18, $0xAB00;
	[tilespmem:s4+$0x3510] =	vst v48;
	v43 =	vmul.f32 v47, v43;
	v48 =	vbroadcast v41, $0x1;
	v50 =	vld [tilespmem:s4+$0x3590]  }
0x28d: {  	[tilespmem:s4+$0x3520] =	vst v49;
	v44 =	vmul.f32 v44, v47;
	v47 =	vld [tilespmem:s4+$0x35A0]  }
0x28e: {  	s3 =	sshra.s32 s18, $0x2;
	[tilespmem:s4+$0x3540] =	vst v43;
	v43 =	vmul.f32 v45, v48;
	v45 =	vbroadcast v41, $0x2;
	v49 =	vld [tilespmem:s4+$0x35B0]  }
0x28f: {  	v51 =	vld [tilespmem:s3+$0x3410];
	[tilespmem:s4+$0x3550] =	vst v44;
	v42 =	vmul.f32 v42, v48  }
0x290: {  	v44 =	vld [tilespmem:s3+$0x34A0];
	[tilespmem:s4+$0x3560] =	vst v43;
	v43 =	vmul.f32 v46, v45;
	v46 =	vbroadcast v41, $0x3  }
0x291: {  	v48 =	vld [tilespmem:s3+$0x3530];
	[tilespmem:s4+$0x3570] =	vst v42;
	v42 =	vmul.f32 v50, v45  }
0x292: {  	v41 =	vld [tilespmem:s3+$0x35C0];
	[tilespmem:s4+$0x3580] =	vst v43;
	v43 =	vmul.f32 v47, v46  }
0x293: {  	v45 =	vld [tilespmem:s3+$0x3390];
	[tilespmem:s4+$0x3590] =	vst v42;
	v42 =	vmul.f32 v49, v46  }
0x294: {  	v46 =	vld [tilespmem:s3+$0x33A0];
	[tilespmem:s4+$0x35A0] =	vst v43  }
0x295: {  	v43 =	vld [tilespmem:s3+$0x33B0];
	[tilespmem:s4+$0x35B0] =	vst v42;
	s4 =	smov.u32 s3  }
0x296: {  	v42 =	vbroadcast v51, $0x0;
	v47 =	vld [tilespmem:s4+$0x33C0]  }
0x297: {  	v49 =	vld [tilespmem:s4+$0x33D0]  }
0x298: {  	v50 =	vbroadcast v51, $0x1;
	v45 =	vmul.f32 v42, v45;
	v52 =	vld [tilespmem:s4+$0x33E0]  }
0x299: {  	v42 =	vmul.f32 v46, v42;
	v46 =	vld [tilespmem:s4+$0x33F0]  }
0x29a: {  	[tilespmem:s4+$0x3390] =	vst v45;
	v43 =	vmul.f32 v43, v50;
	v45 =	vbroadcast v51, $0x2;
	v53 =	vld [tilespmem:s4+$0x3400]  }
0x29b: {  	[tilespmem:s4+$0x33A0] =	vst v42;
	v42 =	vmul.f32 v47, v50;
	v47 =	vld [tilespmem:s4+$0x3420]  }
0x29c: {  	[tilespmem:s4+$0x33B0] =	vst v43;
	v43 =	vmul.f32 v49, v45;
	v49 =	vbroadcast v51, $0x3;
	v50 =	vld [tilespmem:s4+$0x3430]  }
0x29d: {  	[tilespmem:s4+$0x33C0] =	vst v42;
	v42 =	vmul.f32 v52, v45;
	v45 =	vld [tilespmem:s4+$0x3440]  }
0x29e: {  	[tilespmem:s4+$0x33D0] =	vst v43;
	v43 =	vmul.f32 v46, v49;
	v46 =	vbroadcast v44, $0x0;
	v51 =	vld [tilespmem:s4+$0x3450]  }
0x29f: {  	[tilespmem:s4+$0x33E0] =	vst v42;
	v42 =	vmul.f32 v53, v49;
	v49 =	vld [tilespmem:s4+$0x3460]  }
0x2a0: {  	[tilespmem:s4+$0x33F0] =	vst v43;
	v43 =	vmul.f32 v46, v47;
	v47 =	vbroadcast v44, $0x1;
	v52 =	vld [tilespmem:s4+$0x3470]  }
0x2a1: {  	[tilespmem:s4+$0x3400] =	vst v42;
	v42 =	vmul.f32 v50, v46;
	v46 =	vld [tilespmem:s4+$0x3480]  }
0x2a2: {  	[tilespmem:s4+$0x3420] =	vst v43;
	v43 =	vmul.f32 v45, v47;
	v45 =	vbroadcast v44, $0x2;
	v50 =	vld [tilespmem:s4+$0x3490]  }
0x2a3: {  	[tilespmem:s4+$0x3430] =	vst v42;
	v42 =	vmul.f32 v51, v47;
	v47 =	vld [tilespmem:s4+$0x34B0]  }
0x2a4: {  	v44 =	vbroadcast v44, $0x3;
	[tilespmem:s4+$0x3440] =	vst v43;
	v43 =	vmul.f32 v49, v45;
	v49 =	vld [tilespmem:s4+$0x34C0]  }
0x2a5: {  	[tilespmem:s4+$0x3450] =	vst v42;
	v42 =	vmul.f32 v52, v45;
	v45 =	vld [tilespmem:s4+$0x34D0]  }
0x2a6: {  	[tilespmem:s4+$0x3460] =	vst v43;
	v43 =	vmul.f32 v46, v44;
	v46 =	vbroadcast v48, $0x0;
	v51 =	vld [tilespmem:s4+$0x34E0]  }
0x2a7: {  	[tilespmem:s4+$0x3470] =	vst v42;
	v42 =	vmul.f32 v50, v44;
	v44 =	vld [tilespmem:s4+$0x34F0]  }
0x2a8: {  	[tilespmem:s4+$0x3480] =	vst v43;
	v43 =	vmul.f32 v46, v47;
	v47 =	vbroadcast v48, $0x1;
	v50 =	vld [tilespmem:s4+$0x3500]  }
0x2a9: {  	[tilespmem:s4+$0x3490] =	vst v42;
	v42 =	vmul.f32 v49, v46;
	v46 =	vld [tilespmem:s4+$0x3510]  }
0x2aa: {  	v49 =	vbroadcast v48, $0x2;
	[tilespmem:s4+$0x34B0] =	vst v43;
	v45 =	vmul.f32 v45, v47;
	v52 =	vld [tilespmem:s4+$0x3520]  }
.Ltmp6:
0x2ab: {  	[tilespmem:s4+$0x34C0] =	vst v42;
	v42 =	vmul.f32 v51, v47;
	v43 =	vld [tilespmem:s4+$0x3540];
	(pc) =	sbr.rel @p2 .LBB2_11-.Ltmp6, $4  }
0x2ac: {  	v51 =	vbroadcast v48, $0x3;
	[tilespmem:s4+$0x34D0] =	vst v45;
	v47 =	vmul.f32 v44, v49;
	v44 =	vld [tilespmem:s4+$0x3550]  }
0x2ad: {  	[tilespmem:s4+$0x34E0] =	vst v42;
	v49 =	vmul.f32 v50, v49;
	v45 =	vld [tilespmem:s4+$0x3560]  }
0x2ae: {  	[tilespmem:s4+$0x34F0] =	vst v47;
	v48 =	vmul.f32 v46, v51;
	v47 =	vbroadcast v41, $0x0;
	v42 =	vld [tilespmem:s4+$0x3570]  }
0x2af: {  	s18 =	sadd.s32 $0x900, s18;
	[tilespmem:s4+$0x3500] =	vst v49;
	v49 =	vmul.f32 v52, v51;
	v46 =	vld [tilespmem:s4+$0x3580]  }
0x2b0: {  	[tilespmem:s4+$0x3510] =	vst v48;
	v55 =	vld [tilespmem:s4+$0x3590];
	v43 =	vmul.f32 v47, v43;
	v56 =	vbroadcast v41, $0x1  }
0x2b1: {  	v50 =	vld [tilespmem:s4+$0x35A0];
	[tilespmem:s4+$0x3520] =	vst v49;
	v44 =	vmul.f32 v44, v47  }
0x2b2: {  	v58 =	vbroadcast v41, $0x2;
	v59 =	vld [tilespmem:s4+$0x35B0];
	[tilespmem:s4+$0x3540] =	vst v43;
	v57 =	vmul.f32 v45, v56  }
0x2b3: {  	[tilespmem:s4+$0x3550] =	vst v44;
	v42 =	vmul.f32 v42, v56  }
0x2b4: {  	v61 =	vbroadcast v41, $0x3;
	[tilespmem:s4+$0x3560] =	vst v57;
	v60 =	vmul.f32 v46, v58  }
0x2b5: {  	[tilespmem:s4+$0x3570] =	vst v42;
	v62 =	vmul.f32 v55, v58  }
0x2b6: {  	v63 =	vmul.f32 v50, v61;
	[tilespmem:s4+$0x3580] =	vst v60  }
0x2b7: {  	v41 =	vmul.f32 v59, v61;
	[tilespmem:s4+$0x3590] =	vst v62  }
0x2b8: {  	[tilespmem:s4+$0x35A0] =	vst v63  }
.Ltmp7:
0x2b9: {  	s3 =	simm.s32 $0x6590;
	[tilespmem:s4+$0x35B0] =	vst v41;
	(pc) =	sbr.rel @p1 .LBB2_16-.Ltmp7, $4  }
0x2ba: {  	[spmem:s2] =	stream.indirect.scatter.add.f32 [tilespmem:s28], [sflag:$0x6], $0x90, s3, s21, $0xb8;
	[tilespmem:$0x1F860] =	vst v63  }
0x2bb: {  	_ =	swait.ge [sflag:s9], $0x2D00  }
0x2bc: {  	[sflag:s9] =	ssyncset.done $0x0  }
0x2bd: {  	[sflag:s9] =	ssyncadd.s32 $0xFFFFD300  }
0x2be: {  	_ =	swait.ge [sflag:s24], $0x50  }
0x2bf: {  	[sflag:s24] =	ssyncset.done $0x0  }
0x2c0: {  	[sflag:s24] =	ssyncadd.s32 $0xFFFFFFB0  }
0x2c1: {  	_ =	swait.ge [sflag:s24], $0x50  }
0x2c2: {  	[sflag:s24] =	ssyncset.done $0x0  }
0x2c3: {  	s3 =	simm.s32 $0x0;
	[sflag:s24] =	ssyncadd.s32 $0xFFFFFFB0  }
0x2c4: {  	[tilespmem:s19], [sflag:$0x2] =	stream.indirect.gather [hbm4b:s5+s21], $0x90, s3, s21, $0xb8;
	[tilespmem:$0x1F860] =	vst v63  }
0x2c5: {  	_ = 	snop  }
0x2c6: {  	[tilespmem:s25], [sflag:$0x2] =	stream.indirect.gather [hbm4b:s6+s21], $0x10, s21, s21, $0xb8;
	[tilespmem:$0x1F860] =	vst v63  }
0x2c7: {  	_ =	swait.ge [sflag:s11], $0x2D00  }
0x2c8: {  	[sflag:s11] =	ssyncset.done $0x0  }
0x2c9: {  	[sflag:s11] =	ssyncadd.s32 $0xFFFFD300  }
0x2ca: {  	_ =	swait.ge [sflag:s11], $0x500  }
0x2cb: {  	[sflag:s11] =	ssyncset.done $0x0  }
0x2cc: {  	[sflag:s11] =	ssyncadd.s32 $0xFFFFFB00  }
0x2cd: {  	v41 =	vld [tilespmem:$0x6630]  }
0x2ce: {  	v42 =	vld [tilespmem:$0x6640]  }
0x2cf: {  	v43 =	vld [tilespmem:$0x6650]  }
0x2d0: {  	v44 =	vld [tilespmem:$0x6660]  }
0x2d1: {  	v45 =	vld [tilespmem:$0x6670]  }
0x2d2: {  	s4 =	smul.u32 $0xF0, s8;
	[tilespmem:$0x9880] =	vst v41  }
0x2d3: {  	s15 =	rddreg [dreg:$0xa];
	[tilespmem:$0x9890] =	vst v42  }
0x2d4: {  	s4 =	sadd.s32 s4, s15;
	[tilespmem:$0x98A0] =	vst v43  }
0x2d5: {  	s4 =	sshrl.u32 s4, $0x3;
	[tilespmem:$0x98B0] =	vst v44  }
0x2d6: {  	s31 =	sadd.s32 s7, s4;
	[tilespmem:$0x98C0] =	vst v45  }
0x2d7: {  	[tilespmem:s22], [sflag:$0x4] =	stream.linear.gather [hbm4b:s31+s3], $0x50, $0x38;
	[tilespmem:$0x1F860] =	vst v63  }
0x2d8: {  	s4 =	sadd.s32 s1, s4  }
0x2d9: {  	[tilespmem:s23], [sflag:$0x4] =	stream.linear.gather [hbm4b:s4+s3], $0x50, $0x38;
	[tilespmem:$0x1F860] =	vst v63  }
0x2da: {  	v41 =	vld.idx.msk [tilespmem:v2+s12+$0x0], $0xffff  }
0x2db: {  	v42 =	vld.idx.msk [tilespmem:v0+s16+$0x0], $0xffff;
	_ =	sdelay $0x4  }
0x2dc: {  	v41 =	vadd.f32 v42, v41;
	_ =	sdelay $0x1  }
0x2dd: {  	v42 =	vmul.f32 $2.000000030e-01, v41  }
0x2de: {  	vm0 =	vge.f32 v41, $0.0e+00  }
0x2df: {  	v41 =	vsel vm0, v41, v42  }
0x2e0: {  	v41 =	vmul.f32 $1.442695020e+00, v41;
	_ =	sdelay $0x1  }
0x2e1: {  	(erf) = vpow2.f32 v41;
	_ =	sdelay $0x8  }
0x2e2: {  	v41 =	vpop (erf)  }
0x2e3: {  	[tilespmem:v2+s12+$0x0] =	vst.idx.msk $0xffff, v41  }
0x2e4: {  	v41 =	vld.idx.msk [tilespmem:v3+s12+$0x0], $0xffff  }
0x2e5: {  	v62 =	vld.idx.msk [tilespmem:v4+s16+$0x0], $0xffff;
	_ =	sdelay $0x4  }
0x2e6: {  	v41 =	vadd.f32 v62, v41;
	_ =	sdelay $0x1  }
0x2e7: {  	v42 =	vmul.f32 $2.000000030e-01, v41  }
0x2e8: {  	vm9 =	vge.f32 v41, $0.0e+00  }
0x2e9: {  	v41 =	vsel vm9, v41, v42  }
0x2ea: {  	v41 =	vmul.f32 $1.442695020e+00, v41;
	_ =	sdelay $0x1  }
0x2eb: {  	(erf) = vpow2.f32 v41;
	_ =	sdelay $0x8  }
0x2ec: {  	v41 =	vpop (erf)  }
0x2ed: {  	[tilespmem:v3+s12+$0x0] =	vst.idx.msk $0xffff, v41  }
0x2ee: {  	v41 =	vld.idx.msk [tilespmem:v5+s12+$0x0], $0xffff  }
0x2ef: {  	v63 =	vld.idx.msk [tilespmem:v6+s16+$0x0], $0xffff;
	_ =	sdelay $0x4  }
0x2f0: {  	v41 =	vadd.f32 v63, v41;
	_ =	sdelay $0x1  }
0x2f1: {  	v42 =	vmul.f32 $2.000000030e-01, v41  }
0x2f2: {  	vm10 =	vge.f32 v41, $0.0e+00  }
0x2f3: {  	v41 =	vsel vm10, v41, v42  }
0x2f4: {  	v41 =	vmul.f32 $1.442695020e+00, v41;
	_ =	sdelay $0x1  }
0x2f5: {  	(erf) = vpow2.f32 v41;
	_ =	sdelay $0x8  }
0x2f6: {  	v41 =	vpop (erf)  }
0x2f7: {  	[tilespmem:v5+s12+$0x0] =	vst.idx.msk $0xffff, v41  }
0x2f8: {  	v41 =	vld.idx.msk [tilespmem:v7+s12+$0x0], $0xffff  }
0x2f9: {  	v45 =	vld.idx.msk [tilespmem:v8+s16+$0x0], $0xffff;
	_ =	sdelay $0x4  }
0x2fa: {  	v41 =	vadd.f32 v45, v41;
	_ =	sdelay $0x1  }
0x2fb: {  	v42 =	vmul.f32 $2.000000030e-01, v41  }
0x2fc: {  	vm11 =	vge.f32 v41, $0.0e+00  }
0x2fd: {  	v41 =	vsel vm11, v41, v42  }
0x2fe: {  	v41 =	vmul.f32 $1.442695020e+00, v41;
	_ =	sdelay $0x1  }
0x2ff: {  	(erf) = vpow2.f32 v41;
	_ =	sdelay $0x8  }
0x300: {  	v41 =	vpop (erf)  }
0x301: {  	[tilespmem:v7+s12+$0x0] =	vst.idx.msk $0xffff, v41  }
0x302: {  	v41 =	vld.idx.msk [tilespmem:v9+s12+$0x0], $0xffff  }
0x303: {  	v46 =	vld.idx.msk [tilespmem:v10+s16+$0x0], $0xffff;
	_ =	sdelay $0x4  }
0x304: {  	v41 =	vadd.f32 v46, v41;
	_ =	sdelay $0x1  }
0x305: {  	v42 =	vmul.f32 $2.000000030e-01, v41  }
0x306: {  	vm12 =	vge.f32 v41, $0.0e+00  }
0x307: {  	v41 =	vsel vm12, v41, v42  }
0x308: {  	v41 =	vmul.f32 $1.442695020e+00, v41;
	_ =	sdelay $0x1  }
0x309: {  	(erf) = vpow2.f32 v41;
	_ =	sdelay $0x8  }
0x30a: {  	v41 =	vpop (erf)  }
0x30b: {  	[tilespmem:v9+s12+$0x0] =	vst.idx.msk $0xffff, v41  }
0x30c: {  	v41 =	vld.idx.msk [tilespmem:v11+s12+$0x0], $0xffff  }
0x30d: {  	v47 =	vld.idx.msk [tilespmem:v12+s16+$0x0], $0xffff;
	_ =	sdelay $0x4  }
0x30e: {  	v41 =	vadd.f32 v47, v41;
	_ =	sdelay $0x1  }
0x30f: {  	v42 =	vmul.f32 $2.000000030e-01, v41  }
0x310: {  	vm13 =	vge.f32 v41, $0.0e+00  }
0x311: {  	v41 =	vsel vm13, v41, v42  }
0x312: {  	v41 =	vmul.f32 $1.442695020e+00, v41;
	_ =	sdelay $0x1  }
0x313: {  	(erf) = vpow2.f32 v41;
	_ =	sdelay $0x8  }
0x314: {  	v41 =	vpop (erf)  }
0x315: {  	[tilespmem:v11+s12+$0x0] =	vst.idx.msk $0xffff, v41  }
0x316: {  	v41 =	vld.idx.msk [tilespmem:v13+s12+$0x0], $0xffff  }
0x317: {  	v48 =	vld.idx.msk [tilespmem:v14+s16+$0x0], $0xffff;
	_ =	sdelay $0x4  }
0x318: {  	v41 =	vadd.f32 v48, v41;
	_ =	sdelay $0x1  }
0x319: {  	v42 =	vmul.f32 $2.000000030e-01, v41  }
0x31a: {  	vm14 =	vge.f32 v41, $0.0e+00  }
0x31b: {  	v41 =	vsel vm14, v41, v42  }
0x31c: {  	v41 =	vmul.f32 $1.442695020e+00, v41;
	_ =	sdelay $0x1  }
0x31d: {  	(erf) = vpow2.f32 v41;
	_ =	sdelay $0x8  }
0x31e: {  	v41 =	vpop (erf)  }
0x31f: {  	[tilespmem:v13+s12+$0x0] =	vst.idx.msk $0xffff, v41  }
0x320: {  	v41 =	vld.idx.msk [tilespmem:v15+s12+$0x0], $0xffff  }
0x321: {  	v49 =	vld.idx.msk [tilespmem:v16+s16+$0x0], $0xffff;
	_ =	sdelay $0x4  }
0x322: {  	v41 =	vadd.f32 v49, v41;
	_ =	sdelay $0x1  }
0x323: {  	v42 =	vmul.f32 $2.000000030e-01, v41  }
0x324: {  	vm15 =	vge.f32 v41, $0.0e+00  }
0x325: {  	v41 =	vsel vm15, v41, v42  }
0x326: {  	v41 =	vmul.f32 $1.442695020e+00, v41;
	_ =	sdelay $0x1  }
0x327: {  	(erf) = vpow2.f32 v41;
	_ =	sdelay $0x8  }
0x328: {  	v41 =	vpop (erf)  }
0x329: {  	[tilespmem:v15+s12+$0x0] =	vst.idx.msk $0xffff, v41  }
0x32a: {  	v41 =	vld.idx.msk [tilespmem:v17+s12+$0x0], $0xffff  }
0x32b: {  	v50 =	vld.idx.msk [tilespmem:v18+s16+$0x0], $0xffff;
	_ =	sdelay $0x4  }
0x32c: {  	v41 =	vadd.f32 v50, v41;
	_ =	sdelay $0x1  }
0x32d: {  	v42 =	vmul.f32 $2.000000030e-01, v41  }
0x32e: {  	vm4 =	vge.f32 v41, $0.0e+00  }
0x32f: {  	v41 =	vsel vm4, v41, v42  }
0x330: {  	v41 =	vmul.f32 $1.442695020e+00, v41;
	_ =	sdelay $0x1  }
0x331: {  	(erf) = vpow2.f32 v41;
	_ =	sdelay $0x8  }
0x332: {  	v41 =	vpop (erf)  }
0x333: {  	[tilespmem:v17+s12+$0x0] =	vst.idx.msk $0xffff, v41  }
0x334: {  	v41 =	vld.idx.msk [tilespmem:v19+s12+$0x0], $0xffff  }
0x335: {  	v51 =	vld.idx.msk [tilespmem:v20+s16+$0x0], $0xffff;
	_ =	sdelay $0x4  }
0x336: {  	v41 =	vadd.f32 v51, v41;
	_ =	sdelay $0x1  }
0x337: {  	v42 =	vmul.f32 $2.000000030e-01, v41  }
0x338: {  	vm5 =	vge.f32 v41, $0.0e+00  }
0x339: {  	v41 =	vsel vm5, v41, v42  }
0x33a: {  	v41 =	vmul.f32 $1.442695020e+00, v41;
	_ =	sdelay $0x1  }
0x33b: {  	(erf) = vpow2.f32 v41;
	_ =	sdelay $0x8  }
0x33c: {  	v41 =	vpop (erf)  }
0x33d: {  	[tilespmem:v19+s12+$0x0] =	vst.idx.msk $0xffff, v41  }
0x33e: {  	v41 =	vld.idx.msk [tilespmem:v21+s12+$0x0], $0xffff  }
0x33f: {  	v52 =	vld.idx.msk [tilespmem:v22+s16+$0x0], $0xffff;
	_ =	sdelay $0x4  }
0x340: {  	v41 =	vadd.f32 v52, v41;
	_ =	sdelay $0x1  }
0x341: {  	v42 =	vmul.f32 $2.000000030e-01, v41  }
0x342: {  	vm6 =	vge.f32 v41, $0.0e+00  }
0x343: {  	v41 =	vsel vm6, v41, v42  }
0x344: {  	v41 =	vmul.f32 $1.442695020e+00, v41;
	_ =	sdelay $0x1  }
0x345: {  	(erf) = vpow2.f32 v41;
	_ =	sdelay $0x8  }
0x346: {  	v41 =	vpop (erf)  }
0x347: {  	[tilespmem:v21+s12+$0x0] =	vst.idx.msk $0xffff, v41  }
0x348: {  	v41 =	vld.idx.msk [tilespmem:v23+s12+$0x0], $0xffff  }
0x349: {  	v53 =	vld.idx.msk [tilespmem:v24+s16+$0x0], $0xffff;
	_ =	sdelay $0x4  }
0x34a: {  	v41 =	vadd.f32 v53, v41;
	_ =	sdelay $0x1  }
0x34b: {  	v42 =	vmul.f32 $2.000000030e-01, v41  }
0x34c: {  	vm7 =	vge.f32 v41, $0.0e+00  }
0x34d: {  	v41 =	vsel vm7, v41, v42  }
0x34e: {  	v41 =	vmul.f32 $1.442695020e+00, v41;
	_ =	sdelay $0x1  }
0x34f: {  	(erf) = vpow2.f32 v41;
	_ =	sdelay $0x8  }
0x350: {  	v41 =	vpop (erf)  }
0x351: {  	[tilespmem:v23+s12+$0x0] =	vst.idx.msk $0xffff, v41  }
0x352: {  	v41 =	vld.idx.msk [tilespmem:v25+s12+$0x0], $0xffff  }
0x353: {  	v54 =	vld.idx.msk [tilespmem:v26+s16+$0x0], $0xffff;
	_ =	sdelay $0x4  }
0x354: {  	v41 =	vadd.f32 v54, v41;
	_ =	sdelay $0x1  }
0x355: {  	v42 =	vmul.f32 $2.000000030e-01, v41  }
0x356: {  	vm8 =	vge.f32 v41, $0.0e+00  }
0x357: {  	v41 =	vsel vm8, v41, v42  }
0x358: {  	v41 =	vmul.f32 $1.442695020e+00, v41;
	_ =	sdelay $0x1  }
0x359: {  	(erf) = vpow2.f32 v41;
	_ =	sdelay $0x8  }
0x35a: {  	v41 =	vpop (erf)  }
0x35b: {  	[tilespmem:v25+s12+$0x0] =	vst.idx.msk $0xffff, v41  }
0x35c: {  	v41 =	vld.idx.msk [tilespmem:v27+s12+$0x0], $0xffff  }
0x35d: {  	v55 =	vld.idx.msk [tilespmem:v28+s16+$0x0], $0xffff;
	_ =	sdelay $0x4  }
0x35e: {  	v41 =	vadd.f32 v55, v41;
	_ =	sdelay $0x1  }
0x35f: {  	v42 =	vmul.f32 $2.000000030e-01, v41  }
0x360: {  	vm9 =	vge.f32 v41, $0.0e+00  }
0x361: {  	v41 =	vsel vm9, v41, v42  }
0x362: {  	v41 =	vmul.f32 $1.442695020e+00, v41;
	_ =	sdelay $0x1  }
0x363: {  	(erf) = vpow2.f32 v41;
	_ =	sdelay $0x8  }
0x364: {  	v41 =	vpop (erf)  }
0x365: {  	[tilespmem:v27+s12+$0x0] =	vst.idx.msk $0xffff, v41  }
0x366: {  	v41 =	vld.idx.msk [tilespmem:v29+s12+$0x0], $0xffff  }
0x367: {  	v56 =	vld.idx.msk [tilespmem:v30+s16+$0x0], $0xffff;
	_ =	sdelay $0x4  }
0x368: {  	v41 =	vadd.f32 v56, v41;
	_ =	sdelay $0x1  }
0x369: {  	v42 =	vmul.f32 $2.000000030e-01, v41  }
0x36a: {  	vm10 =	vge.f32 v41, $0.0e+00  }
0x36b: {  	v41 =	vsel vm10, v41, v42  }
0x36c: {  	v41 =	vmul.f32 $1.442695020e+00, v41;
	_ =	sdelay $0x1  }
0x36d: {  	(erf) = vpow2.f32 v41;
	_ =	sdelay $0x8  }
0x36e: {  	v41 =	vpop (erf)  }
0x36f: {  	[tilespmem:v29+s12+$0x0] =	vst.idx.msk $0xffff, v41  }
0x370: {  	v41 =	vld.idx.msk [tilespmem:v31+s12+$0x0], $0xffff  }
0x371: {  	v57 =	vld.idx.msk [tilespmem:v32+s16+$0x0], $0xffff;
	_ =	sdelay $0x4  }
0x372: {  	v41 =	vadd.f32 v57, v41;
	_ =	sdelay $0x1  }
0x373: {  	v42 =	vmul.f32 $2.000000030e-01, v41  }
0x374: {  	vm11 =	vge.f32 v41, $0.0e+00  }
0x375: {  	v41 =	vsel vm11, v41, v42  }
0x376: {  	v41 =	vmul.f32 $1.442695020e+00, v41;
	_ =	sdelay $0x1  }
0x377: {  	(erf) = vpow2.f32 v41;
	_ =	sdelay $0x8  }
0x378: {  	v41 =	vpop (erf)  }
0x379: {  	[tilespmem:v31+s12+$0x0] =	vst.idx.msk $0xffff, v41  }
0x37a: {  	v41 =	vld.idx.msk [tilespmem:v33+s12+$0x0], $0xffff  }
0x37b: {  	v58 =	vld.idx.msk [tilespmem:v34+s16+$0x0], $0xffff;
	_ =	sdelay $0x4  }
0x37c: {  	v41 =	vadd.f32 v58, v41;
	_ =	sdelay $0x1  }
0x37d: {  	v42 =	vmul.f32 $2.000000030e-01, v41  }
0x37e: {  	vm12 =	vge.f32 v41, $0.0e+00  }
0x37f: {  	v41 =	vsel vm12, v41, v42  }
0x380: {  	v41 =	vmul.f32 $1.442695020e+00, v41;
	_ =	sdelay $0x1  }
0x381: {  	(erf) = vpow2.f32 v41;
	_ =	sdelay $0x8  }
0x382: {  	v41 =	vpop (erf)  }
0x383: {  	[tilespmem:v33+s12+$0x0] =	vst.idx.msk $0xffff, v41  }
0x384: {  	v41 =	vld.idx.msk [tilespmem:v35+s12+$0x0], $0xffff  }
0x385: {  	v59 =	vld.idx.msk [tilespmem:v36+s16+$0x0], $0xffff;
	_ =	sdelay $0x4  }
0x386: {  	v41 =	vadd.f32 v59, v41;
	_ =	sdelay $0x1  }
0x387: {  	v42 =	vmul.f32 $2.000000030e-01, v41  }
0x388: {  	vm13 =	vge.f32 v41, $0.0e+00  }
0x389: {  	v41 =	vsel vm13, v41, v42  }
0x38a: {  	v41 =	vmul.f32 $1.442695020e+00, v41;
	_ =	sdelay $0x1  }
0x38b: {  	(erf) = vpow2.f32 v41;
	_ =	sdelay $0x8  }
0x38c: {  	v41 =	vpop (erf)  }
0x38d: {  	[tilespmem:v35+s12+$0x0] =	vst.idx.msk $0xffff, v41  }
0x38e: {  	v41 =	vld.idx.msk [tilespmem:v37+s12+$0x0], $0xffff  }
0x38f: {  	v60 =	vld.idx.msk [tilespmem:v38+s16+$0x0], $0xffff;
	_ =	sdelay $0x4  }
0x390: {  	v41 =	vadd.f32 v60, v41;
	_ =	sdelay $0x1  }
0x391: {  	v42 =	vmul.f32 $2.000000030e-01, v41  }
0x392: {  	vm14 =	vge.f32 v41, $0.0e+00  }
0x393: {  	v41 =	vsel vm14, v41, v42  }
0x394: {  	v41 =	vmul.f32 $1.442695020e+00, v41;
	_ =	sdelay $0x1  }
0x395: {  	(erf) = vpow2.f32 v41;
	_ =	sdelay $0x8  }
0x396: {  	v41 =	vpop (erf)  }
0x397: {  	[tilespmem:v37+s12+$0x0] =	vst.idx.msk $0xffff, v41  }
0x398: {  	v41 =	vld.idx.msk [tilespmem:v39+s12+$0x0], $0xffff  }
0x399: {  	v61 =	vld.idx.msk [tilespmem:v40+s16+$0x0], $0xffff;
	_ =	sdelay $0x4  }
0x39a: {  	v41 =	vadd.f32 v61, v41;
	_ =	sdelay $0x1  }
0x39b: {  	v42 =	vmul.f32 $2.000000030e-01, v41  }
0x39c: {  	vm15 =	vge.f32 v41, $0.0e+00  }
0x39d: {  	v41 =	vsel vm15, v41, v42  }
0x39e: {  	v41 =	vmul.f32 $1.442695020e+00, v41;
	_ =	sdelay $0x1  }
0x39f: {  	(erf) = vpow2.f32 v41;
	_ =	sdelay $0x8  }
0x3a0: {  	v41 =	vpop (erf)  }
0x3a1: {  	s4 =	simm.s32 $0x0;
	[tilespmem:v39+s12+$0x0] =	vst.idx.msk $0xffff, v41  }
0x3a2: {  	v62 =	vld [tilespmem:s4+$0x6700]  }
0x3a3: {  	v43 =	vld [tilespmem:s4+$0x6790]  }
0x3a4: {  	v46 =	vld [tilespmem:s4+$0x6820]  }
0x3a5: {  	v44 =	vld [tilespmem:s4+$0x6680]  }
0x3a6: {  	v45 =	vld [tilespmem:s4+$0x6690]  }
0x3a7: {  	v47 =	vld [tilespmem:s4+$0x66A0]  }
0x3a8: {  	v49 =	vld [tilespmem:s4+$0x66B0]  }
0x3a9: {  	v50 =	vld [tilespmem:s4+$0x66C0];
	v48 =	vbroadcast v62, $0x0  }
0x3aa: {  	v51 =	vld [tilespmem:s4+$0x66D0]  }
0x3ab: {  	v52 =	vld [tilespmem:s4+$0x66E0];
	v53 =	vbroadcast v62, $0x1;
	v44 =	vmul.f32 v48, v44  }
0x3ac: {  	v63 =	vld [tilespmem:s4+$0x66F0];
	v45 =	vmul.f32 v45, v48  }
0x3ad: {  	v56 =	vld [tilespmem:s4+$0x6710];
	v57 =	vbroadcast v62, $0x2;
	v47 =	vmul.f32 v47, v53;
	[tilespmem:s4+$0x6680] =	vst v44  }
0x3ae: {  	v58 =	vld [tilespmem:s4+$0x6720];
	v49 =	vmul.f32 v49, v53;
	[tilespmem:s4+$0x6690] =	vst v45  }
0x3af: {  	v59 =	vld [tilespmem:s4+$0x6730];
	v42 =	vbroadcast v62, $0x3;
	v50 =	vmul.f32 v50, v57;
	[tilespmem:s4+$0x66A0] =	vst v47  }
0x3b0: {  	v61 =	vbroadcast v43, $0x0;
	v62 =	vld [tilespmem:s4+$0x6760];
	v48 =	vmul.f32 v51, v57;
	[tilespmem:s4+$0x66B0] =	vst v49  }
0x3b1: {  	v60 =	vmul.f32 v52, v42;
	v42 =	vmul.f32 v63, v42;
	v63 =	vld [tilespmem:s4+$0x6770];
	[tilespmem:s4+$0x66C0] =	vst v50  }
0x3b2: {  	v57 =	vld [tilespmem:s4+$0x6780];
	[tilespmem:s4+$0x66D0] =	vst v48;
	v45 =	vmul.f32 v61, v56;
	v56 =	vbroadcast v43, $0x1  }
0x3b3: {  	v50 =	vld [tilespmem:s4+$0x6740];
	[tilespmem:s4+$0x66E0] =	vst v60;
	v47 =	vmul.f32 v58, v61  }
0x3b4: {  	v48 =	vld [tilespmem:s4+$0x6750];
	[tilespmem:s4+$0x66F0] =	vst v42;
	v49 =	vmul.f32 v59, v56;
	v59 =	vbroadcast v43, $0x2  }
0x3b5: {  	v58 =	vld [tilespmem:s4+$0x67A0];
	[tilespmem:s4+$0x6710] =	vst v45;
	v43 =	vbroadcast v43, $0x3  }
0x3b6: {  	v60 =	vld [tilespmem:s4+$0x67B0];
	[tilespmem:s4+$0x6720] =	vst v47;
	v44 =	vmul.f32 v62, v59  }
0x3b7: {  	v61 =	vld [tilespmem:s4+$0x67C0];
	[tilespmem:s4+$0x6730] =	vst v49;
	v42 =	vmul.f32 v63, v43  }
0x3b8: {  	v41 =	vld [tilespmem:s4+$0x68B0];
	v43 =	vmul.f32 v57, v43;
	[tilespmem:s4+$0x6760] =	vst v44  }
0x3b9: {  	v51 =	vld [tilespmem:s4+$0x67E0];
	v62 =	vbroadcast v46, $0x0;
	v48 =	vmul.f32 v48, v59;
	[tilespmem:s4+$0x6770] =	vst v42  }
0x3ba: {  	v57 =	vbroadcast v46, $0x1;
	v50 =	vmul.f32 v50, v56;
	v42 =	vld [tilespmem:s4+$0x67F0];
	[tilespmem:s4+$0x6780] =	vst v43  }
0x3bb: {  	v63 =	vmul.f32 v62, v58;
	v58 =	vmul.f32 v60, v62;
	[tilespmem:s4+$0x6750] =	vst v48;
	v48 =	vld [tilespmem:s4+$0x67D0]  }
0x3bc: {  	v56 =	vld [tilespmem:s4+$0x6800];
	v60 =	vmul.f32 v61, v57;
	v61 =	vbroadcast v46, $0x2;
	[tilespmem:s4+$0x6740] =	vst v50  }
0x3bd: {  	v59 =	vld [tilespmem:s4+$0x6810];
	[tilespmem:s4+$0x67A0] =	vst v63  }
0x3be: {  	v43 =	vld [tilespmem:s4+$0x6830];
	[tilespmem:s4+$0x67B0] =	vst v58;
	v63 =	vmul.f32 v51, v61  }
0x3bf: {  	v44 =	vld [tilespmem:s4+$0x6840];
	v46 =	vbroadcast v46, $0x3;
	[tilespmem:s4+$0x67C0] =	vst v60;
	v50 =	vmul.f32 v42, v61  }
0x3c0: {  	v45 =	vld [tilespmem:s4+$0x6850];
	[tilespmem:s4+$0x67E0] =	vst v63;
	v62 =	vmul.f32 v48, v57  }
0x3c1: {  	v47 =	vbroadcast v41, $0x0;
	v42 =	vld [tilespmem:s4+$0x6860];
	v48 =	vmul.f32 v56, v46;
	[tilespmem:s4+$0x67F0] =	vst v50  }
0x3c2: {  	s18 =	simm.s32 $0x900;
	v49 =	vmul.f32 v59, v46;
	v46 =	vld [tilespmem:s4+$0x6870];
	[tilespmem:s4+$0x67D0] =	vst v62  }
.LBB2_14:
0x3c3: {  	p1 =	sne.s32 s18, $0xAB00;
	[tilespmem:s4+$0x6800] =	vst v48;
	v43 =	vmul.f32 v47, v43;
	v48 =	vbroadcast v41, $0x1;
	v50 =	vld [tilespmem:s4+$0x6880]  }
0x3c4: {  	[tilespmem:s4+$0x6810] =	vst v49;
	v44 =	vmul.f32 v44, v47;
	v47 =	vld [tilespmem:s4+$0x6890]  }
0x3c5: {  	s3 =	sshra.s32 s18, $0x2;
	[tilespmem:s4+$0x6830] =	vst v43;
	v43 =	vmul.f32 v45, v48;
	v45 =	vbroadcast v41, $0x2;
	v49 =	vld [tilespmem:s4+$0x68A0]  }
0x3c6: {  	v51 =	vld [tilespmem:s3+$0x6700];
	[tilespmem:s4+$0x6840] =	vst v44;
	v42 =	vmul.f32 v42, v48  }
0x3c7: {  	v44 =	vld [tilespmem:s3+$0x6790];
	[tilespmem:s4+$0x6850] =	vst v43;
	v43 =	vmul.f32 v46, v45;
	v46 =	vbroadcast v41, $0x3  }
0x3c8: {  	v48 =	vld [tilespmem:s3+$0x6820];
	[tilespmem:s4+$0x6860] =	vst v42;
	v42 =	vmul.f32 v50, v45  }
0x3c9: {  	v41 =	vld [tilespmem:s3+$0x68B0];
	[tilespmem:s4+$0x6870] =	vst v43;
	v43 =	vmul.f32 v47, v46  }
0x3ca: {  	v45 =	vld [tilespmem:s3+$0x6680];
	[tilespmem:s4+$0x6880] =	vst v42;
	v42 =	vmul.f32 v49, v46  }
0x3cb: {  	v46 =	vld [tilespmem:s3+$0x6690];
	[tilespmem:s4+$0x6890] =	vst v43  }
0x3cc: {  	v43 =	vld [tilespmem:s3+$0x66A0];
	[tilespmem:s4+$0x68A0] =	vst v42;
	s4 =	smov.u32 s3  }
0x3cd: {  	v42 =	vbroadcast v51, $0x0;
	v47 =	vld [tilespmem:s4+$0x66B0]  }
0x3ce: {  	v49 =	vld [tilespmem:s4+$0x66C0]  }
0x3cf: {  	v50 =	vbroadcast v51, $0x1;
	v45 =	vmul.f32 v42, v45;
	v52 =	vld [tilespmem:s4+$0x66D0]  }
0x3d0: {  	v42 =	vmul.f32 v46, v42;
	v46 =	vld [tilespmem:s4+$0x66E0]  }
0x3d1: {  	[tilespmem:s4+$0x6680] =	vst v45;
	v43 =	vmul.f32 v43, v50;
	v45 =	vbroadcast v51, $0x2;
	v53 =	vld [tilespmem:s4+$0x66F0]  }
0x3d2: {  	[tilespmem:s4+$0x6690] =	vst v42;
	v42 =	vmul.f32 v47, v50;
	v47 =	vld [tilespmem:s4+$0x6710]  }
0x3d3: {  	[tilespmem:s4+$0x66A0] =	vst v43;
	v43 =	vmul.f32 v49, v45;
	v49 =	vbroadcast v51, $0x3;
	v50 =	vld [tilespmem:s4+$0x6720]  }
0x3d4: {  	[tilespmem:s4+$0x66B0] =	vst v42;
	v42 =	vmul.f32 v52, v45;
	v45 =	vld [tilespmem:s4+$0x6730]  }
0x3d5: {  	[tilespmem:s4+$0x66C0] =	vst v43;
	v43 =	vmul.f32 v46, v49;
	v46 =	vbroadcast v44, $0x0;
	v51 =	vld [tilespmem:s4+$0x6740]  }
0x3d6: {  	[tilespmem:s4+$0x66D0] =	vst v42;
	v42 =	vmul.f32 v53, v49;
	v49 =	vld [tilespmem:s4+$0x6750]  }
0x3d7: {  	[tilespmem:s4+$0x66E0] =	vst v43;
	v43 =	vmul.f32 v46, v47;
	v47 =	vbroadcast v44, $0x1;
	v52 =	vld [tilespmem:s4+$0x6760]  }
0x3d8: {  	[tilespmem:s4+$0x66F0] =	vst v42;
	v42 =	vmul.f32 v50, v46;
	v46 =	vld [tilespmem:s4+$0x6770]  }
0x3d9: {  	[tilespmem:s4+$0x6710] =	vst v43;
	v43 =	vmul.f32 v45, v47;
	v45 =	vbroadcast v44, $0x2;
	v50 =	vld [tilespmem:s4+$0x6780]  }
0x3da: {  	[tilespmem:s4+$0x6720] =	vst v42;
	v42 =	vmul.f32 v51, v47;
	v47 =	vld [tilespmem:s4+$0x67A0]  }
0x3db: {  	v44 =	vbroadcast v44, $0x3;
	[tilespmem:s4+$0x6730] =	vst v43;
	v43 =	vmul.f32 v49, v45;
	v49 =	vld [tilespmem:s4+$0x67B0]  }
0x3dc: {  	[tilespmem:s4+$0x6740] =	vst v42;
	v42 =	vmul.f32 v52, v45;
	v45 =	vld [tilespmem:s4+$0x67C0]  }
0x3dd: {  	[tilespmem:s4+$0x6750] =	vst v43;
	v43 =	vmul.f32 v46, v44;
	v46 =	vbroadcast v48, $0x0;
	v51 =	vld [tilespmem:s4+$0x67D0]  }
0x3de: {  	[tilespmem:s4+$0x6760] =	vst v42;
	v42 =	vmul.f32 v50, v44;
	v44 =	vld [tilespmem:s4+$0x67E0]  }
0x3df: {  	[tilespmem:s4+$0x6770] =	vst v43;
	v43 =	vmul.f32 v46, v47;
	v47 =	vbroadcast v48, $0x1;
	v50 =	vld [tilespmem:s4+$0x67F0]  }
0x3e0: {  	[tilespmem:s4+$0x6780] =	vst v42;
	v42 =	vmul.f32 v49, v46;
	v46 =	vld [tilespmem:s4+$0x6800]  }
0x3e1: {  	v49 =	vbroadcast v48, $0x2;
	[tilespmem:s4+$0x67A0] =	vst v43;
	v45 =	vmul.f32 v45, v47;
	v52 =	vld [tilespmem:s4+$0x6810]  }
.Ltmp8:
0x3e2: {  	[tilespmem:s4+$0x67B0] =	vst v42;
	v42 =	vmul.f32 v51, v47;
	v43 =	vld [tilespmem:s4+$0x6830];
	(pc) =	sbr.rel @p1 .LBB2_14-.Ltmp8, $4  }
0x3e3: {  	v51 =	vbroadcast v48, $0x3;
	[tilespmem:s4+$0x67C0] =	vst v45;
	v47 =	vmul.f32 v44, v49;
	v44 =	vld [tilespmem:s4+$0x6840]  }
0x3e4: {  	[tilespmem:s4+$0x67D0] =	vst v42;
	v49 =	vmul.f32 v50, v49;
	v45 =	vld [tilespmem:s4+$0x6850]  }
0x3e5: {  	[tilespmem:s4+$0x67E0] =	vst v47;
	v48 =	vmul.f32 v46, v51;
	v47 =	vbroadcast v41, $0x0;
	v42 =	vld [tilespmem:s4+$0x6860]  }
0x3e6: {  	s18 =	sadd.s32 $0x900, s18;
	[tilespmem:s4+$0x67F0] =	vst v49;
	v49 =	vmul.f32 v52, v51;
	v46 =	vld [tilespmem:s4+$0x6870]  }
0x3e7: {  	[tilespmem:s4+$0x6800] =	vst v48;
	v55 =	vld [tilespmem:s4+$0x6880];
	v43 =	vmul.f32 v47, v43;
	v56 =	vbroadcast v41, $0x1  }
0x3e8: {  	v50 =	vld [tilespmem:s4+$0x6890];
	[tilespmem:s4+$0x6810] =	vst v49;
	v44 =	vmul.f32 v44, v47  }
0x3e9: {  	v58 =	vbroadcast v41, $0x2;
	v59 =	vld [tilespmem:s4+$0x68A0];
	[tilespmem:s4+$0x6830] =	vst v43;
	v57 =	vmul.f32 v45, v56  }
0x3ea: {  	[tilespmem:s4+$0x6840] =	vst v44;
	v42 =	vmul.f32 v42, v56  }
0x3eb: {  	v61 =	vbroadcast v41, $0x3;
	[tilespmem:s4+$0x6850] =	vst v57;
	v60 =	vmul.f32 v46, v58  }
0x3ec: {  	[tilespmem:s4+$0x6860] =	vst v42;
	v62 =	vmul.f32 v55, v58  }
0x3ed: {  	v63 =	vmul.f32 v50, v61;
	[tilespmem:s4+$0x6870] =	vst v60  }
0x3ee: {  	v41 =	vmul.f32 v59, v61;
	[tilespmem:s4+$0x6880] =	vst v62  }
0x3ef: {  	[tilespmem:s4+$0x6890] =	vst v63  }
0x3f0: {  	s3 =	simm.s32 $0x9880;
	[tilespmem:s4+$0x68A0] =	vst v41  }
0x3f1: {  	[spmem:s2] =	stream.indirect.scatter.add.f32 [tilespmem:s12], [sflag:$0x9], $0x90, s3, s21, $0xb8;
	[tilespmem:$0x1F860] =	vst v63  }
0x3f2: {  	_ =	swait.ge [sflag:s10], $0x2D00  }
0x3f3: {  	[sflag:s10] =	ssyncset.done $0x0  }
0x3f4: {  	[sflag:s10] =	ssyncadd.s32 $0xFFFFD300  }
0x3f5: {  	_ =	swait.ge [sflag:s26], $0x50  }
0x3f6: {  	[sflag:s26] =	ssyncset.done $0x0  }
0x3f7: {  	[sflag:s26] =	ssyncadd.s32 $0xFFFFFFB0  }
0x3f8: {  	_ =	swait.ge [sflag:s26], $0x50  }
.Ltmp9:
0x3f9: {  	[sflag:s26] =	ssyncset.done $0x0;
	(pc) =	sbr.rel .LBB2_8-.Ltmp9, $4  }
0x3fa: {  	[sflag:s26] =	ssyncadd.s32 $0xFFFFFFB0  }
0x3fb: {  	[tilespmem:s28], [sflag:$0x5] =	stream.indirect.gather [hbm4b:s5+s21], $0x90, s22, s21, $0xb8;
	[tilespmem:$0x1F860] =	vst v63  }
0x3fc: {  	s8 =	sadd.s32 $0x1, s8  }
0x3fd: {  	[tilespmem:s29], [sflag:$0x5] =	stream.indirect.gather [hbm4b:s6+s21], $0x10, s23, s21, $0xb8;
	[tilespmem:$0x1F860] =	vst v63  }
.LBB2_16:
0x3fe: {  	_ =	swait.ge [sflag:s10], $0x2D00  }
0x3ff: {  	[sflag:s10] =	ssyncset.done $0x0  }
0x400: {  	[sflag:s10] =	ssyncadd.s32 $0xFFFFD300  }
0x401: {  	s3 =	stileid.u32;
	[bflag:$0x0] =	sbarrier.arrive $0xFFFF  }
.Ltmp10:
0x402: {  	s3 =	sshll.u32 s3, $0x6;
	s15 =	rddreg [dreg:$0xc];
	(pc) =	sbr.rel @!p0 .LBB2_18-.Ltmp10, $4  }
0x403: {  	s4 =	sor.u32 $0x1C0A, s3;
	s31 =	rddreg [dreg:$0xd];
	s18 =	sshrl.u32 s15, $0x3  }
0x404: {  	[hbm:s31], [sflag:s4] =	dma.local [spmem:s18], $0x5A0  }
0x405: {  	s3 =	rddreg [dreg:$0x5]  }
0x406: {  	s18 =	sadd.s32 $0x2D000, s15;
	s8 =	sadd.s32 $0xFFFFFFFF, s3  }
.LBB2_17:
0x407: {  	p1 =	sne.s32 s8, $0x1;
	s8 =	sadd.s32 $0xFFFFFFFF, s8  }
.Ltmp11:
0x408: {  	s3 =	sshrl.u32 s18, $0x3;
	s31 =	sadd.s32 $0x5A00, s31;
	(pc) =	sbr.rel @p1 .LBB2_17-.Ltmp11, $3  }
0x409: {  	[hbm:s31], [sflag:s4] =	dma.local [spmem:s3], $0x5A0  }
0x40a: {  	_ =	sdelay $0x1  }
0x40b: {  	s18 =	sadd.s32 $0x2D000, s18  }
.LBB2_18:
.Ltmp12:
0x40c: {  	(pc) =	sbr.rel @!p0 .LBB2_20-.Ltmp12, $4  }
0x40d: {  	_ = 	snop  }
0x40e: {  	_ =	swait.ge [sflag:s20], $0x5A0  }
0x40f: {  	s18 =	rddreg [dreg:$0x5]  }
0x410: {  	[sflag:s20] =	ssyncset.done $0x0;
	s15 =	rddreg [dreg:$0x4];
	s4 =	sadd.s32 $0xFFFFFFFF, s18  }
.LBB2_19:
0x411: {  	p0 =	sne.s32 s4, $0x1;
	s4 =	sadd.s32 $0xFFFFFFFF, s4;
	[sflag:s20] =	ssyncadd.s32 $0xFFFFFA60  }
.Ltmp13:
0x412: {  	(pc) =	sbr.rel @p0 .LBB2_19-.Ltmp13, $3  }
0x413: {  	_ =	sdelay $0x1  }
0x414: {  	_ =	swait.ge [sflag:s20], $0x5A0  }
0x415: {  	[sflag:s20] =	ssyncset.done $0x0  }
.LBB2_20:
0x416: {  	s15 =	sadd.s32 $0x1, s15;
	s3 =	rddreg [dreg:$0xb]  }
0x417: {  	p0 =	sne.s32 s15, s3  }
.Ltmp14:
0x418: {  	_ = 	snop;
	(pc) =	sbr.rel @p0 .LBB2_1-.Ltmp14, $2  }
0x419: {  	_ =	sdelay $0x2  }
0x41a: {  	[sflag:s20] =	ssyncadd.s32 $0xFFFFFA60  }
0x41b: {  	_ =	sfence.sel $0x180000  }
0x41c: {  	[bflag:$0x0] =	sbarrier.arrive $0xFFFF  }
0x41d: {  	_ =	strace $0x90000047  }
0x41e: {  	s0 =	stileid.u32;
	[bflag:$0x2] =	sbarrier.arrive $0xFFFF  }
0x41f: {  	p0 =	sne.s32 s0, $0x0;
	s0 =	rddreg [dreg:$0x3]  }
0x420: {  	s0 =	sadd.s32 @!p0 $0x100000, s0  }
0x421: {  	[sflag:s0] =	ssyncadd.tile.s32 @!p0 $0x1;
	_ =	shalt  }
.Lfunc_end2:
_tile_overlayer_lowered:
.L_overlay_start_2:
0x422: {  	(tag) =	ssettag $0x2  }
0x423: {  	s0 =	rddreg [dreg:$0x0];
	s2 =	stileid.u32  }
0x424: {  	s1 =	rddreg [dreg:$0x1];
	p0 =	sne.s32 s2, $0x0  }
0x425: {  	s3 =	rddreg [dreg:$0x2];
	[bflag:$0x3] =	sbarrier.arrive $0xFFFF;
	s2 =	simm.s32 @!p0 $0x1C0B  }
0x426: {  	[timem:s3], [sflag:s2] =	dma.local @!p0 [hbm:s0], s1  }
0x427: {  	s0 =	simm.s32 @!p0 $0xB  }
0x428: {  	_ =	swait.ge @!p0 [sflag:s0], s1  }
0x429: {  	s1 =	ssub.s32 @!p0 $0x0, s1;
	[sflag:s0] =	ssyncset.done @!p0 $0x0  }
0x42a: {  	[sflag:s0] =	ssyncadd.s32 @!p0 s1  }
0x42b: {  	[bflag:$0x3] =	sbarrier.arrive $0xFFFF  }
0x42c: {  	_ =	shalt  }

</sc_bundles>
